<compile_context>
chip_gen: v7x
topology: tpu7x:2x2x1
jax: 0.10.2.dev20260603
libtpu: 0.0.44.dev20260713+nightly
codegen_flags: <defaults>
</compile_context>

<pallas_src>
import functools

import jax
import jax.numpy as jnp
from jax import lax
from jax.experimental import pallas as pl
from jax.experimental.pallas import tpu as pltpu
from jax.experimental.pallas import tpu_sc as plsc

N = 10000
E = 320000
D = 128

NUM_TILES = 32
N_PAD = 10240
N_ACC = 10112
ACC_PER_SUB = N_ACC // 16
DEG_PER_SUB = N_PAD // 16
E_PAD = NUM_TILES * 10240
EDGES_PER_TILE = E_PAD // NUM_TILES
CHUNK = 128
NCHUNKS = EDGES_PER_TILE // CHUNK
NB = 3
NC0 = 80
NC1 = 80
ZROWS = 128

_mesh = plsc.VectorSubcoreMesh(core_axis_name="c", subcore_axis_name="s")


@functools.partial(
    pl.kernel,
    out_type=jax.ShapeDtypeStruct((2, N_PAD), jnp.float32),
    mesh=_mesh,
    scratch_types=[
        pltpu.VMEM((NCHUNKS, CHUNK), jnp.int32),
        pltpu.VMEM((CHUNK,), jnp.float32),
        pltpu.VMEM((DEG_PER_SUB,), jnp.float32),
        pltpu.VMEM_SHARED((N_PAD,), jnp.float32),
        pltpu.SemaphoreType.DMA,
    ],
)
def _deg_kernel(dst_hbm, degpart_hbm, idx_v, ones_v, zbuf_v, acc_sh, sem):
    c = lax.axis_index("c")
    s = lax.axis_index("s")
    wid = s * 2 + c

    pltpu.sync_copy(dst_hbm.at[pl.ds(wid * NCHUNKS, NCHUNKS)], idx_v)

    def _fill(i, _):
        zbuf_v[pl.ds(i * 16, 16)] = jnp.zeros((16,), jnp.float32)
        return 0

    lax.fori_loop(0, DEG_PER_SUB // 16, _fill, 0)

    def _fill1(i, _):
        ones_v[pl.ds(i * 16, 16)] = jnp.ones((16,), jnp.float32)
        return 0

    lax.fori_loop(0, CHUNK // 16, _fill1, 0)

    pltpu.sync_copy(zbuf_v, acc_sh.at[pl.ds(s * DEG_PER_SUB, DEG_PER_SUB)])
    plsc.subcore_barrier()

    def _fire(j, _):
        pltpu.async_copy(ones_v, acc_sh.at[idx_v.at[j]], sem, add=True)
        return 0

    lax.fori_loop(0, NCHUNKS, _fire, 0)

    def _drain(j, _):
        pltpu.make_async_copy(ones_v, acc_sh.at[idx_v.at[0]], sem).wait()
        return 0

    lax.fori_loop(0, NCHUNKS, _drain, 0)
    plsc.subcore_barrier()

    pltpu.sync_copy(
        acc_sh.at[pl.ds(s * DEG_PER_SUB, DEG_PER_SUB)],
        degpart_hbm.at[c, pl.ds(s * DEG_PER_SUB, DEG_PER_SUB)],
    )


@functools.partial(
    pl.kernel,
    out_type=jax.ShapeDtypeStruct((2, N_PAD, D), jnp.float32),
    mesh=_mesh,
    scratch_types=[
        pltpu.VMEM((NB, CHUNK), jnp.int32),
        pltpu.VMEM((NB, CHUNK), jnp.int32),
        pltpu.VMEM((NB, CHUNK, D), jnp.float32),
        pltpu.VMEM_SHARED((N_ACC, D), jnp.float32),
        pltpu.SemaphoreType.DMA,
        pltpu.SemaphoreType.DMA,
        pltpu.SemaphoreType.DMA,
        pltpu.SemaphoreType.DMA,
        pltpu.SemaphoreType.DMA,
        pltpu.SemaphoreType.DMA,
        pltpu.SemaphoreType.DMA,
        pltpu.SemaphoreType.DMA,
        pltpu.SemaphoreType.DMA,
    ],
)
def _prop_kernel(y_hbm, src_hbm, dst_hbm, part_hbm,
                 sidx_v, didx_v, rows_v, acc_sh,
                 g0, g1, g2, ls0, ls1, ls2, ld0, ld1, ld2):
    gsems = (g0, g1, g2)
    lssems = (ls0, ls1, ls2)
    ldsems = (ld0, ld1, ld2)
    c = lax.axis_index("c")
    s = lax.axis_index("s")
    crow = jnp.where(c == 0, s * NC0, 16 * NC0 + s * NC1)
    cnt = jnp.where(c == 0, NC0, NC1)

    def _fill(i, _):
        r = i // (D // 16)
        k = i % (D // 16)
        rows_v[0, r, pl.ds(k * 16, 16)] = jnp.zeros((16,), jnp.float32)
        return 0

    lax.fori_loop(0, ZROWS * (D // 16), _fill, 0)

    zbase = s * ACC_PER_SUB

    def _zero(t, _):
        pltpu.sync_copy(
            rows_v.at[0], acc_sh.at[pl.ds(zbase + t * ZROWS, ZROWS)])
        return 0

    lax.fori_loop(0, ACC_PER_SUB // ZROWS, _zero, 0)
    pltpu.sync_copy(
        rows_v.at[0, pl.ds(0, ACC_PER_SUB % ZROWS)],
        acc_sh.at[pl.ds(zbase + (ACC_PER_SUB // ZROWS) * ZROWS,
                        ACC_PER_SUB % ZROWS)],
    )
    plsc.subcore_barrier()

    def _fire_sload(j, b):
        pltpu.async_copy(
            src_hbm.at[pl.ds(crow + j, 1)], sidx_v.at[pl.ds(b, 1)], lssems[b])

    def _wait_sload(b):
        pltpu.make_async_copy(
            src_hbm.at[pl.ds(crow, 1)], sidx_v.at[pl.ds(b, 1)],
            lssems[b]).wait()

    def _fire_dload(j, b):
        pltpu.async_copy(
            dst_hbm.at[pl.ds(crow + j, 1)], didx_v.at[pl.ds(b, 1)], ldsems[b])

    def _wait_dload(b):
        pltpu.make_async_copy(
            dst_hbm.at[pl.ds(crow, 1)], didx_v.at[pl.ds(b, 1)],
            ldsems[b]).wait()

    def _fire_gather(j, b):
        pltpu.async_copy(y_hbm.at[sidx_v.at[b]], rows_v.at[b], gsems[b])

    def _wait_gather(b):
        pltpu.make_async_copy(
            y_hbm.at[sidx_v.at[0]], rows_v.at[b], gsems[b]).wait()

    for b in range(NB):
        _fire_sload(b, b)
        _fire_dload(b, b)
    for b in range(NB):
        _wait_sload(b)
        _fire_gather(b, b)

    def _body(t, _):
        for b in range(NB):
            j = t * NB + b

            @pl.when(j < cnt)
            def _():
                _wait_gather(b)

                @pl.when(j + NB < cnt)
                def _():
                    _fire_sload(j + NB, b)

                _wait_dload(b)
                pltpu.sync_copy(
                    rows_v.at[b], acc_sh.at[didx_v.at[b]], add=True)

                @pl.when(j + NB < cnt)
                def _():
                    _fire_dload(j + NB, b)
                    _wait_sload(b)
                    _fire_gather(j + NB, b)

        return 0

    lax.fori_loop(0, (cnt + NB - 1) // NB, _body, 0)
    plsc.subcore_barrier()

    pltpu.sync_copy(
        acc_sh.at[pl.ds(s * ACC_PER_SUB, ACC_PER_SUB)],
        part_hbm.at[c, pl.ds(s * ACC_PER_SUB, ACC_PER_SUB)],
    )


RB = 1024


def _dinv_from(degp_ref):
    deg = degp_ref[0, :] + degp_ref[1, :] + 1.0
    return lax.rsqrt(deg)


def _tcA_body(x_ref, w_ref, degp_ref, y_ref):
    dinv = _dinv_from(degp_ref)
    xw = jnp.dot(x_ref[...], w_ref[...], preferred_element_type=jnp.float32)
    rows = pl.program_id(0) * RB + lax.broadcasted_iota(jnp.int32, (RB, 1), 0)
    y_ref[...] = jnp.where(rows < N, xw * dinv[:, None], 0.0)


def _tcB_body(p_ref, y1_ref, degp_ref, b_ref, w_ref, y2_ref):
    dinv = _dinv_from(degp_ref)
    pre = (p_ref[0] + p_ref[1] + y1_ref[...]) * dinv[:, None] + b_ref[...]
    h = jnp.where(pre > 0, pre, jnp.exp(jnp.minimum(pre, 0.0)) - 1.0)
    hw = jnp.dot(h, w_ref[...], preferred_element_type=jnp.float32)
    rows = pl.program_id(0) * RB + lax.broadcasted_iota(jnp.int32, (RB, 1), 0)
    y2_ref[...] = jnp.where(rows < N, hw * dinv[:, None], 0.0)


def _tcC_body(p_ref, y2_ref, degp_ref, b_ref, out_ref):
    dinv = _dinv_from(degp_ref)
    out_ref[...] = (
        (p_ref[0] + p_ref[1] + y2_ref[...]) * dinv[:, None] + b_ref[...])


_row_spec = pl.BlockSpec((RB, D), lambda i: (i, 0))
_mat_spec = pl.BlockSpec((D, D), lambda i: (0, 0))
_deg_spec = pl.BlockSpec((2, RB), lambda i: (0, i))
_part_spec = pl.BlockSpec((2, RB, D), lambda i: (0, i, 0))
_bias_spec = pl.BlockSpec((1, D), lambda i: (0, 0))
_grid = (N_PAD // RB,)

_tcA = pl.pallas_call(
    _tcA_body,
    grid=_grid,
    in_specs=[_row_spec, _mat_spec, _deg_spec],
    out_specs=_row_spec,
    out_shape=jax.ShapeDtypeStruct((N_PAD, D), jnp.float32),
)

_tcB = pl.pallas_call(
    _tcB_body,
    grid=_grid,
    in_specs=[_part_spec, _row_spec, _deg_spec, _bias_spec, _mat_spec],
    out_specs=_row_spec,
    out_shape=jax.ShapeDtypeStruct((N_PAD, D), jnp.float32),
)

_tcC = pl.pallas_call(
    _tcC_body,
    grid=_grid,
    in_specs=[_part_spec, _row_spec, _deg_spec, _bias_spec],
    out_specs=_row_spec,
    out_shape=jax.ShapeDtypeStruct((N_PAD, D), jnp.float32),
)


def kernel(x, edge_index, W1, b1, W2, b2):
    src = edge_index[0].astype(jnp.int32)
    dst = edge_index[1].astype(jnp.int32)
    pad = N + (jnp.arange(E_PAD - E, dtype=jnp.int32) % (N_ACC - N))
    src_p = jnp.concatenate([src, pad]).reshape(E_PAD // CHUNK, CHUNK)
    dst_p = jnp.concatenate([dst, pad]).reshape(E_PAD // CHUNK, CHUNK)
    x_p = jnp.pad(x, ((0, N_PAD - N), (0, 0)))
    b1r = b1.reshape(1, D)
    b2r = b2.reshape(1, D)

    degp = _deg_kernel(dst_p)
    y1 = _tcA(x_p, W1, degp)
    p1 = _prop_kernel(y1, src_p, dst_p)
    y2 = _tcB(p1, y1, degp, b1r, W2)
    p2 = _prop_kernel(y2, src_p, dst_p)
    out = _tcC(p2, y2, degp, b2r)
    return out[:N]

# --- scband reference (transcript-rebuilt; emitter-appended) ---
"""Pipeline reference for scband-gcncomm-40827959116139 (READ-ONLY COPY).

The authoritative reference and input builder live on the scoring server;
editing this copy changes nothing except your own understanding.
"""

import jax, jax.numpy as jnp
import numpy as np

N_NODES = 10000
N_EDGES = 320000
D_IN = 128
D_HID = 128
D_OUT = 128


def setup_inputs(seed: int = 0) -> dict:
    key = jax.random.key(seed)
    k1, k2, k3, k4, k5, k6 = jax.random.split(key, 6)
    x = jax.random.normal(k1, (N_NODES, D_IN), dtype=jnp.float32)
    edge_index = jax.random.randint(k2, (2, N_EDGES), 0, N_NODES, dtype=jnp.int64)
    # GCNConv layer parameters (glorot-ish init)
    W1 = jax.random.normal(k3, (D_IN, D_HID), dtype=jnp.float32) * (1.0 / np.sqrt(D_IN))
    b1 = jnp.zeros((D_HID,), dtype=jnp.float32)
    W2 = jax.random.normal(k4, (D_HID, D_OUT), dtype=jnp.float32) * (1.0 / np.sqrt(D_HID))
    b2 = jnp.zeros((D_OUT,), dtype=jnp.float32)
    return {"x": x, "edge_index": edge_index, "W1": W1, "b1": b1, "W2": W2, "b2": b2}


def _gcn_conv(x, src, dst, W, b, num_nodes):
    # symmetric normalization with self-loops already appended in src/dst
    deg = jnp.zeros((num_nodes,), dtype=x.dtype).at[dst].add(1.0)
    dinv = jnp.where(deg > 0, jax.lax.rsqrt(jnp.maximum(deg, 1e-12)), 0.0)
    norm = dinv[src] * dinv[dst]
    xw = x @ W
    msg = xw[src] * norm[:, None]
    out = jnp.zeros((num_nodes, W.shape[1]), dtype=x.dtype).at[dst].add(msg)
    return out + b


def reference(x, edge_index, W1, b1, W2, b2):
    num_nodes = x.shape[0]
    loop = jnp.arange(num_nodes, dtype=edge_index.dtype)
    src = jnp.concatenate([edge_index[0], loop])
    dst = jnp.concatenate([edge_index[1], loop])
    # layer 1 + ELU (dropout is identity since training=False)
    h = _gcn_conv(x, src, dst, W1, b1, num_nodes)
    h = jax.nn.elu(h)
    # layer 2 (final, no activation)
    out = _gcn_conv(h, src, dst, W2, b2, num_nodes)
    return out

if __name__ == "__main__":
    import jax
    _d = setup_inputs()
    print(jax.jit(kernel)(*tuple(_d.values())))

</pallas_src>

<mosaic_0001>
#map = affine_map<(d0, d1) -> (0, 0)>
#map1 = affine_map<(d0, d1) -> (0, 0, 0)>
module attributes {stable_mosaic.version = 14 : i64} {
  func.func @_prop_kernel(%arg0: i32, %arg1: i32, %arg2: memref<10240x128xf32, #tpu.memory_space<hbm>>, %arg3: memref<2560x128xi32, #tpu.memory_space<hbm>>, %arg4: memref<2560x128xi32, #tpu.memory_space<hbm>>, %arg5: memref<2x10240x128xf32, #tpu.memory_space<hbm>>, %arg6: memref<3x128xi32, #tpu.memory_space<vmem>>, %arg7: memref<3x128xi32, #tpu.memory_space<vmem>>, %arg8: memref<3x128x128xf32, #tpu.memory_space<vmem>>, %arg9: memref<10112x128xf32, #tpu.memory_space<vmem_shared>>, %arg10: memref<!tpu.dma_semaphore, #tpu.memory_space<semaphore_mem>>, %arg11: memref<!tpu.dma_semaphore, #tpu.memory_space<semaphore_mem>>, %arg12: memref<!tpu.dma_semaphore, #tpu.memory_space<semaphore_mem>>, %arg13: memref<!tpu.dma_semaphore, #tpu.memory_space<semaphore_mem>>, %arg14: memref<!tpu.dma_semaphore, #tpu.memory_space<semaphore_mem>>, %arg15: memref<!tpu.dma_semaphore, #tpu.memory_space<semaphore_mem>>, %arg16: memref<!tpu.dma_semaphore, #tpu.memory_space<semaphore_mem>>, %arg17: memref<!tpu.dma_semaphore, #tpu.memory_space<semaphore_mem>>, %arg18: memref<!tpu.dma_semaphore, #tpu.memory_space<semaphore_mem>>) attributes {dimension_semantics = [#tpu.dimension_semantics<core_parallel>, #tpu.dimension_semantics<subcore_parallel>], iteration_bounds = array<i64: 2, 16>, scalar_prefetch = 0 : i64, scratch_operands = 13 : i64, tpu.core_type = #tpu.core_type<sc_vector_subcore>, window_params = [{transform_indices = #map}, {transform_indices = #map}, {transform_indices = #map}, {transform_indices = #map1}]} {
    %eq3A = arith.constant 0 : i32
    %eq3A_0 = arith.cmpi eq, %arg0, %eq3A : i32
    %mul3A = arith.constant 80 : i32
    %mul3A_1 = arith.muli %arg1, %mul3A : i32
    %mul3A_2 = arith.constant 80 : i32
    %mul3A_3 = arith.muli %arg1, %mul3A_2 : i32
    %add3A = arith.constant 1280 : i32
    %add3A_4 = arith.addi %add3A, %mul3A_3 : i32
    %select_n3A = arith.select %eq3A_0, %mul3A_1, %add3A_4 : i32
    %eq3A_5 = arith.constant 0 : i32
    %eq3A_6 = arith.cmpi eq, %arg0, %eq3A_5 : i32
    %jit3A = arith.constant 80 : i32
    %jit3A_7 = arith.constant 80 : i32
    %select_n3A_8 = arith.select %eq3A_6, %jit3A, %jit3A_7 : i32
    %scan3A = arith.constant 0 : i32
    %scan3A_9 = arith.constant 0 : i32
    %scan3A_10 = arith.constant 1024 : i32
    %scan3A_11 = arith.addi %scan3A_9, %scan3A_10 : i32
    %scan3A_12 = arith.constant 1 : i32
    %scan3A_13 = scf.for %scan3A_200 = %scan3A_9 to %scan3A_11 step %scan3A_12 iter_args(%scan3A_201 = %scan3A) -> (i32)  : i32 {
      %jit3A_202 = arith.constant 8 : i32
      %div3A_203 = arith.divsi %scan3A_200, %jit3A_202 : i32
      %sign3A_204 = arith.constant 0 : i32
      %sign3A_205 = arith.cmpi sgt, %scan3A_200, %sign3A_204 : i32
      %sign3A_206 = arith.extui %sign3A_205 : i1 to i32
      %sign3A_207 = arith.constant 0 : i32
      %sign3A_208 = arith.cmpi slt, %scan3A_200, %sign3A_207 : i32
      %sign3A_209 = arith.extui %sign3A_208 : i1 to i32
      %sign3A_210 = arith.subi %sign3A_206, %sign3A_209 : i32
      %sign3A_211 = arith.constant 0 : i32
      %sign3A_212 = arith.cmpi sgt, %jit3A_202, %sign3A_211 : i32
      %sign3A_213 = arith.extui %sign3A_212 : i1 to i32
      %sign3A_214 = arith.constant 0 : i32
      %sign3A_215 = arith.cmpi slt, %jit3A_202, %sign3A_214 : i32
      %sign3A_216 = arith.extui %sign3A_215 : i1 to i32
      %sign3A_217 = arith.subi %sign3A_213, %sign3A_216 : i32
      %ne3A_218 = arith.cmpi ne, %sign3A_210, %sign3A_217 : i32
      %rem3A_219 = arith.remsi %scan3A_200, %jit3A_202 : i32
      %ne3A_220 = arith.constant 0 : i32
      %ne3A_221 = arith.cmpi ne, %rem3A_219, %ne3A_220 : i32
      %and3A_222 = arith.andi %ne3A_218, %ne3A_221 : i1
      %sub3A_223 = arith.constant 1 : i32
      %sub3A_224 = arith.subi %div3A_203, %sub3A_223 : i32
      %select_n3A_225 = arith.select %and3A_222, %sub3A_224, %div3A_203 : i32
      %jit3A_226 = arith.constant 8 : i32
      %eq3A_227 = arith.constant 0 : i32
      %eq3A_228 = arith.cmpi eq, %jit3A_226, %eq3A_227 : i32
      %jit3A_229 = arith.constant 1 : i32
      %select_n3A_230 = arith.select %eq3A_228, %jit3A_229, %jit3A_226 : i32
      %rem3A_231 = arith.remsi %scan3A_200, %select_n3A_230 : i32
      %ne3A_232 = arith.constant 0 : i32
      %ne3A_233 = arith.cmpi ne, %rem3A_231, %ne3A_232 : i32
      %lt3A = arith.constant 0 : i32
      %lt3A_234 = arith.cmpi slt, %rem3A_231, %lt3A : i32
      %lt3A_235 = arith.constant 0 : i32
      %lt3A_236 = arith.cmpi slt, %select_n3A_230, %lt3A_235 : i32
      %ne3A_237 = arith.xori %lt3A_234, %lt3A_236 : i1
      %and3A_238 = arith.andi %ne3A_237, %ne3A_233 : i1
      %add3A_239 = arith.addi %rem3A_231, %select_n3A_230 : i32
      %select_n3A_240 = arith.select %and3A_238, %add3A_239, %rem3A_231 : i32
      %broadcast_in_dim3A = arith.constant 0.000000e+00 : f32
      %broadcast_in_dim3A_241 = vector.broadcast %broadcast_in_dim3A : f32 to vector<16xf32>
      %mul3A_242 = arith.constant 16 : i32
      %mul3A_243 = arith.muli %select_n3A_240, %mul3A_242 : i32
      %swap3A = arith.constant 0 : i32
      %swap3A_244 = arith.index_cast %swap3A : i32 to index
      %swap3A_245 = arith.index_cast %select_n3A_225 : i32 to index
      %swap3A_246 = arith.index_cast %mul3A_243 : i32 to index
      %swap3A_247 = tpu.vector_load %arg8[%swap3A_244, %swap3A_245, %swap3A_246] {strides = array<i32>} : memref<3x128x128xf32, #tpu.memory_space<vmem>>, vector<1x1x16xf32>,
      %swap3A_248 = vector.shape_cast %swap3A_247 : vector<1x1x16xf32> to vector<16xf32>
      %swap3A_249 = vector.shape_cast %broadcast_in_dim3A_241 : vector<16xf32> to vector<1x1x16xf32>
      tpu.vector_store %arg8[%swap3A_244, %swap3A_245, %swap3A_246], %swap3A_249 {strides = array<i32>} : memref<3x128x128xf32, #tpu.memory_space<vmem>>, vector<1x1x16xf32>,
      %scan3A_250 = arith.constant 0 : i32
      scf.yield %scan3A_250 : i32
    }
    %scan3A_14 = arith.constant 1024 : i32
    %mul3A_15 = arith.constant 632 : i32
    %mul3A_16 = arith.muli %arg1, %mul3A_15 : i32
    %scan3A_17 = arith.constant 0 : i32
    %scan3A_18 = arith.constant 0 : i32
    %scan3A_19 = arith.constant 4 : i32
    %scan3A_20 = arith.addi %scan3A_18, %scan3A_19 : i32
    %scan3A_21 = arith.constant 1 : i32
    %scan3A_22 = scf.for %scan3A_200 = %scan3A_18 to %scan3A_20 step %scan3A_21 iter_args(%scan3A_201 = %scan3A_17) -> (i32)  : i32 {
      %mul3A_202 = arith.constant 128 : i32
      %mul3A_203 = arith.muli %scan3A_200, %mul3A_202 : i32
      %add3A_204 = arith.addi %mul3A_16, %mul3A_203 : i32
      %run_scoped3A_205 = arith.constant 0 : i32
      "tpu.region"() ({
        %run_scoped3A_207 = tpu.sem_alloc : memref<!tpu.dma_semaphore, #tpu.memory_space<semaphore_mem>>
        %dma_start3A_208 = arith.constant 0 : i32
        %dma_start3A_209 = arith.constant 0 : i32
        %dma_start3A_210 = tpu.memref_slice %arg8[%run_scoped3A_205, %dma_start3A_208, %dma_start3A_209] : memref<3x128x128xf32, #tpu.memory_space<vmem>> -> memref<1x128x128xf32, #tpu.memory_space<vmem>>
        %dma_start3A_211 = tpu.memref_squeeze %dma_start3A_210 : memref<1x128x128xf32, #tpu.memory_space<vmem>> -> memref<128x128xf32, #tpu.memory_space<vmem>>
        %dma_start3A_212 = arith.constant 0 : i32
        %dma_start3A_213 = tpu.memref_slice %arg9[%add3A_204, %dma_start3A_212] : memref<10112x128xf32, #tpu.memory_space<vmem_shared>> -> memref<128x128xf32, #tpu.memory_space<vmem_shared>>
        %dma_start3A_214 = arith.constant 0 : i32
        %dma_start3A_215 = tpu.memref_slice %arg9[%add3A_204, %dma_start3A_214] : memref<10112x128xf32, #tpu.memory_space<vmem_shared>> -> memref<128x128xf32, #tpu.memory_space<vmem_shared>>
        %dma_start3A_216 = arith.constant 0 : i32
        %dma_start3A_217 = arith.constant 0 : i32
        %dma_start3A_218 = tpu.memref_slice %arg8[%run_scoped3A_205, %dma_start3A_216, %dma_start3A_217] : memref<3x128x128xf32, #tpu.memory_space<vmem>> -> memref<1x128x128xf32, #tpu.memory_space<vmem>>
        %dma_start3A_219 = tpu.memref_squeeze %dma_start3A_218 : memref<1x128x128xf32, #tpu.memory_space<vmem>> -> memref<128x128xf32, #tpu.memory_space<vmem>>
        tpu.enqueue_dma source(%dma_start3A_219 : memref<128x128xf32, #tpu.memory_space<vmem>>) target(%dma_start3A_215 : memref<128x128xf32, #tpu.memory_space<vmem_shared>>) target_semaphore(%run_scoped3A_207 : memref<!tpu.dma_semaphore, #tpu.memory_space<semaphore_mem>>)
        %dma_wait3A_220 = arith.constant 0 : i32
        %dma_wait3A_221 = arith.constant 0 : i32
        %dma_wait3A_222 = tpu.memref_slice %arg8[%run_scoped3A_205, %dma_wait3A_220, %dma_wait3A_221] : memref<3x128x128xf32, #tpu.memory_space<vmem>> -> memref<1x128x128xf32, #tpu.memory_space<vmem>>
        %dma_wait3A_223 = tpu.memref_squeeze %dma_wait3A_222 : memref<1x128x128xf32, #tpu.memory_space<vmem>> -> memref<128x128xf32, #tpu.memory_space<vmem>>
        %dma_wait3A_224 = arith.constant 0 : i32
        %dma_wait3A_225 = tpu.memref_slice %arg9[%add3A_204, %dma_wait3A_224] : memref<10112x128xf32, #tpu.memory_space<vmem_shared>> -> memref<128x128xf32, #tpu.memory_space<vmem_shared>>
        %dma_wait3A_226 = arith.constant 0 : i32
        %dma_wait3A_227 = tpu.memref_slice %arg9[%add3A_204, %dma_wait3A_226] : memref<10112x128xf32, #tpu.memory_space<vmem_shared>> -> memref<128x128xf32, #tpu.memory_space<vmem_shared>>
        %dma_wait3A_228 = arith.constant 0 : i32
        %dma_wait3A_229 = arith.constant 0 : i32
        %dma_wait3A_230 = tpu.memref_slice %arg8[%run_scoped3A_205, %dma_wait3A_228, %dma_wait3A_229] : memref<3x128x128xf32, #tpu.memory_space<vmem>> -> memref<1x128x128xf32, #tpu.memory_space<vmem>>
        %dma_wait3A_231 = tpu.memref_squeeze %dma_wait3A_230 : memref<1x128x128xf32, #tpu.memory_space<vmem>> -> memref<128x128xf32, #tpu.memory_space<vmem>>
        tpu.wait_dma2 semaphore(%run_scoped3A_207 : memref<!tpu.dma_semaphore, #tpu.memory_space<semaphore_mem>>) src(%dma_wait3A_231 : memref<128x128xf32, #tpu.memory_space<vmem>>) dst(%dma_wait3A_227 : memref<128x128xf32, #tpu.memory_space<vmem_shared>>)
        tpu.yield
      }) : () -> ()
      %scan3A_206 = arith.constant 0 : i32
      scf.yield %scan3A_206 : i32
    }
    %scan3A_23 = arith.constant 4 : i32
    %add3A_24 = arith.constant 512 : i32
    %add3A_25 = arith.addi %mul3A_16, %add3A_24 : i32
    %run_scoped3A = arith.constant 0 : i32
    "tpu.region"() ({
      %run_scoped3A_200 = tpu.sem_alloc : memref<!tpu.dma_semaphore, #tpu.memory_space<semaphore_mem>>
      %dma_start3A_201 = arith.constant 0 : i32
      %dma_start3A_202 = arith.constant 0 : i32
      %dma_start3A_203 = tpu.memref_slice %arg8[%run_scoped3A, %dma_start3A_201, %dma_start3A_202] : memref<3x128x128xf32, #tpu.memory_space<vmem>> -> memref<1x120x128xf32, #tpu.memory_space<vmem>>
      %dma_start3A_204 = tpu.memref_squeeze %dma_start3A_203 : memref<1x120x128xf32, #tpu.memory_space<vmem>> -> memref<120x128xf32, #tpu.memory_space<vmem>>
      %dma_start3A_205 = arith.constant 0 : i32
      %dma_start3A_206 = tpu.memref_slice %arg9[%add3A_25, %dma_start3A_205] : memref<10112x128xf32, #tpu.memory_space<vmem_shared>> -> memref<120x128xf32, #tpu.memory_space<vmem_shared>>
      %dma_start3A_207 = arith.constant 0 : i32
      %dma_start3A_208 = tpu.memref_slice %arg9[%add3A_25, %dma_start3A_207] : memref<10112x128xf32, #tpu.memory_space<vmem_shared>> -> memref<120x128xf32, #tpu.memory_space<vmem_shared>>
      %dma_start3A_209 = arith.constant 0 : i32
      %dma_start3A_210 = arith.constant 0 : i32
      %dma_start3A_211 = tpu.memref_slice %arg8[%run_scoped3A, %dma_start3A_209, %dma_start3A_210] : memref<3x128x128xf32, #tpu.memory_space<vmem>> -> memref<1x120x128xf32, #tpu.memory_space<vmem>>
      %dma_start3A_212 = tpu.memref_squeeze %dma_start3A_211 : memref<1x120x128xf32, #tpu.memory_space<vmem>> -> memref<120x128xf32, #tpu.memory_space<vmem>>
      tpu.enqueue_dma source(%dma_start3A_212 : memref<120x128xf32, #tpu.memory_space<vmem>>) target(%dma_start3A_208 : memref<120x128xf32, #tpu.memory_space<vmem_shared>>) target_semaphore(%run_scoped3A_200 : memref<!tpu.dma_semaphore, #tpu.memory_space<semaphore_mem>>)
      %dma_wait3A_213 = arith.constant 0 : i32
      %dma_wait3A_214 = arith.constant 0 : i32
      %dma_wait3A_215 = tpu.memref_slice %arg8[%run_scoped3A, %dma_wait3A_213, %dma_wait3A_214] : memref<3x128x128xf32, #tpu.memory_space<vmem>> -> memref<1x120x128xf32, #tpu.memory_space<vmem>>
      %dma_wait3A_216 = tpu.memref_squeeze %dma_wait3A_215 : memref<1x120x128xf32, #tpu.memory_space<vmem>> -> memref<120x128xf32, #tpu.memory_space<vmem>>
      %dma_wait3A_217 = arith.constant 0 : i32
      %dma_wait3A_218 = tpu.memref_slice %arg9[%add3A_25, %dma_wait3A_217] : memref<10112x128xf32, #tpu.memory_space<vmem_shared>> -> memref<120x128xf32, #tpu.memory_space<vmem_shared>>
      %dma_wait3A_219 = arith.constant 0 : i32
      %dma_wait3A_220 = tpu.memref_slice %arg9[%add3A_25, %dma_wait3A_219] : memref<10112x128xf32, #tpu.memory_space<vmem_shared>> -> memref<120x128xf32, #tpu.memory_space<vmem_shared>>
      %dma_wait3A_221 = arith.constant 0 : i32
      %dma_wait3A_222 = arith.constant 0 : i32
      %dma_wait3A_223 = tpu.memref_slice %arg8[%run_scoped3A, %dma_wait3A_221, %dma_wait3A_222] : memref<3x128x128xf32, #tpu.memory_space<vmem>> -> memref<1x120x128xf32, #tpu.memory_space<vmem>>
      %dma_wait3A_224 = tpu.memref_squeeze %dma_wait3A_223 : memref<1x120x128xf32, #tpu.memory_space<vmem>> -> memref<120x128xf32, #tpu.memory_space<vmem>>
      tpu.wait_dma2 semaphore(%run_scoped3A_200 : memref<!tpu.dma_semaphore, #tpu.memory_space<semaphore_mem>>) src(%dma_wait3A_224 : memref<120x128xf32, #tpu.memory_space<vmem>>) dst(%dma_wait3A_220 : memref<120x128xf32, #tpu.memory_space<vmem_shared>>)
      tpu.yield
    }) : () -> ()
    %barrier3A = arith.constant 0 : index
    tpu.barrier barrier_id(%barrier3A)
    %add3A_26 = arith.constant 0 : i32
    %add3A_27 = arith.addi %select_n3A, %add3A_26 : i32
    %dma_start3A = arith.constant 0 : i32
    %dma_start3A_28 = arith.constant 0 : i32
    %dma_start3A_29 = tpu.memref_slice %arg6[%dma_start3A, %dma_start3A_28] : memref<3x128xi32, #tpu.memory_space<vmem>> -> memref<1x128xi32, #tpu.memory_space<vmem>>
    %dma_start3A_30 = arith.constant 0 : i32
    %dma_start3A_31 = tpu.memref_slice %arg3[%add3A_27, %dma_start3A_30] : memref<2560x128xi32, #tpu.memory_space<hbm>> -> memref<1x128xi32, #tpu.memory_space<hbm>>
    %dma_start3A_32 = arith.constant 0 : i32
    %dma_start3A_33 = arith.constant 0 : i32
    %dma_start3A_34 = tpu.memref_slice %arg6[%dma_start3A_32, %dma_start3A_33] : memref<3x128xi32, #tpu.memory_space<vmem>> -> memref<1x128xi32, #tpu.memory_space<vmem>>
    %dma_start3A_35 = arith.constant 0 : i32
    %dma_start3A_36 = tpu.memref_slice %arg3[%add3A_27, %dma_start3A_35] : memref<2560x128xi32, #tpu.memory_space<hbm>> -> memref<1x128xi32, #tpu.memory_space<hbm>>
    tpu.enqueue_dma source(%dma_start3A_36 : memref<1x128xi32, #tpu.memory_space<hbm>>) target(%dma_start3A_34 : memref<1x128xi32, #tpu.memory_space<vmem>>) target_semaphore(%arg13 : memref<!tpu.dma_semaphore, #tpu.memory_space<semaphore_mem>>)
    %add3A_37 = arith.constant 0 : i32
    %add3A_38 = arith.addi %select_n3A, %add3A_37 : i32
    %dma_start3A_39 = arith.constant 0 : i32
    %dma_start3A_40 = arith.constant 0 : i32
    %dma_start3A_41 = tpu.memref_slice %arg7[%dma_start3A_39, %dma_start3A_40] : memref<3x128xi32, #tpu.memory_space<vmem>> -> memref<1x128xi32, #tpu.memory_space<vmem>>
    %dma_start3A_42 = arith.constant 0 : i32
    %dma_start3A_43 = tpu.memref_slice %arg4[%add3A_38, %dma_start3A_42] : memref<2560x128xi32, #tpu.memory_space<hbm>> -> memref<1x128xi32, #tpu.memory_space<hbm>>
    %dma_start3A_44 = arith.constant 0 : i32
    %dma_start3A_45 = arith.constant 0 : i32
    %dma_start3A_46 = tpu.memref_slice %arg7[%dma_start3A_44, %dma_start3A_45] : memref<3x128xi32, #tpu.memory_space<vmem>> -> memref<1x128xi32, #tpu.memory_space<vmem>>
    %dma_start3A_47 = arith.constant 0 : i32
    %dma_start3A_48 = tpu.memref_slice %arg4[%add3A_38, %dma_start3A_47] : memref<2560x128xi32, #tpu.memory_space<hbm>> -> memref<1x128xi32, #tpu.memory_space<hbm>>
    tpu.enqueue_dma source(%dma_start3A_48 : memref<1x128xi32, #tpu.memory_space<hbm>>) target(%dma_start3A_46 : memref<1x128xi32, #tpu.memory_space<vmem>>) target_semaphore(%arg16 : memref<!tpu.dma_semaphore, #tpu.memory_space<semaphore_mem>>)
    %add3A_49 = arith.constant 1 : i32
    %add3A_50 = arith.addi %select_n3A, %add3A_49 : i32
    %dma_start3A_51 = arith.constant 1 : i32
    %dma_start3A_52 = arith.constant 0 : i32
    %dma_start3A_53 = tpu.memref_slice %arg6[%dma_start3A_51, %dma_start3A_52] : memref<3x128xi32, #tpu.memory_space<vmem>> -> memref<1x128xi32, #tpu.memory_space<vmem>>
    %dma_start3A_54 = arith.constant 0 : i32
    %dma_start3A_55 = tpu.memref_slice %arg3[%add3A_50, %dma_start3A_54] : memref<2560x128xi32, #tpu.memory_space<hbm>> -> memref<1x128xi32, #tpu.memory_space<hbm>>
    %dma_start3A_56 = arith.constant 1 : i32
    %dma_start3A_57 = arith.constant 0 : i32
    %dma_start3A_58 = tpu.memref_slice %arg6[%dma_start3A_56, %dma_start3A_57] : memref<3x128xi32, #tpu.memory_space<vmem>> -> memref<1x128xi32, #tpu.memory_space<vmem>>
    %dma_start3A_59 = arith.constant 0 : i32
    %dma_start3A_60 = tpu.memref_slice %arg3[%add3A_50, %dma_start3A_59] : memref<2560x128xi32, #tpu.memory_space<hbm>> -> memref<1x128xi32, #tpu.memory_space<hbm>>
    tpu.enqueue_dma source(%dma_start3A_60 : memref<1x128xi32, #tpu.memory_space<hbm>>) target(%dma_start3A_58 : memref<1x128xi32, #tpu.memory_space<vmem>>) target_semaphore(%arg14 : memref<!tpu.dma_semaphore, #tpu.memory_space<semaphore_mem>>)
    %add3A_61 = arith.constant 1 : i32
    %add3A_62 = arith.addi %select_n3A, %add3A_61 : i32
    %dma_start3A_63 = arith.constant 1 : i32
    %dma_start3A_64 = arith.constant 0 : i32
    %dma_start3A_65 = tpu.memref_slice %arg7[%dma_start3A_63, %dma_start3A_64] : memref<3x128xi32, #tpu.memory_space<vmem>> -> memref<1x128xi32, #tpu.memory_space<vmem>>
    %dma_start3A_66 = arith.constant 0 : i32
    %dma_start3A_67 = tpu.memref_slice %arg4[%add3A_62, %dma_start3A_66] : memref<2560x128xi32, #tpu.memory_space<hbm>> -> memref<1x128xi32, #tpu.memory_space<hbm>>
    %dma_start3A_68 = arith.constant 1 : i32
    %dma_start3A_69 = arith.constant 0 : i32
    %dma_start3A_70 = tpu.memref_slice %arg7[%dma_start3A_68, %dma_start3A_69] : memref<3x128xi32, #tpu.memory_space<vmem>> -> memref<1x128xi32, #tpu.memory_space<vmem>>
    %dma_start3A_71 = arith.constant 0 : i32
    %dma_start3A_72 = tpu.memref_slice %arg4[%add3A_62, %dma_start3A_71] : memref<2560x128xi32, #tpu.memory_space<hbm>> -> memref<1x128xi32, #tpu.memory_space<hbm>>
    tpu.enqueue_dma source(%dma_start3A_72 : memref<1x128xi32, #tpu.memory_space<hbm>>) target(%dma_start3A_70 : memref<1x128xi32, #tpu.memory_space<vmem>>) target_semaphore(%arg17 : memref<!tpu.dma_semaphore, #tpu.memory_space<semaphore_mem>>)
    %add3A_73 = arith.constant 2 : i32
    %add3A_74 = arith.addi %select_n3A, %add3A_73 : i32
    %dma_start3A_75 = arith.constant 2 : i32
    %dma_start3A_76 = arith.constant 0 : i32
    %dma_start3A_77 = tpu.memref_slice %arg6[%dma_start3A_75, %dma_start3A_76] : memref<3x128xi32, #tpu.memory_space<vmem>> -> memref<1x128xi32, #tpu.memory_space<vmem>>
    %dma_start3A_78 = arith.constant 0 : i32
    %dma_start3A_79 = tpu.memref_slice %arg3[%add3A_74, %dma_start3A_78] : memref<2560x128xi32, #tpu.memory_space<hbm>> -> memref<1x128xi32, #tpu.memory_space<hbm>>
    %dma_start3A_80 = arith.constant 2 : i32
    %dma_start3A_81 = arith.constant 0 : i32
    %dma_start3A_82 = tpu.memref_slice %arg6[%dma_start3A_80, %dma_start3A_81] : memref<3x128xi32, #tpu.memory_space<vmem>> -> memref<1x128xi32, #tpu.memory_space<vmem>>
    %dma_start3A_83 = arith.constant 0 : i32
    %dma_start3A_84 = tpu.memref_slice %arg3[%add3A_74, %dma_start3A_83] : memref<2560x128xi32, #tpu.memory_space<hbm>> -> memref<1x128xi32, #tpu.memory_space<hbm>>
    tpu.enqueue_dma source(%dma_start3A_84 : memref<1x128xi32, #tpu.memory_space<hbm>>) target(%dma_start3A_82 : memref<1x128xi32, #tpu.memory_space<vmem>>) target_semaphore(%arg15 : memref<!tpu.dma_semaphore, #tpu.memory_space<semaphore_mem>>)
    %add3A_85 = arith.constant 2 : i32
    %add3A_86 = arith.addi %select_n3A, %add3A_85 : i32
    %dma_start3A_87 = arith.constant 2 : i32
    %dma_start3A_88 = arith.constant 0 : i32
    %dma_start3A_89 = tpu.memref_slice %arg7[%dma_start3A_87, %dma_start3A_88] : memref<3x128xi32, #tpu.memory_space<vmem>> -> memref<1x128xi32, #tpu.memory_space<vmem>>
    %dma_start3A_90 = arith.constant 0 : i32
    %dma_start3A_91 = tpu.memref_slice %arg4[%add3A_86, %dma_start3A_90] : memref<2560x128xi32, #tpu.memory_space<hbm>> -> memref<1x128xi32, #tpu.memory_space<hbm>>
    %dma_start3A_92 = arith.constant 2 : i32
    %dma_start3A_93 = arith.constant 0 : i32
    %dma_start3A_94 = tpu.memref_slice %arg7[%dma_start3A_92, %dma_start3A_93] : memref<3x128xi32, #tpu.memory_space<vmem>> -> memref<1x128xi32, #tpu.memory_space<vmem>>
    %dma_start3A_95 = arith.constant 0 : i32
    %dma_start3A_96 = tpu.memref_slice %arg4[%add3A_86, %dma_start3A_95] : memref<2560x128xi32, #tpu.memory_space<hbm>> -> memref<1x128xi32, #tpu.memory_space<hbm>>
    tpu.enqueue_dma source(%dma_start3A_96 : memref<1x128xi32, #tpu.memory_space<hbm>>) target(%dma_start3A_94 : memref<1x128xi32, #tpu.memory_space<vmem>>) target_semaphore(%arg18 : memref<!tpu.dma_semaphore, #tpu.memory_space<semaphore_mem>>)
    %dma_wait3A = arith.constant 0 : i32
    %dma_wait3A_97 = arith.constant 0 : i32
    %dma_wait3A_98 = tpu.memref_slice %arg6[%dma_wait3A, %dma_wait3A_97] : memref<3x128xi32, #tpu.memory_space<vmem>> -> memref<1x128xi32, #tpu.memory_space<vmem>>
    %dma_wait3A_99 = arith.constant 0 : i32
    %dma_wait3A_100 = tpu.memref_slice %arg3[%select_n3A, %dma_wait3A_99] : memref<2560x128xi32, #tpu.memory_space<hbm>> -> memref<1x128xi32, #tpu.memory_space<hbm>>
    %dma_wait3A_101 = arith.constant 0 : i32
    %dma_wait3A_102 = arith.constant 0 : i32
    %dma_wait3A_103 = tpu.memref_slice %arg6[%dma_wait3A_101, %dma_wait3A_102] : memref<3x128xi32, #tpu.memory_space<vmem>> -> memref<1x128xi32, #tpu.memory_space<vmem>>
    %dma_wait3A_104 = arith.constant 0 : i32
    %dma_wait3A_105 = tpu.memref_slice %arg3[%select_n3A, %dma_wait3A_104] : memref<2560x128xi32, #tpu.memory_space<hbm>> -> memref<1x128xi32, #tpu.memory_space<hbm>>
    tpu.wait_dma2 semaphore(%arg13 : memref<!tpu.dma_semaphore, #tpu.memory_space<semaphore_mem>>) src(%dma_wait3A_105 : memref<1x128xi32, #tpu.memory_space<hbm>>) dst(%dma_wait3A_103 : memref<1x128xi32, #tpu.memory_space<vmem>>)
    %dma_start3A_106 = arith.constant 0 : i32
    %dma_start3A_107 = arith.constant 0 : i32
    %dma_start3A_108 = arith.constant 0 : i32
    %dma_start3A_109 = arith.constant 0 : i32
    %dma_start3A_110 = tpu.memref_slice %arg8[%dma_start3A_107, %dma_start3A_108, %dma_start3A_109] : memref<3x128x128xf32, #tpu.memory_space<vmem>> -> memref<1x128x128xf32, #tpu.memory_space<vmem>>
    %dma_start3A_111 = tpu.memref_squeeze %dma_start3A_110 : memref<1x128x128xf32, #tpu.memory_space<vmem>> -> memref<128x128xf32, #tpu.memory_space<vmem>>
    %dma_start3A_112 = arith.constant 0 : i32
    %dma_start3A_113 = tpu.memref_slice %arg6[%dma_start3A_106, %dma_start3A_112] : memref<3x128xi32, #tpu.memory_space<vmem>> -> memref<1x128xi32, #tpu.memory_space<vmem>>
    %dma_start3A_114 = tpu.memref_squeeze %dma_start3A_113 : memref<1x128xi32, #tpu.memory_space<vmem>> -> memref<128xi32, #tpu.memory_space<vmem>>
    %dma_start3A_115 = arith.constant 0 : i32
    %dma_start3A_116 = arith.constant 0 : i32
    %dma_start3A_117 = tpu.memref_slice %arg2[%dma_start3A_115, %dma_start3A_116] : memref<10240x128xf32, #tpu.memory_space<hbm>> -> memref<10240x128xf32, #tpu.memory_space<hbm>>
    tpu.enqueue_indirect_dma source(%dma_start3A_117 : memref<10240x128xf32, #tpu.memory_space<hbm>>) target(%dma_start3A_111 : memref<128x128xf32, #tpu.memory_space<vmem>>) offsets(%dma_start3A_114 : memref<128xi32, #tpu.memory_space<vmem>>) semaphore(%arg10 : memref<!tpu.dma_semaphore, #tpu.memory_space<semaphore_mem>>)
    %dma_wait3A_118 = arith.constant 1 : i32
    %dma_wait3A_119 = arith.constant 0 : i32
    %dma_wait3A_120 = tpu.memref_slice %arg6[%dma_wait3A_118, %dma_wait3A_119] : memref<3x128xi32, #tpu.memory_space<vmem>> -> memref<1x128xi32, #tpu.memory_space<vmem>>
    %dma_wait3A_121 = arith.constant 0 : i32
    %dma_wait3A_122 = tpu.memref_slice %arg3[%select_n3A, %dma_wait3A_121] : memref<2560x128xi32, #tpu.memory_space<hbm>> -> memref<1x128xi32, #tpu.memory_space<hbm>>
    %dma_wait3A_123 = arith.constant 1 : i32
    %dma_wait3A_124 = arith.constant 0 : i32
    %dma_wait3A_125 = tpu.memref_slice %arg6[%dma_wait3A_123, %dma_wait3A_124] : memref<3x128xi32, #tpu.memory_space<vmem>> -> memref<1x128xi32, #tpu.memory_space<vmem>>
    %dma_wait3A_126 = arith.constant 0 : i32
    %dma_wait3A_127 = tpu.memref_slice %arg3[%select_n3A, %dma_wait3A_126] : memref<2560x128xi32, #tpu.memory_space<hbm>> -> memref<1x128xi32, #tpu.memory_space<hbm>>
    tpu.wait_dma2 semaphore(%arg14 : memref<!tpu.dma_semaphore, #tpu.memory_space<semaphore_mem>>) src(%dma_wait3A_127 : memref<1x128xi32, #tpu.memory_space<hbm>>) dst(%dma_wait3A_125 : memref<1x128xi32, #tpu.memory_space<vmem>>)
    %dma_start3A_128 = arith.constant 1 : i32
    %dma_start3A_129 = arith.constant 1 : i32
    %dma_start3A_130 = arith.constant 0 : i32
    %dma_start3A_131 = arith.constant 0 : i32
    %dma_start3A_132 = tpu.memref_slice %arg8[%dma_start3A_129, %dma_start3A_130, %dma_start3A_131] : memref<3x128x128xf32, #tpu.memory_space<vmem>> -> memref<1x128x128xf32, #tpu.memory_space<vmem>>
    %dma_start3A_133 = tpu.memref_squeeze %dma_start3A_132 : memref<1x128x128xf32, #tpu.memory_space<vmem>> -> memref<128x128xf32, #tpu.memory_space<vmem>>
    %dma_start3A_134 = arith.constant 0 : i32
    %dma_start3A_135 = tpu.memref_slice %arg6[%dma_start3A_128, %dma_start3A_134] : memref<3x128xi32, #tpu.memory_space<vmem>> -> memref<1x128xi32, #tpu.memory_space<vmem>>
    %dma_start3A_136 = tpu.memref_squeeze %dma_start3A_135 : memref<1x128xi32, #tpu.memory_space<vmem>> -> memref<128xi32, #tpu.memory_space<vmem>>
    %dma_start3A_137 = arith.constant 0 : i32
    %dma_start3A_138 = arith.constant 0 : i32
    %dma_start3A_139 = tpu.memref_slice %arg2[%dma_start3A_137, %dma_start3A_138] : memref<10240x128xf32, #tpu.memory_space<hbm>> -> memref<10240x128xf32, #tpu.memory_space<hbm>>
    tpu.enqueue_indirect_dma source(%dma_start3A_139 : memref<10240x128xf32, #tpu.memory_space<hbm>>) target(%dma_start3A_133 : memref<128x128xf32, #tpu.memory_space<vmem>>) offsets(%dma_start3A_136 : memref<128xi32, #tpu.memory_space<vmem>>) semaphore(%arg11 : memref<!tpu.dma_semaphore, #tpu.memory_space<semaphore_mem>>)
    %dma_wait3A_140 = arith.constant 2 : i32
    %dma_wait3A_141 = arith.constant 0 : i32
    %dma_wait3A_142 = tpu.memref_slice %arg6[%dma_wait3A_140, %dma_wait3A_141] : memref<3x128xi32, #tpu.memory_space<vmem>> -> memref<1x128xi32, #tpu.memory_space<vmem>>
    %dma_wait3A_143 = arith.constant 0 : i32
    %dma_wait3A_144 = tpu.memref_slice %arg3[%select_n3A, %dma_wait3A_143] : memref<2560x128xi32, #tpu.memory_space<hbm>> -> memref<1x128xi32, #tpu.memory_space<hbm>>
    %dma_wait3A_145 = arith.constant 2 : i32
    %dma_wait3A_146 = arith.constant 0 : i32
    %dma_wait3A_147 = tpu.memref_slice %arg6[%dma_wait3A_145, %dma_wait3A_146] : memref<3x128xi32, #tpu.memory_space<vmem>> -> memref<1x128xi32, #tpu.memory_space<vmem>>
    %dma_wait3A_148 = arith.constant 0 : i32
    %dma_wait3A_149 = tpu.memref_slice %arg3[%select_n3A, %dma_wait3A_148] : memref<2560x128xi32, #tpu.memory_space<hbm>> -> memref<1x128xi32, #tpu.memory_space<hbm>>
    tpu.wait_dma2 semaphore(%arg15 : memref<!tpu.dma_semaphore, #tpu.memory_space<semaphore_mem>>) src(%dma_wait3A_149 : memref<1x128xi32, #tpu.memory_space<hbm>>) dst(%dma_wait3A_147 : memref<1x128xi32, #tpu.memory_space<vmem>>)
    %dma_start3A_150 = arith.constant 2 : i32
    %dma_start3A_151 = arith.constant 2 : i32
    %dma_start3A_152 = arith.constant 0 : i32
    %dma_start3A_153 = arith.constant 0 : i32
    %dma_start3A_154 = tpu.memref_slice %arg8[%dma_start3A_151, %dma_start3A_152, %dma_start3A_153] : memref<3x128x128xf32, #tpu.memory_space<vmem>> -> memref<1x128x128xf32, #tpu.memory_space<vmem>>
    %dma_start3A_155 = tpu.memref_squeeze %dma_start3A_154 : memref<1x128x128xf32, #tpu.memory_space<vmem>> -> memref<128x128xf32, #tpu.memory_space<vmem>>
    %dma_start3A_156 = arith.constant 0 : i32
    %dma_start3A_157 = tpu.memref_slice %arg6[%dma_start3A_150, %dma_start3A_156] : memref<3x128xi32, #tpu.memory_space<vmem>> -> memref<1x128xi32, #tpu.memory_space<vmem>>
    %dma_start3A_158 = tpu.memref_squeeze %dma_start3A_157 : memref<1x128xi32, #tpu.memory_space<vmem>> -> memref<128xi32, #tpu.memory_space<vmem>>
    %dma_start3A_159 = arith.constant 0 : i32
    %dma_start3A_160 = arith.constant 0 : i32
    %dma_start3A_161 = tpu.memref_slice %arg2[%dma_start3A_159, %dma_start3A_160] : memref<10240x128xf32, #tpu.memory_space<hbm>> -> memref<10240x128xf32, #tpu.memory_space<hbm>>
    tpu.enqueue_indirect_dma source(%dma_start3A_161 : memref<10240x128xf32, #tpu.memory_space<hbm>>) target(%dma_start3A_155 : memref<128x128xf32, #tpu.memory_space<vmem>>) offsets(%dma_start3A_158 : memref<128xi32, #tpu.memory_space<vmem>>) semaphore(%arg12 : memref<!tpu.dma_semaphore, #tpu.memory_space<semaphore_mem>>)
    %add3A_162 = arith.constant 3 : i32
    %add3A_163 = arith.addi %select_n3A_8, %add3A_162 : i32
    %sub3A = arith.constant 1 : i32
    %sub3A_164 = arith.subi %add3A_163, %sub3A : i32
    %jit3A_165 = arith.constant 3 : i32
    %div3A = arith.divsi %sub3A_164, %jit3A_165 : i32
    %sign3A = arith.constant 0 : i32
    %sign3A_166 = arith.cmpi sgt, %sub3A_164, %sign3A : i32
    %sign3A_167 = arith.extui %sign3A_166 : i1 to i32
    %sign3A_168 = arith.constant 0 : i32
    %sign3A_169 = arith.cmpi slt, %sub3A_164, %sign3A_168 : i32
    %sign3A_170 = arith.extui %sign3A_169 : i1 to i32
    %sign3A_171 = arith.subi %sign3A_167, %sign3A_170 : i32
    %sign3A_172 = arith.constant 0 : i32
    %sign3A_173 = arith.cmpi sgt, %jit3A_165, %sign3A_172 : i32
    %sign3A_174 = arith.extui %sign3A_173 : i1 to i32
    %sign3A_175 = arith.constant 0 : i32
    %sign3A_176 = arith.cmpi slt, %jit3A_165, %sign3A_175 : i32
    %sign3A_177 = arith.extui %sign3A_176 : i1 to i32
    %sign3A_178 = arith.subi %sign3A_174, %sign3A_177 : i32
    %ne3A = arith.cmpi ne, %sign3A_171, %sign3A_178 : i32
    %rem3A = arith.remsi %sub3A_164, %jit3A_165 : i32
    %ne3A_179 = arith.constant 0 : i32
    %ne3A_180 = arith.cmpi ne, %rem3A, %ne3A_179 : i32
    %and3A = arith.andi %ne3A, %ne3A_180 : i1
    %sub3A_181 = arith.constant 1 : i32
    %sub3A_182 = arith.subi %div3A, %sub3A_181 : i32
    %select_n3A_183 = arith.select %and3A, %sub3A_182, %div3A : i32
    %while3A = arith.constant 0 : i32
    %while3A_184 = arith.constant 0 : i32
    %while3A_185 = arith.subi %select_n3A_183, %while3A : i32
    %while3A_186 = arith.addi %while3A, %while3A_185 : i32
    %while3A_187 = arith.constant 1 : i32
    %while3A_188 = arith.divsi %while3A_185, %while3A_187 : i32
    %while3A_189 = arith.muli %while3A_188, %while3A_187 : i32
    %while3A_190 = arith.addi %while3A, %while3A_189 : i32
    %while3A_191 = arith.constant 1 : i32
    %while3A_192 = scf.for %while3A_200 = %while3A to %while3A_190 step %while3A_191 iter_args(%while3A_201 = %while3A_184) -> (i32)  : i32 {
      %mul3A_202 = arith.constant 3 : i32
      %mul3A_203 = arith.muli %while3A_200, %mul3A_202 : i32
      %add3A_204 = arith.constant 0 : i32
      %add3A_205 = arith.addi %mul3A_203, %add3A_204 : i32
      %lt3A = arith.cmpi slt, %add3A_205, %select_n3A_8 : i32
      %convert_element_type3A = arith.extui %lt3A : i1 to i32
      %cond3A = arith.constant 0 : i32
      %cond3A_206 = arith.cmpi ne, %convert_element_type3A, %cond3A : i32
      scf.if %cond3A_206 {
        %dma_wait3A_224 = arith.constant 0 : i32
        %dma_wait3A_225 = arith.constant 0 : i32
        %dma_wait3A_226 = arith.constant 0 : i32
        %dma_wait3A_227 = arith.constant 0 : i32
        %dma_wait3A_228 = tpu.memref_slice %arg8[%dma_wait3A_225, %dma_wait3A_226, %dma_wait3A_227] : memref<3x128x128xf32, #tpu.memory_space<vmem>> -> memref<1x128x128xf32, #tpu.memory_space<vmem>>
        %dma_wait3A_229 = tpu.memref_squeeze %dma_wait3A_228 : memref<1x128x128xf32, #tpu.memory_space<vmem>> -> memref<128x128xf32, #tpu.memory_space<vmem>>
        %dma_wait3A_230 = arith.constant 0 : i32
        %dma_wait3A_231 = tpu.memref_slice %arg6[%dma_wait3A_224, %dma_wait3A_230] : memref<3x128xi32, #tpu.memory_space<vmem>> -> memref<1x128xi32, #tpu.memory_space<vmem>>
        %dma_wait3A_232 = tpu.memref_squeeze %dma_wait3A_231 : memref<1x128xi32, #tpu.memory_space<vmem>> -> memref<128xi32, #tpu.memory_space<vmem>>
        %dma_wait3A_233 = arith.constant 0 : i32
        %dma_wait3A_234 = arith.constant 0 : i32
        %dma_wait3A_235 = tpu.memref_slice %arg2[%dma_wait3A_233, %dma_wait3A_234] : memref<10240x128xf32, #tpu.memory_space<hbm>> -> memref<10240x128xf32, #tpu.memory_space<hbm>>
        tpu.wait_indirect_dma semaphore(%arg10 : memref<!tpu.dma_semaphore, #tpu.memory_space<semaphore_mem>>) src(%dma_wait3A_235 : memref<10240x128xf32, #tpu.memory_space<hbm>>) dst(%dma_wait3A_229 : memref<128x128xf32, #tpu.memory_space<vmem>>)
        %add3A_236 = arith.constant 3 : i32
        %add3A_237 = arith.addi %add3A_205, %add3A_236 : i32
        %lt3A_238 = arith.cmpi slt, %add3A_237, %select_n3A_8 : i32
        %convert_element_type3A_239 = arith.extui %lt3A_238 : i1 to i32
        %cond3A_240 = arith.constant 0 : i32
        %cond3A_241 = arith.cmpi ne, %convert_element_type3A_239, %cond3A_240 : i32
        scf.if %cond3A_241 {
          %add3A_260 = arith.constant 3 : i32
          %add3A_261 = arith.addi %add3A_205, %add3A_260 : i32
          %add3A_262 = arith.addi %select_n3A, %add3A_261 : i32
          %dma_start3A_263 = arith.constant 0 : i32
          %dma_start3A_264 = arith.constant 0 : i32
          %dma_start3A_265 = tpu.memref_slice %arg6[%dma_start3A_263, %dma_start3A_264] : memref<3x128xi32, #tpu.memory_space<vmem>> -> memref<1x128xi32, #tpu.memory_space<vmem>>
          %dma_start3A_266 = arith.constant 0 : i32
          %dma_start3A_267 = tpu.memref_slice %arg3[%add3A_262, %dma_start3A_266] : memref<2560x128xi32, #tpu.memory_space<hbm>> -> memref<1x128xi32, #tpu.memory_space<hbm>>
          %dma_start3A_268 = arith.constant 0 : i32
          %dma_start3A_269 = arith.constant 0 : i32
          %dma_start3A_270 = tpu.memref_slice %arg6[%dma_start3A_268, %dma_start3A_269] : memref<3x128xi32, #tpu.memory_space<vmem>> -> memref<1x128xi32, #tpu.memory_space<vmem>>
          %dma_start3A_271 = arith.constant 0 : i32
          %dma_start3A_272 = tpu.memref_slice %arg3[%add3A_262, %dma_start3A_271] : memref<2560x128xi32, #tpu.memory_space<hbm>> -> memref<1x128xi32, #tpu.memory_space<hbm>>
          tpu.enqueue_dma source(%dma_start3A_272 : memref<1x128xi32, #tpu.memory_space<hbm>>) target(%dma_start3A_270 : memref<1x128xi32, #tpu.memory_space<vmem>>) target_semaphore(%arg13 : memref<!tpu.dma_semaphore, #tpu.memory_space<semaphore_mem>>)
        } else {
        }
        %dma_wait3A_242 = arith.constant 0 : i32
        %dma_wait3A_243 = arith.constant 0 : i32
        %dma_wait3A_244 = tpu.memref_slice %arg7[%dma_wait3A_242, %dma_wait3A_243] : memref<3x128xi32, #tpu.memory_space<vmem>> -> memref<1x128xi32, #tpu.memory_space<vmem>>
        %dma_wait3A_245 = arith.constant 0 : i32
        %dma_wait3A_246 = tpu.memref_slice %arg4[%select_n3A, %dma_wait3A_245] : memref<2560x128xi32, #tpu.memory_space<hbm>> -> memref<1x128xi32, #tpu.memory_space<hbm>>
        %dma_wait3A_247 = arith.constant 0 : i32
        %dma_wait3A_248 = arith.constant 0 : i32
        %dma_wait3A_249 = tpu.memref_slice %arg7[%dma_wait3A_247, %dma_wait3A_248] : memref<3x128xi32, #tpu.memory_space<vmem>> -> memref<1x128xi32, #tpu.memory_space<vmem>>
        %dma_wait3A_250 = arith.constant 0 : i32
        %dma_wait3A_251 = tpu.memref_slice %arg4[%select_n3A, %dma_wait3A_250] : memref<2560x128xi32, #tpu.memory_space<hbm>> -> memref<1x128xi32, #tpu.memory_space<hbm>>
        tpu.wait_dma2 semaphore(%arg16 : memref<!tpu.dma_semaphore, #tpu.memory_space<semaphore_mem>>) src(%dma_wait3A_251 : memref<1x128xi32, #tpu.memory_space<hbm>>) dst(%dma_wait3A_249 : memref<1x128xi32, #tpu.memory_space<vmem>>)
        %run_scoped3A_252 = arith.constant 0 : i32
        %run_scoped3A_253 = arith.constant 0 : i32
        "tpu.region"() ({
          %run_scoped3A_260 = tpu.sem_alloc : memref<!tpu.dma_semaphore, #tpu.memory_space<semaphore_mem>>
          %dma_start3A_261 = arith.constant 0 : i32
          %dma_start3A_262 = arith.constant 0 : i32
          %dma_start3A_263 = tpu.memref_slice %arg8[%run_scoped3A_252, %dma_start3A_261, %dma_start3A_262] : memref<3x128x128xf32, #tpu.memory_space<vmem>> -> memref<1x128x128xf32, #tpu.memory_space<vmem>>
          %dma_start3A_264 = tpu.memref_squeeze %dma_start3A_263 : memref<1x128x128xf32, #tpu.memory_space<vmem>> -> memref<128x128xf32, #tpu.memory_space<vmem>>
          %dma_start3A_265 = arith.constant 0 : i32
          %dma_start3A_266 = tpu.memref_slice %arg7[%run_scoped3A_253, %dma_start3A_265] : memref<3x128xi32, #tpu.memory_space<vmem>> -> memref<1x128xi32, #tpu.memory_space<vmem>>
          %dma_start3A_267 = tpu.memref_squeeze %dma_start3A_266 : memref<1x128xi32, #tpu.memory_space<vmem>> -> memref<128xi32, #tpu.memory_space<vmem>>
          %dma_start3A_268 = arith.constant 0 : i32
          %dma_start3A_269 = arith.constant 0 : i32
          %dma_start3A_270 = tpu.memref_slice %arg9[%dma_start3A_268, %dma_start3A_269] : memref<10112x128xf32, #tpu.memory_space<vmem_shared>> -> memref<10112x128xf32, #tpu.memory_space<vmem_shared>>
          tpu.enqueue_indirect_dma source(%dma_start3A_264 : memref<128x128xf32, #tpu.memory_space<vmem>>) target(%dma_start3A_270 : memref<10112x128xf32, #tpu.memory_space<vmem_shared>>) offsets(%dma_start3A_267 : memref<128xi32, #tpu.memory_space<vmem>>) semaphore(%run_scoped3A_260 : memref<!tpu.dma_semaphore, #tpu.memory_space<semaphore_mem>>) {add = true}
          %dma_wait3A_271 = arith.constant 0 : i32
          %dma_wait3A_272 = arith.constant 0 : i32
          %dma_wait3A_273 = tpu.memref_slice %arg8[%run_scoped3A_252, %dma_wait3A_271, %dma_wait3A_272] : memref<3x128x128xf32, #tpu.memory_space<vmem>> -> memref<1x128x128xf32, #tpu.memory_space<vmem>>
          %dma_wait3A_274 = tpu.memref_squeeze %dma_wait3A_273 : memref<1x128x128xf32, #tpu.memory_space<vmem>> -> memref<128x128xf32, #tpu.memory_space<vmem>>
          %dma_wait3A_275 = arith.constant 0 : i32
          %dma_wait3A_276 = tpu.memref_slice %arg7[%run_scoped3A_253, %dma_wait3A_275] : memref<3x128xi32, #tpu.memory_space<vmem>> -> memref<1x128xi32, #tpu.memory_space<vmem>>
          %dma_wait3A_277 = tpu.memref_squeeze %dma_wait3A_276 : memref<1x128xi32, #tpu.memory_space<vmem>> -> memref<128xi32, #tpu.memory_space<vmem>>
          %dma_wait3A_278 = arith.constant 0 : i32
          %dma_wait3A_279 = arith.constant 0 : i32
          %dma_wait3A_280 = tpu.memref_slice %arg9[%dma_wait3A_278, %dma_wait3A_279] : memref<10112x128xf32, #tpu.memory_space<vmem_shared>> -> memref<10112x128xf32, #tpu.memory_space<vmem_shared>>
          tpu.wait_indirect_dma semaphore(%run_scoped3A_260 : memref<!tpu.dma_semaphore, #tpu.memory_space<semaphore_mem>>) src(%dma_wait3A_274 : memref<128x128xf32, #tpu.memory_space<vmem>>) dst(%dma_wait3A_280 : memref<10112x128xf32, #tpu.memory_space<vmem_shared>>)
          tpu.yield
        }) : () -> ()
        %add3A_254 = arith.constant 3 : i32
        %add3A_255 = arith.addi %add3A_205, %add3A_254 : i32
        %lt3A_256 = arith.cmpi slt, %add3A_255, %select_n3A_8 : i32
        %convert_element_type3A_257 = arith.extui %lt3A_256 : i1 to i32
        %cond3A_258 = arith.constant 0 : i32
        %cond3A_259 = arith.cmpi ne, %convert_element_type3A_257, %cond3A_258 : i32
        scf.if %cond3A_259 {
          %add3A_260 = arith.constant 3 : i32
          %add3A_261 = arith.addi %add3A_205, %add3A_260 : i32
          %add3A_262 = arith.addi %select_n3A, %add3A_261 : i32
          %dma_start3A_263 = arith.constant 0 : i32
          %dma_start3A_264 = arith.constant 0 : i32
          %dma_start3A_265 = tpu.memref_slice %arg7[%dma_start3A_263, %dma_start3A_264] : memref<3x128xi32, #tpu.memory_space<vmem>> -> memref<1x128xi32, #tpu.memory_space<vmem>>
          %dma_start3A_266 = arith.constant 0 : i32
          %dma_start3A_267 = tpu.memref_slice %arg4[%add3A_262, %dma_start3A_266] : memref<2560x128xi32, #tpu.memory_space<hbm>> -> memref<1x128xi32, #tpu.memory_space<hbm>>
          %dma_start3A_268 = arith.constant 0 : i32
          %dma_start3A_269 = arith.constant 0 : i32
          %dma_start3A_270 = tpu.memref_slice %arg7[%dma_start3A_268, %dma_start3A_269] : memref<3x128xi32, #tpu.memory_space<vmem>> -> memref<1x128xi32, #tpu.memory_space<vmem>>
          %dma_start3A_271 = arith.constant 0 : i32
          %dma_start3A_272 = tpu.memref_slice %arg4[%add3A_262, %dma_start3A_271] : memref<2560x128xi32, #tpu.memory_space<hbm>> -> memref<1x128xi32, #tpu.memory_space<hbm>>
          tpu.enqueue_dma source(%dma_start3A_272 : memref<1x128xi32, #tpu.memory_space<hbm>>) target(%dma_start3A_270 : memref<1x128xi32, #tpu.memory_space<vmem>>) target_semaphore(%arg16 : memref<!tpu.dma_semaphore, #tpu.memory_space<semaphore_mem>>)
          %dma_wait3A_273 = arith.constant 0 : i32
          %dma_wait3A_274 = arith.constant 0 : i32
          %dma_wait3A_275 = tpu.memref_slice %arg6[%dma_wait3A_273, %dma_wait3A_274] : memref<3x128xi32, #tpu.memory_space<vmem>> -> memref<1x128xi32, #tpu.memory_space<vmem>>
          %dma_wait3A_276 = arith.constant 0 : i32
          %dma_wait3A_277 = tpu.memref_slice %arg3[%select_n3A, %dma_wait3A_276] : memref<2560x128xi32, #tpu.memory_space<hbm>> -> memref<1x128xi32, #tpu.memory_space<hbm>>
          %dma_wait3A_278 = arith.constant 0 : i32
          %dma_wait3A_279 = arith.constant 0 : i32
          %dma_wait3A_280 = tpu.memref_slice %arg6[%dma_wait3A_278, %dma_wait3A_279] : memref<3x128xi32, #tpu.memory_space<vmem>> -> memref<1x128xi32, #tpu.memory_space<vmem>>
          %dma_wait3A_281 = arith.constant 0 : i32
          %dma_wait3A_282 = tpu.memref_slice %arg3[%select_n3A, %dma_wait3A_281] : memref<2560x128xi32, #tpu.memory_space<hbm>> -> memref<1x128xi32, #tpu.memory_space<hbm>>
          tpu.wait_dma2 semaphore(%arg13 : memref<!tpu.dma_semaphore, #tpu.memory_space<semaphore_mem>>) src(%dma_wait3A_282 : memref<1x128xi32, #tpu.memory_space<hbm>>) dst(%dma_wait3A_280 : memref<1x128xi32, #tpu.memory_space<vmem>>)
          %add3A_283 = arith.constant 3 : i32
          %add3A_284 = arith.addi %add3A_205, %add3A_283 : i32
          %dma_start3A_285 = arith.constant 0 : i32
          %dma_start3A_286 = arith.constant 0 : i32
          %dma_start3A_287 = arith.constant 0 : i32
          %dma_start3A_288 = arith.constant 0 : i32
          %dma_start3A_289 = tpu.memref_slice %arg8[%dma_start3A_286, %dma_start3A_287, %dma_start3A_288] : memref<3x128x128xf32, #tpu.memory_space<vmem>> -> memref<1x128x128xf32, #tpu.memory_space<vmem>>
          %dma_start3A_290 = tpu.memref_squeeze %dma_start3A_289 : memref<1x128x128xf32, #tpu.memory_space<vmem>> -> memref<128x128xf32, #tpu.memory_space<vmem>>
          %dma_start3A_291 = arith.constant 0 : i32
          %dma_start3A_292 = tpu.memref_slice %arg6[%dma_start3A_285, %dma_start3A_291] : memref<3x128xi32, #tpu.memory_space<vmem>> -> memref<1x128xi32, #tpu.memory_space<vmem>>
          %dma_start3A_293 = tpu.memref_squeeze %dma_start3A_292 : memref<1x128xi32, #tpu.memory_space<vmem>> -> memref<128xi32, #tpu.memory_space<vmem>>
          %dma_start3A_294 = arith.constant 0 : i32
          %dma_start3A_295 = arith.constant 0 : i32
          %dma_start3A_296 = tpu.memref_slice %arg2[%dma_start3A_294, %dma_start3A_295] : memref<10240x128xf32, #tpu.memory_space<hbm>> -> memref<10240x128xf32, #tpu.memory_space<hbm>>
          tpu.enqueue_indirect_dma source(%dma_start3A_296 : memref<10240x128xf32, #tpu.memory_space<hbm>>) target(%dma_start3A_290 : memref<128x128xf32, #tpu.memory_space<vmem>>) offsets(%dma_start3A_293 : memref<128xi32, #tpu.memory_space<vmem>>) semaphore(%arg10 : memref<!tpu.dma_semaphore, #tpu.memory_space<semaphore_mem>>)
        } else {
        }
      } else {
      }
      %mul3A_207 = arith.constant 3 : i32
      %mul3A_208 = arith.muli %while3A_200, %mul3A_207 : i32
      %add3A_209 = arith.constant 1 : i32
      %add3A_210 = arith.addi %mul3A_208, %add3A_209 : i32
      %lt3A_211 = arith.cmpi slt, %add3A_210, %select_n3A_8 : i32
      %convert_element_type3A_212 = arith.extui %lt3A_211 : i1 to i32
      %cond3A_213 = arith.constant 0 : i32
      %cond3A_214 = arith.cmpi ne, %convert_element_type3A_212, %cond3A_213 : i32
      scf.if %cond3A_214 {
        %dma_wait3A_224 = arith.constant 0 : i32
        %dma_wait3A_225 = arith.constant 1 : i32
        %dma_wait3A_226 = arith.constant 0 : i32
        %dma_wait3A_227 = arith.constant 0 : i32
        %dma_wait3A_228 = tpu.memref_slice %arg8[%dma_wait3A_225, %dma_wait3A_226, %dma_wait3A_227] : memref<3x128x128xf32, #tpu.memory_space<vmem>> -> memref<1x128x128xf32, #tpu.memory_space<vmem>>
        %dma_wait3A_229 = tpu.memref_squeeze %dma_wait3A_228 : memref<1x128x128xf32, #tpu.memory_space<vmem>> -> memref<128x128xf32, #tpu.memory_space<vmem>>
        %dma_wait3A_230 = arith.constant 0 : i32
        %dma_wait3A_231 = tpu.memref_slice %arg6[%dma_wait3A_224, %dma_wait3A_230] : memref<3x128xi32, #tpu.memory_space<vmem>> -> memref<1x128xi32, #tpu.memory_space<vmem>>
        %dma_wait3A_232 = tpu.memref_squeeze %dma_wait3A_231 : memref<1x128xi32, #tpu.memory_space<vmem>> -> memref<128xi32, #tpu.memory_space<vmem>>
        %dma_wait3A_233 = arith.constant 0 : i32
        %dma_wait3A_234 = arith.constant 0 : i32
        %dma_wait3A_235 = tpu.memref_slice %arg2[%dma_wait3A_233, %dma_wait3A_234] : memref<10240x128xf32, #tpu.memory_space<hbm>> -> memref<10240x128xf32, #tpu.memory_space<hbm>>
        tpu.wait_indirect_dma semaphore(%arg11 : memref<!tpu.dma_semaphore, #tpu.memory_space<semaphore_mem>>) src(%dma_wait3A_235 : memref<10240x128xf32, #tpu.memory_space<hbm>>) dst(%dma_wait3A_229 : memref<128x128xf32, #tpu.memory_space<vmem>>)
        %add3A_236 = arith.constant 3 : i32
        %add3A_237 = arith.addi %add3A_210, %add3A_236 : i32
        %lt3A_238 = arith.cmpi slt, %add3A_237, %select_n3A_8 : i32
        %convert_element_type3A_239 = arith.extui %lt3A_238 : i1 to i32
        %cond3A_240 = arith.constant 0 : i32
        %cond3A_241 = arith.cmpi ne, %convert_element_type3A_239, %cond3A_240 : i32
        scf.if %cond3A_241 {
          %add3A_260 = arith.constant 3 : i32
          %add3A_261 = arith.addi %add3A_210, %add3A_260 : i32
          %add3A_262 = arith.addi %select_n3A, %add3A_261 : i32
          %dma_start3A_263 = arith.constant 1 : i32
          %dma_start3A_264 = arith.constant 0 : i32
          %dma_start3A_265 = tpu.memref_slice %arg6[%dma_start3A_263, %dma_start3A_264] : memref<3x128xi32, #tpu.memory_space<vmem>> -> memref<1x128xi32, #tpu.memory_space<vmem>>
          %dma_start3A_266 = arith.constant 0 : i32
          %dma_start3A_267 = tpu.memref_slice %arg3[%add3A_262, %dma_start3A_266] : memref<2560x128xi32, #tpu.memory_space<hbm>> -> memref<1x128xi32, #tpu.memory_space<hbm>>
          %dma_start3A_268 = arith.constant 1 : i32
          %dma_start3A_269 = arith.constant 0 : i32
          %dma_start3A_270 = tpu.memref_slice %arg6[%dma_start3A_268, %dma_start3A_269] : memref<3x128xi32, #tpu.memory_space<vmem>> -> memref<1x128xi32, #tpu.memory_space<vmem>>
          %dma_start3A_271 = arith.constant 0 : i32
          %dma_start3A_272 = tpu.memref_slice %arg3[%add3A_262, %dma_start3A_271] : memref<2560x128xi32, #tpu.memory_space<hbm>> -> memref<1x128xi32, #tpu.memory_space<hbm>>
          tpu.enqueue_dma source(%dma_start3A_272 : memref<1x128xi32, #tpu.memory_space<hbm>>) target(%dma_start3A_270 : memref<1x128xi32, #tpu.memory_space<vmem>>) target_semaphore(%arg14 : memref<!tpu.dma_semaphore, #tpu.memory_space<semaphore_mem>>)
        } else {
        }
        %dma_wait3A_242 = arith.constant 1 : i32
        %dma_wait3A_243 = arith.constant 0 : i32
        %dma_wait3A_244 = tpu.memref_slice %arg7[%dma_wait3A_242, %dma_wait3A_243] : memref<3x128xi32, #tpu.memory_space<vmem>> -> memref<1x128xi32, #tpu.memory_space<vmem>>
        %dma_wait3A_245 = arith.constant 0 : i32
        %dma_wait3A_246 = tpu.memref_slice %arg4[%select_n3A, %dma_wait3A_245] : memref<2560x128xi32, #tpu.memory_space<hbm>> -> memref<1x128xi32, #tpu.memory_space<hbm>>
        %dma_wait3A_247 = arith.constant 1 : i32
        %dma_wait3A_248 = arith.constant 0 : i32
        %dma_wait3A_249 = tpu.memref_slice %arg7[%dma_wait3A_247, %dma_wait3A_248] : memref<3x128xi32, #tpu.memory_space<vmem>> -> memref<1x128xi32, #tpu.memory_space<vmem>>
        %dma_wait3A_250 = arith.constant 0 : i32
        %dma_wait3A_251 = tpu.memref_slice %arg4[%select_n3A, %dma_wait3A_250] : memref<2560x128xi32, #tpu.memory_space<hbm>> -> memref<1x128xi32, #tpu.memory_space<hbm>>
        tpu.wait_dma2 semaphore(%arg17 : memref<!tpu.dma_semaphore, #tpu.memory_space<semaphore_mem>>) src(%dma_wait3A_251 : memref<1x128xi32, #tpu.memory_space<hbm>>) dst(%dma_wait3A_249 : memref<1x128xi32, #tpu.memory_space<vmem>>)
        %run_scoped3A_252 = arith.constant 1 : i32
        %run_scoped3A_253 = arith.constant 1 : i32
        "tpu.region"() ({
          %run_scoped3A_260 = tpu.sem_alloc : memref<!tpu.dma_semaphore, #tpu.memory_space<semaphore_mem>>
          %dma_start3A_261 = arith.constant 0 : i32
          %dma_start3A_262 = arith.constant 0 : i32
          %dma_start3A_263 = tpu.memref_slice %arg8[%run_scoped3A_252, %dma_start3A_261, %dma_start3A_262] : memref<3x128x128xf32, #tpu.memory_space<vmem>> -> memref<1x128x128xf32, #tpu.memory_space<vmem>>
          %dma_start3A_264 = tpu.memref_squeeze %dma_start3A_263 : memref<1x128x128xf32, #tpu.memory_space<vmem>> -> memref<128x128xf32, #tpu.memory_space<vmem>>
          %dma_start3A_265 = arith.constant 0 : i32
          %dma_start3A_266 = tpu.memref_slice %arg7[%run_scoped3A_253, %dma_start3A_265] : memref<3x128xi32, #tpu.memory_space<vmem>> -> memref<1x128xi32, #tpu.memory_space<vmem>>
          %dma_start3A_267 = tpu.memref_squeeze %dma_start3A_266 : memref<1x128xi32, #tpu.memory_space<vmem>> -> memref<128xi32, #tpu.memory_space<vmem>>
          %dma_start3A_268 = arith.constant 0 : i32
          %dma_start3A_269 = arith.constant 0 : i32
          %dma_start3A_270 = tpu.memref_slice %arg9[%dma_start3A_268, %dma_start3A_269] : memref<10112x128xf32, #tpu.memory_space<vmem_shared>> -> memref<10112x128xf32, #tpu.memory_space<vmem_shared>>
          tpu.enqueue_indirect_dma source(%dma_start3A_264 : memref<128x128xf32, #tpu.memory_space<vmem>>) target(%dma_start3A_270 : memref<10112x128xf32, #tpu.memory_space<vmem_shared>>) offsets(%dma_start3A_267 : memref<128xi32, #tpu.memory_space<vmem>>) semaphore(%run_scoped3A_260 : memref<!tpu.dma_semaphore, #tpu.memory_space<semaphore_mem>>) {add = true}
          %dma_wait3A_271 = arith.constant 0 : i32
          %dma_wait3A_272 = arith.constant 0 : i32
          %dma_wait3A_273 = tpu.memref_slice %arg8[%run_scoped3A_252, %dma_wait3A_271, %dma_wait3A_272] : memref<3x128x128xf32, #tpu.memory_space<vmem>> -> memref<1x128x128xf32, #tpu.memory_space<vmem>>
          %dma_wait3A_274 = tpu.memref_squeeze %dma_wait3A_273 : memref<1x128x128xf32, #tpu.memory_space<vmem>> -> memref<128x128xf32, #tpu.memory_space<vmem>>
          %dma_wait3A_275 = arith.constant 0 : i32
          %dma_wait3A_276 = tpu.memref_slice %arg7[%run_scoped3A_253, %dma_wait3A_275] : memref<3x128xi32, #tpu.memory_space<vmem>> -> memref<1x128xi32, #tpu.memory_space<vmem>>
          %dma_wait3A_277 = tpu.memref_squeeze %dma_wait3A_276 : memref<1x128xi32, #tpu.memory_space<vmem>> -> memref<128xi32, #tpu.memory_space<vmem>>
          %dma_wait3A_278 = arith.constant 0 : i32
          %dma_wait3A_279 = arith.constant 0 : i32
          %dma_wait3A_280 = tpu.memref_slice %arg9[%dma_wait3A_278, %dma_wait3A_279] : memref<10112x128xf32, #tpu.memory_space<vmem_shared>> -> memref<10112x128xf32, #tpu.memory_space<vmem_shared>>
          tpu.wait_indirect_dma semaphore(%run_scoped3A_260 : memref<!tpu.dma_semaphore, #tpu.memory_space<semaphore_mem>>) src(%dma_wait3A_274 : memref<128x128xf32, #tpu.memory_space<vmem>>) dst(%dma_wait3A_280 : memref<10112x128xf32, #tpu.memory_space<vmem_shared>>)
          tpu.yield
        }) : () -> ()
        %add3A_254 = arith.constant 3 : i32
        %add3A_255 = arith.addi %add3A_210, %add3A_254 : i32
        %lt3A_256 = arith.cmpi slt, %add3A_255, %select_n3A_8 : i32
        %convert_element_type3A_257 = arith.extui %lt3A_256 : i1 to i32
        %cond3A_258 = arith.constant 0 : i32
        %cond3A_259 = arith.cmpi ne, %convert_element_type3A_257, %cond3A_258 : i32
        scf.if %cond3A_259 {
          %add3A_260 = arith.constant 3 : i32
          %add3A_261 = arith.addi %add3A_210, %add3A_260 : i32
          %add3A_262 = arith.addi %select_n3A, %add3A_261 : i32
          %dma_start3A_263 = arith.constant 1 : i32
          %dma_start3A_264 = arith.constant 0 : i32
          %dma_start3A_265 = tpu.memref_slice %arg7[%dma_start3A_263, %dma_start3A_264] : memref<3x128xi32, #tpu.memory_space<vmem>> -> memref<1x128xi32, #tpu.memory_space<vmem>>
          %dma_start3A_266 = arith.constant 0 : i32
          %dma_start3A_267 = tpu.memref_slice %arg4[%add3A_262, %dma_start3A_266] : memref<2560x128xi32, #tpu.memory_space<hbm>> -> memref<1x128xi32, #tpu.memory_space<hbm>>
          %dma_start3A_268 = arith.constant 1 : i32
          %dma_start3A_269 = arith.constant 0 : i32
          %dma_start3A_270 = tpu.memref_slice %arg7[%dma_start3A_268, %dma_start3A_269] : memref<3x128xi32, #tpu.memory_space<vmem>> -> memref<1x128xi32, #tpu.memory_space<vmem>>
          %dma_start3A_271 = arith.constant 0 : i32
          %dma_start3A_272 = tpu.memref_slice %arg4[%add3A_262, %dma_start3A_271] : memref<2560x128xi32, #tpu.memory_space<hbm>> -> memref<1x128xi32, #tpu.memory_space<hbm>>
          tpu.enqueue_dma source(%dma_start3A_272 : memref<1x128xi32, #tpu.memory_space<hbm>>) target(%dma_start3A_270 : memref<1x128xi32, #tpu.memory_space<vmem>>) target_semaphore(%arg17 : memref<!tpu.dma_semaphore, #tpu.memory_space<semaphore_mem>>)
          %dma_wait3A_273 = arith.constant 1 : i32
          %dma_wait3A_274 = arith.constant 0 : i32
          %dma_wait3A_275 = tpu.memref_slice %arg6[%dma_wait3A_273, %dma_wait3A_274] : memref<3x128xi32, #tpu.memory_space<vmem>> -> memref<1x128xi32, #tpu.memory_space<vmem>>
          %dma_wait3A_276 = arith.constant 0 : i32
          %dma_wait3A_277 = tpu.memref_slice %arg3[%select_n3A, %dma_wait3A_276] : memref<2560x128xi32, #tpu.memory_space<hbm>> -> memref<1x128xi32, #tpu.memory_space<hbm>>
          %dma_wait3A_278 = arith.constant 1 : i32
          %dma_wait3A_279 = arith.constant 0 : i32
          %dma_wait3A_280 = tpu.memref_slice %arg6[%dma_wait3A_278, %dma_wait3A_279] : memref<3x128xi32, #tpu.memory_space<vmem>> -> memref<1x128xi32, #tpu.memory_space<vmem>>
          %dma_wait3A_281 = arith.constant 0 : i32
          %dma_wait3A_282 = tpu.memref_slice %arg3[%select_n3A, %dma_wait3A_281] : memref<2560x128xi32, #tpu.memory_space<hbm>> -> memref<1x128xi32, #tpu.memory_space<hbm>>
          tpu.wait_dma2 semaphore(%arg14 : memref<!tpu.dma_semaphore, #tpu.memory_space<semaphore_mem>>) src(%dma_wait3A_282 : memref<1x128xi32, #tpu.memory_space<hbm>>) dst(%dma_wait3A_280 : memref<1x128xi32, #tpu.memory_space<vmem>>)
          %add3A_283 = arith.constant 3 : i32
          %add3A_284 = arith.addi %add3A_210, %add3A_283 : i32
          %dma_start3A_285 = arith.constant 1 : i32
          %dma_start3A_286 = arith.constant 1 : i32
          %dma_start3A_287 = arith.constant 0 : i32
          %dma_start3A_288 = arith.constant 0 : i32
          %dma_start3A_289 = tpu.memref_slice %arg8[%dma_start3A_286, %dma_start3A_287, %dma_start3A_288] : memref<3x128x128xf32, #tpu.memory_space<vmem>> -> memref<1x128x128xf32, #tpu.memory_space<vmem>>
          %dma_start3A_290 = tpu.memref_squeeze %dma_start3A_289 : memref<1x128x128xf32, #tpu.memory_space<vmem>> -> memref<128x128xf32, #tpu.memory_space<vmem>>
          %dma_start3A_291 = arith.constant 0 : i32
          %dma_start3A_292 = tpu.memref_slice %arg6[%dma_start3A_285, %dma_start3A_291] : memref<3x128xi32, #tpu.memory_space<vmem>> -> memref<1x128xi32, #tpu.memory_space<vmem>>
          %dma_start3A_293 = tpu.memref_squeeze %dma_start3A_292 : memref<1x128xi32, #tpu.memory_space<vmem>> -> memref<128xi32, #tpu.memory_space<vmem>>
          %dma_start3A_294 = arith.constant 0 : i32
          %dma_start3A_295 = arith.constant 0 : i32
          %dma_start3A_296 = tpu.memref_slice %arg2[%dma_start3A_294, %dma_start3A_295] : memref<10240x128xf32, #tpu.memory_space<hbm>> -> memref<10240x128xf32, #tpu.memory_space<hbm>>
          tpu.enqueue_indirect_dma source(%dma_start3A_296 : memref<10240x128xf32, #tpu.memory_space<hbm>>) target(%dma_start3A_290 : memref<128x128xf32, #tpu.memory_space<vmem>>) offsets(%dma_start3A_293 : memref<128xi32, #tpu.memory_space<vmem>>) semaphore(%arg11 : memref<!tpu.dma_semaphore, #tpu.memory_space<semaphore_mem>>)
        } else {
        }
      } else {
      }
      %mul3A_215 = arith.constant 3 : i32
      %mul3A_216 = arith.muli %while3A_200, %mul3A_215 : i32
      %add3A_217 = arith.constant 2 : i32
      %add3A_218 = arith.addi %mul3A_216, %add3A_217 : i32
      %lt3A_219 = arith.cmpi slt, %add3A_218, %select_n3A_8 : i32
      %convert_element_type3A_220 = arith.extui %lt3A_219 : i1 to i32
      %cond3A_221 = arith.constant 0 : i32
      %cond3A_222 = arith.cmpi ne, %convert_element_type3A_220, %cond3A_221 : i32
      scf.if %cond3A_222 {
        %dma_wait3A_224 = arith.constant 0 : i32
        %dma_wait3A_225 = arith.constant 2 : i32
        %dma_wait3A_226 = arith.constant 0 : i32
        %dma_wait3A_227 = arith.constant 0 : i32
        %dma_wait3A_228 = tpu.memref_slice %arg8[%dma_wait3A_225, %dma_wait3A_226, %dma_wait3A_227] : memref<3x128x128xf32, #tpu.memory_space<vmem>> -> memref<1x128x128xf32, #tpu.memory_space<vmem>>
        %dma_wait3A_229 = tpu.memref_squeeze %dma_wait3A_228 : memref<1x128x128xf32, #tpu.memory_space<vmem>> -> memref<128x128xf32, #tpu.memory_space<vmem>>
        %dma_wait3A_230 = arith.constant 0 : i32
        %dma_wait3A_231 = tpu.memref_slice %arg6[%dma_wait3A_224, %dma_wait3A_230] : memref<3x128xi32, #tpu.memory_space<vmem>> -> memref<1x128xi32, #tpu.memory_space<vmem>>
        %dma_wait3A_232 = tpu.memref_squeeze %dma_wait3A_231 : memref<1x128xi32, #tpu.memory_space<vmem>> -> memref<128xi32, #tpu.memory_space<vmem>>
        %dma_wait3A_233 = arith.constant 0 : i32
        %dma_wait3A_234 = arith.constant 0 : i32
        %dma_wait3A_235 = tpu.memref_slice %arg2[%dma_wait3A_233, %dma_wait3A_234] : memref<10240x128xf32, #tpu.memory_space<hbm>> -> memref<10240x128xf32, #tpu.memory_space<hbm>>
        tpu.wait_indirect_dma semaphore(%arg12 : memref<!tpu.dma_semaphore, #tpu.memory_space<semaphore_mem>>) src(%dma_wait3A_235 : memref<10240x128xf32, #tpu.memory_space<hbm>>) dst(%dma_wait3A_229 : memref<128x128xf32, #tpu.memory_space<vmem>>)
        %add3A_236 = arith.constant 3 : i32
        %add3A_237 = arith.addi %add3A_218, %add3A_236 : i32
        %lt3A_238 = arith.cmpi slt, %add3A_237, %select_n3A_8 : i32
        %convert_element_type3A_239 = arith.extui %lt3A_238 : i1 to i32
        %cond3A_240 = arith.constant 0 : i32
        %cond3A_241 = arith.cmpi ne, %convert_element_type3A_239, %cond3A_240 : i32
        scf.if %cond3A_241 {
          %add3A_260 = arith.constant 3 : i32
          %add3A_261 = arith.addi %add3A_218, %add3A_260 : i32
          %add3A_262 = arith.addi %select_n3A, %add3A_261 : i32
          %dma_start3A_263 = arith.constant 2 : i32
          %dma_start3A_264 = arith.constant 0 : i32
          %dma_start3A_265 = tpu.memref_slice %arg6[%dma_start3A_263, %dma_start3A_264] : memref<3x128xi32, #tpu.memory_space<vmem>> -> memref<1x128xi32, #tpu.memory_space<vmem>>
          %dma_start3A_266 = arith.constant 0 : i32
          %dma_start3A_267 = tpu.memref_slice %arg3[%add3A_262, %dma_start3A_266] : memref<2560x128xi32, #tpu.memory_space<hbm>> -> memref<1x128xi32, #tpu.memory_space<hbm>>
          %dma_start3A_268 = arith.constant 2 : i32
          %dma_start3A_269 = arith.constant 0 : i32
          %dma_start3A_270 = tpu.memref_slice %arg6[%dma_start3A_268, %dma_start3A_269] : memref<3x128xi32, #tpu.memory_space<vmem>> -> memref<1x128xi32, #tpu.memory_space<vmem>>
          %dma_start3A_271 = arith.constant 0 : i32
          %dma_start3A_272 = tpu.memref_slice %arg3[%add3A_262, %dma_start3A_271] : memref<2560x128xi32, #tpu.memory_space<hbm>> -> memref<1x128xi32, #tpu.memory_space<hbm>>
          tpu.enqueue_dma source(%dma_start3A_272 : memref<1x128xi32, #tpu.memory_space<hbm>>) target(%dma_start3A_270 : memref<1x128xi32, #tpu.memory_space<vmem>>) target_semaphore(%arg15 : memref<!tpu.dma_semaphore, #tpu.memory_space<semaphore_mem>>)
        } else {
        }
        %dma_wait3A_242 = arith.constant 2 : i32
        %dma_wait3A_243 = arith.constant 0 : i32
        %dma_wait3A_244 = tpu.memref_slice %arg7[%dma_wait3A_242, %dma_wait3A_243] : memref<3x128xi32, #tpu.memory_space<vmem>> -> memref<1x128xi32, #tpu.memory_space<vmem>>
        %dma_wait3A_245 = arith.constant 0 : i32
        %dma_wait3A_246 = tpu.memref_slice %arg4[%select_n3A, %dma_wait3A_245] : memref<2560x128xi32, #tpu.memory_space<hbm>> -> memref<1x128xi32, #tpu.memory_space<hbm>>
        %dma_wait3A_247 = arith.constant 2 : i32
        %dma_wait3A_248 = arith.constant 0 : i32
        %dma_wait3A_249 = tpu.memref_slice %arg7[%dma_wait3A_247, %dma_wait3A_248] : memref<3x128xi32, #tpu.memory_space<vmem>> -> memref<1x128xi32, #tpu.memory_space<vmem>>
        %dma_wait3A_250 = arith.constant 0 : i32
        %dma_wait3A_251 = tpu.memref_slice %arg4[%select_n3A, %dma_wait3A_250] : memref<2560x128xi32, #tpu.memory_space<hbm>> -> memref<1x128xi32, #tpu.memory_space<hbm>>
        tpu.wait_dma2 semaphore(%arg18 : memref<!tpu.dma_semaphore, #tpu.memory_space<semaphore_mem>>) src(%dma_wait3A_251 : memref<1x128xi32, #tpu.memory_space<hbm>>) dst(%dma_wait3A_249 : memref<1x128xi32, #tpu.memory_space<vmem>>)
        %run_scoped3A_252 = arith.constant 2 : i32
        %run_scoped3A_253 = arith.constant 2 : i32
        "tpu.region"() ({
          %run_scoped3A_260 = tpu.sem_alloc : memref<!tpu.dma_semaphore, #tpu.memory_space<semaphore_mem>>
          %dma_start3A_261 = arith.constant 0 : i32
          %dma_start3A_262 = arith.constant 0 : i32
          %dma_start3A_263 = tpu.memref_slice %arg8[%run_scoped3A_252, %dma_start3A_261, %dma_start3A_262] : memref<3x128x128xf32, #tpu.memory_space<vmem>> -> memref<1x128x128xf32, #tpu.memory_space<vmem>>
          %dma_start3A_264 = tpu.memref_squeeze %dma_start3A_263 : memref<1x128x128xf32, #tpu.memory_space<vmem>> -> memref<128x128xf32, #tpu.memory_space<vmem>>
          %dma_start3A_265 = arith.constant 0 : i32
          %dma_start3A_266 = tpu.memref_slice %arg7[%run_scoped3A_253, %dma_start3A_265] : memref<3x128xi32, #tpu.memory_space<vmem>> -> memref<1x128xi32, #tpu.memory_space<vmem>>
          %dma_start3A_267 = tpu.memref_squeeze %dma_start3A_266 : memref<1x128xi32, #tpu.memory_space<vmem>> -> memref<128xi32, #tpu.memory_space<vmem>>
          %dma_start3A_268 = arith.constant 0 : i32
          %dma_start3A_269 = arith.constant 0 : i32
          %dma_start3A_270 = tpu.memref_slice %arg9[%dma_start3A_268, %dma_start3A_269] : memref<10112x128xf32, #tpu.memory_space<vmem_shared>> -> memref<10112x128xf32, #tpu.memory_space<vmem_shared>>
          tpu.enqueue_indirect_dma source(%dma_start3A_264 : memref<128x128xf32, #tpu.memory_space<vmem>>) target(%dma_start3A_270 : memref<10112x128xf32, #tpu.memory_space<vmem_shared>>) offsets(%dma_start3A_267 : memref<128xi32, #tpu.memory_space<vmem>>) semaphore(%run_scoped3A_260 : memref<!tpu.dma_semaphore, #tpu.memory_space<semaphore_mem>>) {add = true}
          %dma_wait3A_271 = arith.constant 0 : i32
          %dma_wait3A_272 = arith.constant 0 : i32
          %dma_wait3A_273 = tpu.memref_slice %arg8[%run_scoped3A_252, %dma_wait3A_271, %dma_wait3A_272] : memref<3x128x128xf32, #tpu.memory_space<vmem>> -> memref<1x128x128xf32, #tpu.memory_space<vmem>>
          %dma_wait3A_274 = tpu.memref_squeeze %dma_wait3A_273 : memref<1x128x128xf32, #tpu.memory_space<vmem>> -> memref<128x128xf32, #tpu.memory_space<vmem>>
          %dma_wait3A_275 = arith.constant 0 : i32
          %dma_wait3A_276 = tpu.memref_slice %arg7[%run_scoped3A_253, %dma_wait3A_275] : memref<3x128xi32, #tpu.memory_space<vmem>> -> memref<1x128xi32, #tpu.memory_space<vmem>>
          %dma_wait3A_277 = tpu.memref_squeeze %dma_wait3A_276 : memref<1x128xi32, #tpu.memory_space<vmem>> -> memref<128xi32, #tpu.memory_space<vmem>>
          %dma_wait3A_278 = arith.constant 0 : i32
          %dma_wait3A_279 = arith.constant 0 : i32
          %dma_wait3A_280 = tpu.memref_slice %arg9[%dma_wait3A_278, %dma_wait3A_279] : memref<10112x128xf32, #tpu.memory_space<vmem_shared>> -> memref<10112x128xf32, #tpu.memory_space<vmem_shared>>
          tpu.wait_indirect_dma semaphore(%run_scoped3A_260 : memref<!tpu.dma_semaphore, #tpu.memory_space<semaphore_mem>>) src(%dma_wait3A_274 : memref<128x128xf32, #tpu.memory_space<vmem>>) dst(%dma_wait3A_280 : memref<10112x128xf32, #tpu.memory_space<vmem_shared>>)
          tpu.yield
        }) : () -> ()
        %add3A_254 = arith.constant 3 : i32
        %add3A_255 = arith.addi %add3A_218, %add3A_254 : i32
        %lt3A_256 = arith.cmpi slt, %add3A_255, %select_n3A_8 : i32
        %convert_element_type3A_257 = arith.extui %lt3A_256 : i1 to i32
        %cond3A_258 = arith.constant 0 : i32
        %cond3A_259 = arith.cmpi ne, %convert_element_type3A_257, %cond3A_258 : i32
        scf.if %cond3A_259 {
          %add3A_260 = arith.constant 3 : i32
          %add3A_261 = arith.addi %add3A_218, %add3A_260 : i32
          %add3A_262 = arith.addi %select_n3A, %add3A_261 : i32
          %dma_start3A_263 = arith.constant 2 : i32
          %dma_start3A_264 = arith.constant 0 : i32
          %dma_start3A_265 = tpu.memref_slice %arg7[%dma_start3A_263, %dma_start3A_264] : memref<3x128xi32, #tpu.memory_space<vmem>> -> memref<1x128xi32, #tpu.memory_space<vmem>>
          %dma_start3A_266 = arith.constant 0 : i32
          %dma_start3A_267 = tpu.memref_slice %arg4[%add3A_262, %dma_start3A_266] : memref<2560x128xi32, #tpu.memory_space<hbm>> -> memref<1x128xi32, #tpu.memory_space<hbm>>
          %dma_start3A_268 = arith.constant 2 : i32
          %dma_start3A_269 = arith.constant 0 : i32
          %dma_start3A_270 = tpu.memref_slice %arg7[%dma_start3A_268, %dma_start3A_269] : memref<3x128xi32, #tpu.memory_space<vmem>> -> memref<1x128xi32, #tpu.memory_space<vmem>>
          %dma_start3A_271 = arith.constant 0 : i32
          %dma_start3A_272 = tpu.memref_slice %arg4[%add3A_262, %dma_start3A_271] : memref<2560x128xi32, #tpu.memory_space<hbm>> -> memref<1x128xi32, #tpu.memory_space<hbm>>
          tpu.enqueue_dma source(%dma_start3A_272 : memref<1x128xi32, #tpu.memory_space<hbm>>) target(%dma_start3A_270 : memref<1x128xi32, #tpu.memory_space<vmem>>) target_semaphore(%arg18 : memref<!tpu.dma_semaphore, #tpu.memory_space<semaphore_mem>>)
          %dma_wait3A_273 = arith.constant 2 : i32
          %dma_wait3A_274 = arith.constant 0 : i32
          %dma_wait3A_275 = tpu.memref_slice %arg6[%dma_wait3A_273, %dma_wait3A_274] : memref<3x128xi32, #tpu.memory_space<vmem>> -> memref<1x128xi32, #tpu.memory_space<vmem>>
          %dma_wait3A_276 = arith.constant 0 : i32
          %dma_wait3A_277 = tpu.memref_slice %arg3[%select_n3A, %dma_wait3A_276] : memref<2560x128xi32, #tpu.memory_space<hbm>> -> memref<1x128xi32, #tpu.memory_space<hbm>>
          %dma_wait3A_278 = arith.constant 2 : i32
          %dma_wait3A_279 = arith.constant 0 : i32
          %dma_wait3A_280 = tpu.memref_slice %arg6[%dma_wait3A_278, %dma_wait3A_279] : memref<3x128xi32, #tpu.memory_space<vmem>> -> memref<1x128xi32, #tpu.memory_space<vmem>>
          %dma_wait3A_281 = arith.constant 0 : i32
          %dma_wait3A_282 = tpu.memref_slice %arg3[%select_n3A, %dma_wait3A_281] : memref<2560x128xi32, #tpu.memory_space<hbm>> -> memref<1x128xi32, #tpu.memory_space<hbm>>
          tpu.wait_dma2 semaphore(%arg15 : memref<!tpu.dma_semaphore, #tpu.memory_space<semaphore_mem>>) src(%dma_wait3A_282 : memref<1x128xi32, #tpu.memory_space<hbm>>) dst(%dma_wait3A_280 : memref<1x128xi32, #tpu.memory_space<vmem>>)
          %add3A_283 = arith.constant 3 : i32
          %add3A_284 = arith.addi %add3A_218, %add3A_283 : i32
          %dma_start3A_285 = arith.constant 2 : i32
          %dma_start3A_286 = arith.constant 2 : i32
          %dma_start3A_287 = arith.constant 0 : i32
          %dma_start3A_288 = arith.constant 0 : i32
          %dma_start3A_289 = tpu.memref_slice %arg8[%dma_start3A_286, %dma_start3A_287, %dma_start3A_288] : memref<3x128x128xf32, #tpu.memory_space<vmem>> -> memref<1x128x128xf32, #tpu.memory_space<vmem>>
          %dma_start3A_290 = tpu.memref_squeeze %dma_start3A_289 : memref<1x128x128xf32, #tpu.memory_space<vmem>> -> memref<128x128xf32, #tpu.memory_space<vmem>>
          %dma_start3A_291 = arith.constant 0 : i32
          %dma_start3A_292 = tpu.memref_slice %arg6[%dma_start3A_285, %dma_start3A_291] : memref<3x128xi32, #tpu.memory_space<vmem>> -> memref<1x128xi32, #tpu.memory_space<vmem>>
          %dma_start3A_293 = tpu.memref_squeeze %dma_start3A_292 : memref<1x128xi32, #tpu.memory_space<vmem>> -> memref<128xi32, #tpu.memory_space<vmem>>
          %dma_start3A_294 = arith.constant 0 : i32
          %dma_start3A_295 = arith.constant 0 : i32
          %dma_start3A_296 = tpu.memref_slice %arg2[%dma_start3A_294, %dma_start3A_295] : memref<10240x128xf32, #tpu.memory_space<hbm>> -> memref<10240x128xf32, #tpu.memory_space<hbm>>
          tpu.enqueue_indirect_dma source(%dma_start3A_296 : memref<10240x128xf32, #tpu.memory_space<hbm>>) target(%dma_start3A_290 : memref<128x128xf32, #tpu.memory_space<vmem>>) offsets(%dma_start3A_293 : memref<128xi32, #tpu.memory_space<vmem>>) semaphore(%arg12 : memref<!tpu.dma_semaphore, #tpu.memory_space<semaphore_mem>>)
        } else {
        }
      } else {
      }
      %while3A_223 = arith.constant 0 : i32
      scf.yield %while3A_223 : i32
    }
    %while3A_193 = arith.constant 1 : i32
    %while3A_194 = scf.for %while3A_200 = %while3A_190 to %while3A_186 step %while3A_193 iter_args(%while3A_201 = %while3A_192) -> (i32)  : i32 {
      %mul3A_202 = arith.constant 3 : i32
      %mul3A_203 = arith.muli %while3A_200, %mul3A_202 : i32
      %add3A_204 = arith.constant 0 : i32
      %add3A_205 = arith.addi %mul3A_203, %add3A_204 : i32
      %lt3A = arith.cmpi slt, %add3A_205, %select_n3A_8 : i32
      %convert_element_type3A = arith.extui %lt3A : i1 to i32
      %cond3A = arith.constant 0 : i32
      %cond3A_206 = arith.cmpi ne, %convert_element_type3A, %cond3A : i32
      scf.if %cond3A_206 {
        %dma_wait3A_224 = arith.constant 0 : i32
        %dma_wait3A_225 = arith.constant 0 : i32
        %dma_wait3A_226 = arith.constant 0 : i32
        %dma_wait3A_227 = arith.constant 0 : i32
        %dma_wait3A_228 = tpu.memref_slice %arg8[%dma_wait3A_225, %dma_wait3A_226, %dma_wait3A_227] : memref<3x128x128xf32, #tpu.memory_space<vmem>> -> memref<1x128x128xf32, #tpu.memory_space<vmem>>
        %dma_wait3A_229 = tpu.memref_squeeze %dma_wait3A_228 : memref<1x128x128xf32, #tpu.memory_space<vmem>> -> memref<128x128xf32, #tpu.memory_space<vmem>>
        %dma_wait3A_230 = arith.constant 0 : i32
        %dma_wait3A_231 = tpu.memref_slice %arg6[%dma_wait3A_224, %dma_wait3A_230] : memref<3x128xi32, #tpu.memory_space<vmem>> -> memref<1x128xi32, #tpu.memory_space<vmem>>
        %dma_wait3A_232 = tpu.memref_squeeze %dma_wait3A_231 : memref<1x128xi32, #tpu.memory_space<vmem>> -> memref<128xi32, #tpu.memory_space<vmem>>
        %dma_wait3A_233 = arith.constant 0 : i32
        %dma_wait3A_234 = arith.constant 0 : i32
        %dma_wait3A_235 = tpu.memref_slice %arg2[%dma_wait3A_233, %dma_wait3A_234] : memref<10240x128xf32, #tpu.memory_space<hbm>> -> memref<10240x128xf32, #tpu.memory_space<hbm>>
        tpu.wait_indirect_dma semaphore(%arg10 : memref<!tpu.dma_semaphore, #tpu.memory_space<semaphore_mem>>) src(%dma_wait3A_235 : memref<10240x128xf32, #tpu.memory_space<hbm>>) dst(%dma_wait3A_229 : memref<128x128xf32, #tpu.memory_space<vmem>>)
        %add3A_236 = arith.constant 3 : i32
        %add3A_237 = arith.addi %add3A_205, %add3A_236 : i32
        %lt3A_238 = arith.cmpi slt, %add3A_237, %select_n3A_8 : i32
        %convert_element_type3A_239 = arith.extui %lt3A_238 : i1 to i32
        %cond3A_240 = arith.constant 0 : i32
        %cond3A_241 = arith.cmpi ne, %convert_element_type3A_239, %cond3A_240 : i32
        scf.if %cond3A_241 {
          %add3A_260 = arith.constant 3 : i32
          %add3A_261 = arith.addi %add3A_205, %add3A_260 : i32
          %add3A_262 = arith.addi %select_n3A, %add3A_261 : i32
          %dma_start3A_263 = arith.constant 0 : i32
          %dma_start3A_264 = arith.constant 0 : i32
          %dma_start3A_265 = tpu.memref_slice %arg6[%dma_start3A_263, %dma_start3A_264] : memref<3x128xi32, #tpu.memory_space<vmem>> -> memref<1x128xi32, #tpu.memory_space<vmem>>
          %dma_start3A_266 = arith.constant 0 : i32
          %dma_start3A_267 = tpu.memref_slice %arg3[%add3A_262, %dma_start3A_266] : memref<2560x128xi32, #tpu.memory_space<hbm>> -> memref<1x128xi32, #tpu.memory_space<hbm>>
          %dma_start3A_268 = arith.constant 0 : i32
          %dma_start3A_269 = arith.constant 0 : i32
          %dma_start3A_270 = tpu.memref_slice %arg6[%dma_start3A_268, %dma_start3A_269] : memref<3x128xi32, #tpu.memory_space<vmem>> -> memref<1x128xi32, #tpu.memory_space<vmem>>
          %dma_start3A_271 = arith.constant 0 : i32
          %dma_start3A_272 = tpu.memref_slice %arg3[%add3A_262, %dma_start3A_271] : memref<2560x128xi32, #tpu.memory_space<hbm>> -> memref<1x128xi32, #tpu.memory_space<hbm>>
          tpu.enqueue_dma source(%dma_start3A_272 : memref<1x128xi32, #tpu.memory_space<hbm>>) target(%dma_start3A_270 : memref<1x128xi32, #tpu.memory_space<vmem>>) target_semaphore(%arg13 : memref<!tpu.dma_semaphore, #tpu.memory_space<semaphore_mem>>)
        } else {
        }
        %dma_wait3A_242 = arith.constant 0 : i32
        %dma_wait3A_243 = arith.constant 0 : i32
        %dma_wait3A_244 = tpu.memref_slice %arg7[%dma_wait3A_242, %dma_wait3A_243] : memref<3x128xi32, #tpu.memory_space<vmem>> -> memref<1x128xi32, #tpu.memory_space<vmem>>
        %dma_wait3A_245 = arith.constant 0 : i32
        %dma_wait3A_246 = tpu.memref_slice %arg4[%select_n3A, %dma_wait3A_245] : memref<2560x128xi32, #tpu.memory_space<hbm>> -> memref<1x128xi32, #tpu.memory_space<hbm>>
        %dma_wait3A_247 = arith.constant 0 : i32
        %dma_wait3A_248 = arith.constant 0 : i32
        %dma_wait3A_249 = tpu.memref_slice %arg7[%dma_wait3A_247, %dma_wait3A_248] : memref<3x128xi32, #tpu.memory_space<vmem>> -> memref<1x128xi32, #tpu.memory_space<vmem>>
        %dma_wait3A_250 = arith.constant 0 : i32
        %dma_wait3A_251 = tpu.memref_slice %arg4[%select_n3A, %dma_wait3A_250] : memref<2560x128xi32, #tpu.memory_space<hbm>> -> memref<1x128xi32, #tpu.memory_space<hbm>>
        tpu.wait_dma2 semaphore(%arg16 : memref<!tpu.dma_semaphore, #tpu.memory_space<semaphore_mem>>) src(%dma_wait3A_251 : memref<1x128xi32, #tpu.memory_space<hbm>>) dst(%dma_wait3A_249 : memref<1x128xi32, #tpu.memory_space<vmem>>)
        %run_scoped3A_252 = arith.constant 0 : i32
        %run_scoped3A_253 = arith.constant 0 : i32
        "tpu.region"() ({
          %run_scoped3A_260 = tpu.sem_alloc : memref<!tpu.dma_semaphore, #tpu.memory_space<semaphore_mem>>
          %dma_start3A_261 = arith.constant 0 : i32
          %dma_start3A_262 = arith.constant 0 : i32
          %dma_start3A_263 = tpu.memref_slice %arg8[%run_scoped3A_252, %dma_start3A_261, %dma_start3A_262] : memref<3x128x128xf32, #tpu.memory_space<vmem>> -> memref<1x128x128xf32, #tpu.memory_space<vmem>>
          %dma_start3A_264 = tpu.memref_squeeze %dma_start3A_263 : memref<1x128x128xf32, #tpu.memory_space<vmem>> -> memref<128x128xf32, #tpu.memory_space<vmem>>
          %dma_start3A_265 = arith.constant 0 : i32
          %dma_start3A_266 = tpu.memref_slice %arg7[%run_scoped3A_253, %dma_start3A_265] : memref<3x128xi32, #tpu.memory_space<vmem>> -> memref<1x128xi32, #tpu.memory_space<vmem>>
          %dma_start3A_267 = tpu.memref_squeeze %dma_start3A_266 : memref<1x128xi32, #tpu.memory_space<vmem>> -> memref<128xi32, #tpu.memory_space<vmem>>
          %dma_start3A_268 = arith.constant 0 : i32
          %dma_start3A_269 = arith.constant 0 : i32
          %dma_start3A_270 = tpu.memref_slice %arg9[%dma_start3A_268, %dma_start3A_269] : memref<10112x128xf32, #tpu.memory_space<vmem_shared>> -> memref<10112x128xf32, #tpu.memory_space<vmem_shared>>
          tpu.enqueue_indirect_dma source(%dma_start3A_264 : memref<128x128xf32, #tpu.memory_space<vmem>>) target(%dma_start3A_270 : memref<10112x128xf32, #tpu.memory_space<vmem_shared>>) offsets(%dma_start3A_267 : memref<128xi32, #tpu.memory_space<vmem>>) semaphore(%run_scoped3A_260 : memref<!tpu.dma_semaphore, #tpu.memory_space<semaphore_mem>>) {add = true}
          %dma_wait3A_271 = arith.constant 0 : i32
          %dma_wait3A_272 = arith.constant 0 : i32
          %dma_wait3A_273 = tpu.memref_slice %arg8[%run_scoped3A_252, %dma_wait3A_271, %dma_wait3A_272] : memref<3x128x128xf32, #tpu.memory_space<vmem>> -> memref<1x128x128xf32, #tpu.memory_space<vmem>>
          %dma_wait3A_274 = tpu.memref_squeeze %dma_wait3A_273 : memref<1x128x128xf32, #tpu.memory_space<vmem>> -> memref<128x128xf32, #tpu.memory_space<vmem>>
          %dma_wait3A_275 = arith.constant 0 : i32
          %dma_wait3A_276 = tpu.memref_slice %arg7[%run_scoped3A_253, %dma_wait3A_275] : memref<3x128xi32, #tpu.memory_space<vmem>> -> memref<1x128xi32, #tpu.memory_space<vmem>>
          %dma_wait3A_277 = tpu.memref_squeeze %dma_wait3A_276 : memref<1x128xi32, #tpu.memory_space<vmem>> -> memref<128xi32, #tpu.memory_space<vmem>>
          %dma_wait3A_278 = arith.constant 0 : i32
          %dma_wait3A_279 = arith.constant 0 : i32
          %dma_wait3A_280 = tpu.memref_slice %arg9[%dma_wait3A_278, %dma_wait3A_279] : memref<10112x128xf32, #tpu.memory_space<vmem_shared>> -> memref<10112x128xf32, #tpu.memory_space<vmem_shared>>
          tpu.wait_indirect_dma semaphore(%run_scoped3A_260 : memref<!tpu.dma_semaphore, #tpu.memory_space<semaphore_mem>>) src(%dma_wait3A_274 : memref<128x128xf32, #tpu.memory_space<vmem>>) dst(%dma_wait3A_280 : memref<10112x128xf32, #tpu.memory_space<vmem_shared>>)
          tpu.yield
        }) : () -> ()
        %add3A_254 = arith.constant 3 : i32
        %add3A_255 = arith.addi %add3A_205, %add3A_254 : i32
        %lt3A_256 = arith.cmpi slt, %add3A_255, %select_n3A_8 : i32
        %convert_element_type3A_257 = arith.extui %lt3A_256 : i1 to i32
        %cond3A_258 = arith.constant 0 : i32
        %cond3A_259 = arith.cmpi ne, %convert_element_type3A_257, %cond3A_258 : i32
        scf.if %cond3A_259 {
          %add3A_260 = arith.constant 3 : i32
          %add3A_261 = arith.addi %add3A_205, %add3A_260 : i32
          %add3A_262 = arith.addi %select_n3A, %add3A_261 : i32
          %dma_start3A_263 = arith.constant 0 : i32
          %dma_start3A_264 = arith.constant 0 : i32
          %dma_start3A_265 = tpu.memref_slice %arg7[%dma_start3A_263, %dma_start3A_264] : memref<3x128xi32, #tpu.memory_space<vmem>> -> memref<1x128xi32, #tpu.memory_space<vmem>>
          %dma_start3A_266 = arith.constant 0 : i32
          %dma_start3A_267 = tpu.memref_slice %arg4[%add3A_262, %dma_start3A_266] : memref<2560x128xi32, #tpu.memory_space<hbm>> -> memref<1x128xi32, #tpu.memory_space<hbm>>
          %dma_start3A_268 = arith.constant 0 : i32
          %dma_start3A_269 = arith.constant 0 : i32
          %dma_start3A_270 = tpu.memref_slice %arg7[%dma_start3A_268, %dma_start3A_269] : memref<3x128xi32, #tpu.memory_space<vmem>> -> memref<1x128xi32, #tpu.memory_space<vmem>>
          %dma_start3A_271 = arith.constant 0 : i32
          %dma_start3A_272 = tpu.memref_slice %arg4[%add3A_262, %dma_start3A_271] : memref<2560x128xi32, #tpu.memory_space<hbm>> -> memref<1x128xi32, #tpu.memory_space<hbm>>
          tpu.enqueue_dma source(%dma_start3A_272 : memref<1x128xi32, #tpu.memory_space<hbm>>) target(%dma_start3A_270 : memref<1x128xi32, #tpu.memory_space<vmem>>) target_semaphore(%arg16 : memref<!tpu.dma_semaphore, #tpu.memory_space<semaphore_mem>>)
          %dma_wait3A_273 = arith.constant 0 : i32
          %dma_wait3A_274 = arith.constant 0 : i32
          %dma_wait3A_275 = tpu.memref_slice %arg6[%dma_wait3A_273, %dma_wait3A_274] : memref<3x128xi32, #tpu.memory_space<vmem>> -> memref<1x128xi32, #tpu.memory_space<vmem>>
          %dma_wait3A_276 = arith.constant 0 : i32
          %dma_wait3A_277 = tpu.memref_slice %arg3[%select_n3A, %dma_wait3A_276] : memref<2560x128xi32, #tpu.memory_space<hbm>> -> memref<1x128xi32, #tpu.memory_space<hbm>>
          %dma_wait3A_278 = arith.constant 0 : i32
          %dma_wait3A_279 = arith.constant 0 : i32
          %dma_wait3A_280 = tpu.memref_slice %arg6[%dma_wait3A_278, %dma_wait3A_279] : memref<3x128xi32, #tpu.memory_space<vmem>> -> memref<1x128xi32, #tpu.memory_space<vmem>>
          %dma_wait3A_281 = arith.constant 0 : i32
          %dma_wait3A_282 = tpu.memref_slice %arg3[%select_n3A, %dma_wait3A_281] : memref<2560x128xi32, #tpu.memory_space<hbm>> -> memref<1x128xi32, #tpu.memory_space<hbm>>
          tpu.wait_dma2 semaphore(%arg13 : memref<!tpu.dma_semaphore, #tpu.memory_space<semaphore_mem>>) src(%dma_wait3A_282 : memref<1x128xi32, #tpu.memory_space<hbm>>) dst(%dma_wait3A_280 : memref<1x128xi32, #tpu.memory_space<vmem>>)
          %add3A_283 = arith.constant 3 : i32
          %add3A_284 = arith.addi %add3A_205, %add3A_283 : i32
          %dma_start3A_285 = arith.constant 0 : i32
          %dma_start3A_286 = arith.constant 0 : i32
          %dma_start3A_287 = arith.constant 0 : i32
          %dma_start3A_288 = arith.constant 0 : i32
          %dma_start3A_289 = tpu.memref_slice %arg8[%dma_start3A_286, %dma_start3A_287, %dma_start3A_288] : memref<3x128x128xf32, #tpu.memory_space<vmem>> -> memref<1x128x128xf32, #tpu.memory_space<vmem>>
          %dma_start3A_290 = tpu.memref_squeeze %dma_start3A_289 : memref<1x128x128xf32, #tpu.memory_space<vmem>> -> memref<128x128xf32, #tpu.memory_space<vmem>>
          %dma_start3A_291 = arith.constant 0 : i32
          %dma_start3A_292 = tpu.memref_slice %arg6[%dma_start3A_285, %dma_start3A_291] : memref<3x128xi32, #tpu.memory_space<vmem>> -> memref<1x128xi32, #tpu.memory_space<vmem>>
          %dma_start3A_293 = tpu.memref_squeeze %dma_start3A_292 : memref<1x128xi32, #tpu.memory_space<vmem>> -> memref<128xi32, #tpu.memory_space<vmem>>
          %dma_start3A_294 = arith.constant 0 : i32
          %dma_start3A_295 = arith.constant 0 : i32
          %dma_start3A_296 = tpu.memref_slice %arg2[%dma_start3A_294, %dma_start3A_295] : memref<10240x128xf32, #tpu.memory_space<hbm>> -> memref<10240x128xf32, #tpu.memory_space<hbm>>
          tpu.enqueue_indirect_dma source(%dma_start3A_296 : memref<10240x128xf32, #tpu.memory_space<hbm>>) target(%dma_start3A_290 : memref<128x128xf32, #tpu.memory_space<vmem>>) offsets(%dma_start3A_293 : memref<128xi32, #tpu.memory_space<vmem>>) semaphore(%arg10 : memref<!tpu.dma_semaphore, #tpu.memory_space<semaphore_mem>>)
        } else {
        }
      } else {
      }
      %mul3A_207 = arith.constant 3 : i32
      %mul3A_208 = arith.muli %while3A_200, %mul3A_207 : i32
      %add3A_209 = arith.constant 1 : i32
      %add3A_210 = arith.addi %mul3A_208, %add3A_209 : i32
      %lt3A_211 = arith.cmpi slt, %add3A_210, %select_n3A_8 : i32
      %convert_element_type3A_212 = arith.extui %lt3A_211 : i1 to i32
      %cond3A_213 = arith.constant 0 : i32
      %cond3A_214 = arith.cmpi ne, %convert_element_type3A_212, %cond3A_213 : i32
      scf.if %cond3A_214 {
        %dma_wait3A_224 = arith.constant 0 : i32
        %dma_wait3A_225 = arith.constant 1 : i32
        %dma_wait3A_226 = arith.constant 0 : i32
        %dma_wait3A_227 = arith.constant 0 : i32
        %dma_wait3A_228 = tpu.memref_slice %arg8[%dma_wait3A_225, %dma_wait3A_226, %dma_wait3A_227] : memref<3x128x128xf32, #tpu.memory_space<vmem>> -> memref<1x128x128xf32, #tpu.memory_space<vmem>>
        %dma_wait3A_229 = tpu.memref_squeeze %dma_wait3A_228 : memref<1x128x128xf32, #tpu.memory_space<vmem>> -> memref<128x128xf32, #tpu.memory_space<vmem>>
        %dma_wait3A_230 = arith.constant 0 : i32
        %dma_wait3A_231 = tpu.memref_slice %arg6[%dma_wait3A_224, %dma_wait3A_230] : memref<3x128xi32, #tpu.memory_space<vmem>> -> memref<1x128xi32, #tpu.memory_space<vmem>>
        %dma_wait3A_232 = tpu.memref_squeeze %dma_wait3A_231 : memref<1x128xi32, #tpu.memory_space<vmem>> -> memref<128xi32, #tpu.memory_space<vmem>>
        %dma_wait3A_233 = arith.constant 0 : i32
        %dma_wait3A_234 = arith.constant 0 : i32
        %dma_wait3A_235 = tpu.memref_slice %arg2[%dma_wait3A_233, %dma_wait3A_234] : memref<10240x128xf32, #tpu.memory_space<hbm>> -> memref<10240x128xf32, #tpu.memory_space<hbm>>
        tpu.wait_indirect_dma semaphore(%arg11 : memref<!tpu.dma_semaphore, #tpu.memory_space<semaphore_mem>>) src(%dma_wait3A_235 : memref<10240x128xf32, #tpu.memory_space<hbm>>) dst(%dma_wait3A_229 : memref<128x128xf32, #tpu.memory_space<vmem>>)
        %add3A_236 = arith.constant 3 : i32
        %add3A_237 = arith.addi %add3A_210, %add3A_236 : i32
        %lt3A_238 = arith.cmpi slt, %add3A_237, %select_n3A_8 : i32
        %convert_element_type3A_239 = arith.extui %lt3A_238 : i1 to i32
        %cond3A_240 = arith.constant 0 : i32
        %cond3A_241 = arith.cmpi ne, %convert_element_type3A_239, %cond3A_240 : i32
        scf.if %cond3A_241 {
          %add3A_260 = arith.constant 3 : i32
          %add3A_261 = arith.addi %add3A_210, %add3A_260 : i32
          %add3A_262 = arith.addi %select_n3A, %add3A_261 : i32
          %dma_start3A_263 = arith.constant 1 : i32
          %dma_start3A_264 = arith.constant 0 : i32
          %dma_start3A_265 = tpu.memref_slice %arg6[%dma_start3A_263, %dma_start3A_264] : memref<3x128xi32, #tpu.memory_space<vmem>> -> memref<1x128xi32, #tpu.memory_space<vmem>>
          %dma_start3A_266 = arith.constant 0 : i32
          %dma_start3A_267 = tpu.memref_slice %arg3[%add3A_262, %dma_start3A_266] : memref<2560x128xi32, #tpu.memory_space<hbm>> -> memref<1x128xi32, #tpu.memory_space<hbm>>
          %dma_start3A_268 = arith.constant 1 : i32
          %dma_start3A_269 = arith.constant 0 : i32
          %dma_start3A_270 = tpu.memref_slice %arg6[%dma_start3A_268, %dma_start3A_269] : memref<3x128xi32, #tpu.memory_space<vmem>> -> memref<1x128xi32, #tpu.memory_space<vmem>>
          %dma_start3A_271 = arith.constant 0 : i32
          %dma_start3A_272 = tpu.memref_slice %arg3[%add3A_262, %dma_start3A_271] : memref<2560x128xi32, #tpu.memory_space<hbm>> -> memref<1x128xi32, #tpu.memory_space<hbm>>
          tpu.enqueue_dma source(%dma_start3A_272 : memref<1x128xi32, #tpu.memory_space<hbm>>) target(%dma_start3A_270 : memref<1x128xi32, #tpu.memory_space<vmem>>) target_semaphore(%arg14 : memref<!tpu.dma_semaphore, #tpu.memory_space<semaphore_mem>>)
        } else {
        }
        %dma_wait3A_242 = arith.constant 1 : i32
        %dma_wait3A_243 = arith.constant 0 : i32
        %dma_wait3A_244 = tpu.memref_slice %arg7[%dma_wait3A_242, %dma_wait3A_243] : memref<3x128xi32, #tpu.memory_space<vmem>> -> memref<1x128xi32, #tpu.memory_space<vmem>>
        %dma_wait3A_245 = arith.constant 0 : i32
        %dma_wait3A_246 = tpu.memref_slice %arg4[%select_n3A, %dma_wait3A_245] : memref<2560x128xi32, #tpu.memory_space<hbm>> -> memref<1x128xi32, #tpu.memory_space<hbm>>
        %dma_wait3A_247 = arith.constant 1 : i32
        %dma_wait3A_248 = arith.constant 0 : i32
        %dma_wait3A_249 = tpu.memref_slice %arg7[%dma_wait3A_247, %dma_wait3A_248] : memref<3x128xi32, #tpu.memory_space<vmem>> -> memref<1x128xi32, #tpu.memory_space<vmem>>
        %dma_wait3A_250 = arith.constant 0 : i32
        %dma_wait3A_251 = tpu.memref_slice %arg4[%select_n3A, %dma_wait3A_250] : memref<2560x128xi32, #tpu.memory_space<hbm>> -> memref<1x128xi32, #tpu.memory_space<hbm>>
        tpu.wait_dma2 semaphore(%arg17 : memref<!tpu.dma_semaphore, #tpu.memory_space<semaphore_mem>>) src(%dma_wait3A_251 : memref<1x128xi32, #tpu.memory_space<hbm>>) dst(%dma_wait3A_249 : memref<1x128xi32, #tpu.memory_space<vmem>>)
        %run_scoped3A_252 = arith.constant 1 : i32
        %run_scoped3A_253 = arith.constant 1 : i32
        "tpu.region"() ({
          %run_scoped3A_260 = tpu.sem_alloc : memref<!tpu.dma_semaphore, #tpu.memory_space<semaphore_mem>>
          %dma_start3A_261 = arith.constant 0 : i32
          %dma_start3A_262 = arith.constant 0 : i32
          %dma_start3A_263 = tpu.memref_slice %arg8[%run_scoped3A_252, %dma_start3A_261, %dma_start3A_262] : memref<3x128x128xf32, #tpu.memory_space<vmem>> -> memref<1x128x128xf32, #tpu.memory_space<vmem>>
          %dma_start3A_264 = tpu.memref_squeeze %dma_start3A_263 : memref<1x128x128xf32, #tpu.memory_space<vmem>> -> memref<128x128xf32, #tpu.memory_space<vmem>>
          %dma_start3A_265 = arith.constant 0 : i32
          %dma_start3A_266 = tpu.memref_slice %arg7[%run_scoped3A_253, %dma_start3A_265] : memref<3x128xi32, #tpu.memory_space<vmem>> -> memref<1x128xi32, #tpu.memory_space<vmem>>
          %dma_start3A_267 = tpu.memref_squeeze %dma_start3A_266 : memref<1x128xi32, #tpu.memory_space<vmem>> -> memref<128xi32, #tpu.memory_space<vmem>>
          %dma_start3A_268 = arith.constant 0 : i32
          %dma_start3A_269 = arith.constant 0 : i32
          %dma_start3A_270 = tpu.memref_slice %arg9[%dma_start3A_268, %dma_start3A_269] : memref<10112x128xf32, #tpu.memory_space<vmem_shared>> -> memref<10112x128xf32, #tpu.memory_space<vmem_shared>>
          tpu.enqueue_indirect_dma source(%dma_start3A_264 : memref<128x128xf32, #tpu.memory_space<vmem>>) target(%dma_start3A_270 : memref<10112x128xf32, #tpu.memory_space<vmem_shared>>) offsets(%dma_start3A_267 : memref<128xi32, #tpu.memory_space<vmem>>) semaphore(%run_scoped3A_260 : memref<!tpu.dma_semaphore, #tpu.memory_space<semaphore_mem>>) {add = true}
          %dma_wait3A_271 = arith.constant 0 : i32
          %dma_wait3A_272 = arith.constant 0 : i32
          %dma_wait3A_273 = tpu.memref_slice %arg8[%run_scoped3A_252, %dma_wait3A_271, %dma_wait3A_272] : memref<3x128x128xf32, #tpu.memory_space<vmem>> -> memref<1x128x128xf32, #tpu.memory_space<vmem>>
          %dma_wait3A_274 = tpu.memref_squeeze %dma_wait3A_273 : memref<1x128x128xf32, #tpu.memory_space<vmem>> -> memref<128x128xf32, #tpu.memory_space<vmem>>
          %dma_wait3A_275 = arith.constant 0 : i32
          %dma_wait3A_276 = tpu.memref_slice %arg7[%run_scoped3A_253, %dma_wait3A_275] : memref<3x128xi32, #tpu.memory_space<vmem>> -> memref<1x128xi32, #tpu.memory_space<vmem>>
          %dma_wait3A_277 = tpu.memref_squeeze %dma_wait3A_276 : memref<1x128xi32, #tpu.memory_space<vmem>> -> memref<128xi32, #tpu.memory_space<vmem>>
          %dma_wait3A_278 = arith.constant 0 : i32
          %dma_wait3A_279 = arith.constant 0 : i32
          %dma_wait3A_280 = tpu.memref_slice %arg9[%dma_wait3A_278, %dma_wait3A_279] : memref<10112x128xf32, #tpu.memory_space<vmem_shared>> -> memref<10112x128xf32, #tpu.memory_space<vmem_shared>>
          tpu.wait_indirect_dma semaphore(%run_scoped3A_260 : memref<!tpu.dma_semaphore, #tpu.memory_space<semaphore_mem>>) src(%dma_wait3A_274 : memref<128x128xf32, #tpu.memory_space<vmem>>) dst(%dma_wait3A_280 : memref<10112x128xf32, #tpu.memory_space<vmem_shared>>)
          tpu.yield
        }) : () -> ()
        %add3A_254 = arith.constant 3 : i32
        %add3A_255 = arith.addi %add3A_210, %add3A_254 : i32
        %lt3A_256 = arith.cmpi slt, %add3A_255, %select_n3A_8 : i32
        %convert_element_type3A_257 = arith.extui %lt3A_256 : i1 to i32
        %cond3A_258 = arith.constant 0 : i32
        %cond3A_259 = arith.cmpi ne, %convert_element_type3A_257, %cond3A_258 : i32
        scf.if %cond3A_259 {
          %add3A_260 = arith.constant 3 : i32
          %add3A_261 = arith.addi %add3A_210, %add3A_260 : i32
          %add3A_262 = arith.addi %select_n3A, %add3A_261 : i32
          %dma_start3A_263 = arith.constant 1 : i32
          %dma_start3A_264 = arith.constant 0 : i32
          %dma_start3A_265 = tpu.memref_slice %arg7[%dma_start3A_263, %dma_start3A_264] : memref<3x128xi32, #tpu.memory_space<vmem>> -> memref<1x128xi32, #tpu.memory_space<vmem>>
          %dma_start3A_266 = arith.constant 0 : i32
          %dma_start3A_267 = tpu.memref_slice %arg4[%add3A_262, %dma_start3A_266] : memref<2560x128xi32, #tpu.memory_space<hbm>> -> memref<1x128xi32, #tpu.memory_space<hbm>>
          %dma_start3A_268 = arith.constant 1 : i32
          %dma_start3A_269 = arith.constant 0 : i32
          %dma_start3A_270 = tpu.memref_slice %arg7[%dma_start3A_268, %dma_start3A_269] : memref<3x128xi32, #tpu.memory_space<vmem>> -> memref<1x128xi32, #tpu.memory_space<vmem>>
          %dma_start3A_271 = arith.constant 0 : i32
          %dma_start3A_272 = tpu.memref_slice %arg4[%add3A_262, %dma_start3A_271] : memref<2560x128xi32, #tpu.memory_space<hbm>> -> memref<1x128xi32, #tpu.memory_space<hbm>>
          tpu.enqueue_dma source(%dma_start3A_272 : memref<1x128xi32, #tpu.memory_space<hbm>>) target(%dma_start3A_270 : memref<1x128xi32, #tpu.memory_space<vmem>>) target_semaphore(%arg17 : memref<!tpu.dma_semaphore, #tpu.memory_space<semaphore_mem>>)
          %dma_wait3A_273 = arith.constant 1 : i32
          %dma_wait3A_274 = arith.constant 0 : i32
          %dma_wait3A_275 = tpu.memref_slice %arg6[%dma_wait3A_273, %dma_wait3A_274] : memref<3x128xi32, #tpu.memory_space<vmem>> -> memref<1x128xi32, #tpu.memory_space<vmem>>
          %dma_wait3A_276 = arith.constant 0 : i32
          %dma_wait3A_277 = tpu.memref_slice %arg3[%select_n3A, %dma_wait3A_276] : memref<2560x128xi32, #tpu.memory_space<hbm>> -> memref<1x128xi32, #tpu.memory_space<hbm>>
          %dma_wait3A_278 = arith.constant 1 : i32
          %dma_wait3A_279 = arith.constant 0 : i32
          %dma_wait3A_280 = tpu.memref_slice %arg6[%dma_wait3A_278, %dma_wait3A_279] : memref<3x128xi32, #tpu.memory_space<vmem>> -> memref<1x128xi32, #tpu.memory_space<vmem>>
          %dma_wait3A_281 = arith.constant 0 : i32
          %dma_wait3A_282 = tpu.memref_slice %arg3[%select_n3A, %dma_wait3A_281] : memref<2560x128xi32, #tpu.memory_space<hbm>> -> memref<1x128xi32, #tpu.memory_space<hbm>>
          tpu.wait_dma2 semaphore(%arg14 : memref<!tpu.dma_semaphore, #tpu.memory_space<semaphore_mem>>) src(%dma_wait3A_282 : memref<1x128xi32, #tpu.memory_space<hbm>>) dst(%dma_wait3A_280 : memref<1x128xi32, #tpu.memory_space<vmem>>)
          %add3A_283 = arith.constant 3 : i32
          %add3A_284 = arith.addi %add3A_210, %add3A_283 : i32
          %dma_start3A_285 = arith.constant 1 : i32
          %dma_start3A_286 = arith.constant 1 : i32
          %dma_start3A_287 = arith.constant 0 : i32
          %dma_start3A_288 = arith.constant 0 : i32
          %dma_start3A_289 = tpu.memref_slice %arg8[%dma_start3A_286, %dma_start3A_287, %dma_start3A_288] : memref<3x128x128xf32, #tpu.memory_space<vmem>> -> memref<1x128x128xf32, #tpu.memory_space<vmem>>
          %dma_start3A_290 = tpu.memref_squeeze %dma_start3A_289 : memref<1x128x128xf32, #tpu.memory_space<vmem>> -> memref<128x128xf32, #tpu.memory_space<vmem>>
          %dma_start3A_291 = arith.constant 0 : i32
          %dma_start3A_292 = tpu.memref_slice %arg6[%dma_start3A_285, %dma_start3A_291] : memref<3x128xi32, #tpu.memory_space<vmem>> -> memref<1x128xi32, #tpu.memory_space<vmem>>
          %dma_start3A_293 = tpu.memref_squeeze %dma_start3A_292 : memref<1x128xi32, #tpu.memory_space<vmem>> -> memref<128xi32, #tpu.memory_space<vmem>>
          %dma_start3A_294 = arith.constant 0 : i32
          %dma_start3A_295 = arith.constant 0 : i32
          %dma_start3A_296 = tpu.memref_slice %arg2[%dma_start3A_294, %dma_start3A_295] : memref<10240x128xf32, #tpu.memory_space<hbm>> -> memref<10240x128xf32, #tpu.memory_space<hbm>>
          tpu.enqueue_indirect_dma source(%dma_start3A_296 : memref<10240x128xf32, #tpu.memory_space<hbm>>) target(%dma_start3A_290 : memref<128x128xf32, #tpu.memory_space<vmem>>) offsets(%dma_start3A_293 : memref<128xi32, #tpu.memory_space<vmem>>) semaphore(%arg11 : memref<!tpu.dma_semaphore, #tpu.memory_space<semaphore_mem>>)
        } else {
        }
      } else {
      }
      %mul3A_215 = arith.constant 3 : i32
      %mul3A_216 = arith.muli %while3A_200, %mul3A_215 : i32
      %add3A_217 = arith.constant 2 : i32
      %add3A_218 = arith.addi %mul3A_216, %add3A_217 : i32
      %lt3A_219 = arith.cmpi slt, %add3A_218, %select_n3A_8 : i32
      %convert_element_type3A_220 = arith.extui %lt3A_219 : i1 to i32
      %cond3A_221 = arith.constant 0 : i32
      %cond3A_222 = arith.cmpi ne, %convert_element_type3A_220, %cond3A_221 : i32
      scf.if %cond3A_222 {
        %dma_wait3A_224 = arith.constant 0 : i32
        %dma_wait3A_225 = arith.constant 2 : i32
        %dma_wait3A_226 = arith.constant 0 : i32
        %dma_wait3A_227 = arith.constant 0 : i32
        %dma_wait3A_228 = tpu.memref_slice %arg8[%dma_wait3A_225, %dma_wait3A_226, %dma_wait3A_227] : memref<3x128x128xf32, #tpu.memory_space<vmem>> -> memref<1x128x128xf32, #tpu.memory_space<vmem>>
        %dma_wait3A_229 = tpu.memref_squeeze %dma_wait3A_228 : memref<1x128x128xf32, #tpu.memory_space<vmem>> -> memref<128x128xf32, #tpu.memory_space<vmem>>
        %dma_wait3A_230 = arith.constant 0 : i32
        %dma_wait3A_231 = tpu.memref_slice %arg6[%dma_wait3A_224, %dma_wait3A_230] : memref<3x128xi32, #tpu.memory_space<vmem>> -> memref<1x128xi32, #tpu.memory_space<vmem>>
        %dma_wait3A_232 = tpu.memref_squeeze %dma_wait3A_231 : memref<1x128xi32, #tpu.memory_space<vmem>> -> memref<128xi32, #tpu.memory_space<vmem>>
        %dma_wait3A_233 = arith.constant 0 : i32
        %dma_wait3A_234 = arith.constant 0 : i32
        %dma_wait3A_235 = tpu.memref_slice %arg2[%dma_wait3A_233, %dma_wait3A_234] : memref<10240x128xf32, #tpu.memory_space<hbm>> -> memref<10240x128xf32, #tpu.memory_space<hbm>>
        tpu.wait_indirect_dma semaphore(%arg12 : memref<!tpu.dma_semaphore, #tpu.memory_space<semaphore_mem>>) src(%dma_wait3A_235 : memref<10240x128xf32, #tpu.memory_space<hbm>>) dst(%dma_wait3A_229 : memref<128x128xf32, #tpu.memory_space<vmem>>)
        %add3A_236 = arith.constant 3 : i32
        %add3A_237 = arith.addi %add3A_218, %add3A_236 : i32
        %lt3A_238 = arith.cmpi slt, %add3A_237, %select_n3A_8 : i32
        %convert_element_type3A_239 = arith.extui %lt3A_238 : i1 to i32
        %cond3A_240 = arith.constant 0 : i32
        %cond3A_241 = arith.cmpi ne, %convert_element_type3A_239, %cond3A_240 : i32
        scf.if %cond3A_241 {
          %add3A_260 = arith.constant 3 : i32
          %add3A_261 = arith.addi %add3A_218, %add3A_260 : i32
          %add3A_262 = arith.addi %select_n3A, %add3A_261 : i32
          %dma_start3A_263 = arith.constant 2 : i32
          %dma_start3A_264 = arith.constant 0 : i32
          %dma_start3A_265 = tpu.memref_slice %arg6[%dma_start3A_263, %dma_start3A_264] : memref<3x128xi32, #tpu.memory_space<vmem>> -> memref<1x128xi32, #tpu.memory_space<vmem>>
          %dma_start3A_266 = arith.constant 0 : i32
          %dma_start3A_267 = tpu.memref_slice %arg3[%add3A_262, %dma_start3A_266] : memref<2560x128xi32, #tpu.memory_space<hbm>> -> memref<1x128xi32, #tpu.memory_space<hbm>>
          %dma_start3A_268 = arith.constant 2 : i32
          %dma_start3A_269 = arith.constant 0 : i32
          %dma_start3A_270 = tpu.memref_slice %arg6[%dma_start3A_268, %dma_start3A_269] : memref<3x128xi32, #tpu.memory_space<vmem>> -> memref<1x128xi32, #tpu.memory_space<vmem>>
          %dma_start3A_271 = arith.constant 0 : i32
          %dma_start3A_272 = tpu.memref_slice %arg3[%add3A_262, %dma_start3A_271] : memref<2560x128xi32, #tpu.memory_space<hbm>> -> memref<1x128xi32, #tpu.memory_space<hbm>>
          tpu.enqueue_dma source(%dma_start3A_272 : memref<1x128xi32, #tpu.memory_space<hbm>>) target(%dma_start3A_270 : memref<1x128xi32, #tpu.memory_space<vmem>>) target_semaphore(%arg15 : memref<!tpu.dma_semaphore, #tpu.memory_space<semaphore_mem>>)
        } else {
        }
        %dma_wait3A_242 = arith.constant 2 : i32
        %dma_wait3A_243 = arith.constant 0 : i32
        %dma_wait3A_244 = tpu.memref_slice %arg7[%dma_wait3A_242, %dma_wait3A_243] : memref<3x128xi32, #tpu.memory_space<vmem>> -> memref<1x128xi32, #tpu.memory_space<vmem>>
        %dma_wait3A_245 = arith.constant 0 : i32
        %dma_wait3A_246 = tpu.memref_slice %arg4[%select_n3A, %dma_wait3A_245] : memref<2560x128xi32, #tpu.memory_space<hbm>> -> memref<1x128xi32, #tpu.memory_space<hbm>>
        %dma_wait3A_247 = arith.constant 2 : i32
        %dma_wait3A_248 = arith.constant 0 : i32
        %dma_wait3A_249 = tpu.memref_slice %arg7[%dma_wait3A_247, %dma_wait3A_248] : memref<3x128xi32, #tpu.memory_space<vmem>> -> memref<1x128xi32, #tpu.memory_space<vmem>>
        %dma_wait3A_250 = arith.constant 0 : i32
        %dma_wait3A_251 = tpu.memref_slice %arg4[%select_n3A, %dma_wait3A_250] : memref<2560x128xi32, #tpu.memory_space<hbm>> -> memref<1x128xi32, #tpu.memory_space<hbm>>
        tpu.wait_dma2 semaphore(%arg18 : memref<!tpu.dma_semaphore, #tpu.memory_space<semaphore_mem>>) src(%dma_wait3A_251 : memref<1x128xi32, #tpu.memory_space<hbm>>) dst(%dma_wait3A_249 : memref<1x128xi32, #tpu.memory_space<vmem>>)
        %run_scoped3A_252 = arith.constant 2 : i32
        %run_scoped3A_253 = arith.constant 2 : i32
        "tpu.region"() ({
          %run_scoped3A_260 = tpu.sem_alloc : memref<!tpu.dma_semaphore, #tpu.memory_space<semaphore_mem>>
          %dma_start3A_261 = arith.constant 0 : i32
          %dma_start3A_262 = arith.constant 0 : i32
          %dma_start3A_263 = tpu.memref_slice %arg8[%run_scoped3A_252, %dma_start3A_261, %dma_start3A_262] : memref<3x128x128xf32, #tpu.memory_space<vmem>> -> memref<1x128x128xf32, #tpu.memory_space<vmem>>
          %dma_start3A_264 = tpu.memref_squeeze %dma_start3A_263 : memref<1x128x128xf32, #tpu.memory_space<vmem>> -> memref<128x128xf32, #tpu.memory_space<vmem>>
          %dma_start3A_265 = arith.constant 0 : i32
          %dma_start3A_266 = tpu.memref_slice %arg7[%run_scoped3A_253, %dma_start3A_265] : memref<3x128xi32, #tpu.memory_space<vmem>> -> memref<1x128xi32, #tpu.memory_space<vmem>>
          %dma_start3A_267 = tpu.memref_squeeze %dma_start3A_266 : memref<1x128xi32, #tpu.memory_space<vmem>> -> memref<128xi32, #tpu.memory_space<vmem>>
          %dma_start3A_268 = arith.constant 0 : i32
          %dma_start3A_269 = arith.constant 0 : i32
          %dma_start3A_270 = tpu.memref_slice %arg9[%dma_start3A_268, %dma_start3A_269] : memref<10112x128xf32, #tpu.memory_space<vmem_shared>> -> memref<10112x128xf32, #tpu.memory_space<vmem_shared>>
          tpu.enqueue_indirect_dma source(%dma_start3A_264 : memref<128x128xf32, #tpu.memory_space<vmem>>) target(%dma_start3A_270 : memref<10112x128xf32, #tpu.memory_space<vmem_shared>>) offsets(%dma_start3A_267 : memref<128xi32, #tpu.memory_space<vmem>>) semaphore(%run_scoped3A_260 : memref<!tpu.dma_semaphore, #tpu.memory_space<semaphore_mem>>) {add = true}
          %dma_wait3A_271 = arith.constant 0 : i32
          %dma_wait3A_272 = arith.constant 0 : i32
          %dma_wait3A_273 = tpu.memref_slice %arg8[%run_scoped3A_252, %dma_wait3A_271, %dma_wait3A_272] : memref<3x128x128xf32, #tpu.memory_space<vmem>> -> memref<1x128x128xf32, #tpu.memory_space<vmem>>
          %dma_wait3A_274 = tpu.memref_squeeze %dma_wait3A_273 : memref<1x128x128xf32, #tpu.memory_space<vmem>> -> memref<128x128xf32, #tpu.memory_space<vmem>>
          %dma_wait3A_275 = arith.constant 0 : i32
          %dma_wait3A_276 = tpu.memref_slice %arg7[%run_scoped3A_253, %dma_wait3A_275] : memref<3x128xi32, #tpu.memory_space<vmem>> -> memref<1x128xi32, #tpu.memory_space<vmem>>
          %dma_wait3A_277 = tpu.memref_squeeze %dma_wait3A_276 : memref<1x128xi32, #tpu.memory_space<vmem>> -> memref<128xi32, #tpu.memory_space<vmem>>
          %dma_wait3A_278 = arith.constant 0 : i32
          %dma_wait3A_279 = arith.constant 0 : i32
          %dma_wait3A_280 = tpu.memref_slice %arg9[%dma_wait3A_278, %dma_wait3A_279] : memref<10112x128xf32, #tpu.memory_space<vmem_shared>> -> memref<10112x128xf32, #tpu.memory_space<vmem_shared>>
          tpu.wait_indirect_dma semaphore(%run_scoped3A_260 : memref<!tpu.dma_semaphore, #tpu.memory_space<semaphore_mem>>) src(%dma_wait3A_274 : memref<128x128xf32, #tpu.memory_space<vmem>>) dst(%dma_wait3A_280 : memref<10112x128xf32, #tpu.memory_space<vmem_shared>>)
          tpu.yield
        }) : () -> ()
        %add3A_254 = arith.constant 3 : i32
        %add3A_255 = arith.addi %add3A_218, %add3A_254 : i32
        %lt3A_256 = arith.cmpi slt, %add3A_255, %select_n3A_8 : i32
        %convert_element_type3A_257 = arith.extui %lt3A_256 : i1 to i32
        %cond3A_258 = arith.constant 0 : i32
        %cond3A_259 = arith.cmpi ne, %convert_element_type3A_257, %cond3A_258 : i32
        scf.if %cond3A_259 {
          %add3A_260 = arith.constant 3 : i32
          %add3A_261 = arith.addi %add3A_218, %add3A_260 : i32
          %add3A_262 = arith.addi %select_n3A, %add3A_261 : i32
          %dma_start3A_263 = arith.constant 2 : i32
          %dma_start3A_264 = arith.constant 0 : i32
          %dma_start3A_265 = tpu.memref_slice %arg7[%dma_start3A_263, %dma_start3A_264] : memref<3x128xi32, #tpu.memory_space<vmem>> -> memref<1x128xi32, #tpu.memory_space<vmem>>
          %dma_start3A_266 = arith.constant 0 : i32
          %dma_start3A_267 = tpu.memref_slice %arg4[%add3A_262, %dma_start3A_266] : memref<2560x128xi32, #tpu.memory_space<hbm>> -> memref<1x128xi32, #tpu.memory_space<hbm>>
          %dma_start3A_268 = arith.constant 2 : i32
          %dma_start3A_269 = arith.constant 0 : i32
          %dma_start3A_270 = tpu.memref_slice %arg7[%dma_start3A_268, %dma_start3A_269] : memref<3x128xi32, #tpu.memory_space<vmem>> -> memref<1x128xi32, #tpu.memory_space<vmem>>
          %dma_start3A_271 = arith.constant 0 : i32
          %dma_start3A_272 = tpu.memref_slice %arg4[%add3A_262, %dma_start3A_271] : memref<2560x128xi32, #tpu.memory_space<hbm>> -> memref<1x128xi32, #tpu.memory_space<hbm>>
          tpu.enqueue_dma source(%dma_start3A_272 : memref<1x128xi32, #tpu.memory_space<hbm>>) target(%dma_start3A_270 : memref<1x128xi32, #tpu.memory_space<vmem>>) target_semaphore(%arg18 : memref<!tpu.dma_semaphore, #tpu.memory_space<semaphore_mem>>)
          %dma_wait3A_273 = arith.constant 2 : i32
          %dma_wait3A_274 = arith.constant 0 : i32
          %dma_wait3A_275 = tpu.memref_slice %arg6[%dma_wait3A_273, %dma_wait3A_274] : memref<3x128xi32, #tpu.memory_space<vmem>> -> memref<1x128xi32, #tpu.memory_space<vmem>>
          %dma_wait3A_276 = arith.constant 0 : i32
          %dma_wait3A_277 = tpu.memref_slice %arg3[%select_n3A, %dma_wait3A_276] : memref<2560x128xi32, #tpu.memory_space<hbm>> -> memref<1x128xi32, #tpu.memory_space<hbm>>
          %dma_wait3A_278 = arith.constant 2 : i32
          %dma_wait3A_279 = arith.constant 0 : i32
          %dma_wait3A_280 = tpu.memref_slice %arg6[%dma_wait3A_278, %dma_wait3A_279] : memref<3x128xi32, #tpu.memory_space<vmem>> -> memref<1x128xi32, #tpu.memory_space<vmem>>
          %dma_wait3A_281 = arith.constant 0 : i32
          %dma_wait3A_282 = tpu.memref_slice %arg3[%select_n3A, %dma_wait3A_281] : memref<2560x128xi32, #tpu.memory_space<hbm>> -> memref<1x128xi32, #tpu.memory_space<hbm>>
          tpu.wait_dma2 semaphore(%arg15 : memref<!tpu.dma_semaphore, #tpu.memory_space<semaphore_mem>>) src(%dma_wait3A_282 : memref<1x128xi32, #tpu.memory_space<hbm>>) dst(%dma_wait3A_280 : memref<1x128xi32, #tpu.memory_space<vmem>>)
          %add3A_283 = arith.constant 3 : i32
          %add3A_284 = arith.addi %add3A_218, %add3A_283 : i32
          %dma_start3A_285 = arith.constant 2 : i32
          %dma_start3A_286 = arith.constant 2 : i32
          %dma_start3A_287 = arith.constant 0 : i32
          %dma_start3A_288 = arith.constant 0 : i32
          %dma_start3A_289 = tpu.memref_slice %arg8[%dma_start3A_286, %dma_start3A_287, %dma_start3A_288] : memref<3x128x128xf32, #tpu.memory_space<vmem>> -> memref<1x128x128xf32, #tpu.memory_space<vmem>>
          %dma_start3A_290 = tpu.memref_squeeze %dma_start3A_289 : memref<1x128x128xf32, #tpu.memory_space<vmem>> -> memref<128x128xf32, #tpu.memory_space<vmem>>
          %dma_start3A_291 = arith.constant 0 : i32
          %dma_start3A_292 = tpu.memref_slice %arg6[%dma_start3A_285, %dma_start3A_291] : memref<3x128xi32, #tpu.memory_space<vmem>> -> memref<1x128xi32, #tpu.memory_space<vmem>>
          %dma_start3A_293 = tpu.memref_squeeze %dma_start3A_292 : memref<1x128xi32, #tpu.memory_space<vmem>> -> memref<128xi32, #tpu.memory_space<vmem>>
          %dma_start3A_294 = arith.constant 0 : i32
          %dma_start3A_295 = arith.constant 0 : i32
          %dma_start3A_296 = tpu.memref_slice %arg2[%dma_start3A_294, %dma_start3A_295] : memref<10240x128xf32, #tpu.memory_space<hbm>> -> memref<10240x128xf32, #tpu.memory_space<hbm>>
          tpu.enqueue_indirect_dma source(%dma_start3A_296 : memref<10240x128xf32, #tpu.memory_space<hbm>>) target(%dma_start3A_290 : memref<128x128xf32, #tpu.memory_space<vmem>>) offsets(%dma_start3A_293 : memref<128xi32, #tpu.memory_space<vmem>>) semaphore(%arg12 : memref<!tpu.dma_semaphore, #tpu.memory_space<semaphore_mem>>)
        } else {
        }
      } else {
      }
      %while3A_223 = arith.constant 0 : i32
      scf.yield %while3A_223 : i32
    }
    %barrier3A_195 = arith.constant 0 : index
    tpu.barrier barrier_id(%barrier3A_195)
    %mul3A_196 = arith.constant 632 : i32
    %mul3A_197 = arith.muli %arg1, %mul3A_196 : i32
    %mul3A_198 = arith.constant 632 : i32
    %mul3A_199 = arith.muli %arg1, %mul3A_198 : i32
    "tpu.region"() ({
      %run_scoped3A_200 = tpu.sem_alloc : memref<!tpu.dma_semaphore, #tpu.memory_space<semaphore_mem>>
      %dma_start3A_201 = arith.constant 0 : i32
      %dma_start3A_202 = tpu.memref_slice %arg5[%arg0, %mul3A_199, %dma_start3A_201] : memref<2x10240x128xf32, #tpu.memory_space<hbm>> -> memref<1x632x128xf32, #tpu.memory_space<hbm>>
      %dma_start3A_203 = tpu.memref_squeeze %dma_start3A_202 : memref<1x632x128xf32, #tpu.memory_space<hbm>> -> memref<632x128xf32, #tpu.memory_space<hbm>>
      %dma_start3A_204 = arith.constant 0 : i32
      %dma_start3A_205 = tpu.memref_slice %arg9[%mul3A_197, %dma_start3A_204] : memref<10112x128xf32, #tpu.memory_space<vmem_shared>> -> memref<632x128xf32, #tpu.memory_space<vmem_shared>>
      tpu.enqueue_dma source(%dma_start3A_205 : memref<632x128xf32, #tpu.memory_space<vmem_shared>>) target(%dma_start3A_203 : memref<632x128xf32, #tpu.memory_space<hbm>>) target_semaphore(%run_scoped3A_200 : memref<!tpu.dma_semaphore, #tpu.memory_space<semaphore_mem>>)
      %dma_wait3A_206 = arith.constant 0 : i32
      %dma_wait3A_207 = tpu.memref_slice %arg5[%arg0, %mul3A_199, %dma_wait3A_206] : memref<2x10240x128xf32, #tpu.memory_space<hbm>> -> memref<1x632x128xf32, #tpu.memory_space<hbm>>
      %dma_wait3A_208 = tpu.memref_squeeze %dma_wait3A_207 : memref<1x632x128xf32, #tpu.memory_space<hbm>> -> memref<632x128xf32, #tpu.memory_space<hbm>>
      %dma_wait3A_209 = arith.constant 0 : i32
      %dma_wait3A_210 = tpu.memref_slice %arg9[%mul3A_197, %dma_wait3A_209] : memref<10112x128xf32, #tpu.memory_space<vmem_shared>> -> memref<632x128xf32, #tpu.memory_space<vmem_shared>>
      tpu.wait_dma2 semaphore(%run_scoped3A_200 : memref<!tpu.dma_semaphore, #tpu.memory_space<semaphore_mem>>) src(%dma_wait3A_210 : memref<632x128xf32, #tpu.memory_space<vmem_shared>>) dst(%dma_wait3A_208 : memref<632x128xf32, #tpu.memory_space<hbm>>)
      tpu.yield
    }) : () -> ()
    return
  }
}

#map = affine_map<(d0, d1) -> (0, 0)>
module attributes {stable_mosaic.version = 14 : i64} {
  func.func @_deg_kernel(%arg0: i32, %arg1: i32, %arg2: memref<2560x128xi32, #tpu.memory_space<hbm>>, %arg3: memref<2x10240xf32, #tpu.memory_space<hbm>>, %arg4: memref<80x128xi32, #tpu.memory_space<vmem>>, %arg5: memref<128xf32, #tpu.memory_space<vmem>>, %arg6: memref<640xf32, #tpu.memory_space<vmem>>, %arg7: memref<10240xf32, #tpu.memory_space<vmem_shared>>, %arg8: memref<!tpu.dma_semaphore, #tpu.memory_space<semaphore_mem>>) attributes {dimension_semantics = [#tpu.dimension_semantics<core_parallel>, #tpu.dimension_semantics<subcore_parallel>], iteration_bounds = array<i64: 2, 16>, scalar_prefetch = 0 : i64, scratch_operands = 5 : i64, tpu.core_type = #tpu.core_type<sc_vector_subcore>, window_params = [{transform_indices = #map}, {transform_indices = #map}]} {
    %mul3A = arith.constant 2 : i32
    %mul3A_0 = arith.muli %arg1, %mul3A : i32
    %add3A = arith.addi %mul3A_0, %arg0 : i32
    %mul3A_1 = arith.constant 80 : i32
    %mul3A_2 = arith.muli %add3A, %mul3A_1 : i32
    "tpu.region"() ({
      %run_scoped3A = tpu.sem_alloc : memref<!tpu.dma_semaphore, #tpu.memory_space<semaphore_mem>>
      %dma_start3A = arith.constant 0 : i32
      %dma_start3A_37 = tpu.memref_slice %arg2[%mul3A_2, %dma_start3A] : memref<2560x128xi32, #tpu.memory_space<hbm>> -> memref<80x128xi32, #tpu.memory_space<hbm>>
      %dma_start3A_38 = arith.constant 0 : i32
      %dma_start3A_39 = tpu.memref_slice %arg2[%mul3A_2, %dma_start3A_38] : memref<2560x128xi32, #tpu.memory_space<hbm>> -> memref<80x128xi32, #tpu.memory_space<hbm>>
      tpu.enqueue_dma source(%dma_start3A_39 : memref<80x128xi32, #tpu.memory_space<hbm>>) target(%arg4 : memref<80x128xi32, #tpu.memory_space<vmem>>) target_semaphore(%run_scoped3A : memref<!tpu.dma_semaphore, #tpu.memory_space<semaphore_mem>>)
      %dma_wait3A = arith.constant 0 : i32
      %dma_wait3A_40 = tpu.memref_slice %arg2[%mul3A_2, %dma_wait3A] : memref<2560x128xi32, #tpu.memory_space<hbm>> -> memref<80x128xi32, #tpu.memory_space<hbm>>
      %dma_wait3A_41 = arith.constant 0 : i32
      %dma_wait3A_42 = tpu.memref_slice %arg2[%mul3A_2, %dma_wait3A_41] : memref<2560x128xi32, #tpu.memory_space<hbm>> -> memref<80x128xi32, #tpu.memory_space<hbm>>
      tpu.wait_dma2 semaphore(%run_scoped3A : memref<!tpu.dma_semaphore, #tpu.memory_space<semaphore_mem>>) src(%dma_wait3A_42 : memref<80x128xi32, #tpu.memory_space<hbm>>) dst(%arg4 : memref<80x128xi32, #tpu.memory_space<vmem>>)
      tpu.yield
    }) : () -> ()
    %scan3A = arith.constant 0 : i32
    %scan3A_3 = arith.constant 0 : i32
    %scan3A_4 = arith.constant 40 : i32
    %scan3A_5 = arith.addi %scan3A_3, %scan3A_4 : i32
    %scan3A_6 = arith.constant 1 : i32
    %scan3A_7 = scf.for %scan3A_37 = %scan3A_3 to %scan3A_5 step %scan3A_6 iter_args(%scan3A_38 = %scan3A) -> (i32)  : i32 {
      %broadcast_in_dim3A = arith.constant 0.000000e+00 : f32
      %broadcast_in_dim3A_39 = vector.broadcast %broadcast_in_dim3A : f32 to vector<16xf32>
      %mul3A_40 = arith.constant 16 : i32
      %mul3A_41 = arith.muli %scan3A_37, %mul3A_40 : i32
      %swap3A = arith.index_cast %mul3A_41 : i32 to index
      %swap3A_42 = tpu.vector_load %arg6[%swap3A] {strides = array<i32>} : memref<640xf32, #tpu.memory_space<vmem>>, vector<16xf32>,
      %swap3A_43 = vector.shape_cast %swap3A_42 : vector<16xf32> to vector<16xf32>
      %swap3A_44 = vector.shape_cast %broadcast_in_dim3A_39 : vector<16xf32> to vector<16xf32>
      tpu.vector_store %arg6[%swap3A], %swap3A_44 {strides = array<i32>} : memref<640xf32, #tpu.memory_space<vmem>>, vector<16xf32>,
      %scan3A_45 = arith.constant 0 : i32
      scf.yield %scan3A_45 : i32
    }
    %scan3A_8 = arith.constant 40 : i32
    %scan3A_9 = arith.constant 0 : i32
    %scan3A_10 = arith.constant 0 : i32
    %scan3A_11 = arith.constant 8 : i32
    %scan3A_12 = arith.addi %scan3A_10, %scan3A_11 : i32
    %scan3A_13 = arith.constant 1 : i32
    %scan3A_14 = scf.for %scan3A_37 = %scan3A_10 to %scan3A_12 step %scan3A_13 iter_args(%scan3A_38 = %scan3A_9) -> (i32)  : i32 {
      %broadcast_in_dim3A = arith.constant 1.000000e+00 : f32
      %broadcast_in_dim3A_39 = vector.broadcast %broadcast_in_dim3A : f32 to vector<16xf32>
      %mul3A_40 = arith.constant 16 : i32
      %mul3A_41 = arith.muli %scan3A_37, %mul3A_40 : i32
      %swap3A = arith.index_cast %mul3A_41 : i32 to index
      %swap3A_42 = tpu.vector_load %arg5[%swap3A] {strides = array<i32>} : memref<128xf32, #tpu.memory_space<vmem>>, vector<16xf32>,
      %swap3A_43 = vector.shape_cast %swap3A_42 : vector<16xf32> to vector<16xf32>
      %swap3A_44 = vector.shape_cast %broadcast_in_dim3A_39 : vector<16xf32> to vector<16xf32>
      tpu.vector_store %arg5[%swap3A], %swap3A_44 {strides = array<i32>} : memref<128xf32, #tpu.memory_space<vmem>>, vector<16xf32>,
      %scan3A_45 = arith.constant 0 : i32
      scf.yield %scan3A_45 : i32
    }
    %scan3A_15 = arith.constant 8 : i32
    %mul3A_16 = arith.constant 640 : i32
    %mul3A_17 = arith.muli %arg1, %mul3A_16 : i32
    "tpu.region"() ({
      %run_scoped3A = tpu.sem_alloc : memref<!tpu.dma_semaphore, #tpu.memory_space<semaphore_mem>>
      %dma_start3A = tpu.memref_slice %arg7[%mul3A_17] : memref<10240xf32, #tpu.memory_space<vmem_shared>> -> memref<640xf32, #tpu.memory_space<vmem_shared>>
      %dma_start3A_37 = tpu.memref_slice %arg7[%mul3A_17] : memref<10240xf32, #tpu.memory_space<vmem_shared>> -> memref<640xf32, #tpu.memory_space<vmem_shared>>
      tpu.enqueue_dma source(%arg6 : memref<640xf32, #tpu.memory_space<vmem>>) target(%dma_start3A_37 : memref<640xf32, #tpu.memory_space<vmem_shared>>) target_semaphore(%run_scoped3A : memref<!tpu.dma_semaphore, #tpu.memory_space<semaphore_mem>>)
      %dma_wait3A = tpu.memref_slice %arg7[%mul3A_17] : memref<10240xf32, #tpu.memory_space<vmem_shared>> -> memref<640xf32, #tpu.memory_space<vmem_shared>>
      %dma_wait3A_38 = tpu.memref_slice %arg7[%mul3A_17] : memref<10240xf32, #tpu.memory_space<vmem_shared>> -> memref<640xf32, #tpu.memory_space<vmem_shared>>
      tpu.wait_dma2 semaphore(%run_scoped3A : memref<!tpu.dma_semaphore, #tpu.memory_space<semaphore_mem>>) src(%arg6 : memref<640xf32, #tpu.memory_space<vmem>>) dst(%dma_wait3A_38 : memref<640xf32, #tpu.memory_space<vmem_shared>>)
      tpu.yield
    }) : () -> ()
    %barrier3A = arith.constant 0 : index
    tpu.barrier barrier_id(%barrier3A)
    %scan3A_18 = arith.constant 0 : i32
    %scan3A_19 = arith.constant 0 : i32
    %scan3A_20 = arith.constant 80 : i32
    %scan3A_21 = arith.addi %scan3A_19, %scan3A_20 : i32
    %scan3A_22 = arith.constant 1 : i32
    %scan3A_23 = scf.for %scan3A_37 = %scan3A_19 to %scan3A_21 step %scan3A_22 iter_args(%scan3A_38 = %scan3A_18) -> (i32)  : i32 {
      %dma_start3A = arith.constant 0 : i32
      %dma_start3A_39 = tpu.memref_slice %arg4[%scan3A_37, %dma_start3A] : memref<80x128xi32, #tpu.memory_space<vmem>> -> memref<1x128xi32, #tpu.memory_space<vmem>>
      %dma_start3A_40 = tpu.memref_squeeze %dma_start3A_39 : memref<1x128xi32, #tpu.memory_space<vmem>> -> memref<128xi32, #tpu.memory_space<vmem>>
      %dma_start3A_41 = arith.constant 0 : i32
      %dma_start3A_42 = tpu.memref_slice %arg7[%dma_start3A_41] : memref<10240xf32, #tpu.memory_space<vmem_shared>> -> memref<10240xf32, #tpu.memory_space<vmem_shared>>
      tpu.enqueue_indirect_dma source(%arg5 : memref<128xf32, #tpu.memory_space<vmem>>) target(%dma_start3A_42 : memref<10240xf32, #tpu.memory_space<vmem_shared>>) offsets(%dma_start3A_40 : memref<128xi32, #tpu.memory_space<vmem>>) semaphore(%arg8 : memref<!tpu.dma_semaphore, #tpu.memory_space<semaphore_mem>>) {add = true}
      %scan3A_43 = arith.constant 0 : i32
      scf.yield %scan3A_43 : i32
    }
    %scan3A_24 = arith.constant 80 : i32
    %scan3A_25 = arith.constant 0 : i32
    %scan3A_26 = arith.constant 0 : i32
    %scan3A_27 = arith.constant 80 : i32
    %scan3A_28 = arith.addi %scan3A_26, %scan3A_27 : i32
    %scan3A_29 = arith.constant 1 : i32
    %scan3A_30 = scf.for %scan3A_37 = %scan3A_26 to %scan3A_28 step %scan3A_29 iter_args(%scan3A_38 = %scan3A_25) -> (i32)  : i32 {
      %dma_wait3A = arith.constant 0 : i32
      %dma_wait3A_39 = arith.constant 0 : i32
      %dma_wait3A_40 = tpu.memref_slice %arg4[%dma_wait3A, %dma_wait3A_39] : memref<80x128xi32, #tpu.memory_space<vmem>> -> memref<1x128xi32, #tpu.memory_space<vmem>>
      %dma_wait3A_41 = tpu.memref_squeeze %dma_wait3A_40 : memref<1x128xi32, #tpu.memory_space<vmem>> -> memref<128xi32, #tpu.memory_space<vmem>>
      %dma_wait3A_42 = arith.constant 0 : i32
      %dma_wait3A_43 = tpu.memref_slice %arg7[%dma_wait3A_42] : memref<10240xf32, #tpu.memory_space<vmem_shared>> -> memref<10240xf32, #tpu.memory_space<vmem_shared>>
      tpu.wait_indirect_dma semaphore(%arg8 : memref<!tpu.dma_semaphore, #tpu.memory_space<semaphore_mem>>) src(%arg5 : memref<128xf32, #tpu.memory_space<vmem>>) dst(%dma_wait3A_43 : memref<10240xf32, #tpu.memory_space<vmem_shared>>)
      %scan3A_44 = arith.constant 0 : i32
      scf.yield %scan3A_44 : i32
    }
    %scan3A_31 = arith.constant 80 : i32
    %barrier3A_32 = arith.constant 0 : index
    tpu.barrier barrier_id(%barrier3A_32)
    %mul3A_33 = arith.constant 640 : i32
    %mul3A_34 = arith.muli %arg1, %mul3A_33 : i32
    %mul3A_35 = arith.constant 640 : i32
    %mul3A_36 = arith.muli %arg1, %mul3A_35 : i32
    "tpu.region"() ({
      %run_scoped3A = tpu.sem_alloc : memref<!tpu.dma_semaphore, #tpu.memory_space<semaphore_mem>>
      %dma_start3A = tpu.memref_slice %arg3[%arg0, %mul3A_36] : memref<2x10240xf32, #tpu.memory_space<hbm>> -> memref<1x640xf32, #tpu.memory_space<hbm>>
      %dma_start3A_37 = tpu.memref_squeeze %dma_start3A : memref<1x640xf32, #tpu.memory_space<hbm>> -> memref<640xf32, #tpu.memory_space<hbm>>
      %dma_start3A_38 = tpu.memref_slice %arg7[%mul3A_34] : memref<10240xf32, #tpu.memory_space<vmem_shared>> -> memref<640xf32, #tpu.memory_space<vmem_shared>>
      tpu.enqueue_dma source(%dma_start3A_38 : memref<640xf32, #tpu.memory_space<vmem_shared>>) target(%dma_start3A_37 : memref<640xf32, #tpu.memory_space<hbm>>) target_semaphore(%run_scoped3A : memref<!tpu.dma_semaphore, #tpu.memory_space<semaphore_mem>>)
      %dma_wait3A = tpu.memref_slice %arg3[%arg0, %mul3A_36] : memref<2x10240xf32, #tpu.memory_space<hbm>> -> memref<1x640xf32, #tpu.memory_space<hbm>>
      %dma_wait3A_39 = tpu.memref_squeeze %dma_wait3A : memref<1x640xf32, #tpu.memory_space<hbm>> -> memref<640xf32, #tpu.memory_space<hbm>>
      %dma_wait3A_40 = tpu.memref_slice %arg7[%mul3A_34] : memref<10240xf32, #tpu.memory_space<vmem_shared>> -> memref<640xf32, #tpu.memory_space<vmem_shared>>
      tpu.wait_dma2 semaphore(%run_scoped3A : memref<!tpu.dma_semaphore, #tpu.memory_space<semaphore_mem>>) src(%dma_wait3A_40 : memref<640xf32, #tpu.memory_space<vmem_shared>>) dst(%dma_wait3A_39 : memref<640xf32, #tpu.memory_space<hbm>>)
      tpu.yield
    }) : () -> ()
    return
  }
}

#map = affine_map<(d0, d1) -> (0, 0)>
#map1 = affine_map<(d0, d1) -> (0, 0, 0)>
module attributes {stable_mosaic.version = 14 : i64} {
  func.func @_prop_kernel(%arg0: i32, %arg1: i32, %arg2: memref<10240x128xf32, #tpu.memory_space<hbm>>, %arg3: memref<2560x128xi32, #tpu.memory_space<hbm>>, %arg4: memref<2560x128xi32, #tpu.memory_space<hbm>>, %arg5: memref<2x10240x128xf32, #tpu.memory_space<hbm>>, %arg6: memref<3x128xi32, #tpu.memory_space<vmem>>, %arg7: memref<3x128xi32, #tpu.memory_space<vmem>>, %arg8: memref<3x128x128xf32, #tpu.memory_space<vmem>>, %arg9: memref<10112x128xf32, #tpu.memory_space<vmem_shared>>, %arg10: memref<!tpu.dma_semaphore, #tpu.memory_space<semaphore_mem>>, %arg11: memref<!tpu.dma_semaphore, #tpu.memory_space<semaphore_mem>>, %arg12: memref<!tpu.dma_semaphore, #tpu.memory_space<semaphore_mem>>, %arg13: memref<!tpu.dma_semaphore, #tpu.memory_space<semaphore_mem>>, %arg14: memref<!tpu.dma_semaphore, #tpu.memory_space<semaphore_mem>>, %arg15: memref<!tpu.dma_semaphore, #tpu.memory_space<semaphore_mem>>, %arg16: memref<!tpu.dma_semaphore, #tpu.memory_space<semaphore_mem>>, %arg17: memref<!tpu.dma_semaphore, #tpu.memory_space<semaphore_mem>>, %arg18: memref<!tpu.dma_semaphore, #tpu.memory_space<semaphore_mem>>) attributes {dimension_semantics = [#tpu.dimension_semantics<core_parallel>, #tpu.dimension_semantics<subcore_parallel>], iteration_bounds = array<i64: 2, 16>, scalar_prefetch = 0 : i64, scratch_operands = 13 : i64, tpu.core_type = #tpu.core_type<sc_vector_subcore>, window_params = [{transform_indices = #map}, {transform_indices = #map}, {transform_indices = #map}, {transform_indices = #map1}]} {
    %eq3A = arith.constant 0 : i32
    %eq3A_0 = arith.cmpi eq, %arg0, %eq3A : i32
    %mul3A = arith.constant 80 : i32
    %mul3A_1 = arith.muli %arg1, %mul3A : i32
    %mul3A_2 = arith.constant 80 : i32
    %mul3A_3 = arith.muli %arg1, %mul3A_2 : i32
    %add3A = arith.constant 1280 : i32
    %add3A_4 = arith.addi %add3A, %mul3A_3 : i32
    %select_n3A = arith.select %eq3A_0, %mul3A_1, %add3A_4 : i32
    %eq3A_5 = arith.constant 0 : i32
    %eq3A_6 = arith.cmpi eq, %arg0, %eq3A_5 : i32
    %jit3A = arith.constant 80 : i32
    %jit3A_7 = arith.constant 80 : i32
    %select_n3A_8 = arith.select %eq3A_6, %jit3A, %jit3A_7 : i32
    %scan3A = arith.constant 0 : i32
    %scan3A_9 = arith.constant 0 : i32
    %scan3A_10 = arith.constant 1024 : i32
    %scan3A_11 = arith.addi %scan3A_9, %scan3A_10 : i32
    %scan3A_12 = arith.constant 1 : i32
    %scan3A_13 = scf.for %scan3A_200 = %scan3A_9 to %scan3A_11 step %scan3A_12 iter_args(%scan3A_201 = %scan3A) -> (i32)  : i32 {
      %jit3A_202 = arith.constant 8 : i32
      %div3A_203 = arith.divsi %scan3A_200, %jit3A_202 : i32
      %sign3A_204 = arith.constant 0 : i32
      %sign3A_205 = arith.cmpi sgt, %scan3A_200, %sign3A_204 : i32
      %sign3A_206 = arith.extui %sign3A_205 : i1 to i32
      %sign3A_207 = arith.constant 0 : i32
      %sign3A_208 = arith.cmpi slt, %scan3A_200, %sign3A_207 : i32
      %sign3A_209 = arith.extui %sign3A_208 : i1 to i32
      %sign3A_210 = arith.subi %sign3A_206, %sign3A_209 : i32
      %sign3A_211 = arith.constant 0 : i32
      %sign3A_212 = arith.cmpi sgt, %jit3A_202, %sign3A_211 : i32
      %sign3A_213 = arith.extui %sign3A_212 : i1 to i32
      %sign3A_214 = arith.constant 0 : i32
      %sign3A_215 = arith.cmpi slt, %jit3A_202, %sign3A_214 : i32
      %sign3A_216 = arith.extui %sign3A_215 : i1 to i32
      %sign3A_217 = arith.subi %sign3A_213, %sign3A_216 : i32
      %ne3A_218 = arith.cmpi ne, %sign3A_210, %sign3A_217 : i32
      %rem3A_219 = arith.remsi %scan3A_200, %jit3A_202 : i32
      %ne3A_220 = arith.constant 0 : i32
      %ne3A_221 = arith.cmpi ne, %rem3A_219, %ne3A_220 : i32
      %and3A_222 = arith.andi %ne3A_218, %ne3A_221 : i1
      %sub3A_223 = arith.constant 1 : i32
      %sub3A_224 = arith.subi %div3A_203, %sub3A_223 : i32
      %select_n3A_225 = arith.select %and3A_222, %sub3A_224, %div3A_203 : i32
      %jit3A_226 = arith.constant 8 : i32
      %eq3A_227 = arith.constant 0 : i32
      %eq3A_228 = arith.cmpi eq, %jit3A_226, %eq3A_227 : i32
      %jit3A_229 = arith.constant 1 : i32
      %select_n3A_230 = arith.select %eq3A_228, %jit3A_229, %jit3A_226 : i32
      %rem3A_231 = arith.remsi %scan3A_200, %select_n3A_230 : i32
      %ne3A_232 = arith.constant 0 : i32
      %ne3A_233 = arith.cmpi ne, %rem3A_231, %ne3A_232 : i32
      %lt3A = arith.constant 0 : i32
      %lt3A_234 = arith.cmpi slt, %rem3A_231, %lt3A : i32
      %lt3A_235 = arith.constant 0 : i32
      %lt3A_236 = arith.cmpi slt, %select_n3A_230, %lt3A_235 : i32
      %ne3A_237 = arith.xori %lt3A_234, %lt3A_236 : i1
      %and3A_238 = arith.andi %ne3A_237, %ne3A_233 : i1
      %add3A_239 = arith.addi %rem3A_231, %select_n3A_230 : i32
      %select_n3A_240 = arith.select %and3A_238, %add3A_239, %rem3A_231 : i32
      %broadcast_in_dim3A = arith.constant 0.000000e+00 : f32
      %broadcast_in_dim3A_241 = vector.broadcast %broadcast_in_dim3A : f32 to vector<16xf32>
      %mul3A_242 = arith.constant 16 : i32
      %mul3A_243 = arith.muli %select_n3A_240, %mul3A_242 : i32
      %swap3A = arith.constant 0 : i32
      %swap3A_244 = arith.index_cast %swap3A : i32 to index
      %swap3A_245 = arith.index_cast %select_n3A_225 : i32 to index
      %swap3A_246 = arith.index_cast %mul3A_243 : i32 to index
      %swap3A_247 = tpu.vector_load %arg8[%swap3A_244, %swap3A_245, %swap3A_246] {strides = array<i32>} : memref<3x128x128xf32, #tpu.memory_space<vmem>>, vector<1x1x16xf32>,
      %swap3A_248 = vector.shape_cast %swap3A_247 : vector<1x1x16xf32> to vector<16xf32>
      %swap3A_249 = vector.shape_cast %broadcast_in_dim3A_241 : vector<16xf32> to vector<1x1x16xf32>
      tpu.vector_store %arg8[%swap3A_244, %swap3A_245, %swap3A_246], %swap3A_249 {strides = array<i32>} : memref<3x128x128xf32, #tpu.memory_space<vmem>>, vector<1x1x16xf32>,
      %scan3A_250 = arith.constant 0 : i32
      scf.yield %scan3A_250 : i32
    }
    %scan3A_14 = arith.constant 1024 : i32
    %mul3A_15 = arith.constant 632 : i32
    %mul3A_16 = arith.muli %arg1, %mul3A_15 : i32
    %scan3A_17 = arith.constant 0 : i32
    %scan3A_18 = arith.constant 0 : i32
    %scan3A_19 = arith.constant 4 : i32
    %scan3A_20 = arith.addi %scan3A_18, %scan3A_19 : i32
    %scan3A_21 = arith.constant 1 : i32
    %scan3A_22 = scf.for %scan3A_200 = %scan3A_18 to %scan3A_20 step %scan3A_21 iter_args(%scan3A_201 = %scan3A_17) -> (i32)  : i32 {
      %mul3A_202 = arith.constant 128 : i32
      %mul3A_203 = arith.muli %scan3A_200, %mul3A_202 : i32
      %add3A_204 = arith.addi %mul3A_16, %mul3A_203 : i32
      %run_scoped3A_205 = arith.constant 0 : i32
      "tpu.region"() ({
        %run_scoped3A_207 = tpu.sem_alloc : memref<!tpu.dma_semaphore, #tpu.memory_space<semaphore_mem>>
        %dma_start3A_208 = arith.constant 0 : i32
        %dma_start3A_209 = arith.constant 0 : i32
        %dma_start3A_210 = tpu.memref_slice %arg8[%run_scoped3A_205, %dma_start3A_208, %dma_start3A_209] : memref<3x128x128xf32, #tpu.memory_space<vmem>> -> memref<1x128x128xf32, #tpu.memory_space<vmem>>
        %dma_start3A_211 = tpu.memref_squeeze %dma_start3A_210 : memref<1x128x128xf32, #tpu.memory_space<vmem>> -> memref<128x128xf32, #tpu.memory_space<vmem>>
        %dma_start3A_212 = arith.constant 0 : i32
        %dma_start3A_213 = tpu.memref_slice %arg9[%add3A_204, %dma_start3A_212] : memref<10112x128xf32, #tpu.memory_space<vmem_shared>> -> memref<128x128xf32, #tpu.memory_space<vmem_shared>>
        %dma_start3A_214 = arith.constant 0 : i32
        %dma_start3A_215 = tpu.memref_slice %arg9[%add3A_204, %dma_start3A_214] : memref<10112x128xf32, #tpu.memory_space<vmem_shared>> -> memref<128x128xf32, #tpu.memory_space<vmem_shared>>
        %dma_start3A_216 = arith.constant 0 : i32
        %dma_start3A_217 = arith.constant 0 : i32
        %dma_start3A_218 = tpu.memref_slice %arg8[%run_scoped3A_205, %dma_start3A_216, %dma_start3A_217] : memref<3x128x128xf32, #tpu.memory_space<vmem>> -> memref<1x128x128xf32, #tpu.memory_space<vmem>>
        %dma_start3A_219 = tpu.memref_squeeze %dma_start3A_218 : memref<1x128x128xf32, #tpu.memory_space<vmem>> -> memref<128x128xf32, #tpu.memory_space<vmem>>
        tpu.enqueue_dma source(%dma_start3A_219 : memref<128x128xf32, #tpu.memory_space<vmem>>) target(%dma_start3A_215 : memref<128x128xf32, #tpu.memory_space<vmem_shared>>) target_semaphore(%run_scoped3A_207 : memref<!tpu.dma_semaphore, #tpu.memory_space<semaphore_mem>>)
        %dma_wait3A_220 = arith.constant 0 : i32
        %dma_wait3A_221 = arith.constant 0 : i32
        %dma_wait3A_222 = tpu.memref_slice %arg8[%run_scoped3A_205, %dma_wait3A_220, %dma_wait3A_221] : memref<3x128x128xf32, #tpu.memory_space<vmem>> -> memref<1x128x128xf32, #tpu.memory_space<vmem>>
        %dma_wait3A_223 = tpu.memref_squeeze %dma_wait3A_222 : memref<1x128x128xf32, #tpu.memory_space<vmem>> -> memref<128x128xf32, #tpu.memory_space<vmem>>
        %dma_wait3A_224 = arith.constant 0 : i32
        %dma_wait3A_225 = tpu.memref_slice %arg9[%add3A_204, %dma_wait3A_224] : memref<10112x128xf32, #tpu.memory_space<vmem_shared>> -> memref<128x128xf32, #tpu.memory_space<vmem_shared>>
        %dma_wait3A_226 = arith.constant 0 : i32
        %dma_wait3A_227 = tpu.memref_slice %arg9[%add3A_204, %dma_wait3A_226] : memref<10112x128xf32, #tpu.memory_space<vmem_shared>> -> memref<128x128xf32, #tpu.memory_space<vmem_shared>>
        %dma_wait3A_228 = arith.constant 0 : i32
        %dma_wait3A_229 = arith.constant 0 : i32
        %dma_wait3A_230 = tpu.memref_slice %arg8[%run_scoped3A_205, %dma_wait3A_228, %dma_wait3A_229] : memref<3x128x128xf32, #tpu.memory_space<vmem>> -> memref<1x128x128xf32, #tpu.memory_space<vmem>>
        %dma_wait3A_231 = tpu.memref_squeeze %dma_wait3A_230 : memref<1x128x128xf32, #tpu.memory_space<vmem>> -> memref<128x128xf32, #tpu.memory_space<vmem>>
        tpu.wait_dma2 semaphore(%run_scoped3A_207 : memref<!tpu.dma_semaphore, #tpu.memory_space<semaphore_mem>>) src(%dma_wait3A_231 : memref<128x128xf32, #tpu.memory_space<vmem>>) dst(%dma_wait3A_227 : memref<128x128xf32, #tpu.memory_space<vmem_shared>>)
        tpu.yield
      }) : () -> ()
      %scan3A_206 = arith.constant 0 : i32
      scf.yield %scan3A_206 : i32
    }
    %scan3A_23 = arith.constant 4 : i32
    %add3A_24 = arith.constant 512 : i32
    %add3A_25 = arith.addi %mul3A_16, %add3A_24 : i32
    %run_scoped3A = arith.constant 0 : i32
    "tpu.region"() ({
      %run_scoped3A_200 = tpu.sem_alloc : memref<!tpu.dma_semaphore, #tpu.memory_space<semaphore_mem>>
      %dma_start3A_201 = arith.constant 0 : i32
      %dma_start3A_202 = arith.constant 0 : i32
      %dma_start3A_203 = tpu.memref_slice %arg8[%run_scoped3A, %dma_start3A_201, %dma_start3A_202] : memref<3x128x128xf32, #tpu.memory_space<vmem>> -> memref<1x120x128xf32, #tpu.memory_space<vmem>>
      %dma_start3A_204 = tpu.memref_squeeze %dma_start3A_203 : memref<1x120x128xf32, #tpu.memory_space<vmem>> -> memref<120x128xf32, #tpu.memory_space<vmem>>
      %dma_start3A_205 = arith.constant 0 : i32
      %dma_start3A_206 = tpu.memref_slice %arg9[%add3A_25, %dma_start3A_205] : memref<10112x128xf32, #tpu.memory_space<vmem_shared>> -> memref<120x128xf32, #tpu.memory_space<vmem_shared>>
      %dma_start3A_207 = arith.constant 0 : i32
      %dma_start3A_208 = tpu.memref_slice %arg9[%add3A_25, %dma_start3A_207] : memref<10112x128xf32, #tpu.memory_space<vmem_shared>> -> memref<120x128xf32, #tpu.memory_space<vmem_shared>>
      %dma_start3A_209 = arith.constant 0 : i32
      %dma_start3A_210 = arith.constant 0 : i32
      %dma_start3A_211 = tpu.memref_slice %arg8[%run_scoped3A, %dma_start3A_209, %dma_start3A_210] : memref<3x128x128xf32, #tpu.memory_space<vmem>> -> memref<1x120x128xf32, #tpu.memory_space<vmem>>
      %dma_start3A_212 = tpu.memref_squeeze %dma_start3A_211 : memref<1x120x128xf32, #tpu.memory_space<vmem>> -> memref<120x128xf32, #tpu.memory_space<vmem>>
      tpu.enqueue_dma source(%dma_start3A_212 : memref<120x128xf32, #tpu.memory_space<vmem>>) target(%dma_start3A_208 : memref<120x128xf32, #tpu.memory_space<vmem_shared>>) target_semaphore(%run_scoped3A_200 : memref<!tpu.dma_semaphore, #tpu.memory_space<semaphore_mem>>)
      %dma_wait3A_213 = arith.constant 0 : i32
      %dma_wait3A_214 = arith.constant 0 : i32
      %dma_wait3A_215 = tpu.memref_slice %arg8[%run_scoped3A, %dma_wait3A_213, %dma_wait3A_214] : memref<3x128x128xf32, #tpu.memory_space<vmem>> -> memref<1x120x128xf32, #tpu.memory_space<vmem>>
      %dma_wait3A_216 = tpu.memref_squeeze %dma_wait3A_215 : memref<1x120x128xf32, #tpu.memory_space<vmem>> -> memref<120x128xf32, #tpu.memory_space<vmem>>
      %dma_wait3A_217 = arith.constant 0 : i32
      %dma_wait3A_218 = tpu.memref_slice %arg9[%add3A_25, %dma_wait3A_217] : memref<10112x128xf32, #tpu.memory_space<vmem_shared>> -> memref<120x128xf32, #tpu.memory_space<vmem_shared>>
      %dma_wait3A_219 = arith.constant 0 : i32
      %dma_wait3A_220 = tpu.memref_slice %arg9[%add3A_25, %dma_wait3A_219] : memref<10112x128xf32, #tpu.memory_space<vmem_shared>> -> memref<120x128xf32, #tpu.memory_space<vmem_shared>>
      %dma_wait3A_221 = arith.constant 0 : i32
      %dma_wait3A_222 = arith.constant 0 : i32
      %dma_wait3A_223 = tpu.memref_slice %arg8[%run_scoped3A, %dma_wait3A_221, %dma_wait3A_222] : memref<3x128x128xf32, #tpu.memory_space<vmem>> -> memref<1x120x128xf32, #tpu.memory_space<vmem>>
      %dma_wait3A_224 = tpu.memref_squeeze %dma_wait3A_223 : memref<1x120x128xf32, #tpu.memory_space<vmem>> -> memref<120x128xf32, #tpu.memory_space<vmem>>
      tpu.wait_dma2 semaphore(%run_scoped3A_200 : memref<!tpu.dma_semaphore, #tpu.memory_space<semaphore_mem>>) src(%dma_wait3A_224 : memref<120x128xf32, #tpu.memory_space<vmem>>) dst(%dma_wait3A_220 : memref<120x128xf32, #tpu.memory_space<vmem_shared>>)
      tpu.yield
    }) : () -> ()
    %barrier3A = arith.constant 0 : index
    tpu.barrier barrier_id(%barrier3A)
    %add3A_26 = arith.constant 0 : i32
    %add3A_27 = arith.addi %select_n3A, %add3A_26 : i32
    %dma_start3A = arith.constant 0 : i32
    %dma_start3A_28 = arith.constant 0 : i32
    %dma_start3A_29 = tpu.memref_slice %arg6[%dma_start3A, %dma_start3A_28] : memref<3x128xi32, #tpu.memory_space<vmem>> -> memref<1x128xi32, #tpu.memory_space<vmem>>
    %dma_start3A_30 = arith.constant 0 : i32
    %dma_start3A_31 = tpu.memref_slice %arg3[%add3A_27, %dma_start3A_30] : memref<2560x128xi32, #tpu.memory_space<hbm>> -> memref<1x128xi32, #tpu.memory_space<hbm>>
    %dma_start3A_32 = arith.constant 0 : i32
    %dma_start3A_33 = arith.constant 0 : i32
    %dma_start3A_34 = tpu.memref_slice %arg6[%dma_start3A_32, %dma_start3A_33] : memref<3x128xi32, #tpu.memory_space<vmem>> -> memref<1x128xi32, #tpu.memory_space<vmem>>
    %dma_start3A_35 = arith.constant 0 : i32
    %dma_start3A_36 = tpu.memref_slice %arg3[%add3A_27, %dma_start3A_35] : memref<2560x128xi32, #tpu.memory_space<hbm>> -> memref<1x128xi32, #tpu.memory_space<hbm>>
    tpu.enqueue_dma source(%dma_start3A_36 : memref<1x128xi32, #tpu.memory_space<hbm>>) target(%dma_start3A_34 : memref<1x128xi32, #tpu.memory_space<vmem>>) target_semaphore(%arg13 : memref<!tpu.dma_semaphore, #tpu.memory_space<semaphore_mem>>)
    %add3A_37 = arith.constant 0 : i32
    %add3A_38 = arith.addi %select_n3A, %add3A_37 : i32
    %dma_start3A_39 = arith.constant 0 : i32
    %dma_start3A_40 = arith.constant 0 : i32
    %dma_start3A_41 = tpu.memref_slice %arg7[%dma_start3A_39, %dma_start3A_40] : memref<3x128xi32, #tpu.memory_space<vmem>> -> memref<1x128xi32, #tpu.memory_space<vmem>>
    %dma_start3A_42 = arith.constant 0 : i32
    %dma_start3A_43 = tpu.memref_slice %arg4[%add3A_38, %dma_start3A_42] : memref<2560x128xi32, #tpu.memory_space<hbm>> -> memref<1x128xi32, #tpu.memory_space<hbm>>
    %dma_start3A_44 = arith.constant 0 : i32
    %dma_start3A_45 = arith.constant 0 : i32
    %dma_start3A_46 = tpu.memref_slice %arg7[%dma_start3A_44, %dma_start3A_45] : memref<3x128xi32, #tpu.memory_space<vmem>> -> memref<1x128xi32, #tpu.memory_space<vmem>>
    %dma_start3A_47 = arith.constant 0 : i32
    %dma_start3A_48 = tpu.memref_slice %arg4[%add3A_38, %dma_start3A_47] : memref<2560x128xi32, #tpu.memory_space<hbm>> -> memref<1x128xi32, #tpu.memory_space<hbm>>
    tpu.enqueue_dma source(%dma_start3A_48 : memref<1x128xi32, #tpu.memory_space<hbm>>) target(%dma_start3A_46 : memref<1x128xi32, #tpu.memory_space<vmem>>) target_semaphore(%arg16 : memref<!tpu.dma_semaphore, #tpu.memory_space<semaphore_mem>>)
    %add3A_49 = arith.constant 1 : i32
    %add3A_50 = arith.addi %select_n3A, %add3A_49 : i32
    %dma_start3A_51 = arith.constant 1 : i32
    %dma_start3A_52 = arith.constant 0 : i32
    %dma_start3A_53 = tpu.memref_slice %arg6[%dma_start3A_51, %dma_start3A_52] : memref<3x128xi32, #tpu.memory_space<vmem>> -> memref<1x128xi32, #tpu.memory_space<vmem>>
    %dma_start3A_54 = arith.constant 0 : i32
    %dma_start3A_55 = tpu.memref_slice %arg3[%add3A_50, %dma_start3A_54] : memref<2560x128xi32, #tpu.memory_space<hbm>> -> memref<1x128xi32, #tpu.memory_space<hbm>>
    %dma_start3A_56 = arith.constant 1 : i32
    %dma_start3A_57 = arith.constant 0 : i32
    %dma_start3A_58 = tpu.memref_slice %arg6[%dma_start3A_56, %dma_start3A_57] : memref<3x128xi32, #tpu.memory_space<vmem>> -> memref<1x128xi32, #tpu.memory_space<vmem>>
    %dma_start3A_59 = arith.constant 0 : i32
    %dma_start3A_60 = tpu.memref_slice %arg3[%add3A_50, %dma_start3A_59] : memref<2560x128xi32, #tpu.memory_space<hbm>> -> memref<1x128xi32, #tpu.memory_space<hbm>>
    tpu.enqueue_dma source(%dma_start3A_60 : memref<1x128xi32, #tpu.memory_space<hbm>>) target(%dma_start3A_58 : memref<1x128xi32, #tpu.memory_space<vmem>>) target_semaphore(%arg14 : memref<!tpu.dma_semaphore, #tpu.memory_space<semaphore_mem>>)
    %add3A_61 = arith.constant 1 : i32
    %add3A_62 = arith.addi %select_n3A, %add3A_61 : i32
    %dma_start3A_63 = arith.constant 1 : i32
    %dma_start3A_64 = arith.constant 0 : i32
    %dma_start3A_65 = tpu.memref_slice %arg7[%dma_start3A_63, %dma_start3A_64] : memref<3x128xi32, #tpu.memory_space<vmem>> -> memref<1x128xi32, #tpu.memory_space<vmem>>
    %dma_start3A_66 = arith.constant 0 : i32
    %dma_start3A_67 = tpu.memref_slice %arg4[%add3A_62, %dma_start3A_66] : memref<2560x128xi32, #tpu.memory_space<hbm>> -> memref<1x128xi32, #tpu.memory_space<hbm>>
    %dma_start3A_68 = arith.constant 1 : i32
    %dma_start3A_69 = arith.constant 0 : i32
    %dma_start3A_70 = tpu.memref_slice %arg7[%dma_start3A_68, %dma_start3A_69] : memref<3x128xi32, #tpu.memory_space<vmem>> -> memref<1x128xi32, #tpu.memory_space<vmem>>
    %dma_start3A_71 = arith.constant 0 : i32
    %dma_start3A_72 = tpu.memref_slice %arg4[%add3A_62, %dma_start3A_71] : memref<2560x128xi32, #tpu.memory_space<hbm>> -> memref<1x128xi32, #tpu.memory_space<hbm>>
    tpu.enqueue_dma source(%dma_start3A_72 : memref<1x128xi32, #tpu.memory_space<hbm>>) target(%dma_start3A_70 : memref<1x128xi32, #tpu.memory_space<vmem>>) target_semaphore(%arg17 : memref<!tpu.dma_semaphore, #tpu.memory_space<semaphore_mem>>)
    %add3A_73 = arith.constant 2 : i32
    %add3A_74 = arith.addi %select_n3A, %add3A_73 : i32
    %dma_start3A_75 = arith.constant 2 : i32
    %dma_start3A_76 = arith.constant 0 : i32
    %dma_start3A_77 = tpu.memref_slice %arg6[%dma_start3A_75, %dma_start3A_76] : memref<3x128xi32, #tpu.memory_space<vmem>> -> memref<1x128xi32, #tpu.memory_space<vmem>>
    %dma_start3A_78 = arith.constant 0 : i32
    %dma_start3A_79 = tpu.memref_slice %arg3[%add3A_74, %dma_start3A_78] : memref<2560x128xi32, #tpu.memory_space<hbm>> -> memref<1x128xi32, #tpu.memory_space<hbm>>
    %dma_start3A_80 = arith.constant 2 : i32
    %dma_start3A_81 = arith.constant 0 : i32
    %dma_start3A_82 = tpu.memref_slice %arg6[%dma_start3A_80, %dma_start3A_81] : memref<3x128xi32, #tpu.memory_space<vmem>> -> memref<1x128xi32, #tpu.memory_space<vmem>>
    %dma_start3A_83 = arith.constant 0 : i32
    %dma_start3A_84 = tpu.memref_slice %arg3[%add3A_74, %dma_start3A_83] : memref<2560x128xi32, #tpu.memory_space<hbm>> -> memref<1x128xi32, #tpu.memory_space<hbm>>
    tpu.enqueue_dma source(%dma_start3A_84 : memref<1x128xi32, #tpu.memory_space<hbm>>) target(%dma_start3A_82 : memref<1x128xi32, #tpu.memory_space<vmem>>) target_semaphore(%arg15 : memref<!tpu.dma_semaphore, #tpu.memory_space<semaphore_mem>>)
    %add3A_85 = arith.constant 2 : i32
    %add3A_86 = arith.addi %select_n3A, %add3A_85 : i32
    %dma_start3A_87 = arith.constant 2 : i32
    %dma_start3A_88 = arith.constant 0 : i32
    %dma_start3A_89 = tpu.memref_slice %arg7[%dma_start3A_87, %dma_start3A_88] : memref<3x128xi32, #tpu.memory_space<vmem>> -> memref<1x128xi32, #tpu.memory_space<vmem>>
    %dma_start3A_90 = arith.constant 0 : i32
    %dma_start3A_91 = tpu.memref_slice %arg4[%add3A_86, %dma_start3A_90] : memref<2560x128xi32, #tpu.memory_space<hbm>> -> memref<1x128xi32, #tpu.memory_space<hbm>>
    %dma_start3A_92 = arith.constant 2 : i32
    %dma_start3A_93 = arith.constant 0 : i32
    %dma_start3A_94 = tpu.memref_slice %arg7[%dma_start3A_92, %dma_start3A_93] : memref<3x128xi32, #tpu.memory_space<vmem>> -> memref<1x128xi32, #tpu.memory_space<vmem>>
    %dma_start3A_95 = arith.constant 0 : i32
    %dma_start3A_96 = tpu.memref_slice %arg4[%add3A_86, %dma_start3A_95] : memref<2560x128xi32, #tpu.memory_space<hbm>> -> memref<1x128xi32, #tpu.memory_space<hbm>>
    tpu.enqueue_dma source(%dma_start3A_96 : memref<1x128xi32, #tpu.memory_space<hbm>>) target(%dma_start3A_94 : memref<1x128xi32, #tpu.memory_space<vmem>>) target_semaphore(%arg18 : memref<!tpu.dma_semaphore, #tpu.memory_space<semaphore_mem>>)
    %dma_wait3A = arith.constant 0 : i32
    %dma_wait3A_97 = arith.constant 0 : i32
    %dma_wait3A_98 = tpu.memref_slice %arg6[%dma_wait3A, %dma_wait3A_97] : memref<3x128xi32, #tpu.memory_space<vmem>> -> memref<1x128xi32, #tpu.memory_space<vmem>>
    %dma_wait3A_99 = arith.constant 0 : i32
    %dma_wait3A_100 = tpu.memref_slice %arg3[%select_n3A, %dma_wait3A_99] : memref<2560x128xi32, #tpu.memory_space<hbm>> -> memref<1x128xi32, #tpu.memory_space<hbm>>
    %dma_wait3A_101 = arith.constant 0 : i32
    %dma_wait3A_102 = arith.constant 0 : i32
    %dma_wait3A_103 = tpu.memref_slice %arg6[%dma_wait3A_101, %dma_wait3A_102] : memref<3x128xi32, #tpu.memory_space<vmem>> -> memref<1x128xi32, #tpu.memory_space<vmem>>
    %dma_wait3A_104 = arith.constant 0 : i32
    %dma_wait3A_105 = tpu.memref_slice %arg3[%select_n3A, %dma_wait3A_104] : memref<2560x128xi32, #tpu.memory_space<hbm>> -> memref<1x128xi32, #tpu.memory_space<hbm>>
    tpu.wait_dma2 semaphore(%arg13 : memref<!tpu.dma_semaphore, #tpu.memory_space<semaphore_mem>>) src(%dma_wait3A_105 : memref<1x128xi32, #tpu.memory_space<hbm>>) dst(%dma_wait3A_103 : memref<1x128xi32, #tpu.memory_space<vmem>>)
    %dma_start3A_106 = arith.constant 0 : i32
    %dma_start3A_107 = arith.constant 0 : i32
    %dma_start3A_108 = arith.constant 0 : i32
    %dma_start3A_109 = arith.constant 0 : i32
    %dma_start3A_110 = tpu.memref_slice %arg8[%dma_start3A_107, %dma_start3A_108, %dma_start3A_109] : memref<3x128x128xf32, #tpu.memory_space<vmem>> -> memref<1x128x128xf32, #tpu.memory_space<vmem>>
    %dma_start3A_111 = tpu.memref_squeeze %dma_start3A_110 : memref<1x128x128xf32, #tpu.memory_space<vmem>> -> memref<128x128xf32, #tpu.memory_space<vmem>>
    %dma_start3A_112 = arith.constant 0 : i32
    %dma_start3A_113 = tpu.memref_slice %arg6[%dma_start3A_106, %dma_start3A_112] : memref<3x128xi32, #tpu.memory_space<vmem>> -> memref<1x128xi32, #tpu.memory_space<vmem>>
    %dma_start3A_114 = tpu.memref_squeeze %dma_start3A_113 : memref<1x128xi32, #tpu.memory_space<vmem>> -> memref<128xi32, #tpu.memory_space<vmem>>
    %dma_start3A_115 = arith.constant 0 : i32
    %dma_start3A_116 = arith.constant 0 : i32
    %dma_start3A_117 = tpu.memref_slice %arg2[%dma_start3A_115, %dma_start3A_116] : memref<10240x128xf32, #tpu.memory_space<hbm>> -> memref<10240x128xf32, #tpu.memory_space<hbm>>
    tpu.enqueue_indirect_dma source(%dma_start3A_117 : memref<10240x128xf32, #tpu.memory_space<hbm>>) target(%dma_start3A_111 : memref<128x128xf32, #tpu.memory_space<vmem>>) offsets(%dma_start3A_114 : memref<128xi32, #tpu.memory_space<vmem>>) semaphore(%arg10 : memref<!tpu.dma_semaphore, #tpu.memory_space<semaphore_mem>>)
    %dma_wait3A_118 = arith.constant 1 : i32
    %dma_wait3A_119 = arith.constant 0 : i32
    %dma_wait3A_120 = tpu.memref_slice %arg6[%dma_wait3A_118, %dma_wait3A_119] : memref<3x128xi32, #tpu.memory_space<vmem>> -> memref<1x128xi32, #tpu.memory_space<vmem>>
    %dma_wait3A_121 = arith.constant 0 : i32
    %dma_wait3A_122 = tpu.memref_slice %arg3[%select_n3A, %dma_wait3A_121] : memref<2560x128xi32, #tpu.memory_space<hbm>> -> memref<1x128xi32, #tpu.memory_space<hbm>>
    %dma_wait3A_123 = arith.constant 1 : i32
    %dma_wait3A_124 = arith.constant 0 : i32
    %dma_wait3A_125 = tpu.memref_slice %arg6[%dma_wait3A_123, %dma_wait3A_124] : memref<3x128xi32, #tpu.memory_space<vmem>> -> memref<1x128xi32, #tpu.memory_space<vmem>>
    %dma_wait3A_126 = arith.constant 0 : i32
    %dma_wait3A_127 = tpu.memref_slice %arg3[%select_n3A, %dma_wait3A_126] : memref<2560x128xi32, #tpu.memory_space<hbm>> -> memref<1x128xi32, #tpu.memory_space<hbm>>
    tpu.wait_dma2 semaphore(%arg14 : memref<!tpu.dma_semaphore, #tpu.memory_space<semaphore_mem>>) src(%dma_wait3A_127 : memref<1x128xi32, #tpu.memory_space<hbm>>) dst(%dma_wait3A_125 : memref<1x128xi32, #tpu.memory_space<vmem>>)
    %dma_start3A_128 = arith.constant 1 : i32
    %dma_start3A_129 = arith.constant 1 : i32
    %dma_start3A_130 = arith.constant 0 : i32
    %dma_start3A_131 = arith.constant 0 : i32
    %dma_start3A_132 = tpu.memref_slice %arg8[%dma_start3A_129, %dma_start3A_130, %dma_start3A_131] : memref<3x128x128xf32, #tpu.memory_space<vmem>> -> memref<1x128x128xf32, #tpu.memory_space<vmem>>
    %dma_start3A_133 = tpu.memref_squeeze %dma_start3A_132 : memref<1x128x128xf32, #tpu.memory_space<vmem>> -> memref<128x128xf32, #tpu.memory_space<vmem>>
    %dma_start3A_134 = arith.constant 0 : i32
    %dma_start3A_135 = tpu.memref_slice %arg6[%dma_start3A_128, %dma_start3A_134] : memref<3x128xi32, #tpu.memory_space<vmem>> -> memref<1x128xi32, #tpu.memory_space<vmem>>
    %dma_start3A_136 = tpu.memref_squeeze %dma_start3A_135 : memref<1x128xi32, #tpu.memory_space<vmem>> -> memref<128xi32, #tpu.memory_space<vmem>>
    %dma_start3A_137 = arith.constant 0 : i32
    %dma_start3A_138 = arith.constant 0 : i32
    %dma_start3A_139 = tpu.memref_slice %arg2[%dma_start3A_137, %dma_start3A_138] : memref<10240x128xf32, #tpu.memory_space<hbm>> -> memref<10240x128xf32, #tpu.memory_space<hbm>>
    tpu.enqueue_indirect_dma source(%dma_start3A_139 : memref<10240x128xf32, #tpu.memory_space<hbm>>) target(%dma_start3A_133 : memref<128x128xf32, #tpu.memory_space<vmem>>) offsets(%dma_start3A_136 : memref<128xi32, #tpu.memory_space<vmem>>) semaphore(%arg11 : memref<!tpu.dma_semaphore, #tpu.memory_space<semaphore_mem>>)
    %dma_wait3A_140 = arith.constant 2 : i32
    %dma_wait3A_141 = arith.constant 0 : i32
    %dma_wait3A_142 = tpu.memref_slice %arg6[%dma_wait3A_140, %dma_wait3A_141] : memref<3x128xi32, #tpu.memory_space<vmem>> -> memref<1x128xi32, #tpu.memory_space<vmem>>
    %dma_wait3A_143 = arith.constant 0 : i32
    %dma_wait3A_144 = tpu.memref_slice %arg3[%select_n3A, %dma_wait3A_143] : memref<2560x128xi32, #tpu.memory_space<hbm>> -> memref<1x128xi32, #tpu.memory_space<hbm>>
    %dma_wait3A_145 = arith.constant 2 : i32
    %dma_wait3A_146 = arith.constant 0 : i32
    %dma_wait3A_147 = tpu.memref_slice %arg6[%dma_wait3A_145, %dma_wait3A_146] : memref<3x128xi32, #tpu.memory_space<vmem>> -> memref<1x128xi32, #tpu.memory_space<vmem>>
    %dma_wait3A_148 = arith.constant 0 : i32
    %dma_wait3A_149 = tpu.memref_slice %arg3[%select_n3A, %dma_wait3A_148] : memref<2560x128xi32, #tpu.memory_space<hbm>> -> memref<1x128xi32, #tpu.memory_space<hbm>>
    tpu.wait_dma2 semaphore(%arg15 : memref<!tpu.dma_semaphore, #tpu.memory_space<semaphore_mem>>) src(%dma_wait3A_149 : memref<1x128xi32, #tpu.memory_space<hbm>>) dst(%dma_wait3A_147 : memref<1x128xi32, #tpu.memory_space<vmem>>)
    %dma_start3A_150 = arith.constant 2 : i32
    %dma_start3A_151 = arith.constant 2 : i32
    %dma_start3A_152 = arith.constant 0 : i32
    %dma_start3A_153 = arith.constant 0 : i32
    %dma_start3A_154 = tpu.memref_slice %arg8[%dma_start3A_151, %dma_start3A_152, %dma_start3A_153] : memref<3x128x128xf32, #tpu.memory_space<vmem>> -> memref<1x128x128xf32, #tpu.memory_space<vmem>>
    %dma_start3A_155 = tpu.memref_squeeze %dma_start3A_154 : memref<1x128x128xf32, #tpu.memory_space<vmem>> -> memref<128x128xf32, #tpu.memory_space<vmem>>
    %dma_start3A_156 = arith.constant 0 : i32
    %dma_start3A_157 = tpu.memref_slice %arg6[%dma_start3A_150, %dma_start3A_156] : memref<3x128xi32, #tpu.memory_space<vmem>> -> memref<1x128xi32, #tpu.memory_space<vmem>>
    %dma_start3A_158 = tpu.memref_squeeze %dma_start3A_157 : memref<1x128xi32, #tpu.memory_space<vmem>> -> memref<128xi32, #tpu.memory_space<vmem>>
    %dma_start3A_159 = arith.constant 0 : i32
    %dma_start3A_160 = arith.constant 0 : i32
    %dma_start3A_161 = tpu.memref_slice %arg2[%dma_start3A_159, %dma_start3A_160] : memref<10240x128xf32, #tpu.memory_space<hbm>> -> memref<10240x128xf32, #tpu.memory_space<hbm>>
    tpu.enqueue_indirect_dma source(%dma_start3A_161 : memref<10240x128xf32, #tpu.memory_space<hbm>>) target(%dma_start3A_155 : memref<128x128xf32, #tpu.memory_space<vmem>>) offsets(%dma_start3A_158 : memref<128xi32, #tpu.memory_space<vmem>>) semaphore(%arg12 : memref<!tpu.dma_semaphore, #tpu.memory_space<semaphore_mem>>)
    %add3A_162 = arith.constant 3 : i32
    %add3A_163 = arith.addi %select_n3A_8, %add3A_162 : i32
    %sub3A = arith.constant 1 : i32
    %sub3A_164 = arith.subi %add3A_163, %sub3A : i32
    %jit3A_165 = arith.constant 3 : i32
    %div3A = arith.divsi %sub3A_164, %jit3A_165 : i32
    %sign3A = arith.constant 0 : i32
    %sign3A_166 = arith.cmpi sgt, %sub3A_164, %sign3A : i32
    %sign3A_167 = arith.extui %sign3A_166 : i1 to i32
    %sign3A_168 = arith.constant 0 : i32
    %sign3A_169 = arith.cmpi slt, %sub3A_164, %sign3A_168 : i32
    %sign3A_170 = arith.extui %sign3A_169 : i1 to i32
    %sign3A_171 = arith.subi %sign3A_167, %sign3A_170 : i32
    %sign3A_172 = arith.constant 0 : i32
    %sign3A_173 = arith.cmpi sgt, %jit3A_165, %sign3A_172 : i32
    %sign3A_174 = arith.extui %sign3A_173 : i1 to i32
    %sign3A_175 = arith.constant 0 : i32
    %sign3A_176 = arith.cmpi slt, %jit3A_165, %sign3A_175 : i32
    %sign3A_177 = arith.extui %sign3A_176 : i1 to i32
    %sign3A_178 = arith.subi %sign3A_174, %sign3A_177 : i32
    %ne3A = arith.cmpi ne, %sign3A_171, %sign3A_178 : i32
    %rem3A = arith.remsi %sub3A_164, %jit3A_165 : i32
    %ne3A_179 = arith.constant 0 : i32
    %ne3A_180 = arith.cmpi ne, %rem3A, %ne3A_179 : i32
    %and3A = arith.andi %ne3A, %ne3A_180 : i1
    %sub3A_181 = arith.constant 1 : i32
    %sub3A_182 = arith.subi %div3A, %sub3A_181 : i32
    %select_n3A_183 = arith.select %and3A, %sub3A_182, %div3A : i32
    %while3A = arith.constant 0 : i32
    %while3A_184 = arith.constant 0 : i32
    %while3A_185 = arith.subi %select_n3A_183, %while3A : i32
    %while3A_186 = arith.addi %while3A, %while3A_185 : i32
    %while3A_187 = arith.constant 1 : i32
    %while3A_188 = arith.divsi %while3A_185, %while3A_187 : i32
    %while3A_189 = arith.muli %while3A_188, %while3A_187 : i32
    %while3A_190 = arith.addi %while3A, %while3A_189 : i32
    %while3A_191 = arith.constant 1 : i32
    %while3A_192 = scf.for %while3A_200 = %while3A to %while3A_190 step %while3A_191 iter_args(%while3A_201 = %while3A_184) -> (i32)  : i32 {
      %mul3A_202 = arith.constant 3 : i32
      %mul3A_203 = arith.muli %while3A_200, %mul3A_202 : i32
      %add3A_204 = arith.constant 0 : i32
      %add3A_205 = arith.addi %mul3A_203, %add3A_204 : i32
      %lt3A = arith.cmpi slt, %add3A_205, %select_n3A_8 : i32
      %convert_element_type3A = arith.extui %lt3A : i1 to i32
      %cond3A = arith.constant 0 : i32
      %cond3A_206 = arith.cmpi ne, %convert_element_type3A, %cond3A : i32
      scf.if %cond3A_206 {
        %dma_wait3A_224 = arith.constant 0 : i32
        %dma_wait3A_225 = arith.constant 0 : i32
        %dma_wait3A_226 = arith.constant 0 : i32
        %dma_wait3A_227 = arith.constant 0 : i32
        %dma_wait3A_228 = tpu.memref_slice %arg8[%dma_wait3A_225, %dma_wait3A_226, %dma_wait3A_227] : memref<3x128x128xf32, #tpu.memory_space<vmem>> -> memref<1x128x128xf32, #tpu.memory_space<vmem>>
        %dma_wait3A_229 = tpu.memref_squeeze %dma_wait3A_228 : memref<1x128x128xf32, #tpu.memory_space<vmem>> -> memref<128x128xf32, #tpu.memory_space<vmem>>
        %dma_wait3A_230 = arith.constant 0 : i32
        %dma_wait3A_231 = tpu.memref_slice %arg6[%dma_wait3A_224, %dma_wait3A_230] : memref<3x128xi32, #tpu.memory_space<vmem>> -> memref<1x128xi32, #tpu.memory_space<vmem>>
        %dma_wait3A_232 = tpu.memref_squeeze %dma_wait3A_231 : memref<1x128xi32, #tpu.memory_space<vmem>> -> memref<128xi32, #tpu.memory_space<vmem>>
        %dma_wait3A_233 = arith.constant 0 : i32
        %dma_wait3A_234 = arith.constant 0 : i32
        %dma_wait3A_235 = tpu.memref_slice %arg2[%dma_wait3A_233, %dma_wait3A_234] : memref<10240x128xf32, #tpu.memory_space<hbm>> -> memref<10240x128xf32, #tpu.memory_space<hbm>>
        tpu.wait_indirect_dma semaphore(%arg10 : memref<!tpu.dma_semaphore, #tpu.memory_space<semaphore_mem>>) src(%dma_wait3A_235 : memref<10240x128xf32, #tpu.memory_space<hbm>>) dst(%dma_wait3A_229 : memref<128x128xf32, #tpu.memory_space<vmem>>)
        %add3A_236 = arith.constant 3 : i32
        %add3A_237 = arith.addi %add3A_205, %add3A_236 : i32
        %lt3A_238 = arith.cmpi slt, %add3A_237, %select_n3A_8 : i32
        %convert_element_type3A_239 = arith.extui %lt3A_238 : i1 to i32
        %cond3A_240 = arith.constant 0 : i32
        %cond3A_241 = arith.cmpi ne, %convert_element_type3A_239, %cond3A_240 : i32
        scf.if %cond3A_241 {
          %add3A_260 = arith.constant 3 : i32
          %add3A_261 = arith.addi %add3A_205, %add3A_260 : i32
          %add3A_262 = arith.addi %select_n3A, %add3A_261 : i32
          %dma_start3A_263 = arith.constant 0 : i32
          %dma_start3A_264 = arith.constant 0 : i32
          %dma_start3A_265 = tpu.memref_slice %arg6[%dma_start3A_263, %dma_start3A_264] : memref<3x128xi32, #tpu.memory_space<vmem>> -> memref<1x128xi32, #tpu.memory_space<vmem>>
          %dma_start3A_266 = arith.constant 0 : i32
          %dma_start3A_267 = tpu.memref_slice %arg3[%add3A_262, %dma_start3A_266] : memref<2560x128xi32, #tpu.memory_space<hbm>> -> memref<1x128xi32, #tpu.memory_space<hbm>>
          %dma_start3A_268 = arith.constant 0 : i32
          %dma_start3A_269 = arith.constant 0 : i32
          %dma_start3A_270 = tpu.memref_slice %arg6[%dma_start3A_268, %dma_start3A_269] : memref<3x128xi32, #tpu.memory_space<vmem>> -> memref<1x128xi32, #tpu.memory_space<vmem>>
          %dma_start3A_271 = arith.constant 0 : i32
          %dma_start3A_272 = tpu.memref_slice %arg3[%add3A_262, %dma_start3A_271] : memref<2560x128xi32, #tpu.memory_space<hbm>> -> memref<1x128xi32, #tpu.memory_space<hbm>>
          tpu.enqueue_dma source(%dma_start3A_272 : memref<1x128xi32, #tpu.memory_space<hbm>>) target(%dma_start3A_270 : memref<1x128xi32, #tpu.memory_space<vmem>>) target_semaphore(%arg13 : memref<!tpu.dma_semaphore, #tpu.memory_space<semaphore_mem>>)
        } else {
        }
        %dma_wait3A_242 = arith.constant 0 : i32
        %dma_wait3A_243 = arith.constant 0 : i32
        %dma_wait3A_244 = tpu.memref_slice %arg7[%dma_wait3A_242, %dma_wait3A_243] : memref<3x128xi32, #tpu.memory_space<vmem>> -> memref<1x128xi32, #tpu.memory_space<vmem>>
        %dma_wait3A_245 = arith.constant 0 : i32
        %dma_wait3A_246 = tpu.memref_slice %arg4[%select_n3A, %dma_wait3A_245] : memref<2560x128xi32, #tpu.memory_space<hbm>> -> memref<1x128xi32, #tpu.memory_space<hbm>>
        %dma_wait3A_247 = arith.constant 0 : i32
        %dma_wait3A_248 = arith.constant 0 : i32
        %dma_wait3A_249 = tpu.memref_slice %arg7[%dma_wait3A_247, %dma_wait3A_248] : memref<3x128xi32, #tpu.memory_space<vmem>> -> memref<1x128xi32, #tpu.memory_space<vmem>>
        %dma_wait3A_250 = arith.constant 0 : i32
        %dma_wait3A_251 = tpu.memref_slice %arg4[%select_n3A, %dma_wait3A_250] : memref<2560x128xi32, #tpu.memory_space<hbm>> -> memref<1x128xi32, #tpu.memory_space<hbm>>
        tpu.wait_dma2 semaphore(%arg16 : memref<!tpu.dma_semaphore, #tpu.memory_space<semaphore_mem>>) src(%dma_wait3A_251 : memref<1x128xi32, #tpu.memory_space<hbm>>) dst(%dma_wait3A_249 : memref<1x128xi32, #tpu.memory_space<vmem>>)
        %run_scoped3A_252 = arith.constant 0 : i32
        %run_scoped3A_253 = arith.constant 0 : i32
        "tpu.region"() ({
          %run_scoped3A_260 = tpu.sem_alloc : memref<!tpu.dma_semaphore, #tpu.memory_space<semaphore_mem>>
          %dma_start3A_261 = arith.constant 0 : i32
          %dma_start3A_262 = arith.constant 0 : i32
          %dma_start3A_263 = tpu.memref_slice %arg8[%run_scoped3A_252, %dma_start3A_261, %dma_start3A_262] : memref<3x128x128xf32, #tpu.memory_space<vmem>> -> memref<1x128x128xf32, #tpu.memory_space<vmem>>
          %dma_start3A_264 = tpu.memref_squeeze %dma_start3A_263 : memref<1x128x128xf32, #tpu.memory_space<vmem>> -> memref<128x128xf32, #tpu.memory_space<vmem>>
          %dma_start3A_265 = arith.constant 0 : i32
          %dma_start3A_266 = tpu.memref_slice %arg7[%run_scoped3A_253, %dma_start3A_265] : memref<3x128xi32, #tpu.memory_space<vmem>> -> memref<1x128xi32, #tpu.memory_space<vmem>>
          %dma_start3A_267 = tpu.memref_squeeze %dma_start3A_266 : memref<1x128xi32, #tpu.memory_space<vmem>> -> memref<128xi32, #tpu.memory_space<vmem>>
          %dma_start3A_268 = arith.constant 0 : i32
          %dma_start3A_269 = arith.constant 0 : i32
          %dma_start3A_270 = tpu.memref_slice %arg9[%dma_start3A_268, %dma_start3A_269] : memref<10112x128xf32, #tpu.memory_space<vmem_shared>> -> memref<10112x128xf32, #tpu.memory_space<vmem_shared>>
          tpu.enqueue_indirect_dma source(%dma_start3A_264 : memref<128x128xf32, #tpu.memory_space<vmem>>) target(%dma_start3A_270 : memref<10112x128xf32, #tpu.memory_space<vmem_shared>>) offsets(%dma_start3A_267 : memref<128xi32, #tpu.memory_space<vmem>>) semaphore(%run_scoped3A_260 : memref<!tpu.dma_semaphore, #tpu.memory_space<semaphore_mem>>) {add = true}
          %dma_wait3A_271 = arith.constant 0 : i32
          %dma_wait3A_272 = arith.constant 0 : i32
          %dma_wait3A_273 = tpu.memref_slice %arg8[%run_scoped3A_252, %dma_wait3A_271, %dma_wait3A_272] : memref<3x128x128xf32, #tpu.memory_space<vmem>> -> memref<1x128x128xf32, #tpu.memory_space<vmem>>
          %dma_wait3A_274 = tpu.memref_squeeze %dma_wait3A_273 : memref<1x128x128xf32, #tpu.memory_space<vmem>> -> memref<128x128xf32, #tpu.memory_space<vmem>>
          %dma_wait3A_275 = arith.constant 0 : i32
          %dma_wait3A_276 = tpu.memref_slice %arg7[%run_scoped3A_253, %dma_wait3A_275] : memref<3x128xi32, #tpu.memory_space<vmem>> -> memref<1x128xi32, #tpu.memory_space<vmem>>
          %dma_wait3A_277 = tpu.memref_squeeze %dma_wait3A_276 : memref<1x128xi32, #tpu.memory_space<vmem>> -> memref<128xi32, #tpu.memory_space<vmem>>
          %dma_wait3A_278 = arith.constant 0 : i32
          %dma_wait3A_279 = arith.constant 0 : i32
          %dma_wait3A_280 = tpu.memref_slice %arg9[%dma_wait3A_278, %dma_wait3A_279] : memref<10112x128xf32, #tpu.memory_space<vmem_shared>> -> memref<10112x128xf32, #tpu.memory_space<vmem_shared>>
          tpu.wait_indirect_dma semaphore(%run_scoped3A_260 : memref<!tpu.dma_semaphore, #tpu.memory_space<semaphore_mem>>) src(%dma_wait3A_274 : memref<128x128xf32, #tpu.memory_space<vmem>>) dst(%dma_wait3A_280 : memref<10112x128xf32, #tpu.memory_space<vmem_shared>>)
          tpu.yield
        }) : () -> ()
        %add3A_254 = arith.constant 3 : i32
        %add3A_255 = arith.addi %add3A_205, %add3A_254 : i32
        %lt3A_256 = arith.cmpi slt, %add3A_255, %select_n3A_8 : i32
        %convert_element_type3A_257 = arith.extui %lt3A_256 : i1 to i32
        %cond3A_258 = arith.constant 0 : i32
        %cond3A_259 = arith.cmpi ne, %convert_element_type3A_257, %cond3A_258 : i32
        scf.if %cond3A_259 {
          %add3A_260 = arith.constant 3 : i32
          %add3A_261 = arith.addi %add3A_205, %add3A_260 : i32
          %add3A_262 = arith.addi %select_n3A, %add3A_261 : i32
          %dma_start3A_263 = arith.constant 0 : i32
          %dma_start3A_264 = arith.constant 0 : i32
          %dma_start3A_265 = tpu.memref_slice %arg7[%dma_start3A_263, %dma_start3A_264] : memref<3x128xi32, #tpu.memory_space<vmem>> -> memref<1x128xi32, #tpu.memory_space<vmem>>
          %dma_start3A_266 = arith.constant 0 : i32
          %dma_start3A_267 = tpu.memref_slice %arg4[%add3A_262, %dma_start3A_266] : memref<2560x128xi32, #tpu.memory_space<hbm>> -> memref<1x128xi32, #tpu.memory_space<hbm>>
          %dma_start3A_268 = arith.constant 0 : i32
          %dma_start3A_269 = arith.constant 0 : i32
          %dma_start3A_270 = tpu.memref_slice %arg7[%dma_start3A_268, %dma_start3A_269] : memref<3x128xi32, #tpu.memory_space<vmem>> -> memref<1x128xi32, #tpu.memory_space<vmem>>
          %dma_start3A_271 = arith.constant 0 : i32
          %dma_start3A_272 = tpu.memref_slice %arg4[%add3A_262, %dma_start3A_271] : memref<2560x128xi32, #tpu.memory_space<hbm>> -> memref<1x128xi32, #tpu.memory_space<hbm>>
          tpu.enqueue_dma source(%dma_start3A_272 : memref<1x128xi32, #tpu.memory_space<hbm>>) target(%dma_start3A_270 : memref<1x128xi32, #tpu.memory_space<vmem>>) target_semaphore(%arg16 : memref<!tpu.dma_semaphore, #tpu.memory_space<semaphore_mem>>)
          %dma_wait3A_273 = arith.constant 0 : i32
          %dma_wait3A_274 = arith.constant 0 : i32
          %dma_wait3A_275 = tpu.memref_slice %arg6[%dma_wait3A_273, %dma_wait3A_274] : memref<3x128xi32, #tpu.memory_space<vmem>> -> memref<1x128xi32, #tpu.memory_space<vmem>>
          %dma_wait3A_276 = arith.constant 0 : i32
          %dma_wait3A_277 = tpu.memref_slice %arg3[%select_n3A, %dma_wait3A_276] : memref<2560x128xi32, #tpu.memory_space<hbm>> -> memref<1x128xi32, #tpu.memory_space<hbm>>
          %dma_wait3A_278 = arith.constant 0 : i32
          %dma_wait3A_279 = arith.constant 0 : i32
          %dma_wait3A_280 = tpu.memref_slice %arg6[%dma_wait3A_278, %dma_wait3A_279] : memref<3x128xi32, #tpu.memory_space<vmem>> -> memref<1x128xi32, #tpu.memory_space<vmem>>
          %dma_wait3A_281 = arith.constant 0 : i32
          %dma_wait3A_282 = tpu.memref_slice %arg3[%select_n3A, %dma_wait3A_281] : memref<2560x128xi32, #tpu.memory_space<hbm>> -> memref<1x128xi32, #tpu.memory_space<hbm>>
          tpu.wait_dma2 semaphore(%arg13 : memref<!tpu.dma_semaphore, #tpu.memory_space<semaphore_mem>>) src(%dma_wait3A_282 : memref<1x128xi32, #tpu.memory_space<hbm>>) dst(%dma_wait3A_280 : memref<1x128xi32, #tpu.memory_space<vmem>>)
          %add3A_283 = arith.constant 3 : i32
          %add3A_284 = arith.addi %add3A_205, %add3A_283 : i32
          %dma_start3A_285 = arith.constant 0 : i32
          %dma_start3A_286 = arith.constant 0 : i32
          %dma_start3A_287 = arith.constant 0 : i32
          %dma_start3A_288 = arith.constant 0 : i32
          %dma_start3A_289 = tpu.memref_slice %arg8[%dma_start3A_286, %dma_start3A_287, %dma_start3A_288] : memref<3x128x128xf32, #tpu.memory_space<vmem>> -> memref<1x128x128xf32, #tpu.memory_space<vmem>>
          %dma_start3A_290 = tpu.memref_squeeze %dma_start3A_289 : memref<1x128x128xf32, #tpu.memory_space<vmem>> -> memref<128x128xf32, #tpu.memory_space<vmem>>
          %dma_start3A_291 = arith.constant 0 : i32
          %dma_start3A_292 = tpu.memref_slice %arg6[%dma_start3A_285, %dma_start3A_291] : memref<3x128xi32, #tpu.memory_space<vmem>> -> memref<1x128xi32, #tpu.memory_space<vmem>>
          %dma_start3A_293 = tpu.memref_squeeze %dma_start3A_292 : memref<1x128xi32, #tpu.memory_space<vmem>> -> memref<128xi32, #tpu.memory_space<vmem>>
          %dma_start3A_294 = arith.constant 0 : i32
          %dma_start3A_295 = arith.constant 0 : i32
          %dma_start3A_296 = tpu.memref_slice %arg2[%dma_start3A_294, %dma_start3A_295] : memref<10240x128xf32, #tpu.memory_space<hbm>> -> memref<10240x128xf32, #tpu.memory_space<hbm>>
          tpu.enqueue_indirect_dma source(%dma_start3A_296 : memref<10240x128xf32, #tpu.memory_space<hbm>>) target(%dma_start3A_290 : memref<128x128xf32, #tpu.memory_space<vmem>>) offsets(%dma_start3A_293 : memref<128xi32, #tpu.memory_space<vmem>>) semaphore(%arg10 : memref<!tpu.dma_semaphore, #tpu.memory_space<semaphore_mem>>)
        } else {
        }
      } else {
      }
      %mul3A_207 = arith.constant 3 : i32
      %mul3A_208 = arith.muli %while3A_200, %mul3A_207 : i32
      %add3A_209 = arith.constant 1 : i32
      %add3A_210 = arith.addi %mul3A_208, %add3A_209 : i32
      %lt3A_211 = arith.cmpi slt, %add3A_210, %select_n3A_8 : i32
      %convert_element_type3A_212 = arith.extui %lt3A_211 : i1 to i32
      %cond3A_213 = arith.constant 0 : i32
      %cond3A_214 = arith.cmpi ne, %convert_element_type3A_212, %cond3A_213 : i32
      scf.if %cond3A_214 {
        %dma_wait3A_224 = arith.constant 0 : i32
        %dma_wait3A_225 = arith.constant 1 : i32
        %dma_wait3A_226 = arith.constant 0 : i32
        %dma_wait3A_227 = arith.constant 0 : i32
        %dma_wait3A_228 = tpu.memref_slice %arg8[%dma_wait3A_225, %dma_wait3A_226, %dma_wait3A_227] : memref<3x128x128xf32, #tpu.memory_space<vmem>> -> memref<1x128x128xf32, #tpu.memory_space<vmem>>
        %dma_wait3A_229 = tpu.memref_squeeze %dma_wait3A_228 : memref<1x128x128xf32, #tpu.memory_space<vmem>> -> memref<128x128xf32, #tpu.memory_space<vmem>>
        %dma_wait3A_230 = arith.constant 0 : i32
        %dma_wait3A_231 = tpu.memref_slice %arg6[%dma_wait3A_224, %dma_wait3A_230] : memref<3x128xi32, #tpu.memory_space<vmem>> -> memref<1x128xi32, #tpu.memory_space<vmem>>
        %dma_wait3A_232 = tpu.memref_squeeze %dma_wait3A_231 : memref<1x128xi32, #tpu.memory_space<vmem>> -> memref<128xi32, #tpu.memory_space<vmem>>
        %dma_wait3A_233 = arith.constant 0 : i32
        %dma_wait3A_234 = arith.constant 0 : i32
        %dma_wait3A_235 = tpu.memref_slice %arg2[%dma_wait3A_233, %dma_wait3A_234] : memref<10240x128xf32, #tpu.memory_space<hbm>> -> memref<10240x128xf32, #tpu.memory_space<hbm>>
        tpu.wait_indirect_dma semaphore(%arg11 : memref<!tpu.dma_semaphore, #tpu.memory_space<semaphore_mem>>) src(%dma_wait3A_235 : memref<10240x128xf32, #tpu.memory_space<hbm>>) dst(%dma_wait3A_229 : memref<128x128xf32, #tpu.memory_space<vmem>>)
        %add3A_236 = arith.constant 3 : i32
        %add3A_237 = arith.addi %add3A_210, %add3A_236 : i32
        %lt3A_238 = arith.cmpi slt, %add3A_237, %select_n3A_8 : i32
        %convert_element_type3A_239 = arith.extui %lt3A_238 : i1 to i32
        %cond3A_240 = arith.constant 0 : i32
        %cond3A_241 = arith.cmpi ne, %convert_element_type3A_239, %cond3A_240 : i32
        scf.if %cond3A_241 {
          %add3A_260 = arith.constant 3 : i32
          %add3A_261 = arith.addi %add3A_210, %add3A_260 : i32
          %add3A_262 = arith.addi %select_n3A, %add3A_261 : i32
          %dma_start3A_263 = arith.constant 1 : i32
          %dma_start3A_264 = arith.constant 0 : i32
          %dma_start3A_265 = tpu.memref_slice %arg6[%dma_start3A_263, %dma_start3A_264] : memref<3x128xi32, #tpu.memory_space<vmem>> -> memref<1x128xi32, #tpu.memory_space<vmem>>
          %dma_start3A_266 = arith.constant 0 : i32
          %dma_start3A_267 = tpu.memref_slice %arg3[%add3A_262, %dma_start3A_266] : memref<2560x128xi32, #tpu.memory_space<hbm>> -> memref<1x128xi32, #tpu.memory_space<hbm>>
          %dma_start3A_268 = arith.constant 1 : i32
          %dma_start3A_269 = arith.constant 0 : i32
          %dma_start3A_270 = tpu.memref_slice %arg6[%dma_start3A_268, %dma_start3A_269] : memref<3x128xi32, #tpu.memory_space<vmem>> -> memref<1x128xi32, #tpu.memory_space<vmem>>
          %dma_start3A_271 = arith.constant 0 : i32
          %dma_start3A_272 = tpu.memref_slice %arg3[%add3A_262, %dma_start3A_271] : memref<2560x128xi32, #tpu.memory_space<hbm>> -> memref<1x128xi32, #tpu.memory_space<hbm>>
          tpu.enqueue_dma source(%dma_start3A_272 : memref<1x128xi32, #tpu.memory_space<hbm>>) target(%dma_start3A_270 : memref<1x128xi32, #tpu.memory_space<vmem>>) target_semaphore(%arg14 : memref<!tpu.dma_semaphore, #tpu.memory_space<semaphore_mem>>)
        } else {
        }
        %dma_wait3A_242 = arith.constant 1 : i32
        %dma_wait3A_243 = arith.constant 0 : i32
        %dma_wait3A_244 = tpu.memref_slice %arg7[%dma_wait3A_242, %dma_wait3A_243] : memref<3x128xi32, #tpu.memory_space<vmem>> -> memref<1x128xi32, #tpu.memory_space<vmem>>
        %dma_wait3A_245 = arith.constant 0 : i32
        %dma_wait3A_246 = tpu.memref_slice %arg4[%select_n3A, %dma_wait3A_245] : memref<2560x128xi32, #tpu.memory_space<hbm>> -> memref<1x128xi32, #tpu.memory_space<hbm>>
        %dma_wait3A_247 = arith.constant 1 : i32
        %dma_wait3A_248 = arith.constant 0 : i32
        %dma_wait3A_249 = tpu.memref_slice %arg7[%dma_wait3A_247, %dma_wait3A_248] : memref<3x128xi32, #tpu.memory_space<vmem>> -> memref<1x128xi32, #tpu.memory_space<vmem>>
        %dma_wait3A_250 = arith.constant 0 : i32
        %dma_wait3A_251 = tpu.memref_slice %arg4[%select_n3A, %dma_wait3A_250] : memref<2560x128xi32, #tpu.memory_space<hbm>> -> memref<1x128xi32, #tpu.memory_space<hbm>>
        tpu.wait_dma2 semaphore(%arg17 : memref<!tpu.dma_semaphore, #tpu.memory_space<semaphore_mem>>) src(%dma_wait3A_251 : memref<1x128xi32, #tpu.memory_space<hbm>>) dst(%dma_wait3A_249 : memref<1x128xi32, #tpu.memory_space<vmem>>)
        %run_scoped3A_252 = arith.constant 1 : i32
        %run_scoped3A_253 = arith.constant 1 : i32
        "tpu.region"() ({
          %run_scoped3A_260 = tpu.sem_alloc : memref<!tpu.dma_semaphore, #tpu.memory_space<semaphore_mem>>
          %dma_start3A_261 = arith.constant 0 : i32
          %dma_start3A_262 = arith.constant 0 : i32
          %dma_start3A_263 = tpu.memref_slice %arg8[%run_scoped3A_252, %dma_start3A_261, %dma_start3A_262] : memref<3x128x128xf32, #tpu.memory_space<vmem>> -> memref<1x128x128xf32, #tpu.memory_space<vmem>>
          %dma_start3A_264 = tpu.memref_squeeze %dma_start3A_263 : memref<1x128x128xf32, #tpu.memory_space<vmem>> -> memref<128x128xf32, #tpu.memory_space<vmem>>
          %dma_start3A_265 = arith.constant 0 : i32
          %dma_start3A_266 = tpu.memref_slice %arg7[%run_scoped3A_253, %dma_start3A_265] : memref<3x128xi32, #tpu.memory_space<vmem>> -> memref<1x128xi32, #tpu.memory_space<vmem>>
          %dma_start3A_267 = tpu.memref_squeeze %dma_start3A_266 : memref<1x128xi32, #tpu.memory_space<vmem>> -> memref<128xi32, #tpu.memory_space<vmem>>
          %dma_start3A_268 = arith.constant 0 : i32
          %dma_start3A_269 = arith.constant 0 : i32
          %dma_start3A_270 = tpu.memref_slice %arg9[%dma_start3A_268, %dma_start3A_269] : memref<10112x128xf32, #tpu.memory_space<vmem_shared>> -> memref<10112x128xf32, #tpu.memory_space<vmem_shared>>
          tpu.enqueue_indirect_dma source(%dma_start3A_264 : memref<128x128xf32, #tpu.memory_space<vmem>>) target(%dma_start3A_270 : memref<10112x128xf32, #tpu.memory_space<vmem_shared>>) offsets(%dma_start3A_267 : memref<128xi32, #tpu.memory_space<vmem>>) semaphore(%run_scoped3A_260 : memref<!tpu.dma_semaphore, #tpu.memory_space<semaphore_mem>>) {add = true}
          %dma_wait3A_271 = arith.constant 0 : i32
          %dma_wait3A_272 = arith.constant 0 : i32
          %dma_wait3A_273 = tpu.memref_slice %arg8[%run_scoped3A_252, %dma_wait3A_271, %dma_wait3A_272] : memref<3x128x128xf32, #tpu.memory_space<vmem>> -> memref<1x128x128xf32, #tpu.memory_space<vmem>>
          %dma_wait3A_274 = tpu.memref_squeeze %dma_wait3A_273 : memref<1x128x128xf32, #tpu.memory_space<vmem>> -> memref<128x128xf32, #tpu.memory_space<vmem>>
          %dma_wait3A_275 = arith.constant 0 : i32
          %dma_wait3A_276 = tpu.memref_slice %arg7[%run_scoped3A_253, %dma_wait3A_275] : memref<3x128xi32, #tpu.memory_space<vmem>> -> memref<1x128xi32, #tpu.memory_space<vmem>>
          %dma_wait3A_277 = tpu.memref_squeeze %dma_wait3A_276 : memref<1x128xi32, #tpu.memory_space<vmem>> -> memref<128xi32, #tpu.memory_space<vmem>>
          %dma_wait3A_278 = arith.constant 0 : i32
          %dma_wait3A_279 = arith.constant 0 : i32
          %dma_wait3A_280 = tpu.memref_slice %arg9[%dma_wait3A_278, %dma_wait3A_279] : memref<10112x128xf32, #tpu.memory_space<vmem_shared>> -> memref<10112x128xf32, #tpu.memory_space<vmem_shared>>
          tpu.wait_indirect_dma semaphore(%run_scoped3A_260 : memref<!tpu.dma_semaphore, #tpu.memory_space<semaphore_mem>>) src(%dma_wait3A_274 : memref<128x128xf32, #tpu.memory_space<vmem>>) dst(%dma_wait3A_280 : memref<10112x128xf32, #tpu.memory_space<vmem_shared>>)
          tpu.yield
        }) : () -> ()
        %add3A_254 = arith.constant 3 : i32
        %add3A_255 = arith.addi %add3A_210, %add3A_254 : i32
        %lt3A_256 = arith.cmpi slt, %add3A_255, %select_n3A_8 : i32
        %convert_element_type3A_257 = arith.extui %lt3A_256 : i1 to i32
        %cond3A_258 = arith.constant 0 : i32
        %cond3A_259 = arith.cmpi ne, %convert_element_type3A_257, %cond3A_258 : i32
        scf.if %cond3A_259 {
          %add3A_260 = arith.constant 3 : i32
          %add3A_261 = arith.addi %add3A_210, %add3A_260 : i32
          %add3A_262 = arith.addi %select_n3A, %add3A_261 : i32
          %dma_start3A_263 = arith.constant 1 : i32
          %dma_start3A_264 = arith.constant 0 : i32
          %dma_start3A_265 = tpu.memref_slice %arg7[%dma_start3A_263, %dma_start3A_264] : memref<3x128xi32, #tpu.memory_space<vmem>> -> memref<1x128xi32, #tpu.memory_space<vmem>>
          %dma_start3A_266 = arith.constant 0 : i32
          %dma_start3A_267 = tpu.memref_slice %arg4[%add3A_262, %dma_start3A_266] : memref<2560x128xi32, #tpu.memory_space<hbm>> -> memref<1x128xi32, #tpu.memory_space<hbm>>
          %dma_start3A_268 = arith.constant 1 : i32
          %dma_start3A_269 = arith.constant 0 : i32
          %dma_start3A_270 = tpu.memref_slice %arg7[%dma_start3A_268, %dma_start3A_269] : memref<3x128xi32, #tpu.memory_space<vmem>> -> memref<1x128xi32, #tpu.memory_space<vmem>>
          %dma_start3A_271 = arith.constant 0 : i32
          %dma_start3A_272 = tpu.memref_slice %arg4[%add3A_262, %dma_start3A_271] : memref<2560x128xi32, #tpu.memory_space<hbm>> -> memref<1x128xi32, #tpu.memory_space<hbm>>
          tpu.enqueue_dma source(%dma_start3A_272 : memref<1x128xi32, #tpu.memory_space<hbm>>) target(%dma_start3A_270 : memref<1x128xi32, #tpu.memory_space<vmem>>) target_semaphore(%arg17 : memref<!tpu.dma_semaphore, #tpu.memory_space<semaphore_mem>>)
          %dma_wait3A_273 = arith.constant 1 : i32
          %dma_wait3A_274 = arith.constant 0 : i32
          %dma_wait3A_275 = tpu.memref_slice %arg6[%dma_wait3A_273, %dma_wait3A_274] : memref<3x128xi32, #tpu.memory_space<vmem>> -> memref<1x128xi32, #tpu.memory_space<vmem>>
          %dma_wait3A_276 = arith.constant 0 : i32
          %dma_wait3A_277 = tpu.memref_slice %arg3[%select_n3A, %dma_wait3A_276] : memref<2560x128xi32, #tpu.memory_space<hbm>> -> memref<1x128xi32, #tpu.memory_space<hbm>>
          %dma_wait3A_278 = arith.constant 1 : i32
          %dma_wait3A_279 = arith.constant 0 : i32
          %dma_wait3A_280 = tpu.memref_slice %arg6[%dma_wait3A_278, %dma_wait3A_279] : memref<3x128xi32, #tpu.memory_space<vmem>> -> memref<1x128xi32, #tpu.memory_space<vmem>>
          %dma_wait3A_281 = arith.constant 0 : i32
          %dma_wait3A_282 = tpu.memref_slice %arg3[%select_n3A, %dma_wait3A_281] : memref<2560x128xi32, #tpu.memory_space<hbm>> -> memref<1x128xi32, #tpu.memory_space<hbm>>
          tpu.wait_dma2 semaphore(%arg14 : memref<!tpu.dma_semaphore, #tpu.memory_space<semaphore_mem>>) src(%dma_wait3A_282 : memref<1x128xi32, #tpu.memory_space<hbm>>) dst(%dma_wait3A_280 : memref<1x128xi32, #tpu.memory_space<vmem>>)
          %add3A_283 = arith.constant 3 : i32
          %add3A_284 = arith.addi %add3A_210, %add3A_283 : i32
          %dma_start3A_285 = arith.constant 1 : i32
          %dma_start3A_286 = arith.constant 1 : i32
          %dma_start3A_287 = arith.constant 0 : i32
          %dma_start3A_288 = arith.constant 0 : i32
          %dma_start3A_289 = tpu.memref_slice %arg8[%dma_start3A_286, %dma_start3A_287, %dma_start3A_288] : memref<3x128x128xf32, #tpu.memory_space<vmem>> -> memref<1x128x128xf32, #tpu.memory_space<vmem>>
          %dma_start3A_290 = tpu.memref_squeeze %dma_start3A_289 : memref<1x128x128xf32, #tpu.memory_space<vmem>> -> memref<128x128xf32, #tpu.memory_space<vmem>>
          %dma_start3A_291 = arith.constant 0 : i32
          %dma_start3A_292 = tpu.memref_slice %arg6[%dma_start3A_285, %dma_start3A_291] : memref<3x128xi32, #tpu.memory_space<vmem>> -> memref<1x128xi32, #tpu.memory_space<vmem>>
          %dma_start3A_293 = tpu.memref_squeeze %dma_start3A_292 : memref<1x128xi32, #tpu.memory_space<vmem>> -> memref<128xi32, #tpu.memory_space<vmem>>
          %dma_start3A_294 = arith.constant 0 : i32
          %dma_start3A_295 = arith.constant 0 : i32
          %dma_start3A_296 = tpu.memref_slice %arg2[%dma_start3A_294, %dma_start3A_295] : memref<10240x128xf32, #tpu.memory_space<hbm>> -> memref<10240x128xf32, #tpu.memory_space<hbm>>
          tpu.enqueue_indirect_dma source(%dma_start3A_296 : memref<10240x128xf32, #tpu.memory_space<hbm>>) target(%dma_start3A_290 : memref<128x128xf32, #tpu.memory_space<vmem>>) offsets(%dma_start3A_293 : memref<128xi32, #tpu.memory_space<vmem>>) semaphore(%arg11 : memref<!tpu.dma_semaphore, #tpu.memory_space<semaphore_mem>>)
        } else {
        }
      } else {
      }
      %mul3A_215 = arith.constant 3 : i32
      %mul3A_216 = arith.muli %while3A_200, %mul3A_215 : i32
      %add3A_217 = arith.constant 2 : i32
      %add3A_218 = arith.addi %mul3A_216, %add3A_217 : i32
      %lt3A_219 = arith.cmpi slt, %add3A_218, %select_n3A_8 : i32
      %convert_element_type3A_220 = arith.extui %lt3A_219 : i1 to i32
      %cond3A_221 = arith.constant 0 : i32
      %cond3A_222 = arith.cmpi ne, %convert_element_type3A_220, %cond3A_221 : i32
      scf.if %cond3A_222 {
        %dma_wait3A_224 = arith.constant 0 : i32
        %dma_wait3A_225 = arith.constant 2 : i32
        %dma_wait3A_226 = arith.constant 0 : i32
        %dma_wait3A_227 = arith.constant 0 : i32
        %dma_wait3A_228 = tpu.memref_slice %arg8[%dma_wait3A_225, %dma_wait3A_226, %dma_wait3A_227] : memref<3x128x128xf32, #tpu.memory_space<vmem>> -> memref<1x128x128xf32, #tpu.memory_space<vmem>>
        %dma_wait3A_229 = tpu.memref_squeeze %dma_wait3A_228 : memref<1x128x128xf32, #tpu.memory_space<vmem>> -> memref<128x128xf32, #tpu.memory_space<vmem>>
        %dma_wait3A_230 = arith.constant 0 : i32
        %dma_wait3A_231 = tpu.memref_slice %arg6[%dma_wait3A_224, %dma_wait3A_230] : memref<3x128xi32, #tpu.memory_space<vmem>> -> memref<1x128xi32, #tpu.memory_space<vmem>>
        %dma_wait3A_232 = tpu.memref_squeeze %dma_wait3A_231 : memref<1x128xi32, #tpu.memory_space<vmem>> -> memref<128xi32, #tpu.memory_space<vmem>>
        %dma_wait3A_233 = arith.constant 0 : i32
        %dma_wait3A_234 = arith.constant 0 : i32
        %dma_wait3A_235 = tpu.memref_slice %arg2[%dma_wait3A_233, %dma_wait3A_234] : memref<10240x128xf32, #tpu.memory_space<hbm>> -> memref<10240x128xf32, #tpu.memory_space<hbm>>
        tpu.wait_indirect_dma semaphore(%arg12 : memref<!tpu.dma_semaphore, #tpu.memory_space<semaphore_mem>>) src(%dma_wait3A_235 : memref<10240x128xf32, #tpu.memory_space<hbm>>) dst(%dma_wait3A_229 : memref<128x128xf32, #tpu.memory_space<vmem>>)
        %add3A_236 = arith.constant 3 : i32
        %add3A_237 = arith.addi %add3A_218, %add3A_236 : i32
        %lt3A_238 = arith.cmpi slt, %add3A_237, %select_n3A_8 : i32
        %convert_element_type3A_239 = arith.extui %lt3A_238 : i1 to i32
        %cond3A_240 = arith.constant 0 : i32
        %cond3A_241 = arith.cmpi ne, %convert_element_type3A_239, %cond3A_240 : i32
        scf.if %cond3A_241 {
          %add3A_260 = arith.constant 3 : i32
          %add3A_261 = arith.addi %add3A_218, %add3A_260 : i32
          %add3A_262 = arith.addi %select_n3A, %add3A_261 : i32
          %dma_start3A_263 = arith.constant 2 : i32
          %dma_start3A_264 = arith.constant 0 : i32
          %dma_start3A_265 = tpu.memref_slice %arg6[%dma_start3A_263, %dma_start3A_264] : memref<3x128xi32, #tpu.memory_space<vmem>> -> memref<1x128xi32, #tpu.memory_space<vmem>>
          %dma_start3A_266 = arith.constant 0 : i32
          %dma_start3A_267 = tpu.memref_slice %arg3[%add3A_262, %dma_start3A_266] : memref<2560x128xi32, #tpu.memory_space<hbm>> -> memref<1x128xi32, #tpu.memory_space<hbm>>
          %dma_start3A_268 = arith.constant 2 : i32
          %dma_start3A_269 = arith.constant 0 : i32
          %dma_start3A_270 = tpu.memref_slice %arg6[%dma_start3A_268, %dma_start3A_269] : memref<3x128xi32, #tpu.memory_space<vmem>> -> memref<1x128xi32, #tpu.memory_space<vmem>>
          %dma_start3A_271 = arith.constant 0 : i32
          %dma_start3A_272 = tpu.memref_slice %arg3[%add3A_262, %dma_start3A_271] : memref<2560x128xi32, #tpu.memory_space<hbm>> -> memref<1x128xi32, #tpu.memory_space<hbm>>
          tpu.enqueue_dma source(%dma_start3A_272 : memref<1x128xi32, #tpu.memory_space<hbm>>) target(%dma_start3A_270 : memref<1x128xi32, #tpu.memory_space<vmem>>) target_semaphore(%arg15 : memref<!tpu.dma_semaphore, #tpu.memory_space<semaphore_mem>>)
        } else {
        }
        %dma_wait3A_242 = arith.constant 2 : i32
        %dma_wait3A_243 = arith.constant 0 : i32
        %dma_wait3A_244 = tpu.memref_slice %arg7[%dma_wait3A_242, %dma_wait3A_243] : memref<3x128xi32, #tpu.memory_space<vmem>> -> memref<1x128xi32, #tpu.memory_space<vmem>>
        %dma_wait3A_245 = arith.constant 0 : i32
        %dma_wait3A_246 = tpu.memref_slice %arg4[%select_n3A, %dma_wait3A_245] : memref<2560x128xi32, #tpu.memory_space<hbm>> -> memref<1x128xi32, #tpu.memory_space<hbm>>
        %dma_wait3A_247 = arith.constant 2 : i32
        %dma_wait3A_248 = arith.constant 0 : i32
        %dma_wait3A_249 = tpu.memref_slice %arg7[%dma_wait3A_247, %dma_wait3A_248] : memref<3x128xi32, #tpu.memory_space<vmem>> -> memref<1x128xi32, #tpu.memory_space<vmem>>
        %dma_wait3A_250 = arith.constant 0 : i32
        %dma_wait3A_251 = tpu.memref_slice %arg4[%select_n3A, %dma_wait3A_250] : memref<2560x128xi32, #tpu.memory_space<hbm>> -> memref<1x128xi32, #tpu.memory_space<hbm>>
        tpu.wait_dma2 semaphore(%arg18 : memref<!tpu.dma_semaphore, #tpu.memory_space<semaphore_mem>>) src(%dma_wait3A_251 : memref<1x128xi32, #tpu.memory_space<hbm>>) dst(%dma_wait3A_249 : memref<1x128xi32, #tpu.memory_space<vmem>>)
        %run_scoped3A_252 = arith.constant 2 : i32
        %run_scoped3A_253 = arith.constant 2 : i32
        "tpu.region"() ({
          %run_scoped3A_260 = tpu.sem_alloc : memref<!tpu.dma_semaphore, #tpu.memory_space<semaphore_mem>>
          %dma_start3A_261 = arith.constant 0 : i32
          %dma_start3A_262 = arith.constant 0 : i32
          %dma_start3A_263 = tpu.memref_slice %arg8[%run_scoped3A_252, %dma_start3A_261, %dma_start3A_262] : memref<3x128x128xf32, #tpu.memory_space<vmem>> -> memref<1x128x128xf32, #tpu.memory_space<vmem>>
          %dma_start3A_264 = tpu.memref_squeeze %dma_start3A_263 : memref<1x128x128xf32, #tpu.memory_space<vmem>> -> memref<128x128xf32, #tpu.memory_space<vmem>>
          %dma_start3A_265 = arith.constant 0 : i32
          %dma_start3A_266 = tpu.memref_slice %arg7[%run_scoped3A_253, %dma_start3A_265] : memref<3x128xi32, #tpu.memory_space<vmem>> -> memref<1x128xi32, #tpu.memory_space<vmem>>
          %dma_start3A_267 = tpu.memref_squeeze %dma_start3A_266 : memref<1x128xi32, #tpu.memory_space<vmem>> -> memref<128xi32, #tpu.memory_space<vmem>>
          %dma_start3A_268 = arith.constant 0 : i32
          %dma_start3A_269 = arith.constant 0 : i32
          %dma_start3A_270 = tpu.memref_slice %arg9[%dma_start3A_268, %dma_start3A_269] : memref<10112x128xf32, #tpu.memory_space<vmem_shared>> -> memref<10112x128xf32, #tpu.memory_space<vmem_shared>>
          tpu.enqueue_indirect_dma source(%dma_start3A_264 : memref<128x128xf32, #tpu.memory_space<vmem>>) target(%dma_start3A_270 : memref<10112x128xf32, #tpu.memory_space<vmem_shared>>) offsets(%dma_start3A_267 : memref<128xi32, #tpu.memory_space<vmem>>) semaphore(%run_scoped3A_260 : memref<!tpu.dma_semaphore, #tpu.memory_space<semaphore_mem>>) {add = true}
          %dma_wait3A_271 = arith.constant 0 : i32
          %dma_wait3A_272 = arith.constant 0 : i32
          %dma_wait3A_273 = tpu.memref_slice %arg8[%run_scoped3A_252, %dma_wait3A_271, %dma_wait3A_272] : memref<3x128x128xf32, #tpu.memory_space<vmem>> -> memref<1x128x128xf32, #tpu.memory_space<vmem>>
          %dma_wait3A_274 = tpu.memref_squeeze %dma_wait3A_273 : memref<1x128x128xf32, #tpu.memory_space<vmem>> -> memref<128x128xf32, #tpu.memory_space<vmem>>
          %dma_wait3A_275 = arith.constant 0 : i32
          %dma_wait3A_276 = tpu.memref_slice %arg7[%run_scoped3A_253, %dma_wait3A_275] : memref<3x128xi32, #tpu.memory_space<vmem>> -> memref<1x128xi32, #tpu.memory_space<vmem>>
          %dma_wait3A_277 = tpu.memref_squeeze %dma_wait3A_276 : memref<1x128xi32, #tpu.memory_space<vmem>> -> memref<128xi32, #tpu.memory_space<vmem>>
          %dma_wait3A_278 = arith.constant 0 : i32
          %dma_wait3A_279 = arith.constant 0 : i32
          %dma_wait3A_280 = tpu.memref_slice %arg9[%dma_wait3A_278, %dma_wait3A_279] : memref<10112x128xf32, #tpu.memory_space<vmem_shared>> -> memref<10112x128xf32, #tpu.memory_space<vmem_shared>>
          tpu.wait_indirect_dma semaphore(%run_scoped3A_260 : memref<!tpu.dma_semaphore, #tpu.memory_space<semaphore_mem>>) src(%dma_wait3A_274 : memref<128x128xf32, #tpu.memory_space<vmem>>) dst(%dma_wait3A_280 : memref<10112x128xf32, #tpu.memory_space<vmem_shared>>)
          tpu.yield
        }) : () -> ()
        %add3A_254 = arith.constant 3 : i32
        %add3A_255 = arith.addi %add3A_218, %add3A_254 : i32
        %lt3A_256 = arith.cmpi slt, %add3A_255, %select_n3A_8 : i32
        %convert_element_type3A_257 = arith.extui %lt3A_256 : i1 to i32
        %cond3A_258 = arith.constant 0 : i32
        %cond3A_259 = arith.cmpi ne, %convert_element_type3A_257, %cond3A_258 : i32
        scf.if %cond3A_259 {
          %add3A_260 = arith.constant 3 : i32
          %add3A_261 = arith.addi %add3A_218, %add3A_260 : i32
          %add3A_262 = arith.addi %select_n3A, %add3A_261 : i32
          %dma_start3A_263 = arith.constant 2 : i32
          %dma_start3A_264 = arith.constant 0 : i32
          %dma_start3A_265 = tpu.memref_slice %arg7[%dma_start3A_263, %dma_start3A_264] : memref<3x128xi32, #tpu.memory_space<vmem>> -> memref<1x128xi32, #tpu.memory_space<vmem>>
          %dma_start3A_266 = arith.constant 0 : i32
          %dma_start3A_267 = tpu.memref_slice %arg4[%add3A_262, %dma_start3A_266] : memref<2560x128xi32, #tpu.memory_space<hbm>> -> memref<1x128xi32, #tpu.memory_space<hbm>>
          %dma_start3A_268 = arith.constant 2 : i32
          %dma_start3A_269 = arith.constant 0 : i32
          %dma_start3A_270 = tpu.memref_slice %arg7[%dma_start3A_268, %dma_start3A_269] : memref<3x128xi32, #tpu.memory_space<vmem>> -> memref<1x128xi32, #tpu.memory_space<vmem>>
          %dma_start3A_271 = arith.constant 0 : i32
          %dma_start3A_272 = tpu.memref_slice %arg4[%add3A_262, %dma_start3A_271] : memref<2560x128xi32, #tpu.memory_space<hbm>> -> memref<1x128xi32, #tpu.memory_space<hbm>>
          tpu.enqueue_dma source(%dma_start3A_272 : memref<1x128xi32, #tpu.memory_space<hbm>>) target(%dma_start3A_270 : memref<1x128xi32, #tpu.memory_space<vmem>>) target_semaphore(%arg18 : memref<!tpu.dma_semaphore, #tpu.memory_space<semaphore_mem>>)
          %dma_wait3A_273 = arith.constant 2 : i32
          %dma_wait3A_274 = arith.constant 0 : i32
          %dma_wait3A_275 = tpu.memref_slice %arg6[%dma_wait3A_273, %dma_wait3A_274] : memref<3x128xi32, #tpu.memory_space<vmem>> -> memref<1x128xi32, #tpu.memory_space<vmem>>
          %dma_wait3A_276 = arith.constant 0 : i32
          %dma_wait3A_277 = tpu.memref_slice %arg3[%select_n3A, %dma_wait3A_276] : memref<2560x128xi32, #tpu.memory_space<hbm>> -> memref<1x128xi32, #tpu.memory_space<hbm>>
          %dma_wait3A_278 = arith.constant 2 : i32
          %dma_wait3A_279 = arith.constant 0 : i32
          %dma_wait3A_280 = tpu.memref_slice %arg6[%dma_wait3A_278, %dma_wait3A_279] : memref<3x128xi32, #tpu.memory_space<vmem>> -> memref<1x128xi32, #tpu.memory_space<vmem>>
          %dma_wait3A_281 = arith.constant 0 : i32
          %dma_wait3A_282 = tpu.memref_slice %arg3[%select_n3A, %dma_wait3A_281] : memref<2560x128xi32, #tpu.memory_space<hbm>> -> memref<1x128xi32, #tpu.memory_space<hbm>>
          tpu.wait_dma2 semaphore(%arg15 : memref<!tpu.dma_semaphore, #tpu.memory_space<semaphore_mem>>) src(%dma_wait3A_282 : memref<1x128xi32, #tpu.memory_space<hbm>>) dst(%dma_wait3A_280 : memref<1x128xi32, #tpu.memory_space<vmem>>)
          %add3A_283 = arith.constant 3 : i32
          %add3A_284 = arith.addi %add3A_218, %add3A_283 : i32
          %dma_start3A_285 = arith.constant 2 : i32
          %dma_start3A_286 = arith.constant 2 : i32
          %dma_start3A_287 = arith.constant 0 : i32
          %dma_start3A_288 = arith.constant 0 : i32
          %dma_start3A_289 = tpu.memref_slice %arg8[%dma_start3A_286, %dma_start3A_287, %dma_start3A_288] : memref<3x128x128xf32, #tpu.memory_space<vmem>> -> memref<1x128x128xf32, #tpu.memory_space<vmem>>
          %dma_start3A_290 = tpu.memref_squeeze %dma_start3A_289 : memref<1x128x128xf32, #tpu.memory_space<vmem>> -> memref<128x128xf32, #tpu.memory_space<vmem>>
          %dma_start3A_291 = arith.constant 0 : i32
          %dma_start3A_292 = tpu.memref_slice %arg6[%dma_start3A_285, %dma_start3A_291] : memref<3x128xi32, #tpu.memory_space<vmem>> -> memref<1x128xi32, #tpu.memory_space<vmem>>
          %dma_start3A_293 = tpu.memref_squeeze %dma_start3A_292 : memref<1x128xi32, #tpu.memory_space<vmem>> -> memref<128xi32, #tpu.memory_space<vmem>>
          %dma_start3A_294 = arith.constant 0 : i32
          %dma_start3A_295 = arith.constant 0 : i32
          %dma_start3A_296 = tpu.memref_slice %arg2[%dma_start3A_294, %dma_start3A_295] : memref<10240x128xf32, #tpu.memory_space<hbm>> -> memref<10240x128xf32, #tpu.memory_space<hbm>>
          tpu.enqueue_indirect_dma source(%dma_start3A_296 : memref<10240x128xf32, #tpu.memory_space<hbm>>) target(%dma_start3A_290 : memref<128x128xf32, #tpu.memory_space<vmem>>) offsets(%dma_start3A_293 : memref<128xi32, #tpu.memory_space<vmem>>) semaphore(%arg12 : memref<!tpu.dma_semaphore, #tpu.memory_space<semaphore_mem>>)
        } else {
        }
      } else {
      }
      %while3A_223 = arith.constant 0 : i32
      scf.yield %while3A_223 : i32
    }
    %while3A_193 = arith.constant 1 : i32
    %while3A_194 = scf.for %while3A_200 = %while3A_190 to %while3A_186 step %while3A_193 iter_args(%while3A_201 = %while3A_192) -> (i32)  : i32 {
      %mul3A_202 = arith.constant 3 : i32
      %mul3A_203 = arith.muli %while3A_200, %mul3A_202 : i32
      %add3A_204 = arith.constant 0 : i32
      %add3A_205 = arith.addi %mul3A_203, %add3A_204 : i32
      %lt3A = arith.cmpi slt, %add3A_205, %select_n3A_8 : i32
      %convert_element_type3A = arith.extui %lt3A : i1 to i32
      %cond3A = arith.constant 0 : i32
      %cond3A_206 = arith.cmpi ne, %convert_element_type3A, %cond3A : i32
      scf.if %cond3A_206 {
        %dma_wait3A_224 = arith.constant 0 : i32
        %dma_wait3A_225 = arith.constant 0 : i32
        %dma_wait3A_226 = arith.constant 0 : i32
        %dma_wait3A_227 = arith.constant 0 : i32
        %dma_wait3A_228 = tpu.memref_slice %arg8[%dma_wait3A_225, %dma_wait3A_226, %dma_wait3A_227] : memref<3x128x128xf32, #tpu.memory_space<vmem>> -> memref<1x128x128xf32, #tpu.memory_space<vmem>>
        %dma_wait3A_229 = tpu.memref_squeeze %dma_wait3A_228 : memref<1x128x128xf32, #tpu.memory_space<vmem>> -> memref<128x128xf32, #tpu.memory_space<vmem>>
        %dma_wait3A_230 = arith.constant 0 : i32
        %dma_wait3A_231 = tpu.memref_slice %arg6[%dma_wait3A_224, %dma_wait3A_230] : memref<3x128xi32, #tpu.memory_space<vmem>> -> memref<1x128xi32, #tpu.memory_space<vmem>>
        %dma_wait3A_232 = tpu.memref_squeeze %dma_wait3A_231 : memref<1x128xi32, #tpu.memory_space<vmem>> -> memref<128xi32, #tpu.memory_space<vmem>>
        %dma_wait3A_233 = arith.constant 0 : i32
        %dma_wait3A_234 = arith.constant 0 : i32
        %dma_wait3A_235 = tpu.memref_slice %arg2[%dma_wait3A_233, %dma_wait3A_234] : memref<10240x128xf32, #tpu.memory_space<hbm>> -> memref<10240x128xf32, #tpu.memory_space<hbm>>
        tpu.wait_indirect_dma semaphore(%arg10 : memref<!tpu.dma_semaphore, #tpu.memory_space<semaphore_mem>>) src(%dma_wait3A_235 : memref<10240x128xf32, #tpu.memory_space<hbm>>) dst(%dma_wait3A_229 : memref<128x128xf32, #tpu.memory_space<vmem>>)
        %add3A_236 = arith.constant 3 : i32
        %add3A_237 = arith.addi %add3A_205, %add3A_236 : i32
        %lt3A_238 = arith.cmpi slt, %add3A_237, %select_n3A_8 : i32
        %convert_element_type3A_239 = arith.extui %lt3A_238 : i1 to i32
        %cond3A_240 = arith.constant 0 : i32
        %cond3A_241 = arith.cmpi ne, %convert_element_type3A_239, %cond3A_240 : i32
        scf.if %cond3A_241 {
          %add3A_260 = arith.constant 3 : i32
          %add3A_261 = arith.addi %add3A_205, %add3A_260 : i32
          %add3A_262 = arith.addi %select_n3A, %add3A_261 : i32
          %dma_start3A_263 = arith.constant 0 : i32
          %dma_start3A_264 = arith.constant 0 : i32
          %dma_start3A_265 = tpu.memref_slice %arg6[%dma_start3A_263, %dma_start3A_264] : memref<3x128xi32, #tpu.memory_space<vmem>> -> memref<1x128xi32, #tpu.memory_space<vmem>>
          %dma_start3A_266 = arith.constant 0 : i32
          %dma_start3A_267 = tpu.memref_slice %arg3[%add3A_262, %dma_start3A_266] : memref<2560x128xi32, #tpu.memory_space<hbm>> -> memref<1x128xi32, #tpu.memory_space<hbm>>
          %dma_start3A_268 = arith.constant 0 : i32
          %dma_start3A_269 = arith.constant 0 : i32
          %dma_start3A_270 = tpu.memref_slice %arg6[%dma_start3A_268, %dma_start3A_269] : memref<3x128xi32, #tpu.memory_space<vmem>> -> memref<1x128xi32, #tpu.memory_space<vmem>>
          %dma_start3A_271 = arith.constant 0 : i32
          %dma_start3A_272 = tpu.memref_slice %arg3[%add3A_262, %dma_start3A_271] : memref<2560x128xi32, #tpu.memory_space<hbm>> -> memref<1x128xi32, #tpu.memory_space<hbm>>
          tpu.enqueue_dma source(%dma_start3A_272 : memref<1x128xi32, #tpu.memory_space<hbm>>) target(%dma_start3A_270 : memref<1x128xi32, #tpu.memory_space<vmem>>) target_semaphore(%arg13 : memref<!tpu.dma_semaphore, #tpu.memory_space<semaphore_mem>>)
        } else {
        }
        %dma_wait3A_242 = arith.constant 0 : i32
        %dma_wait3A_243 = arith.constant 0 : i32
        %dma_wait3A_244 = tpu.memref_slice %arg7[%dma_wait3A_242, %dma_wait3A_243] : memref<3x128xi32, #tpu.memory_space<vmem>> -> memref<1x128xi32, #tpu.memory_space<vmem>>
        %dma_wait3A_245 = arith.constant 0 : i32
        %dma_wait3A_246 = tpu.memref_slice %arg4[%select_n3A, %dma_wait3A_245] : memref<2560x128xi32, #tpu.memory_space<hbm>> -> memref<1x128xi32, #tpu.memory_space<hbm>>
        %dma_wait3A_247 = arith.constant 0 : i32
        %dma_wait3A_248 = arith.constant 0 : i32
        %dma_wait3A_249 = tpu.memref_slice %arg7[%dma_wait3A_247, %dma_wait3A_248] : memref<3x128xi32, #tpu.memory_space<vmem>> -> memref<1x128xi32, #tpu.memory_space<vmem>>
        %dma_wait3A_250 = arith.constant 0 : i32
        %dma_wait3A_251 = tpu.memref_slice %arg4[%select_n3A, %dma_wait3A_250] : memref<2560x128xi32, #tpu.memory_space<hbm>> -> memref<1x128xi32, #tpu.memory_space<hbm>>
        tpu.wait_dma2 semaphore(%arg16 : memref<!tpu.dma_semaphore, #tpu.memory_space<semaphore_mem>>) src(%dma_wait3A_251 : memref<1x128xi32, #tpu.memory_space<hbm>>) dst(%dma_wait3A_249 : memref<1x128xi32, #tpu.memory_space<vmem>>)
        %run_scoped3A_252 = arith.constant 0 : i32
        %run_scoped3A_253 = arith.constant 0 : i32
        "tpu.region"() ({
          %run_scoped3A_260 = tpu.sem_alloc : memref<!tpu.dma_semaphore, #tpu.memory_space<semaphore_mem>>
          %dma_start3A_261 = arith.constant 0 : i32
          %dma_start3A_262 = arith.constant 0 : i32
          %dma_start3A_263 = tpu.memref_slice %arg8[%run_scoped3A_252, %dma_start3A_261, %dma_start3A_262] : memref<3x128x128xf32, #tpu.memory_space<vmem>> -> memref<1x128x128xf32, #tpu.memory_space<vmem>>
          %dma_start3A_264 = tpu.memref_squeeze %dma_start3A_263 : memref<1x128x128xf32, #tpu.memory_space<vmem>> -> memref<128x128xf32, #tpu.memory_space<vmem>>
          %dma_start3A_265 = arith.constant 0 : i32
          %dma_start3A_266 = tpu.memref_slice %arg7[%run_scoped3A_253, %dma_start3A_265] : memref<3x128xi32, #tpu.memory_space<vmem>> -> memref<1x128xi32, #tpu.memory_space<vmem>>
          %dma_start3A_267 = tpu.memref_squeeze %dma_start3A_266 : memref<1x128xi32, #tpu.memory_space<vmem>> -> memref<128xi32, #tpu.memory_space<vmem>>
          %dma_start3A_268 = arith.constant 0 : i32
          %dma_start3A_269 = arith.constant 0 : i32
          %dma_start3A_270 = tpu.memref_slice %arg9[%dma_start3A_268, %dma_start3A_269] : memref<10112x128xf32, #tpu.memory_space<vmem_shared>> -> memref<10112x128xf32, #tpu.memory_space<vmem_shared>>
          tpu.enqueue_indirect_dma source(%dma_start3A_264 : memref<128x128xf32, #tpu.memory_space<vmem>>) target(%dma_start3A_270 : memref<10112x128xf32, #tpu.memory_space<vmem_shared>>) offsets(%dma_start3A_267 : memref<128xi32, #tpu.memory_space<vmem>>) semaphore(%run_scoped3A_260 : memref<!tpu.dma_semaphore, #tpu.memory_space<semaphore_mem>>) {add = true}
          %dma_wait3A_271 = arith.constant 0 : i32
          %dma_wait3A_272 = arith.constant 0 : i32
          %dma_wait3A_273 = tpu.memref_slice %arg8[%run_scoped3A_252, %dma_wait3A_271, %dma_wait3A_272] : memref<3x128x128xf32, #tpu.memory_space<vmem>> -> memref<1x128x128xf32, #tpu.memory_space<vmem>>
          %dma_wait3A_274 = tpu.memref_squeeze %dma_wait3A_273 : memref<1x128x128xf32, #tpu.memory_space<vmem>> -> memref<128x128xf32, #tpu.memory_space<vmem>>
          %dma_wait3A_275 = arith.constant 0 : i32
          %dma_wait3A_276 = tpu.memref_slice %arg7[%run_scoped3A_253, %dma_wait3A_275] : memref<3x128xi32, #tpu.memory_space<vmem>> -> memref<1x128xi32, #tpu.memory_space<vmem>>
          %dma_wait3A_277 = tpu.memref_squeeze %dma_wait3A_276 : memref<1x128xi32, #tpu.memory_space<vmem>> -> memref<128xi32, #tpu.memory_space<vmem>>
          %dma_wait3A_278 = arith.constant 0 : i32
          %dma_wait3A_279 = arith.constant 0 : i32
          %dma_wait3A_280 = tpu.memref_slice %arg9[%dma_wait3A_278, %dma_wait3A_279] : memref<10112x128xf32, #tpu.memory_space<vmem_shared>> -> memref<10112x128xf32, #tpu.memory_space<vmem_shared>>
          tpu.wait_indirect_dma semaphore(%run_scoped3A_260 : memref<!tpu.dma_semaphore, #tpu.memory_space<semaphore_mem>>) src(%dma_wait3A_274 : memref<128x128xf32, #tpu.memory_space<vmem>>) dst(%dma_wait3A_280 : memref<10112x128xf32, #tpu.memory_space<vmem_shared>>)
          tpu.yield
        }) : () -> ()
        %add3A_254 = arith.constant 3 : i32
        %add3A_255 = arith.addi %add3A_205, %add3A_254 : i32
        %lt3A_256 = arith.cmpi slt, %add3A_255, %select_n3A_8 : i32
        %convert_element_type3A_257 = arith.extui %lt3A_256 : i1 to i32
        %cond3A_258 = arith.constant 0 : i32
        %cond3A_259 = arith.cmpi ne, %convert_element_type3A_257, %cond3A_258 : i32
        scf.if %cond3A_259 {
          %add3A_260 = arith.constant 3 : i32
          %add3A_261 = arith.addi %add3A_205, %add3A_260 : i32
          %add3A_262 = arith.addi %select_n3A, %add3A_261 : i32
          %dma_start3A_263 = arith.constant 0 : i32
          %dma_start3A_264 = arith.constant 0 : i32
          %dma_start3A_265 = tpu.memref_slice %arg7[%dma_start3A_263, %dma_start3A_264] : memref<3x128xi32, #tpu.memory_space<vmem>> -> memref<1x128xi32, #tpu.memory_space<vmem>>
          %dma_start3A_266 = arith.constant 0 : i32
          %dma_start3A_267 = tpu.memref_slice %arg4[%add3A_262, %dma_start3A_266] : memref<2560x128xi32, #tpu.memory_space<hbm>> -> memref<1x128xi32, #tpu.memory_space<hbm>>
          %dma_start3A_268 = arith.constant 0 : i32
          %dma_start3A_269 = arith.constant 0 : i32
          %dma_start3A_270 = tpu.memref_slice %arg7[%dma_start3A_268, %dma_start3A_269] : memref<3x128xi32, #tpu.memory_space<vmem>> -> memref<1x128xi32, #tpu.memory_space<vmem>>
          %dma_start3A_271 = arith.constant 0 : i32
          %dma_start3A_272 = tpu.memref_slice %arg4[%add3A_262, %dma_start3A_271] : memref<2560x128xi32, #tpu.memory_space<hbm>> -> memref<1x128xi32, #tpu.memory_space<hbm>>
          tpu.enqueue_dma source(%dma_start3A_272 : memref<1x128xi32, #tpu.memory_space<hbm>>) target(%dma_start3A_270 : memref<1x128xi32, #tpu.memory_space<vmem>>) target_semaphore(%arg16 : memref<!tpu.dma_semaphore, #tpu.memory_space<semaphore_mem>>)
          %dma_wait3A_273 = arith.constant 0 : i32
          %dma_wait3A_274 = arith.constant 0 : i32
          %dma_wait3A_275 = tpu.memref_slice %arg6[%dma_wait3A_273, %dma_wait3A_274] : memref<3x128xi32, #tpu.memory_space<vmem>> -> memref<1x128xi32, #tpu.memory_space<vmem>>
          %dma_wait3A_276 = arith.constant 0 : i32
          %dma_wait3A_277 = tpu.memref_slice %arg3[%select_n3A, %dma_wait3A_276] : memref<2560x128xi32, #tpu.memory_space<hbm>> -> memref<1x128xi32, #tpu.memory_space<hbm>>
          %dma_wait3A_278 = arith.constant 0 : i32
          %dma_wait3A_279 = arith.constant 0 : i32
          %dma_wait3A_280 = tpu.memref_slice %arg6[%dma_wait3A_278, %dma_wait3A_279] : memref<3x128xi32, #tpu.memory_space<vmem>> -> memref<1x128xi32, #tpu.memory_space<vmem>>
          %dma_wait3A_281 = arith.constant 0 : i32
          %dma_wait3A_282 = tpu.memref_slice %arg3[%select_n3A, %dma_wait3A_281] : memref<2560x128xi32, #tpu.memory_space<hbm>> -> memref<1x128xi32, #tpu.memory_space<hbm>>
          tpu.wait_dma2 semaphore(%arg13 : memref<!tpu.dma_semaphore, #tpu.memory_space<semaphore_mem>>) src(%dma_wait3A_282 : memref<1x128xi32, #tpu.memory_space<hbm>>) dst(%dma_wait3A_280 : memref<1x128xi32, #tpu.memory_space<vmem>>)
          %add3A_283 = arith.constant 3 : i32
          %add3A_284 = arith.addi %add3A_205, %add3A_283 : i32
          %dma_start3A_285 = arith.constant 0 : i32
          %dma_start3A_286 = arith.constant 0 : i32
          %dma_start3A_287 = arith.constant 0 : i32
          %dma_start3A_288 = arith.constant 0 : i32
          %dma_start3A_289 = tpu.memref_slice %arg8[%dma_start3A_286, %dma_start3A_287, %dma_start3A_288] : memref<3x128x128xf32, #tpu.memory_space<vmem>> -> memref<1x128x128xf32, #tpu.memory_space<vmem>>
          %dma_start3A_290 = tpu.memref_squeeze %dma_start3A_289 : memref<1x128x128xf32, #tpu.memory_space<vmem>> -> memref<128x128xf32, #tpu.memory_space<vmem>>
          %dma_start3A_291 = arith.constant 0 : i32
          %dma_start3A_292 = tpu.memref_slice %arg6[%dma_start3A_285, %dma_start3A_291] : memref<3x128xi32, #tpu.memory_space<vmem>> -> memref<1x128xi32, #tpu.memory_space<vmem>>
          %dma_start3A_293 = tpu.memref_squeeze %dma_start3A_292 : memref<1x128xi32, #tpu.memory_space<vmem>> -> memref<128xi32, #tpu.memory_space<vmem>>
          %dma_start3A_294 = arith.constant 0 : i32
          %dma_start3A_295 = arith.constant 0 : i32
          %dma_start3A_296 = tpu.memref_slice %arg2[%dma_start3A_294, %dma_start3A_295] : memref<10240x128xf32, #tpu.memory_space<hbm>> -> memref<10240x128xf32, #tpu.memory_space<hbm>>
          tpu.enqueue_indirect_dma source(%dma_start3A_296 : memref<10240x128xf32, #tpu.memory_space<hbm>>) target(%dma_start3A_290 : memref<128x128xf32, #tpu.memory_space<vmem>>) offsets(%dma_start3A_293 : memref<128xi32, #tpu.memory_space<vmem>>) semaphore(%arg10 : memref<!tpu.dma_semaphore, #tpu.memory_space<semaphore_mem>>)
        } else {
        }
      } else {
      }
      %mul3A_207 = arith.constant 3 : i32
      %mul3A_208 = arith.muli %while3A_200, %mul3A_207 : i32
      %add3A_209 = arith.constant 1 : i32
      %add3A_210 = arith.addi %mul3A_208, %add3A_209 : i32
      %lt3A_211 = arith.cmpi slt, %add3A_210, %select_n3A_8 : i32
      %convert_element_type3A_212 = arith.extui %lt3A_211 : i1 to i32
      %cond3A_213 = arith.constant 0 : i32
      %cond3A_214 = arith.cmpi ne, %convert_element_type3A_212, %cond3A_213 : i32
      scf.if %cond3A_214 {
        %dma_wait3A_224 = arith.constant 0 : i32
        %dma_wait3A_225 = arith.constant 1 : i32
        %dma_wait3A_226 = arith.constant 0 : i32
        %dma_wait3A_227 = arith.constant 0 : i32
        %dma_wait3A_228 = tpu.memref_slice %arg8[%dma_wait3A_225, %dma_wait3A_226, %dma_wait3A_227] : memref<3x128x128xf32, #tpu.memory_space<vmem>> -> memref<1x128x128xf32, #tpu.memory_space<vmem>>
        %dma_wait3A_229 = tpu.memref_squeeze %dma_wait3A_228 : memref<1x128x128xf32, #tpu.memory_space<vmem>> -> memref<128x128xf32, #tpu.memory_space<vmem>>
        %dma_wait3A_230 = arith.constant 0 : i32
        %dma_wait3A_231 = tpu.memref_slice %arg6[%dma_wait3A_224, %dma_wait3A_230] : memref<3x128xi32, #tpu.memory_space<vmem>> -> memref<1x128xi32, #tpu.memory_space<vmem>>
        %dma_wait3A_232 = tpu.memref_squeeze %dma_wait3A_231 : memref<1x128xi32, #tpu.memory_space<vmem>> -> memref<128xi32, #tpu.memory_space<vmem>>
        %dma_wait3A_233 = arith.constant 0 : i32
        %dma_wait3A_234 = arith.constant 0 : i32
        %dma_wait3A_235 = tpu.memref_slice %arg2[%dma_wait3A_233, %dma_wait3A_234] : memref<10240x128xf32, #tpu.memory_space<hbm>> -> memref<10240x128xf32, #tpu.memory_space<hbm>>
        tpu.wait_indirect_dma semaphore(%arg11 : memref<!tpu.dma_semaphore, #tpu.memory_space<semaphore_mem>>) src(%dma_wait3A_235 : memref<10240x128xf32, #tpu.memory_space<hbm>>) dst(%dma_wait3A_229 : memref<128x128xf32, #tpu.memory_space<vmem>>)
        %add3A_236 = arith.constant 3 : i32
        %add3A_237 = arith.addi %add3A_210, %add3A_236 : i32
        %lt3A_238 = arith.cmpi slt, %add3A_237, %select_n3A_8 : i32
        %convert_element_type3A_239 = arith.extui %lt3A_238 : i1 to i32
        %cond3A_240 = arith.constant 0 : i32
        %cond3A_241 = arith.cmpi ne, %convert_element_type3A_239, %cond3A_240 : i32
        scf.if %cond3A_241 {
          %add3A_260 = arith.constant 3 : i32
          %add3A_261 = arith.addi %add3A_210, %add3A_260 : i32
          %add3A_262 = arith.addi %select_n3A, %add3A_261 : i32
          %dma_start3A_263 = arith.constant 1 : i32
          %dma_start3A_264 = arith.constant 0 : i32
          %dma_start3A_265 = tpu.memref_slice %arg6[%dma_start3A_263, %dma_start3A_264] : memref<3x128xi32, #tpu.memory_space<vmem>> -> memref<1x128xi32, #tpu.memory_space<vmem>>
          %dma_start3A_266 = arith.constant 0 : i32
          %dma_start3A_267 = tpu.memref_slice %arg3[%add3A_262, %dma_start3A_266] : memref<2560x128xi32, #tpu.memory_space<hbm>> -> memref<1x128xi32, #tpu.memory_space<hbm>>
          %dma_start3A_268 = arith.constant 1 : i32
          %dma_start3A_269 = arith.constant 0 : i32
          %dma_start3A_270 = tpu.memref_slice %arg6[%dma_start3A_268, %dma_start3A_269] : memref<3x128xi32, #tpu.memory_space<vmem>> -> memref<1x128xi32, #tpu.memory_space<vmem>>
          %dma_start3A_271 = arith.constant 0 : i32
          %dma_start3A_272 = tpu.memref_slice %arg3[%add3A_262, %dma_start3A_271] : memref<2560x128xi32, #tpu.memory_space<hbm>> -> memref<1x128xi32, #tpu.memory_space<hbm>>
          tpu.enqueue_dma source(%dma_start3A_272 : memref<1x128xi32, #tpu.memory_space<hbm>>) target(%dma_start3A_270 : memref<1x128xi32, #tpu.memory_space<vmem>>) target_semaphore(%arg14 : memref<!tpu.dma_semaphore, #tpu.memory_space<semaphore_mem>>)
        } else {
        }
        %dma_wait3A_242 = arith.constant 1 : i32
        %dma_wait3A_243 = arith.constant 0 : i32
        %dma_wait3A_244 = tpu.memref_slice %arg7[%dma_wait3A_242, %dma_wait3A_243] : memref<3x128xi32, #tpu.memory_space<vmem>> -> memref<1x128xi32, #tpu.memory_space<vmem>>
        %dma_wait3A_245 = arith.constant 0 : i32
        %dma_wait3A_246 = tpu.memref_slice %arg4[%select_n3A, %dma_wait3A_245] : memref<2560x128xi32, #tpu.memory_space<hbm>> -> memref<1x128xi32, #tpu.memory_space<hbm>>
        %dma_wait3A_247 = arith.constant 1 : i32
        %dma_wait3A_248 = arith.constant 0 : i32
        %dma_wait3A_249 = tpu.memref_slice %arg7[%dma_wait3A_247, %dma_wait3A_248] : memref<3x128xi32, #tpu.memory_space<vmem>> -> memref<1x128xi32, #tpu.memory_space<vmem>>
        %dma_wait3A_250 = arith.constant 0 : i32
        %dma_wait3A_251 = tpu.memref_slice %arg4[%select_n3A, %dma_wait3A_250] : memref<2560x128xi32, #tpu.memory_space<hbm>> -> memref<1x128xi32, #tpu.memory_space<hbm>>
        tpu.wait_dma2 semaphore(%arg17 : memref<!tpu.dma_semaphore, #tpu.memory_space<semaphore_mem>>) src(%dma_wait3A_251 : memref<1x128xi32, #tpu.memory_space<hbm>>) dst(%dma_wait3A_249 : memref<1x128xi32, #tpu.memory_space<vmem>>)
        %run_scoped3A_252 = arith.constant 1 : i32
        %run_scoped3A_253 = arith.constant 1 : i32
        "tpu.region"() ({
          %run_scoped3A_260 = tpu.sem_alloc : memref<!tpu.dma_semaphore, #tpu.memory_space<semaphore_mem>>
          %dma_start3A_261 = arith.constant 0 : i32
          %dma_start3A_262 = arith.constant 0 : i32
          %dma_start3A_263 = tpu.memref_slice %arg8[%run_scoped3A_252, %dma_start3A_261, %dma_start3A_262] : memref<3x128x128xf32, #tpu.memory_space<vmem>> -> memref<1x128x128xf32, #tpu.memory_space<vmem>>
          %dma_start3A_264 = tpu.memref_squeeze %dma_start3A_263 : memref<1x128x128xf32, #tpu.memory_space<vmem>> -> memref<128x128xf32, #tpu.memory_space<vmem>>
          %dma_start3A_265 = arith.constant 0 : i32
          %dma_start3A_266 = tpu.memref_slice %arg7[%run_scoped3A_253, %dma_start3A_265] : memref<3x128xi32, #tpu.memory_space<vmem>> -> memref<1x128xi32, #tpu.memory_space<vmem>>
          %dma_start3A_267 = tpu.memref_squeeze %dma_start3A_266 : memref<1x128xi32, #tpu.memory_space<vmem>> -> memref<128xi32, #tpu.memory_space<vmem>>
          %dma_start3A_268 = arith.constant 0 : i32
          %dma_start3A_269 = arith.constant 0 : i32
          %dma_start3A_270 = tpu.memref_slice %arg9[%dma_start3A_268, %dma_start3A_269] : memref<10112x128xf32, #tpu.memory_space<vmem_shared>> -> memref<10112x128xf32, #tpu.memory_space<vmem_shared>>
          tpu.enqueue_indirect_dma source(%dma_start3A_264 : memref<128x128xf32, #tpu.memory_space<vmem>>) target(%dma_start3A_270 : memref<10112x128xf32, #tpu.memory_space<vmem_shared>>) offsets(%dma_start3A_267 : memref<128xi32, #tpu.memory_space<vmem>>) semaphore(%run_scoped3A_260 : memref<!tpu.dma_semaphore, #tpu.memory_space<semaphore_mem>>) {add = true}
          %dma_wait3A_271 = arith.constant 0 : i32
          %dma_wait3A_272 = arith.constant 0 : i32
          %dma_wait3A_273 = tpu.memref_slice %arg8[%run_scoped3A_252, %dma_wait3A_271, %dma_wait3A_272] : memref<3x128x128xf32, #tpu.memory_space<vmem>> -> memref<1x128x128xf32, #tpu.memory_space<vmem>>
          %dma_wait3A_274 = tpu.memref_squeeze %dma_wait3A_273 : memref<1x128x128xf32, #tpu.memory_space<vmem>> -> memref<128x128xf32, #tpu.memory_space<vmem>>
          %dma_wait3A_275 = arith.constant 0 : i32
          %dma_wait3A_276 = tpu.memref_slice %arg7[%run_scoped3A_253, %dma_wait3A_275] : memref<3x128xi32, #tpu.memory_space<vmem>> -> memref<1x128xi32, #tpu.memory_space<vmem>>
          %dma_wait3A_277 = tpu.memref_squeeze %dma_wait3A_276 : memref<1x128xi32, #tpu.memory_space<vmem>> -> memref<128xi32, #tpu.memory_space<vmem>>
          %dma_wait3A_278 = arith.constant 0 : i32
          %dma_wait3A_279 = arith.constant 0 : i32
          %dma_wait3A_280 = tpu.memref_slice %arg9[%dma_wait3A_278, %dma_wait3A_279] : memref<10112x128xf32, #tpu.memory_space<vmem_shared>> -> memref<10112x128xf32, #tpu.memory_space<vmem_shared>>
          tpu.wait_indirect_dma semaphore(%run_scoped3A_260 : memref<!tpu.dma_semaphore, #tpu.memory_space<semaphore_mem>>) src(%dma_wait3A_274 : memref<128x128xf32, #tpu.memory_space<vmem>>) dst(%dma_wait3A_280 : memref<10112x128xf32, #tpu.memory_space<vmem_shared>>)
          tpu.yield
        }) : () -> ()
        %add3A_254 = arith.constant 3 : i32
        %add3A_255 = arith.addi %add3A_210, %add3A_254 : i32
        %lt3A_256 = arith.cmpi slt, %add3A_255, %select_n3A_8 : i32
        %convert_element_type3A_257 = arith.extui %lt3A_256 : i1 to i32
        %cond3A_258 = arith.constant 0 : i32
        %cond3A_259 = arith.cmpi ne, %convert_element_type3A_257, %cond3A_258 : i32
        scf.if %cond3A_259 {
          %add3A_260 = arith.constant 3 : i32
          %add3A_261 = arith.addi %add3A_210, %add3A_260 : i32
          %add3A_262 = arith.addi %select_n3A, %add3A_261 : i32
          %dma_start3A_263 = arith.constant 1 : i32
          %dma_start3A_264 = arith.constant 0 : i32
          %dma_start3A_265 = tpu.memref_slice %arg7[%dma_start3A_263, %dma_start3A_264] : memref<3x128xi32, #tpu.memory_space<vmem>> -> memref<1x128xi32, #tpu.memory_space<vmem>>
          %dma_start3A_266 = arith.constant 0 : i32
          %dma_start3A_267 = tpu.memref_slice %arg4[%add3A_262, %dma_start3A_266] : memref<2560x128xi32, #tpu.memory_space<hbm>> -> memref<1x128xi32, #tpu.memory_space<hbm>>
          %dma_start3A_268 = arith.constant 1 : i32
          %dma_start3A_269 = arith.constant 0 : i32
          %dma_start3A_270 = tpu.memref_slice %arg7[%dma_start3A_268, %dma_start3A_269] : memref<3x128xi32, #tpu.memory_space<vmem>> -> memref<1x128xi32, #tpu.memory_space<vmem>>
          %dma_start3A_271 = arith.constant 0 : i32
          %dma_start3A_272 = tpu.memref_slice %arg4[%add3A_262, %dma_start3A_271] : memref<2560x128xi32, #tpu.memory_space<hbm>> -> memref<1x128xi32, #tpu.memory_space<hbm>>
          tpu.enqueue_dma source(%dma_start3A_272 : memref<1x128xi32, #tpu.memory_space<hbm>>) target(%dma_start3A_270 : memref<1x128xi32, #tpu.memory_space<vmem>>) target_semaphore(%arg17 : memref<!tpu.dma_semaphore, #tpu.memory_space<semaphore_mem>>)
          %dma_wait3A_273 = arith.constant 1 : i32
          %dma_wait3A_274 = arith.constant 0 : i32
          %dma_wait3A_275 = tpu.memref_slice %arg6[%dma_wait3A_273, %dma_wait3A_274] : memref<3x128xi32, #tpu.memory_space<vmem>> -> memref<1x128xi32, #tpu.memory_space<vmem>>
          %dma_wait3A_276 = arith.constant 0 : i32
          %dma_wait3A_277 = tpu.memref_slice %arg3[%select_n3A, %dma_wait3A_276] : memref<2560x128xi32, #tpu.memory_space<hbm>> -> memref<1x128xi32, #tpu.memory_space<hbm>>
          %dma_wait3A_278 = arith.constant 1 : i32
          %dma_wait3A_279 = arith.constant 0 : i32
          %dma_wait3A_280 = tpu.memref_slice %arg6[%dma_wait3A_278, %dma_wait3A_279] : memref<3x128xi32, #tpu.memory_space<vmem>> -> memref<1x128xi32, #tpu.memory_space<vmem>>
          %dma_wait3A_281 = arith.constant 0 : i32
          %dma_wait3A_282 = tpu.memref_slice %arg3[%select_n3A, %dma_wait3A_281] : memref<2560x128xi32, #tpu.memory_space<hbm>> -> memref<1x128xi32, #tpu.memory_space<hbm>>
          tpu.wait_dma2 semaphore(%arg14 : memref<!tpu.dma_semaphore, #tpu.memory_space<semaphore_mem>>) src(%dma_wait3A_282 : memref<1x128xi32, #tpu.memory_space<hbm>>) dst(%dma_wait3A_280 : memref<1x128xi32, #tpu.memory_space<vmem>>)
          %add3A_283 = arith.constant 3 : i32
          %add3A_284 = arith.addi %add3A_210, %add3A_283 : i32
          %dma_start3A_285 = arith.constant 1 : i32
          %dma_start3A_286 = arith.constant 1 : i32
          %dma_start3A_287 = arith.constant 0 : i32
          %dma_start3A_288 = arith.constant 0 : i32
          %dma_start3A_289 = tpu.memref_slice %arg8[%dma_start3A_286, %dma_start3A_287, %dma_start3A_288] : memref<3x128x128xf32, #tpu.memory_space<vmem>> -> memref<1x128x128xf32, #tpu.memory_space<vmem>>
          %dma_start3A_290 = tpu.memref_squeeze %dma_start3A_289 : memref<1x128x128xf32, #tpu.memory_space<vmem>> -> memref<128x128xf32, #tpu.memory_space<vmem>>
          %dma_start3A_291 = arith.constant 0 : i32
          %dma_start3A_292 = tpu.memref_slice %arg6[%dma_start3A_285, %dma_start3A_291] : memref<3x128xi32, #tpu.memory_space<vmem>> -> memref<1x128xi32, #tpu.memory_space<vmem>>
          %dma_start3A_293 = tpu.memref_squeeze %dma_start3A_292 : memref<1x128xi32, #tpu.memory_space<vmem>> -> memref<128xi32, #tpu.memory_space<vmem>>
          %dma_start3A_294 = arith.constant 0 : i32
          %dma_start3A_295 = arith.constant 0 : i32
          %dma_start3A_296 = tpu.memref_slice %arg2[%dma_start3A_294, %dma_start3A_295] : memref<10240x128xf32, #tpu.memory_space<hbm>> -> memref<10240x128xf32, #tpu.memory_space<hbm>>
          tpu.enqueue_indirect_dma source(%dma_start3A_296 : memref<10240x128xf32, #tpu.memory_space<hbm>>) target(%dma_start3A_290 : memref<128x128xf32, #tpu.memory_space<vmem>>) offsets(%dma_start3A_293 : memref<128xi32, #tpu.memory_space<vmem>>) semaphore(%arg11 : memref<!tpu.dma_semaphore, #tpu.memory_space<semaphore_mem>>)
        } else {
        }
      } else {
      }
      %mul3A_215 = arith.constant 3 : i32
      %mul3A_216 = arith.muli %while3A_200, %mul3A_215 : i32
      %add3A_217 = arith.constant 2 : i32
      %add3A_218 = arith.addi %mul3A_216, %add3A_217 : i32
      %lt3A_219 = arith.cmpi slt, %add3A_218, %select_n3A_8 : i32
      %convert_element_type3A_220 = arith.extui %lt3A_219 : i1 to i32
      %cond3A_221 = arith.constant 0 : i32
      %cond3A_222 = arith.cmpi ne, %convert_element_type3A_220, %cond3A_221 : i32
      scf.if %cond3A_222 {
        %dma_wait3A_224 = arith.constant 0 : i32
        %dma_wait3A_225 = arith.constant 2 : i32
        %dma_wait3A_226 = arith.constant 0 : i32
        %dma_wait3A_227 = arith.constant 0 : i32
        %dma_wait3A_228 = tpu.memref_slice %arg8[%dma_wait3A_225, %dma_wait3A_226, %dma_wait3A_227] : memref<3x128x128xf32, #tpu.memory_space<vmem>> -> memref<1x128x128xf32, #tpu.memory_space<vmem>>
        %dma_wait3A_229 = tpu.memref_squeeze %dma_wait3A_228 : memref<1x128x128xf32, #tpu.memory_space<vmem>> -> memref<128x128xf32, #tpu.memory_space<vmem>>
        %dma_wait3A_230 = arith.constant 0 : i32
        %dma_wait3A_231 = tpu.memref_slice %arg6[%dma_wait3A_224, %dma_wait3A_230] : memref<3x128xi32, #tpu.memory_space<vmem>> -> memref<1x128xi32, #tpu.memory_space<vmem>>
        %dma_wait3A_232 = tpu.memref_squeeze %dma_wait3A_231 : memref<1x128xi32, #tpu.memory_space<vmem>> -> memref<128xi32, #tpu.memory_space<vmem>>
        %dma_wait3A_233 = arith.constant 0 : i32
        %dma_wait3A_234 = arith.constant 0 : i32
        %dma_wait3A_235 = tpu.memref_slice %arg2[%dma_wait3A_233, %dma_wait3A_234] : memref<10240x128xf32, #tpu.memory_space<hbm>> -> memref<10240x128xf32, #tpu.memory_space<hbm>>
        tpu.wait_indirect_dma semaphore(%arg12 : memref<!tpu.dma_semaphore, #tpu.memory_space<semaphore_mem>>) src(%dma_wait3A_235 : memref<10240x128xf32, #tpu.memory_space<hbm>>) dst(%dma_wait3A_229 : memref<128x128xf32, #tpu.memory_space<vmem>>)
        %add3A_236 = arith.constant 3 : i32
        %add3A_237 = arith.addi %add3A_218, %add3A_236 : i32
        %lt3A_238 = arith.cmpi slt, %add3A_237, %select_n3A_8 : i32
        %convert_element_type3A_239 = arith.extui %lt3A_238 : i1 to i32
        %cond3A_240 = arith.constant 0 : i32
        %cond3A_241 = arith.cmpi ne, %convert_element_type3A_239, %cond3A_240 : i32
        scf.if %cond3A_241 {
          %add3A_260 = arith.constant 3 : i32
          %add3A_261 = arith.addi %add3A_218, %add3A_260 : i32
          %add3A_262 = arith.addi %select_n3A, %add3A_261 : i32
          %dma_start3A_263 = arith.constant 2 : i32
          %dma_start3A_264 = arith.constant 0 : i32
          %dma_start3A_265 = tpu.memref_slice %arg6[%dma_start3A_263, %dma_start3A_264] : memref<3x128xi32, #tpu.memory_space<vmem>> -> memref<1x128xi32, #tpu.memory_space<vmem>>
          %dma_start3A_266 = arith.constant 0 : i32
          %dma_start3A_267 = tpu.memref_slice %arg3[%add3A_262, %dma_start3A_266] : memref<2560x128xi32, #tpu.memory_space<hbm>> -> memref<1x128xi32, #tpu.memory_space<hbm>>
          %dma_start3A_268 = arith.constant 2 : i32
          %dma_start3A_269 = arith.constant 0 : i32
          %dma_start3A_270 = tpu.memref_slice %arg6[%dma_start3A_268, %dma_start3A_269] : memref<3x128xi32, #tpu.memory_space<vmem>> -> memref<1x128xi32, #tpu.memory_space<vmem>>
          %dma_start3A_271 = arith.constant 0 : i32
          %dma_start3A_272 = tpu.memref_slice %arg3[%add3A_262, %dma_start3A_271] : memref<2560x128xi32, #tpu.memory_space<hbm>> -> memref<1x128xi32, #tpu.memory_space<hbm>>
          tpu.enqueue_dma source(%dma_start3A_272 : memref<1x128xi32, #tpu.memory_space<hbm>>) target(%dma_start3A_270 : memref<1x128xi32, #tpu.memory_space<vmem>>) target_semaphore(%arg15 : memref<!tpu.dma_semaphore, #tpu.memory_space<semaphore_mem>>)
        } else {
        }
        %dma_wait3A_242 = arith.constant 2 : i32
        %dma_wait3A_243 = arith.constant 0 : i32
        %dma_wait3A_244 = tpu.memref_slice %arg7[%dma_wait3A_242, %dma_wait3A_243] : memref<3x128xi32, #tpu.memory_space<vmem>> -> memref<1x128xi32, #tpu.memory_space<vmem>>
        %dma_wait3A_245 = arith.constant 0 : i32
        %dma_wait3A_246 = tpu.memref_slice %arg4[%select_n3A, %dma_wait3A_245] : memref<2560x128xi32, #tpu.memory_space<hbm>> -> memref<1x128xi32, #tpu.memory_space<hbm>>
        %dma_wait3A_247 = arith.constant 2 : i32
        %dma_wait3A_248 = arith.constant 0 : i32
        %dma_wait3A_249 = tpu.memref_slice %arg7[%dma_wait3A_247, %dma_wait3A_248] : memref<3x128xi32, #tpu.memory_space<vmem>> -> memref<1x128xi32, #tpu.memory_space<vmem>>
        %dma_wait3A_250 = arith.constant 0 : i32
        %dma_wait3A_251 = tpu.memref_slice %arg4[%select_n3A, %dma_wait3A_250] : memref<2560x128xi32, #tpu.memory_space<hbm>> -> memref<1x128xi32, #tpu.memory_space<hbm>>
        tpu.wait_dma2 semaphore(%arg18 : memref<!tpu.dma_semaphore, #tpu.memory_space<semaphore_mem>>) src(%dma_wait3A_251 : memref<1x128xi32, #tpu.memory_space<hbm>>) dst(%dma_wait3A_249 : memref<1x128xi32, #tpu.memory_space<vmem>>)
        %run_scoped3A_252 = arith.constant 2 : i32
        %run_scoped3A_253 = arith.constant 2 : i32
        "tpu.region"() ({
          %run_scoped3A_260 = tpu.sem_alloc : memref<!tpu.dma_semaphore, #tpu.memory_space<semaphore_mem>>
          %dma_start3A_261 = arith.constant 0 : i32
          %dma_start3A_262 = arith.constant 0 : i32
          %dma_start3A_263 = tpu.memref_slice %arg8[%run_scoped3A_252, %dma_start3A_261, %dma_start3A_262] : memref<3x128x128xf32, #tpu.memory_space<vmem>> -> memref<1x128x128xf32, #tpu.memory_space<vmem>>
          %dma_start3A_264 = tpu.memref_squeeze %dma_start3A_263 : memref<1x128x128xf32, #tpu.memory_space<vmem>> -> memref<128x128xf32, #tpu.memory_space<vmem>>
          %dma_start3A_265 = arith.constant 0 : i32
          %dma_start3A_266 = tpu.memref_slice %arg7[%run_scoped3A_253, %dma_start3A_265] : memref<3x128xi32, #tpu.memory_space<vmem>> -> memref<1x128xi32, #tpu.memory_space<vmem>>
          %dma_start3A_267 = tpu.memref_squeeze %dma_start3A_266 : memref<1x128xi32, #tpu.memory_space<vmem>> -> memref<128xi32, #tpu.memory_space<vmem>>
          %dma_start3A_268 = arith.constant 0 : i32
          %dma_start3A_269 = arith.constant 0 : i32
          %dma_start3A_270 = tpu.memref_slice %arg9[%dma_start3A_268, %dma_start3A_269] : memref<10112x128xf32, #tpu.memory_space<vmem_shared>> -> memref<10112x128xf32, #tpu.memory_space<vmem_shared>>
          tpu.enqueue_indirect_dma source(%dma_start3A_264 : memref<128x128xf32, #tpu.memory_space<vmem>>) target(%dma_start3A_270 : memref<10112x128xf32, #tpu.memory_space<vmem_shared>>) offsets(%dma_start3A_267 : memref<128xi32, #tpu.memory_space<vmem>>) semaphore(%run_scoped3A_260 : memref<!tpu.dma_semaphore, #tpu.memory_space<semaphore_mem>>) {add = true}
          %dma_wait3A_271 = arith.constant 0 : i32
          %dma_wait3A_272 = arith.constant 0 : i32
          %dma_wait3A_273 = tpu.memref_slice %arg8[%run_scoped3A_252, %dma_wait3A_271, %dma_wait3A_272] : memref<3x128x128xf32, #tpu.memory_space<vmem>> -> memref<1x128x128xf32, #tpu.memory_space<vmem>>
          %dma_wait3A_274 = tpu.memref_squeeze %dma_wait3A_273 : memref<1x128x128xf32, #tpu.memory_space<vmem>> -> memref<128x128xf32, #tpu.memory_space<vmem>>
          %dma_wait3A_275 = arith.constant 0 : i32
          %dma_wait3A_276 = tpu.memref_slice %arg7[%run_scoped3A_253, %dma_wait3A_275] : memref<3x128xi32, #tpu.memory_space<vmem>> -> memref<1x128xi32, #tpu.memory_space<vmem>>
          %dma_wait3A_277 = tpu.memref_squeeze %dma_wait3A_276 : memref<1x128xi32, #tpu.memory_space<vmem>> -> memref<128xi32, #tpu.memory_space<vmem>>
          %dma_wait3A_278 = arith.constant 0 : i32
          %dma_wait3A_279 = arith.constant 0 : i32
          %dma_wait3A_280 = tpu.memref_slice %arg9[%dma_wait3A_278, %dma_wait3A_279] : memref<10112x128xf32, #tpu.memory_space<vmem_shared>> -> memref<10112x128xf32, #tpu.memory_space<vmem_shared>>
          tpu.wait_indirect_dma semaphore(%run_scoped3A_260 : memref<!tpu.dma_semaphore, #tpu.memory_space<semaphore_mem>>) src(%dma_wait3A_274 : memref<128x128xf32, #tpu.memory_space<vmem>>) dst(%dma_wait3A_280 : memref<10112x128xf32, #tpu.memory_space<vmem_shared>>)
          tpu.yield
        }) : () -> ()
        %add3A_254 = arith.constant 3 : i32
        %add3A_255 = arith.addi %add3A_218, %add3A_254 : i32
        %lt3A_256 = arith.cmpi slt, %add3A_255, %select_n3A_8 : i32
        %convert_element_type3A_257 = arith.extui %lt3A_256 : i1 to i32
        %cond3A_258 = arith.constant 0 : i32
        %cond3A_259 = arith.cmpi ne, %convert_element_type3A_257, %cond3A_258 : i32
        scf.if %cond3A_259 {
          %add3A_260 = arith.constant 3 : i32
          %add3A_261 = arith.addi %add3A_218, %add3A_260 : i32
          %add3A_262 = arith.addi %select_n3A, %add3A_261 : i32
          %dma_start3A_263 = arith.constant 2 : i32
          %dma_start3A_264 = arith.constant 0 : i32
          %dma_start3A_265 = tpu.memref_slice %arg7[%dma_start3A_263, %dma_start3A_264] : memref<3x128xi32, #tpu.memory_space<vmem>> -> memref<1x128xi32, #tpu.memory_space<vmem>>
          %dma_start3A_266 = arith.constant 0 : i32
          %dma_start3A_267 = tpu.memref_slice %arg4[%add3A_262, %dma_start3A_266] : memref<2560x128xi32, #tpu.memory_space<hbm>> -> memref<1x128xi32, #tpu.memory_space<hbm>>
          %dma_start3A_268 = arith.constant 2 : i32
          %dma_start3A_269 = arith.constant 0 : i32
          %dma_start3A_270 = tpu.memref_slice %arg7[%dma_start3A_268, %dma_start3A_269] : memref<3x128xi32, #tpu.memory_space<vmem>> -> memref<1x128xi32, #tpu.memory_space<vmem>>
          %dma_start3A_271 = arith.constant 0 : i32
          %dma_start3A_272 = tpu.memref_slice %arg4[%add3A_262, %dma_start3A_271] : memref<2560x128xi32, #tpu.memory_space<hbm>> -> memref<1x128xi32, #tpu.memory_space<hbm>>
          tpu.enqueue_dma source(%dma_start3A_272 : memref<1x128xi32, #tpu.memory_space<hbm>>) target(%dma_start3A_270 : memref<1x128xi32, #tpu.memory_space<vmem>>) target_semaphore(%arg18 : memref<!tpu.dma_semaphore, #tpu.memory_space<semaphore_mem>>)
          %dma_wait3A_273 = arith.constant 2 : i32
          %dma_wait3A_274 = arith.constant 0 : i32
          %dma_wait3A_275 = tpu.memref_slice %arg6[%dma_wait3A_273, %dma_wait3A_274] : memref<3x128xi32, #tpu.memory_space<vmem>> -> memref<1x128xi32, #tpu.memory_space<vmem>>
          %dma_wait3A_276 = arith.constant 0 : i32
          %dma_wait3A_277 = tpu.memref_slice %arg3[%select_n3A, %dma_wait3A_276] : memref<2560x128xi32, #tpu.memory_space<hbm>> -> memref<1x128xi32, #tpu.memory_space<hbm>>
          %dma_wait3A_278 = arith.constant 2 : i32
          %dma_wait3A_279 = arith.constant 0 : i32
          %dma_wait3A_280 = tpu.memref_slice %arg6[%dma_wait3A_278, %dma_wait3A_279] : memref<3x128xi32, #tpu.memory_space<vmem>> -> memref<1x128xi32, #tpu.memory_space<vmem>>
          %dma_wait3A_281 = arith.constant 0 : i32
          %dma_wait3A_282 = tpu.memref_slice %arg3[%select_n3A, %dma_wait3A_281] : memref<2560x128xi32, #tpu.memory_space<hbm>> -> memref<1x128xi32, #tpu.memory_space<hbm>>
          tpu.wait_dma2 semaphore(%arg15 : memref<!tpu.dma_semaphore, #tpu.memory_space<semaphore_mem>>) src(%dma_wait3A_282 : memref<1x128xi32, #tpu.memory_space<hbm>>) dst(%dma_wait3A_280 : memref<1x128xi32, #tpu.memory_space<vmem>>)
          %add3A_283 = arith.constant 3 : i32
          %add3A_284 = arith.addi %add3A_218, %add3A_283 : i32
          %dma_start3A_285 = arith.constant 2 : i32
          %dma_start3A_286 = arith.constant 2 : i32
          %dma_start3A_287 = arith.constant 0 : i32
          %dma_start3A_288 = arith.constant 0 : i32
          %dma_start3A_289 = tpu.memref_slice %arg8[%dma_start3A_286, %dma_start3A_287, %dma_start3A_288] : memref<3x128x128xf32, #tpu.memory_space<vmem>> -> memref<1x128x128xf32, #tpu.memory_space<vmem>>
          %dma_start3A_290 = tpu.memref_squeeze %dma_start3A_289 : memref<1x128x128xf32, #tpu.memory_space<vmem>> -> memref<128x128xf32, #tpu.memory_space<vmem>>
          %dma_start3A_291 = arith.constant 0 : i32
          %dma_start3A_292 = tpu.memref_slice %arg6[%dma_start3A_285, %dma_start3A_291] : memref<3x128xi32, #tpu.memory_space<vmem>> -> memref<1x128xi32, #tpu.memory_space<vmem>>
          %dma_start3A_293 = tpu.memref_squeeze %dma_start3A_292 : memref<1x128xi32, #tpu.memory_space<vmem>> -> memref<128xi32, #tpu.memory_space<vmem>>
          %dma_start3A_294 = arith.constant 0 : i32
          %dma_start3A_295 = arith.constant 0 : i32
          %dma_start3A_296 = tpu.memref_slice %arg2[%dma_start3A_294, %dma_start3A_295] : memref<10240x128xf32, #tpu.memory_space<hbm>> -> memref<10240x128xf32, #tpu.memory_space<hbm>>
          tpu.enqueue_indirect_dma source(%dma_start3A_296 : memref<10240x128xf32, #tpu.memory_space<hbm>>) target(%dma_start3A_290 : memref<128x128xf32, #tpu.memory_space<vmem>>) offsets(%dma_start3A_293 : memref<128xi32, #tpu.memory_space<vmem>>) semaphore(%arg12 : memref<!tpu.dma_semaphore, #tpu.memory_space<semaphore_mem>>)
        } else {
        }
      } else {
      }
      %while3A_223 = arith.constant 0 : i32
      scf.yield %while3A_223 : i32
    }
    %barrier3A_195 = arith.constant 0 : index
    tpu.barrier barrier_id(%barrier3A_195)
    %mul3A_196 = arith.constant 632 : i32
    %mul3A_197 = arith.muli %arg1, %mul3A_196 : i32
    %mul3A_198 = arith.constant 632 : i32
    %mul3A_199 = arith.muli %arg1, %mul3A_198 : i32
    "tpu.region"() ({
      %run_scoped3A_200 = tpu.sem_alloc : memref<!tpu.dma_semaphore, #tpu.memory_space<semaphore_mem>>
      %dma_start3A_201 = arith.constant 0 : i32
      %dma_start3A_202 = tpu.memref_slice %arg5[%arg0, %mul3A_199, %dma_start3A_201] : memref<2x10240x128xf32, #tpu.memory_space<hbm>> -> memref<1x632x128xf32, #tpu.memory_space<hbm>>
      %dma_start3A_203 = tpu.memref_squeeze %dma_start3A_202 : memref<1x632x128xf32, #tpu.memory_space<hbm>> -> memref<632x128xf32, #tpu.memory_space<hbm>>
      %dma_start3A_204 = arith.constant 0 : i32
      %dma_start3A_205 = tpu.memref_slice %arg9[%mul3A_197, %dma_start3A_204] : memref<10112x128xf32, #tpu.memory_space<vmem_shared>> -> memref<632x128xf32, #tpu.memory_space<vmem_shared>>
      tpu.enqueue_dma source(%dma_start3A_205 : memref<632x128xf32, #tpu.memory_space<vmem_shared>>) target(%dma_start3A_203 : memref<632x128xf32, #tpu.memory_space<hbm>>) target_semaphore(%run_scoped3A_200 : memref<!tpu.dma_semaphore, #tpu.memory_space<semaphore_mem>>)
      %dma_wait3A_206 = arith.constant 0 : i32
      %dma_wait3A_207 = tpu.memref_slice %arg5[%arg0, %mul3A_199, %dma_wait3A_206] : memref<2x10240x128xf32, #tpu.memory_space<hbm>> -> memref<1x632x128xf32, #tpu.memory_space<hbm>>
      %dma_wait3A_208 = tpu.memref_squeeze %dma_wait3A_207 : memref<1x632x128xf32, #tpu.memory_space<hbm>> -> memref<632x128xf32, #tpu.memory_space<hbm>>
      %dma_wait3A_209 = arith.constant 0 : i32
      %dma_wait3A_210 = tpu.memref_slice %arg9[%mul3A_197, %dma_wait3A_209] : memref<10112x128xf32, #tpu.memory_space<vmem_shared>> -> memref<632x128xf32, #tpu.memory_space<vmem_shared>>
      tpu.wait_dma2 semaphore(%run_scoped3A_200 : memref<!tpu.dma_semaphore, #tpu.memory_space<semaphore_mem>>) src(%dma_wait3A_210 : memref<632x128xf32, #tpu.memory_space<vmem_shared>>) dst(%dma_wait3A_208 : memref<632x128xf32, #tpu.memory_space<hbm>>)
      tpu.yield
    }) : () -> ()
    return
  }
}

module attributes {stable_mosaic.version = 14 : i64} {
  func.func @_tcA_body(%arg0: i32, %arg1: memref<1024x128xf32, #tpu.memory_space<vmem>>, %arg2: memref<128x128xf32, #tpu.memory_space<vmem>>, %arg3: memref<2x1024xf32, #tpu.memory_space<vmem>>, %arg4: memref<1024x128xf32, #tpu.memory_space<vmem>>) attributes {dimension_semantics = [#tpu.dimension_semantics<arbitrary>], iteration_bounds = array<i64: 10>, scalar_prefetch = 0 : i64, scratch_operands = 0 : i64, tpu.core_type = #tpu.core_type<tc>, window_params = [{transform_indices = @transform_0, window_bounds = array<i64: 1024, 128>}, {pipeline_mode = #tpu.pipeline_mode<synchronous>, transform_indices = @transform_1, window_bounds = array<i64: 128, 128>}, {transform_indices = @transform_2, window_bounds = array<i64: 2, 1024>}, {transform_indices = @transform_3, window_bounds = array<i64: 1024, 128>}]} {
    %get3A = arith.constant 0 : index
    %get3A_0 = arith.constant 0 : index
    %get3A_1 = vector.load %arg3[%get3A, %get3A_0] : memref<2x1024xf32, #tpu.memory_space<vmem>>, vector<1x1024xf32>
    %get3A_2 = vector.shape_cast %get3A_1 : vector<1x1024xf32> to vector<1024xf32>
    %get3A_3 = arith.constant 1 : index
    %get3A_4 = arith.constant 0 : index
    %get3A_5 = vector.load %arg3[%get3A_3, %get3A_4] : memref<2x1024xf32, #tpu.memory_space<vmem>>, vector<1x1024xf32>
    %get3A_6 = vector.shape_cast %get3A_5 : vector<1x1024xf32> to vector<1024xf32>
    %add3A = arith.addf %get3A_2, %get3A_6 : vector<1024xf32>
    %add3A_7 = arith.constant 1.000000e+00 : f32
    %add3A_8 = vector.broadcast %add3A_7 : f32 to vector<1024xf32>
    %add3A_9 = arith.addf %add3A, %add3A_8 : vector<1024xf32>
    %rsqrt3A = math.rsqrt %add3A_9 : vector<1024xf32>
    %get3A_10 = arith.constant 0 : index
    %get3A_11 = arith.constant 0 : index
    %get3A_12 = vector.load %arg1[%get3A_10, %get3A_11] : memref<1024x128xf32, #tpu.memory_space<vmem>>, vector<1024x128xf32>
    %get3A_13 = arith.constant 0 : index
    %get3A_14 = arith.constant 0 : index
    %get3A_15 = vector.load %arg2[%get3A_13, %get3A_14] : memref<128x128xf32, #tpu.memory_space<vmem>>, vector<128x128xf32>
    %dot_general3A = arith.constant dense<0.000000e+00> : vector<1024x128xf32>
    %dot_general3A_16 = tpu.matmul %get3A_12, %get3A_15, %dot_general3A {dimension_numbers = #tpu.dot_dimension_numbers<[1], [0], [0], [1], [0, 0, 1, 1], [], []>, transpose_lhs_hint = false} : vector<1024x128xf32>, vector<128x128xf32>, vector<1024x128xf32> -> vector<1024x128xf32>
    %mul3A = arith.constant 1024 : i32
    %mul3A_17 = arith.muli %arg0, %mul3A : i32
    %iota3A = tpu.iota {dimensions = array<i32: 0>} : vector<1024x1xi32>
    %add3A_18 = vector.broadcast %mul3A_17 : i32 to vector<1024x1xi32>
    %add3A_19 = arith.addi %add3A_18, %iota3A : vector<1024x1xi32>
    %lt3A = arith.constant 10000 : i32
    %lt3A_20 = vector.broadcast %lt3A : i32 to vector<1024x1xi32>
    %lt3A_21 = arith.cmpi slt, %add3A_19, %lt3A_20 : vector<1024x1xi32>
    %broadcast_in_dim3A = vector.shape_cast %rsqrt3A : vector<1024xf32> to vector<1024x1xf32>
    %mul3A_22 = vector.broadcast %broadcast_in_dim3A : vector<1024x1xf32> to vector<1024x128xf32>
    %mul3A_23 = arith.mulf %dot_general3A_16, %mul3A_22 : vector<1024x128xf32>
    %jit3A = arith.constant 0.000000e+00 : f32
    %broadcast_in_dim3A_24 = vector.shape_cast %lt3A_21 : vector<1024x1xi1> to vector<1024x1xi1>
    %broadcast_in_dim3A_25 = vector.broadcast %broadcast_in_dim3A_24 : vector<1024x1xi1> to vector<1024x128xi1>
    %broadcast_in_dim3A_26 = vector.broadcast %jit3A : f32 to vector<1024x128xf32>
    %select_n3A = arith.select %broadcast_in_dim3A_25, %mul3A_23, %broadcast_in_dim3A_26 : vector<1024x128xi1>, vector<1024x128xf32>
    %swap3A = arith.constant 0 : index
    %swap3A_27 = arith.constant 0 : index
    %swap3A_28 = vector.load %arg4[%swap3A, %swap3A_27] : memref<1024x128xf32, #tpu.memory_space<vmem>>, vector<1024x128xf32>
    tpu.vector_store %arg4[%swap3A, %swap3A_27], %select_n3A {strides = array<i32>} : memref<1024x128xf32, #tpu.memory_space<vmem>>, vector<1024x128xf32>,
    return
  }
  func.func @transform_0(%arg0: i32) -> (i32, i32) {
    %c0_i32 = arith.constant 0 : i32
    %c0_i32_0 = arith.constant 0 : i32
    return %arg0, %c0_i32 : i32, i32
  }
  func.func @transform_1(%arg0: i32) -> (i32, i32) {
    %c0_i32 = arith.constant 0 : i32
    %c0_i32_0 = arith.constant 0 : i32
    %c0_i32_1 = arith.constant 0 : i32
    return %c0_i32, %c0_i32_0 : i32, i32
  }
  func.func @transform_2(%arg0: i32) -> (i32, i32) {
    %c0_i32 = arith.constant 0 : i32
    %c0_i32_0 = arith.constant 0 : i32
    return %c0_i32, %arg0 : i32, i32
  }
  func.func @transform_3(%arg0: i32) -> (i32, i32) {
    %c0_i32 = arith.constant 0 : i32
    %c0_i32_0 = arith.constant 0 : i32
    return %arg0, %c0_i32 : i32, i32
  }
}

module attributes {stable_mosaic.version = 14 : i64} {
  func.func @_tcB_body(%arg0: i32, %arg1: memref<2x1024x128xf32, #tpu.memory_space<vmem>>, %arg2: memref<1024x128xf32, #tpu.memory_space<vmem>>, %arg3: memref<2x1024xf32, #tpu.memory_space<vmem>>, %arg4: memref<1x128xf32, #tpu.memory_space<vmem>>, %arg5: memref<128x128xf32, #tpu.memory_space<vmem>>, %arg6: memref<1024x128xf32, #tpu.memory_space<vmem>>) attributes {dimension_semantics = [#tpu.dimension_semantics<arbitrary>], iteration_bounds = array<i64: 10>, scalar_prefetch = 0 : i64, scratch_operands = 0 : i64, tpu.core_type = #tpu.core_type<tc>, window_params = [{transform_indices = @transform_0, window_bounds = array<i64: 2, 1024, 128>}, {transform_indices = @transform_1, window_bounds = array<i64: 1024, 128>}, {transform_indices = @transform_2, window_bounds = array<i64: 2, 1024>}, {pipeline_mode = #tpu.pipeline_mode<synchronous>, transform_indices = @transform_3, window_bounds = array<i64: 1, 128>}, {pipeline_mode = #tpu.pipeline_mode<synchronous>, transform_indices = @transform_4, window_bounds = array<i64: 128, 128>}, {transform_indices = @transform_5, window_bounds = array<i64: 1024, 128>}]} {
    %get3A = arith.constant 0 : index
    %get3A_0 = arith.constant 0 : index
    %get3A_1 = vector.load %arg3[%get3A, %get3A_0] : memref<2x1024xf32, #tpu.memory_space<vmem>>, vector<1x1024xf32>
    %get3A_2 = vector.shape_cast %get3A_1 : vector<1x1024xf32> to vector<1024xf32>
    %get3A_3 = arith.constant 1 : index
    %get3A_4 = arith.constant 0 : index
    %get3A_5 = vector.load %arg3[%get3A_3, %get3A_4] : memref<2x1024xf32, #tpu.memory_space<vmem>>, vector<1x1024xf32>
    %get3A_6 = vector.shape_cast %get3A_5 : vector<1x1024xf32> to vector<1024xf32>
    %add3A = arith.addf %get3A_2, %get3A_6 : vector<1024xf32>
    %add3A_7 = arith.constant 1.000000e+00 : f32
    %add3A_8 = vector.broadcast %add3A_7 : f32 to vector<1024xf32>
    %add3A_9 = arith.addf %add3A, %add3A_8 : vector<1024xf32>
    %rsqrt3A = math.rsqrt %add3A_9 : vector<1024xf32>
    %get3A_10 = arith.constant 0 : index
    %get3A_11 = arith.constant 0 : index
    %get3A_12 = arith.constant 0 : index
    %get3A_13 = vector.load %arg1[%get3A_10, %get3A_11, %get3A_12] : memref<2x1024x128xf32, #tpu.memory_space<vmem>>, vector<1x1024x128xf32>
    %get3A_14 = vector.shape_cast %get3A_13 : vector<1x1024x128xf32> to vector<1024x128xf32>
    %get3A_15 = arith.constant 1 : index
    %get3A_16 = arith.constant 0 : index
    %get3A_17 = arith.constant 0 : index
    %get3A_18 = vector.load %arg1[%get3A_15, %get3A_16, %get3A_17] : memref<2x1024x128xf32, #tpu.memory_space<vmem>>, vector<1x1024x128xf32>
    %get3A_19 = vector.shape_cast %get3A_18 : vector<1x1024x128xf32> to vector<1024x128xf32>
    %add3A_20 = arith.addf %get3A_14, %get3A_19 : vector<1024x128xf32>
    %get3A_21 = arith.constant 0 : index
    %get3A_22 = arith.constant 0 : index
    %get3A_23 = vector.load %arg2[%get3A_21, %get3A_22] : memref<1024x128xf32, #tpu.memory_space<vmem>>, vector<1024x128xf32>
    %add3A_24 = arith.addf %add3A_20, %get3A_23 : vector<1024x128xf32>
    %broadcast_in_dim3A = vector.shape_cast %rsqrt3A : vector<1024xf32> to vector<1024x1xf32>
    %mul3A = vector.broadcast %broadcast_in_dim3A : vector<1024x1xf32> to vector<1024x128xf32>
    %mul3A_25 = arith.mulf %add3A_24, %mul3A : vector<1024x128xf32>
    %get3A_26 = arith.constant 0 : index
    %get3A_27 = arith.constant 0 : index
    %get3A_28 = vector.load %arg4[%get3A_26, %get3A_27] : memref<1x128xf32, #tpu.memory_space<vmem>>, vector<1x128xf32>
    %add3A_29 = vector.broadcast %get3A_28 : vector<1x128xf32> to vector<1024x128xf32>
    %add3A_30 = arith.addf %mul3A_25, %add3A_29 : vector<1024x128xf32>
    %gt3A = arith.constant 0.000000e+00 : f32
    %gt3A_31 = vector.broadcast %gt3A : f32 to vector<1024x128xf32>
    %gt3A_32 = arith.cmpf ogt, %add3A_30, %gt3A_31 : vector<1024x128xf32>
    %min3A = arith.constant 0.000000e+00 : f32
    %min3A_33 = vector.broadcast %min3A : f32 to vector<1024x128xf32>
    %min3A_34 = arith.minimumf %add3A_30, %min3A_33 : vector<1024x128xf32>
    %exp3A = math.exp %min3A_34 : vector<1024x128xf32>
    %sub3A = arith.constant 1.000000e+00 : f32
    %sub3A_35 = vector.broadcast %sub3A : f32 to vector<1024x128xf32>
    %sub3A_36 = arith.subf %exp3A, %sub3A_35 : vector<1024x128xf32>
    %select_n3A = arith.select %gt3A_32, %add3A_30, %sub3A_36 : vector<1024x128xi1>, vector<1024x128xf32>
    %get3A_37 = arith.constant 0 : index
    %get3A_38 = arith.constant 0 : index
    %get3A_39 = vector.load %arg5[%get3A_37, %get3A_38] : memref<128x128xf32, #tpu.memory_space<vmem>>, vector<128x128xf32>
    %dot_general3A = arith.constant dense<0.000000e+00> : vector<1024x128xf32>
    %dot_general3A_40 = tpu.matmul %select_n3A, %get3A_39, %dot_general3A {dimension_numbers = #tpu.dot_dimension_numbers<[1], [0], [0], [1], [0, 0, 1, 1], [], []>, transpose_lhs_hint = false} : vector<1024x128xf32>, vector<128x128xf32>, vector<1024x128xf32> -> vector<1024x128xf32>
    %mul3A_41 = arith.constant 1024 : i32
    %mul3A_42 = arith.muli %arg0, %mul3A_41 : i32
    %iota3A = tpu.iota {dimensions = array<i32: 0>} : vector<1024x1xi32>
    %add3A_43 = vector.broadcast %mul3A_42 : i32 to vector<1024x1xi32>
    %add3A_44 = arith.addi %add3A_43, %iota3A : vector<1024x1xi32>
    %lt3A = arith.constant 10000 : i32
    %lt3A_45 = vector.broadcast %lt3A : i32 to vector<1024x1xi32>
    %lt3A_46 = arith.cmpi slt, %add3A_44, %lt3A_45 : vector<1024x1xi32>
    %broadcast_in_dim3A_47 = vector.shape_cast %rsqrt3A : vector<1024xf32> to vector<1024x1xf32>
    %mul3A_48 = vector.broadcast %broadcast_in_dim3A_47 : vector<1024x1xf32> to vector<1024x128xf32>
    %mul3A_49 = arith.mulf %dot_general3A_40, %mul3A_48 : vector<1024x128xf32>
    %jit3A = arith.constant 0.000000e+00 : f32
    %broadcast_in_dim3A_50 = vector.shape_cast %lt3A_46 : vector<1024x1xi1> to vector<1024x1xi1>
    %broadcast_in_dim3A_51 = vector.broadcast %broadcast_in_dim3A_50 : vector<1024x1xi1> to vector<1024x128xi1>
    %broadcast_in_dim3A_52 = vector.broadcast %jit3A : f32 to vector<1024x128xf32>
    %select_n3A_53 = arith.select %broadcast_in_dim3A_51, %mul3A_49, %broadcast_in_dim3A_52 : vector<1024x128xi1>, vector<1024x128xf32>
    %swap3A = arith.constant 0 : index
    %swap3A_54 = arith.constant 0 : index
    %swap3A_55 = vector.load %arg6[%swap3A, %swap3A_54] : memref<1024x128xf32, #tpu.memory_space<vmem>>, vector<1024x128xf32>
    tpu.vector_store %arg6[%swap3A, %swap3A_54], %select_n3A_53 {strides = array<i32>} : memref<1024x128xf32, #tpu.memory_space<vmem>>, vector<1024x128xf32>,
    return
  }
  func.func @transform_0(%arg0: i32) -> (i32, i32, i32) {
    %c0_i32 = arith.constant 0 : i32
    %c0_i32_0 = arith.constant 0 : i32
    %c0_i32_1 = arith.constant 0 : i32
    return %c0_i32, %arg0, %c0_i32_0 : i32, i32, i32
  }
  func.func @transform_1(%arg0: i32) -> (i32, i32) {
    %c0_i32 = arith.constant 0 : i32
    %c0_i32_0 = arith.constant 0 : i32
    return %arg0, %c0_i32 : i32, i32
  }
  func.func @transform_2(%arg0: i32) -> (i32, i32) {
    %c0_i32 = arith.constant 0 : i32
    %c0_i32_0 = arith.constant 0 : i32
    return %c0_i32, %arg0 : i32, i32
  }
  func.func @transform_3(%arg0: i32) -> (i32, i32) {
    %c0_i32 = arith.constant 0 : i32
    %c0_i32_0 = arith.constant 0 : i32
    %c0_i32_1 = arith.constant 0 : i32
    return %c0_i32, %c0_i32_0 : i32, i32
  }
  func.func @transform_4(%arg0: i32) -> (i32, i32) {
    %c0_i32 = arith.constant 0 : i32
    %c0_i32_0 = arith.constant 0 : i32
    %c0_i32_1 = arith.constant 0 : i32
    return %c0_i32, %c0_i32_0 : i32, i32
  }
  func.func @transform_5(%arg0: i32) -> (i32, i32) {
    %c0_i32 = arith.constant 0 : i32
    %c0_i32_0 = arith.constant 0 : i32
    return %arg0, %c0_i32 : i32, i32
  }
}

module attributes {stable_mosaic.version = 14 : i64} {
  func.func @_tcC_body(%arg0: i32, %arg1: memref<2x1024x128xf32, #tpu.memory_space<vmem>>, %arg2: memref<1024x128xf32, #tpu.memory_space<vmem>>, %arg3: memref<2x1024xf32, #tpu.memory_space<vmem>>, %arg4: memref<1x128xf32, #tpu.memory_space<vmem>>, %arg5: memref<1024x128xf32, #tpu.memory_space<vmem>>) attributes {dimension_semantics = [#tpu.dimension_semantics<arbitrary>], iteration_bounds = array<i64: 10>, scalar_prefetch = 0 : i64, scratch_operands = 0 : i64, tpu.core_type = #tpu.core_type<tc>, window_params = [{transform_indices = @transform_0, window_bounds = array<i64: 2, 1024, 128>}, {transform_indices = @transform_1, window_bounds = array<i64: 1024, 128>}, {transform_indices = @transform_2, window_bounds = array<i64: 2, 1024>}, {pipeline_mode = #tpu.pipeline_mode<synchronous>, transform_indices = @transform_3, window_bounds = array<i64: 1, 128>}, {transform_indices = @transform_4, window_bounds = array<i64: 1024, 128>}]} {
    %get3A = arith.constant 0 : index
    %get3A_0 = arith.constant 0 : index
    %get3A_1 = vector.load %arg3[%get3A, %get3A_0] : memref<2x1024xf32, #tpu.memory_space<vmem>>, vector<1x1024xf32>
    %get3A_2 = vector.shape_cast %get3A_1 : vector<1x1024xf32> to vector<1024xf32>
    %get3A_3 = arith.constant 1 : index
    %get3A_4 = arith.constant 0 : index
    %get3A_5 = vector.load %arg3[%get3A_3, %get3A_4] : memref<2x1024xf32, #tpu.memory_space<vmem>>, vector<1x1024xf32>
    %get3A_6 = vector.shape_cast %get3A_5 : vector<1x1024xf32> to vector<1024xf32>
    %add3A = arith.addf %get3A_2, %get3A_6 : vector<1024xf32>
    %add3A_7 = arith.constant 1.000000e+00 : f32
    %add3A_8 = vector.broadcast %add3A_7 : f32 to vector<1024xf32>
    %add3A_9 = arith.addf %add3A, %add3A_8 : vector<1024xf32>
    %rsqrt3A = math.rsqrt %add3A_9 : vector<1024xf32>
    %get3A_10 = arith.constant 0 : index
    %get3A_11 = arith.constant 0 : index
    %get3A_12 = arith.constant 0 : index
    %get3A_13 = vector.load %arg1[%get3A_10, %get3A_11, %get3A_12] : memref<2x1024x128xf32, #tpu.memory_space<vmem>>, vector<1x1024x128xf32>
    %get3A_14 = vector.shape_cast %get3A_13 : vector<1x1024x128xf32> to vector<1024x128xf32>
    %get3A_15 = arith.constant 1 : index
    %get3A_16 = arith.constant 0 : index
    %get3A_17 = arith.constant 0 : index
    %get3A_18 = vector.load %arg1[%get3A_15, %get3A_16, %get3A_17] : memref<2x1024x128xf32, #tpu.memory_space<vmem>>, vector<1x1024x128xf32>
    %get3A_19 = vector.shape_cast %get3A_18 : vector<1x1024x128xf32> to vector<1024x128xf32>
    %add3A_20 = arith.addf %get3A_14, %get3A_19 : vector<1024x128xf32>
    %get3A_21 = arith.constant 0 : index
    %get3A_22 = arith.constant 0 : index
    %get3A_23 = vector.load %arg2[%get3A_21, %get3A_22] : memref<1024x128xf32, #tpu.memory_space<vmem>>, vector<1024x128xf32>
    %add3A_24 = arith.addf %add3A_20, %get3A_23 : vector<1024x128xf32>
    %broadcast_in_dim3A = vector.shape_cast %rsqrt3A : vector<1024xf32> to vector<1024x1xf32>
    %mul3A = vector.broadcast %broadcast_in_dim3A : vector<1024x1xf32> to vector<1024x128xf32>
    %mul3A_25 = arith.mulf %add3A_24, %mul3A : vector<1024x128xf32>
    %get3A_26 = arith.constant 0 : index
    %get3A_27 = arith.constant 0 : index
    %get3A_28 = vector.load %arg4[%get3A_26, %get3A_27] : memref<1x128xf32, #tpu.memory_space<vmem>>, vector<1x128xf32>
    %add3A_29 = vector.broadcast %get3A_28 : vector<1x128xf32> to vector<1024x128xf32>
    %add3A_30 = arith.addf %mul3A_25, %add3A_29 : vector<1024x128xf32>
    %swap3A = arith.constant 0 : index
    %swap3A_31 = arith.constant 0 : index
    %swap3A_32 = vector.load %arg5[%swap3A, %swap3A_31] : memref<1024x128xf32, #tpu.memory_space<vmem>>, vector<1024x128xf32>
    tpu.vector_store %arg5[%swap3A, %swap3A_31], %add3A_30 {strides = array<i32>} : memref<1024x128xf32, #tpu.memory_space<vmem>>, vector<1024x128xf32>,
    return
  }
  func.func @transform_0(%arg0: i32) -> (i32, i32, i32) {
    %c0_i32 = arith.constant 0 : i32
    %c0_i32_0 = arith.constant 0 : i32
    %c0_i32_1 = arith.constant 0 : i32
    return %c0_i32, %arg0, %c0_i32_0 : i32, i32, i32
  }
  func.func @transform_1(%arg0: i32) -> (i32, i32) {
    %c0_i32 = arith.constant 0 : i32
    %c0_i32_0 = arith.constant 0 : i32
    return %arg0, %c0_i32 : i32, i32
  }
  func.func @transform_2(%arg0: i32) -> (i32, i32) {
    %c0_i32 = arith.constant 0 : i32
    %c0_i32_0 = arith.constant 0 : i32
    return %c0_i32, %arg0 : i32, i32
  }
  func.func @transform_3(%arg0: i32) -> (i32, i32) {
    %c0_i32 = arith.constant 0 : i32
    %c0_i32_0 = arith.constant 0 : i32
    %c0_i32_1 = arith.constant 0 : i32
    return %c0_i32, %c0_i32_0 : i32, i32
  }
  func.func @transform_4(%arg0: i32) -> (i32, i32) {
    %c0_i32 = arith.constant 0 : i32
    %c0_i32_0 = arith.constant 0 : i32
    return %arg0, %c0_i32 : i32, i32
  }
}

</mosaic_0001>

<sc_bundles>
// kernel: kernel.11.cloned.1.call-start
scs
__scs_entry_jumppad:
0x0: {  	(pc) =	sbr.rel $0x88, $3  }
0x1: {  	(tag) =	ssettag $0x0;
	lr =	simm.s32 $0x1  }
0x2: {  	[smem:$0x3F9B] =	sst lr;
	_ =	strace $0xD0000000  }
0x3: {  	_ = 	snop  }
0x4: {  	_ = 	snop  }
0x5: {  	_ = 	snop  }
0x6: {  	_ = 	snop  }
0x7: {  	_ = 	snop  }
__scs_overlays_trampoline_lowered:
0x8: {  	[smem:$0x3FAA] =	sst s0  }
0x9: {  	[smem:$0x3FAB] =	sst s1  }
0xa: {  	[smem:$0x3FAC] =	sst s2  }
0xb: {  	[smem:$0x3FAD] =	sst s3  }
0xc: {  	[smem:$0x3FAE] =	sst s4  }
0xd: {  	[smem:$0x3FAF] =	sst s5  }
0xe: {  	[smem:$0x3FB0] =	sst s6  }
0xf: {  	[smem:$0x3FB1] =	sst s7  }
0x10: {  	[smem:$0x3FB2] =	sst s8  }
0x11: {  	[smem:$0x3FB3] =	sst s9;
	s0 =	simm.s32 @!p0 $0x0  }
0x12: {  	s1 =	sld [smem:$0x3F99];
	s0 =	simm.s32 @p0 $0x1  }
0x13: {  	[smem:$0x3FB4] =	sst s0;
	s0 =	simm.s32 @!p1 $0x0  }
0x14: {  	s2 =	sld [smem:$0x3F98];
	s0 =	simm.s32 @p1 $0x1  }
0x15: {  	[smem:$0x3FB5] =	sst s0;
	s0 =	simm.s32 @!p2 $0x0  }
0x16: {  	s3 =	sld [smem:$0x3FDB];
	s0 =	simm.s32 @p2 $0x1  }
0x17: {  	s4 =	simm.s32 $0x1BF5;
	[smem:$0x3FB7] =	sst s0  }
0x18: {  	s0 =	sld [smem:$0x3F9A];
	_ =	swait.ge [sflag:s4], $0x0  }
0x19: {  	s7 =	sld [smem:$0x3F9B]  }
0x1a: {  	s8 =	sadd.s32 $0xFFFFE003, lr  }
0x1b: {  	s9 =	sadd.s32 $0xFFFFFEF7, lr;
	s5 =	simm.s32 $0xFFFFFFFF;
	p2 =	slt.u32 s8, $0xFFFFF086  }
0x1c: {  	p1 =	slt.u32 s9, $0xF7A;
	s5 =	simm.s32 @!p2 $0x0  }
0x1d: {  	s5 =	simm.s32 @p1 $0x1;
	p0 =	seq.s32 s7, s2  }
0x1e: {  	s7 =	smul.u32 @!p0 $0xF7A, s2;
	p2 =	seq.s32 @!p0 s5, $0x0  }
0x1f: {  	s9 =	smul.u32 $0xF7A, s1;
	s8 =	simm.s32 @!p0 $0x1BF5;
	p2 =	por !p2, p0  }
0x20: {  	[sflag:s8] =	ssyncset.s32 @!p0 $0xFFFFF086;
	s6 =	sadd.s32 @!p0 s3, s7;
	s7 =	simm.s32 @!p0 $0x108  }
0x21: {  	s3 =	sadd.s32 s3, s9;
	s6 =	sadd.s32 @!p0 $0x88, s6;
	s7 =	simm.s32 @p2 $0x1082  }
0x22: {  	[simem:s7], [sflag:s8] =	dma.local @!p0 [hbm:s6], $0xF7A  }
0x23: {  	s9 =	sor.u32 $0xD0000000, s2;
	s6 =	simm.s32 $0x108;
	_ =	swait.ge @!p0 [sflag:s8], $0x0  }
0x24: {  	s3 =	sadd.s32 $0x88, s3;
	s6 =	simm.s32 @!p1 $0x1082;
	[sflag:s4] =	ssyncset.s32 $0xFFFFF086  }
0x25: {  	[simem:s6], [sflag:s4] =	dma.local [hbm:s3], $0xF7A  }
0x26: {  	[smem:$0x3F9B] =	sst s1;
	(tag) =	ssettag s2;
	_ =	strace s9  }
0x27: {  	s1 =	sld [smem:$0x3FAB]  }
0x28: {  	s2 =	sld [smem:$0x3FAC]  }
0x29: {  	s4 =	sld [smem:$0x3FAE]  }
0x2a: {  	p0 =	seq.s32 s5, $0x0;
	s5 =	sld [smem:$0x3FAF]  }
0x2b: {  	s6 =	sld [smem:$0x3FB0]  }
0x2c: {  	s7 =	sld [smem:$0x3FB1]  }
0x2d: {  	s3 =	simm.s32 $0x108;
	s8 =	sld [smem:$0x3FB2]  }
0x2e: {  	s3 =	simm.s32 @!p0 $0x1082;
	s9 =	sld [smem:$0x3FB3]  }
0x2f: {  	lr =	sadd.s32 s0, s3;
	s0 =	sld [smem:$0x3FAA]  }
0x30: {  	s3 =	sld [smem:$0x3FAD]  }
0x31: {  	[smem:$0x3FB6] =	sst s10  }
0x32: {  	s10 =	sld [smem:$0x3FB4];
	_ =	sdelay $0x3  }
0x33: {  	p0 =	seq.s32 s10, $0x1;
	s10 =	sld [smem:$0x3FB6];
	_ =	sdelay $0x3  }
0x34: {  	[smem:$0x3FB6] =	sst s10  }
0x35: {  	s10 =	sld [smem:$0x3FB5];
	_ =	sdelay $0x3  }
0x36: {  	p1 =	seq.s32 s10, $0x1;
	s10 =	sld [smem:$0x3FB6];
	_ =	sdelay $0x3  }
0x37: {  	[smem:$0x3FB6] =	sst s10  }
0x38: {  	s10 =	sld [smem:$0x3FB7]  }
0x39: {  	_ = 	snop;
	(pc) =	sbr.ind lr, $3  }
0x3a: {  	_ = 	snop  }
0x3b: {  	_ = 	snop  }
0x3c: {  	p2 =	seq.s32 s10, $0x1;
	s10 =	sld [smem:$0x3FB6]  }
0x3d: {  	_ =	shalt  }
0x3e: {  	_ =	shalt  }
0x3f: {  	_ =	shalt  }
0x40: {  	_ =	shalt  }
0x41: {  	_ =	shalt  }
0x42: {  	_ =	shalt  }
0x43: {  	_ =	shalt  }
0x44: {  	_ =	shalt  }
0x45: {  	_ =	shalt  }
0x46: {  	_ =	shalt  }
0x47: {  	_ =	shalt  }
0x48: {  	_ =	shalt  }
0x49: {  	_ =	shalt  }
0x4a: {  	_ =	shalt  }
0x4b: {  	_ =	shalt  }
0x4c: {  	_ =	shalt  }
0x4d: {  	_ =	shalt  }
0x4e: {  	_ =	shalt  }
0x4f: {  	_ =	shalt  }
0x50: {  	_ =	shalt  }
0x51: {  	_ =	shalt  }
0x52: {  	_ =	shalt  }
0x53: {  	_ =	shalt  }
0x54: {  	_ =	shalt  }
0x55: {  	_ =	shalt  }
0x56: {  	_ =	shalt  }
0x57: {  	_ =	shalt  }
0x58: {  	_ =	shalt  }
0x59: {  	_ =	shalt  }
0x5a: {  	_ =	shalt  }
0x5b: {  	_ =	shalt  }
0x5c: {  	_ =	shalt  }
0x5d: {  	_ =	shalt  }
0x5e: {  	_ =	shalt  }
0x5f: {  	_ =	shalt  }
0x60: {  	_ =	shalt  }
0x61: {  	_ =	shalt  }
0x62: {  	_ =	shalt  }
0x63: {  	_ =	shalt  }
0x64: {  	_ =	shalt  }
0x65: {  	_ =	shalt  }
0x66: {  	_ =	shalt  }
0x67: {  	_ =	shalt  }
0x68: {  	_ =	shalt  }
0x69: {  	_ =	shalt  }
0x6a: {  	_ =	shalt  }
0x6b: {  	_ =	shalt  }
0x6c: {  	_ =	shalt  }
0x6d: {  	_ =	shalt  }
0x6e: {  	_ =	shalt  }
0x6f: {  	_ =	shalt  }
0x70: {  	_ =	shalt  }
0x71: {  	_ =	shalt  }
0x72: {  	_ =	shalt  }
0x73: {  	_ =	shalt  }
0x74: {  	_ =	shalt  }
0x75: {  	_ =	shalt  }
0x76: {  	_ =	shalt  }
0x77: {  	_ =	shalt  }
0x78: {  	_ =	shalt  }
0x79: {  	_ =	shalt  }
0x7a: {  	_ =	shalt  }
0x7b: {  	_ =	shalt  }
0x7c: {  	_ =	shalt  }
0x7d: {  	_ =	shalt  }
0x7e: {  	_ =	shalt  }
0x7f: {  	_ =	shalt  }
0x80: {  	_ =	shalt  }
0x81: {  	_ =	shalt  }
0x82: {  	_ =	shalt  }
0x83: {  	_ =	shalt  }
0x84: {  	_ =	shalt  }
0x85: {  	_ =	shalt  }
0x86: {  	_ =	shalt  }
0x87: {  	_ =	shalt  }
.Lfunc_end0:
.L_simem_size_0:
called_computation.1_lowered:
.L_overlay_start_0:
0x88: {  	s2 =	sld [smem:$0x3FD9]  }
0x89: {  	s3 =	sld [smem:$0x3FFE];
	_ =	sdelay $0x1  }
0x8a: {  	s1 =	srdreg.scid  }
0x8b: {  	s0 =	sand.u32 $0x1, s1  }
0x8c: {  	s17 =	sshll.u32 s0, $0xA;
	s2 =	sadd.s32 s3, s2  }
0x8d: {  	s2 =	sadd.s32 s2, s17  }
0x8e: {  	[smem:$0x3FC2] =	sst s2  }
0x8f: {  	_ = 	snop  }
0x90: {  	s2 =	sld [smem:$0x3FD0];
	(tm) =	ssettm $0x1  }
0x91: {  	s18 =	sld [smem:$0x3FFB];
	_ =	sdelay $0x3  }
0x92: {  	_ =	strace s18  }
0x93: {  	s3 =	sld [smem:$0x3FFC];
	_ =	sdelay $0x3  }
0x94: {  	_ =	strace s3  }
0x95: {  	s3 =	sld [smem:$0x3FFD];
	_ =	sdelay $0x3  }
0x96: {  	_ =	strace s3  }
0x97: {  	_ =	strace $0x8FFFFFFF  }
0x98: {  	s19 =	sld [smem:$0x3FDB];
	_ =	sdelay $0x1  }
0x99: {  	s4 =	simm.s32 $_scs_section_size  }
0x9a: {  	s5 =	simm.s32 $_size__tile_overlayer_lowered;
	s6 =	simm.s32 $_tile_overlayer_lowered  }
0x9b: {  	s22 =	simm.s32 $0x1BFF;
	s21 =	sshll.u32 s6, $0x1;
	s3 =	sadd.s32 s4, s19  }
0x9c: {  	s7 =	simm.s32 $0x0;
	s20 =	sshll.u32 s5, $0x1;
	s5 =	sadd.s32 s21, s3  }
0x9d: {  	[timem:s7], [sflag:s22] =	dma.local [hbm:s5], s20  }
0x9e: {  	_ =	swait.ge [sflag:s22], s20  }
0x9f: {  	s4 =	ssub.s32 $0x0, s20;
	[sflag:s22] =	ssyncset.done $0x0  }
0xa0: {  	[sflag:s22] =	ssyncadd.s32 s4;
	_ =	sdelay $0x1  }
0xa1: {  	s23 =	simm.s32 $0x1B8B  }
0xa2: {  	_ =	swait.ge [sflag:s23], $0x1  }
0xa3: {  	[sflag:s23] =	ssyncset.done $0x0  }
0xa4: {  	s25 =	simm.s32 $0x1B8E;
	s24 =	sld [smem:$0x3FFE];
	[sflag:s23] =	ssyncadd.s32 $0xFFFFFFFF  }
0xa5: {  	s26 =	simm.s32 $execute0_lowered;
	[smem:$0x3FD2] =	sst s25  }
0xa6: {  	s5 =	sshll.u32 s26, $0x1;
	_ =	strace $0x80000049;
	[dreg:$0x1] =	wrdreg $0xFFFFFFFF  }
0xa7: {  	s28 =	simm.s32 $_size_execute0_lowered;
	s3 =	sadd.s32 s3, s5;
	[dreg:$0x0] =	wrdreg $0x0  }
0xa8: {  	s5 =	sshll.u32 s28, $0x1;
	[dreg:$0x2] =	wrdreg s3  }
0xa9: {  	[dreg:$0x3] =	wrdreg s5  }
0xaa: {  	[dreg:$0x4] =	wrdreg $0xC0  }
0xab: {  	_ =	task [dreg:s7], $0x5FFFF  }
0xac: {  	[dreg:$0x1] =	wrdreg $0xFFFFFFFF  }
0xad: {  	[dreg:$0x0] =	wrdreg $0x60  }
0xae: {  	[dreg:$0x2] =	wrdreg s24  }
0xaf: {  	[dreg:$0x3] =	wrdreg s2  }
0xb0: {  	[dreg:$0x4] =	wrdreg $0xC4000  }
0xb1: {  	[dreg:$0x5] =	wrdreg $0x9  }
0xb2: {  	_ =	task.clear_ibuf [dreg:s7], $0x6FFFF;
	_ =	strace $0x90000049  }
0xb3: {  	s29 =	simm.s32 $0x9;
	_ =	strace $0x8000004B  }
0xb4: {  	_ =	swait.ge [sflag:s29], $0x1  }
0xb5: {  	[sflag:s29] =	ssyncadd.s32 $0xFFFFFFFF  }
0xb6: {  	_ =	strace $0x9000004B  }
0xb7: {  	_ =	sfence  }
0xb8: {  	s30 =	sld [smem:$0x0];
	_ =	sdelay $0x2  }
0xb9: {  	s31 =	sshll.u32 s1, $0xD;
	s1 =	sshrl.u32 s1, $0x2  }
0xba: {  	s3 =	sand.u32 $0x4000, s31;
	s1 =	sadd.s32 s1, s30  }
0xbb: {  	s0 =	sor.u32 s3, s0;
	s1 =	sshll.u32 s1, $0x11  }
0xbc: {  	s0 =	sor.u32 s1, s0  }
0xbd: {  	s0 =	sadd.s32 $0x8F2B, s0  }
0xbe: {  	[sflag:s0] =	ssyncadd.remote.s32 $0x1  }
0xbf: {  	_ =	sfence.sel $0xFFFF  }
0xc0: {  	[dreg:$0x0] =	wrdreg $0xFFFFFFFF;
	(pc) =	sbr.abs _section_cstart, $3  }
0xc1: {  	[dreg:$0x1] =	wrdreg $0xFFFFFFFF  }
0xc2: {  	_ =	task.clear_ibuf [dreg:s7], $0x2FFFF;
	_ =	strace $0x9FFFFFFF  }
0xc3: {  	(tm) =	ssettm $0x7FFFFFFF  }
tec
execute0_lowered:
.L_overlay_start_1:
0x0: {  	(tag) =	ssettag $0x1  }
0x1: {  	s0 =	rddreg [dreg:$0x0]  }
0x2: {  	s1 =	rddreg [dreg:$0x1]  }
0x3: {  	s2 =	rddreg [dreg:$0x2];
	s9 =	stileid.u32  }
0x4: {  	s3 =	srdreg.scid;
	s7 =	smul.u32 $0x13C00, s9  }
0x5: {  	s4 =	simm.s32 $0x0;
	s29 =	simm.s32 $0x4;
	s8 =	smul.u32 $0x50, s9  }
0x6: {  	s3 =	sand.u32 $0x1, s3;
	[smem:$0x7FF] =	sst s4;
	s9 =	smul.u32 $0x4F000, s9  }
0x7: {  	s5 =	sadd.s32 $0xCA00, s0;
	s6 =	smul.u32 $0x140000, s3;
	_ =	strace $0x8000004A  }
0x8: {  	p0 =	seq.s32 s3, $0x0;
	s3 =	ssub.s32 $0x2, s3;
	s10 =	sadd.s32 $0x500, s8  }
0x9: {  	s15 =	sshrl.u32 s9, $0x2;
	s16 =	sshrl.u32 s3, $0x1;
	s7 =	sadd.s32 s7, s6  }
0xa: {  	s6 =	sadd.s32 $0x2A00, s0;
	s10 =	smov.u32 @p0 s8;
	s3 =	ssub.s32 s3, s16  }
0xb: {  	s7 =	sshrl.u32 s7, $0x3;
	s8 =	sshll.u32 s10, $0x4;
	s23 =	smax.u32 s3, $0x1  }
0xc: {  	s0 =	sadd.s32 s7, s0;
	s18 =	sadd.s32 s1, s8;
	[dreg:$0xc] =	wrdreg s23  }
0xd: {  	s7 =	sadd.s32 s15, s2;
	s19 =	sadd.s32 s6, s8;
	[dreg:$0x5] =	wrdreg s18  }
0xe: {  	s20 =	sor.u32 $0x10, s8;
	s17 =	sadd.s32 $0x10000, s7;
	[dreg:$0x6] =	wrdreg s19  }
0xf: {  	s30 =	simm.s32 $0x5;
	s11 =	sadd.s32 s1, s20;
	[dreg:$0x4] =	wrdreg s17  }
0x10: {  	s10 =	sor.u32 $0x20, s8;
	s9 =	sadd.s32 s6, s20;
	[dreg:$0x7] =	wrdreg s11  }
0x11: {  	s31 =	simm.s32 $0x4400;
	s21 =	sadd.s32 s1, s10;
	[dreg:$0x8] =	wrdreg s9  }
0x12: {  	s28 =	simm.s32 $0x1;
	s22 =	sadd.s32 s6, s10;
	[dreg:$0x9] =	wrdreg s21  }
0x13: {  	s12 =	simm.s32 $0x0;
	s0 =	sadd.s32 $0x34A00, s0;
	[dreg:$0xa] =	wrdreg s22  }
0x14: {  	s3 =	simm.s32 $0x7;
	s24 =	sadd.s32 $0x4000, s7;
	[dreg:$0xb] =	wrdreg s0  }
.Ltmp0:
0x15: {  	s25 =	sadd.s32 $0x8000, s7;
	[dreg:$0xd] =	wrdreg s24;
	(pc) =	sbr.rel .LBB2_1-.Ltmp0, $4  }
0x16: {  	s23 =	simm.s32 $0x200;
	s26 =	sadd.s32 $0xC000, s7;
	[dreg:$0xe] =	wrdreg s25  }
0x17: {  	s10 =	simm.s32 $0x8;
	[dreg:$0xf] =	wrdreg s26;
	s21 =	simm.s32 $0x400  }
0x18: {  	s22 =	simm.s32 $0xA;
	s24 =	simm.s32 $0x80;
	s25 =	simm.s32 $0x280  }
0x19: {  	v0 =	vimm.f32 $0.0e+00;
	s0 =	simm.s32 $0x6;
	s9 =	simm.s32 $0x2;
	s11 =	simm.s32 $0x3  }
.LBB2_5:
0x1a: {  	_ =	swait.ge [sflag:s3], $0x80  }
0x1b: {  	[sflag:s3] =	ssyncset.done $0x0  }
0x1c: {  	[sflag:s3] =	ssyncadd.s32 $0xFFFFFF80  }
0x1d: {  	[spmem:s2] =	stream.indirect.scatter.add.f32 [tilespmem:s21], [sflag:$0xA], $0x80, s23, s24, $0xb8;
	v63 =	vld [tilespmem:$0x0]  }
0x1e: {  	_ =	swait.ge [sflag:s22], $0x4000  }
0x1f: {  	[sflag:s22] =	ssyncset.done $0x0  }
0x20: {  	[sflag:s22] =	ssyncadd.s32 $0xFFFFC000  }
0x21: {  	_ =	swait.ge [sflag:s9], $0x4000  }
0x22: {  	[sflag:s9] =	ssyncset.done $0x0  }
0x23: {  	[sflag:s9] =	ssyncadd.s32 $0xFFFFC000  }
0x24: {  	_ =	swait.ge [sflag:s10], $0x80  }
0x25: {  	[sflag:s10] =	ssyncset.done $0x0  }
0x26: {  	[sflag:s10] =	ssyncadd.s32 $0xFFFFFF80  }
0x27: {  	[spmem:s2] =	stream.indirect.scatter.add.f32 [tilespmem:s31], [sflag:$0xA], $0x80, s25, s24, $0xb8;
	v63 =	vld [tilespmem:$0x0]  }
0x28: {  	_ =	swait.ge [sflag:s22], $0x4000  }
0x29: {  	[sflag:s22] =	ssyncset.done $0x0  }
0x2a: {  	[sflag:s22] =	ssyncadd.s32 $0xFFFFC000  }
.LBB2_7:
0x2b: {  	s13 =	stileid.u32  }
0x2c: {  	[bflag:$0x0] =	sbarrier.arrive $0xFFFF;
	s13 =	sshll.u32 s13, $0x6  }
0x2d: {  	s14 =	sshrl.u32 s7, $0x3;
	s15 =	rddreg [dreg:$0xb];
	s13 =	sor.u32 $0x1C0A, s13  }
0x2e: {  	[hbm:s15], [sflag:s13] =	dma.local [spmem:s14], $0x2780  }
0x2f: {  	_ =	swait.ge [sflag:s22], $0x2780  }
0x30: {  	s12 =	sadd.s32 $0x1, s12;
	s26 =	rddreg [dreg:$0xc]  }
0x31: {  	p0 =	sne.s32 s12, s26  }
.Ltmp1:
0x32: {  	_ = 	snop;
	(pc) =	sbr.rel @!p0 .LBB2_8-.Ltmp1, $3  }
0x33: {  	_ =	sdelay $0x1  }
0x34: {  	[sflag:s22] =	ssyncset.done $0x0  }
0x35: {  	[sflag:s22] =	ssyncadd.s32 $0xFFFFD880  }
.LBB2_1:
0x36: {  	s13 =	sand.u32 $0xFE00, s4  }
0x37: {  	s14 =	sand.u32 $0x70, s4;
	s15 =	sshrl.u32 s13, $0x2  }
0x38: {  	s13 =	simm.s32 $0x40;
	s15 =	sor.u32 s14, s15;
	s14 =	simm.s32 $0x0  }
.LBB2_2:
0x39: {  	p0 =	sne.s32 s13, $0xFFC0  }
0x3a: {  	[tilespmem:s15+$0x400] =	vst v0;
	s14 =	sadd.s32 $0x10, s14;
	s15 =	smov.u32 s13;
	s13 =	sadd.s32 $0x40, s13  }
.Ltmp2:
0x3b: {  	(pc) =	sbr.rel @p0 .LBB2_2-.Ltmp2, $4  }
0x3c: {  	_ = 	snop  }
0x3d: {  	s15 =	sand.u32 $0xFE00, s15  }
0x3e: {  	s16 =	sand.u32 $0x70, s14;
	s15 =	sshrl.u32 s15, $0x2  }
0x3f: {  	s15 =	sor.u32 s16, s15  }
0x40: {  	[tilespmem:s15+$0x400] =	vst v0  }
0x41: {  	[spmem:s7] =	stream.linear.scatter [tilespmem:s21], [sflag:$0xA], $0x4000, $0x38;
	v63 =	vld [tilespmem:$0x0]  }
0x42: {  	_ =	swait.ge [sflag:s22], $0x4000  }
0x43: {  	[sflag:s22] =	ssyncset.done $0x0  }
0x44: {  	s13 =	rddreg [dreg:$0xd];
	[sflag:s22] =	ssyncadd.s32 $0xFFFFC000  }
0x45: {  	[spmem:s13] =	stream.linear.scatter [tilespmem:s21], [sflag:$0xA], $0x4000, $0x38;
	v63 =	vld [tilespmem:$0x0]  }
0x46: {  	_ =	swait.ge [sflag:s22], $0x4000  }
0x47: {  	[sflag:s22] =	ssyncset.done $0x0  }
0x48: {  	s18 =	rddreg [dreg:$0xe];
	[sflag:s22] =	ssyncadd.s32 $0xFFFFC000  }
0x49: {  	[spmem:s18] =	stream.linear.scatter [tilespmem:s21], [sflag:$0xA], $0x4000, $0x38;
	v63 =	vld [tilespmem:$0x0]  }
0x4a: {  	_ =	swait.ge [sflag:s22], $0x4000  }
0x4b: {  	[sflag:s22] =	ssyncset.done $0x0  }
0x4c: {  	s19 =	rddreg [dreg:$0xf];
	[sflag:s22] =	ssyncadd.s32 $0xFFFFC000  }
0x4d: {  	[spmem:s19] =	stream.linear.scatter [tilespmem:s21], [sflag:$0xA], $0x4000, $0x38;
	v63 =	vld [tilespmem:$0x0]  }
0x4e: {  	_ =	swait.ge [sflag:s22], $0x4000  }
0x4f: {  	[sflag:s22] =	ssyncset.done $0x0  }
0x50: {  	s20 =	rddreg [dreg:$0x4];
	[sflag:s22] =	ssyncadd.s32 $0xFFFFC000  }
0x51: {  	[spmem:s20] =	stream.linear.scatter [tilespmem:s21], [sflag:$0xA], $0x3C00, $0x38;
	v63 =	vld [tilespmem:$0x0]  }
0x52: {  	_ =	swait.ge [sflag:s22], $0x3C00  }
0x53: {  	[sflag:s22] =	ssyncset.done $0x0  }
0x54: {  	[sflag:s22] =	ssyncadd.s32 $0xFFFFC400  }
0x55: {  	[bflag:$0x0] =	sbarrier.arrive $0xFFFF  }
0x56: {  	s14 =	simm.s32 $0x0;
	s26 =	rddreg [dreg:$0x5]  }
0x57: {  	[tilespmem:s14], [sflag:$0x4] =	stream.linear.gather [hbm4b:s26+s14], $0x80, $0x38;
	v63 =	vld [tilespmem:$0x0]  }
0x58: {  	s15 =	rddreg [dreg:$0x6]  }
0x59: {  	[tilespmem:s23], [sflag:$0x7] =	stream.linear.gather [hbm4b:s15+s14], $0x80, $0x38;
	v63 =	vld [tilespmem:$0x0]  }
0x5a: {  	s16 =	rddreg [dreg:$0x7]  }
0x5b: {  	[tilespmem:s24], [sflag:$0x5] =	stream.linear.gather [hbm4b:s16+s14], $0x80, $0x38;
	v63 =	vld [tilespmem:$0x0]  }
0x5c: {  	s17 =	rddreg [dreg:$0x8]  }
0x5d: {  	[tilespmem:s25], [sflag:$0x8] =	stream.linear.gather [hbm4b:s17+s14], $0x80, $0x38;
	v63 =	vld [tilespmem:$0x0]  }
0x5e: {  	s19 =	simm.s32 $0x100;
	s18 =	rddreg [dreg:$0x9]  }
0x5f: {  	[tilespmem:s19], [sflag:$0x6] =	stream.linear.gather [hbm4b:s18+s14], $0x80, $0x38;
	v63 =	vld [tilespmem:$0x0]  }
0x60: {  	s20 =	rddreg [dreg:$0xa];
	s16 =	simm.s32 $0x300  }
0x61: {  	[tilespmem:s16], [sflag:$0x9] =	stream.linear.gather [hbm4b:s20+s14], $0x80, $0x38;
	v63 =	vld [tilespmem:$0x0]  }
0x62: {  	_ =	swait.ge [sflag:s29], $0x80  }
0x63: {  	[sflag:s29] =	ssyncset.done $0x0  }
0x64: {  	[sflag:s29] =	ssyncadd.s32 $0xFFFFFF80  }
0x65: {  	[tilespmem:s21], [sflag:$0x1] =	stream.indirect.gather [hbm4b:s5+s24], $0x80, s14, s24, $0xb8;
	v63 =	vld [tilespmem:$0x0]  }
0x66: {  	_ =	swait.ge [sflag:s30], $0x80  }
0x67: {  	[sflag:s30] =	ssyncset.done $0x0  }
0x68: {  	[sflag:s30] =	ssyncadd.s32 $0xFFFFFF80  }
0x69: {  	[tilespmem:s31], [sflag:$0x2] =	stream.indirect.gather [hbm4b:s5+s24], $0x80, s24, s24, $0xb8;
	v63 =	vld [tilespmem:$0x0]  }
0x6a: {  	_ =	swait.ge [sflag:s0], $0x80  }
0x6b: {  	[sflag:s0] =	ssyncset.done $0x0  }
0x6c: {  	s13 =	simm.s32 $0x0;
	s26 =	simm.s32 $0x8400;
	[sflag:s0] =	ssyncadd.s32 $0xFFFFFF80  }
0x6d: {  	[tilespmem:s26], [sflag:$0x3] =	stream.indirect.gather [hbm4b:s5+s24], $0x80, s19, s24, $0xb8;
	v63 =	vld [tilespmem:$0x0]  }
.LBB2_4:
0x6e: {  	p0 =	sne.s32 s14, $0x4E0  }
.Ltmp3:
0x6f: {  	_ = 	snop;
	(pc) =	sbr.rel @!p0 .LBB2_5-.Ltmp3, $4  }
0x70: {  	_ = 	snop  }
0x71: {  	_ =	swait.ge [sflag:s28], $0x4000  }
0x72: {  	[sflag:s28] =	ssyncset.done $0x0  }
0x73: {  	[sflag:s28] =	ssyncadd.s32 $0xFFFFC000  }
0x74: {  	s16 =	sadd.s32 s14, s8  }
0x75: {  	s15 =	sadd.s32 $0x30, s14;
	s17 =	sadd.s32 $0x30, s16  }
0x76: {  	s18 =	sand.u32 $0x70, s15;
	s17 =	sand.u32 $0xFFFFF80, s17  }
0x77: {  	s17 =	sor.u32 s18, s17  }
0x78: {  	s18 =	sadd.s32 s1, s17  }
0x79: {  	[tilespmem:s4], [sflag:$0x4] =	stream.linear.gather [hbm4b:s18+s4], $0x80, $0x38;
	v63 =	vld [tilespmem:$0x0]  }
0x7a: {  	_ =	swait.ge [sflag:s3], $0x80  }
0x7b: {  	[sflag:s3] =	ssyncset.done $0x0  }
0x7c: {  	[sflag:s3] =	ssyncadd.s32 $0xFFFFFF80  }
0x7d: {  	[spmem:s2] =	stream.indirect.scatter.add.f32 [tilespmem:s21], [sflag:$0xA], $0x80, s23, s24, $0xb8;
	v63 =	vld [tilespmem:$0x0]  }
0x7e: {  	_ =	swait.ge [sflag:s22], $0x4000  }
0x7f: {  	[sflag:s22] =	ssyncset.done $0x0  }
0x80: {  	s17 =	sadd.s32 s6, s17;
	[sflag:s22] =	ssyncadd.s32 $0xFFFFC000  }
0x81: {  	[tilespmem:s23], [sflag:$0x7] =	stream.linear.gather [hbm4b:s17+s4], $0x80, $0x38;
	v63 =	vld [tilespmem:$0x0]  }
0x82: {  	_ =	swait.ge [sflag:s29], $0x80  }
0x83: {  	[sflag:s29] =	ssyncset.done $0x0  }
0x84: {  	s26 =	sadd.s32 $0x40, s14;
	s16 =	sadd.s32 $0x40, s16;
	[sflag:s29] =	ssyncadd.s32 $0xFFFFFF80  }
0x85: {  	[tilespmem:s21], [sflag:$0x1] =	stream.indirect.gather [hbm4b:s5+s24], $0x80, s4, s24, $0xb8;
	v63 =	vld [tilespmem:$0x0]  }
0x86: {  	s16 =	sand.u32 $0xFFFFF80, s16;
	s17 =	sand.u32 $0x70, s26;
	_ =	swait.ge [sflag:s9], $0x4000  }
0x87: {  	s16 =	sor.u32 s17, s16;
	[sflag:s9] =	ssyncset.done $0x0  }
0x88: {  	s17 =	sadd.s32 s1, s16;
	[sflag:s9] =	ssyncadd.s32 $0xFFFFC000  }
0x89: {  	[tilespmem:s24], [sflag:$0x5] =	stream.linear.gather [hbm4b:s17+s4], $0x80, $0x38;
	v63 =	vld [tilespmem:$0x0]  }
0x8a: {  	_ =	swait.ge [sflag:s10], $0x80  }
0x8b: {  	[sflag:s10] =	ssyncset.done $0x0  }
0x8c: {  	[sflag:s10] =	ssyncadd.s32 $0xFFFFFF80  }
0x8d: {  	[spmem:s2] =	stream.indirect.scatter.add.f32 [tilespmem:s31], [sflag:$0xA], $0x80, s25, s24, $0xb8;
	v63 =	vld [tilespmem:$0x0]  }
0x8e: {  	_ =	swait.ge [sflag:s22], $0x4000  }
0x8f: {  	[sflag:s22] =	ssyncset.done $0x0  }
0x90: {  	s16 =	sadd.s32 s6, s16;
	[sflag:s22] =	ssyncadd.s32 $0xFFFFC000  }
0x91: {  	[tilespmem:s25], [sflag:$0x8] =	stream.linear.gather [hbm4b:s16+s4], $0x80, $0x38;
	v63 =	vld [tilespmem:$0x0]  }
0x92: {  	_ =	swait.ge [sflag:s30], $0x80  }
0x93: {  	[sflag:s30] =	ssyncset.done $0x0  }
0x94: {  	[sflag:s30] =	ssyncadd.s32 $0xFFFFFF80  }
0x95: {  	[tilespmem:s31], [sflag:$0x2] =	stream.indirect.gather [hbm4b:s5+s24], $0x80, s24, s24, $0xb8;
	v63 =	vld [tilespmem:$0x0]  }
0x96: {  	_ =	swait.ge [sflag:s11], $0x4000  }
0x97: {  	p0 =	sgt.u32 s13, $0x18;
	[sflag:s11] =	ssyncset.done $0x0  }
0x98: {  	s16 =	simm.s32 @p0 $0x9;
	[sflag:s11] =	ssyncadd.s32 $0xFFFFC000  }
0x99: {  	_ =	swait.ge @p0 [sflag:s16], $0x80  }
0x9a: {  	s14 =	sadd.s32 @!p0 $0x50, s14;
	s18 =	simm.s32 @p0 $0x8400;
	[sflag:s16] =	ssyncset.done @p0 $0x0  }
0x9b: {  	s17 =	simm.s32 @p0 $0x300;
	[sflag:s16] =	ssyncadd.s32 @p0 $0xFFFFFF80;
	s16 =	simm.s32 @p0 $0x80  }
0x9c: {  	[spmem:s2] =	stream.indirect.scatter.add.f32 @p0 [tilespmem:s18], [sflag:$0xA], $0x80, s17, s16, $0xb8;
	v63 =	vld [tilespmem:$0x0]  }
0x9d: {  	s16 =	simm.s32 @p0 $0xA;
	s17 =	sadd.s32 @!p0 s8, s14  }
0x9e: {  	s14 =	sand.u32 @!p0 $0x70, s14;
	_ =	swait.ge @p0 [sflag:s16], $0x4000;
	s17 =	sand.u32 @!p0 $0xFFFFF80, s17  }
0x9f: {  	s18 =	simm.s32 @!p0 $0x100;
	[sflag:s16] =	ssyncset.done @p0 $0x0;
	s14 =	sor.u32 @!p0 s14, s17  }
0xa0: {  	s17 =	simm.s32 @!p0 $0x0;
	[sflag:s16] =	ssyncadd.s32 @p0 $0xFFFFC000;
	s16 =	sadd.s32 @!p0 s1, s14  }
0xa1: {  	[tilespmem:s18], [sflag:$0x6] =	stream.linear.gather @!p0 [hbm4b:s16+s17], $0x80, $0x38;
	v63 =	vld [tilespmem:$0x0]  }
0xa2: {  	s16 =	simm.s32 @!p0 $0x9  }
0xa3: {  	_ =	swait.ge @!p0 [sflag:s16], $0x80  }
0xa4: {  	s19 =	simm.s32 @!p0 $0x300;
	s20 =	simm.s32 @!p0 $0x8400;
	[sflag:s16] =	ssyncset.done @!p0 $0x0  }
0xa5: {  	s26 =	simm.s32 @!p0 $0xA;
	[sflag:s16] =	ssyncadd.s32 @!p0 $0xFFFFFF80;
	s16 =	simm.s32 @!p0 $0x80  }
0xa6: {  	[spmem:s2] =	stream.indirect.scatter.add.f32 @!p0 [tilespmem:s20], [sflag:$0xA], $0x80, s19, s16, $0xb8;
	v63 =	vld [tilespmem:$0x0]  }
0xa7: {  	_ =	swait.ge @!p0 [sflag:s26], $0x4000  }
0xa8: {  	[sflag:s26] =	ssyncset.done @!p0 $0x0  }
0xa9: {  	s14 =	sadd.s32 @!p0 s6, s14;
	[sflag:s26] =	ssyncadd.s32 @!p0 $0xFFFFC000  }
0xaa: {  	[tilespmem:s19], [sflag:$0x9] =	stream.linear.gather @!p0 [hbm4b:s14+s17], $0x80, $0x38;
	v63 =	vld [tilespmem:$0x0]  }
0xab: {  	s14 =	simm.s32 @!p0 $0x6  }
0xac: {  	_ =	swait.ge @!p0 [sflag:s14], $0x80  }
0xad: {  	[sflag:s14] =	ssyncset.done @!p0 $0x0  }
0xae: {  	[sflag:s14] =	ssyncadd.s32 @!p0 $0xFFFFFF80  }
0xaf: {  	[tilespmem:s20], [sflag:$0x3] =	stream.indirect.gather @!p0 [hbm4b:s5+s16], $0x80, s18, s16, $0xb8;
	v63 =	vld [tilespmem:$0x0]  }
0xb0: {  	p0 =	sne.s32 s15, $0x510  }
.Ltmp4:
0xb1: {  	_ = 	snop;
	(pc) =	sbr.rel @p0 .LBB2_4-.Ltmp4, $4  }
.Ltmp5:
0xb2: {  	_ = 	snop;
	(pc) =	sbr.rel @!p0 .LBB2_7-.Ltmp5, $4  }
0xb3: {  	_ = 	snop  }
0xb4: {  	_ = 	snop  }
0xb5: {  	s13 =	sadd.s32 $0x1, s13;
	s14 =	smov.u32 s15  }
0xb6: {  	_ = 	snop  }
.LBB2_8:
0xb7: {  	_ =	sfence.sel $0x180000  }
0xb8: {  	[bflag:$0x0] =	sbarrier.arrive $0xFFFF  }
0xb9: {  	_ =	strace $0x9000004A  }
0xba: {  	s0 =	stileid.u32;
	[bflag:$0x2] =	sbarrier.arrive $0xFFFF  }
0xbb: {  	p0 =	sne.s32 s0, $0x0;
	s0 =	rddreg [dreg:$0x3]  }
0xbc: {  	s0 =	sadd.s32 @!p0 $0x100000, s0  }
0xbd: {  	[sflag:s0] =	ssyncadd.tile.s32 @!p0 $0x1;
	_ =	shalt  }
.Lfunc_end2:
_tile_overlayer_lowered:
.L_overlay_start_2:
0xbe: {  	(tag) =	ssettag $0x2  }
0xbf: {  	s0 =	rddreg [dreg:$0x0];
	s2 =	stileid.u32  }
0xc0: {  	s1 =	rddreg [dreg:$0x1];
	p0 =	sne.s32 s2, $0x0  }
0xc1: {  	s3 =	rddreg [dreg:$0x2];
	[bflag:$0x3] =	sbarrier.arrive $0xFFFF;
	s2 =	simm.s32 @!p0 $0x1C0A  }
0xc2: {  	[timem:s3], [sflag:s2] =	dma.local @!p0 [hbm:s0], s1  }
0xc3: {  	s0 =	simm.s32 @!p0 $0xA  }
0xc4: {  	_ =	swait.ge @!p0 [sflag:s0], s1  }
0xc5: {  	s1 =	ssub.s32 @!p0 $0x0, s1;
	[sflag:s0] =	ssyncset.done @!p0 $0x0  }
0xc6: {  	[sflag:s0] =	ssyncadd.s32 @!p0 s1  }
0xc7: {  	[bflag:$0x3] =	sbarrier.arrive $0xFFFF  }
0xc8: {  	_ =	shalt  }

// kernel: kernel.14.cloned.1.call-start
scs
__scs_entry_jumppad:
0x0: {  	(pc) =	sbr.rel $0x88, $3  }
0x1: {  	(tag) =	ssettag $0x0;
	lr =	simm.s32 $0x1  }
0x2: {  	[smem:$0x3F9B] =	sst lr;
	_ =	strace $0xD0000000  }
0x3: {  	_ = 	snop  }
0x4: {  	_ = 	snop  }
0x5: {  	_ = 	snop  }
0x6: {  	_ = 	snop  }
0x7: {  	_ = 	snop  }
__scs_overlays_trampoline_lowered:
0x8: {  	[smem:$0x3FAA] =	sst s0  }
0x9: {  	[smem:$0x3FAB] =	sst s1  }
0xa: {  	[smem:$0x3FAC] =	sst s2  }
0xb: {  	[smem:$0x3FAD] =	sst s3  }
0xc: {  	[smem:$0x3FAE] =	sst s4  }
0xd: {  	[smem:$0x3FAF] =	sst s5  }
0xe: {  	[smem:$0x3FB0] =	sst s6  }
0xf: {  	[smem:$0x3FB1] =	sst s7  }
0x10: {  	[smem:$0x3FB2] =	sst s8  }
0x11: {  	[smem:$0x3FB3] =	sst s9;
	s0 =	simm.s32 @!p0 $0x0  }
0x12: {  	s1 =	sld [smem:$0x3F99];
	s0 =	simm.s32 @p0 $0x1  }
0x13: {  	[smem:$0x3FB4] =	sst s0;
	s0 =	simm.s32 @!p1 $0x0  }
0x14: {  	s2 =	sld [smem:$0x3F98];
	s0 =	simm.s32 @p1 $0x1  }
0x15: {  	[smem:$0x3FB5] =	sst s0;
	s0 =	simm.s32 @!p2 $0x0  }
0x16: {  	s3 =	sld [smem:$0x3FDB];
	s0 =	simm.s32 @p2 $0x1  }
0x17: {  	s4 =	simm.s32 $0x1BF5;
	[smem:$0x3FB7] =	sst s0  }
0x18: {  	s0 =	sld [smem:$0x3F9A];
	_ =	swait.ge [sflag:s4], $0x0  }
0x19: {  	s7 =	sld [smem:$0x3F9B]  }
0x1a: {  	s8 =	sadd.s32 $0xFFFFE003, lr  }
0x1b: {  	s9 =	sadd.s32 $0xFFFFFEF7, lr;
	s5 =	simm.s32 $0xFFFFFFFF;
	p2 =	slt.u32 s8, $0xFFFFF086  }
0x1c: {  	p1 =	slt.u32 s9, $0xF7A;
	s5 =	simm.s32 @!p2 $0x0  }
0x1d: {  	s5 =	simm.s32 @p1 $0x1;
	p0 =	seq.s32 s7, s2  }
0x1e: {  	s7 =	smul.u32 @!p0 $0xF7A, s2;
	p2 =	seq.s32 @!p0 s5, $0x0  }
0x1f: {  	s9 =	smul.u32 $0xF7A, s1;
	s8 =	simm.s32 @!p0 $0x1BF5;
	p2 =	por !p2, p0  }
0x20: {  	[sflag:s8] =	ssyncset.s32 @!p0 $0xFFFFF086;
	s6 =	sadd.s32 @!p0 s3, s7;
	s7 =	simm.s32 @!p0 $0x108  }
0x21: {  	s3 =	sadd.s32 s3, s9;
	s6 =	sadd.s32 @!p0 $0x88, s6;
	s7 =	simm.s32 @p2 $0x1082  }
0x22: {  	[simem:s7], [sflag:s8] =	dma.local @!p0 [hbm:s6], $0xF7A  }
0x23: {  	s9 =	sor.u32 $0xD0000000, s2;
	s6 =	simm.s32 $0x108;
	_ =	swait.ge @!p0 [sflag:s8], $0x0  }
0x24: {  	s3 =	sadd.s32 $0x88, s3;
	s6 =	simm.s32 @!p1 $0x1082;
	[sflag:s4] =	ssyncset.s32 $0xFFFFF086  }
0x25: {  	[simem:s6], [sflag:s4] =	dma.local [hbm:s3], $0xF7A  }
0x26: {  	[smem:$0x3F9B] =	sst s1;
	(tag) =	ssettag s2;
	_ =	strace s9  }
0x27: {  	s1 =	sld [smem:$0x3FAB]  }
0x28: {  	s2 =	sld [smem:$0x3FAC]  }
0x29: {  	s4 =	sld [smem:$0x3FAE]  }
0x2a: {  	p0 =	seq.s32 s5, $0x0;
	s5 =	sld [smem:$0x3FAF]  }
0x2b: {  	s6 =	sld [smem:$0x3FB0]  }
0x2c: {  	s7 =	sld [smem:$0x3FB1]  }
0x2d: {  	s3 =	simm.s32 $0x108;
	s8 =	sld [smem:$0x3FB2]  }
0x2e: {  	s3 =	simm.s32 @!p0 $0x1082;
	s9 =	sld [smem:$0x3FB3]  }
0x2f: {  	lr =	sadd.s32 s0, s3;
	s0 =	sld [smem:$0x3FAA]  }
0x30: {  	s3 =	sld [smem:$0x3FAD]  }
0x31: {  	[smem:$0x3FB6] =	sst s10  }
0x32: {  	s10 =	sld [smem:$0x3FB4];
	_ =	sdelay $0x3  }
0x33: {  	p0 =	seq.s32 s10, $0x1;
	s10 =	sld [smem:$0x3FB6];
	_ =	sdelay $0x3  }
0x34: {  	[smem:$0x3FB6] =	sst s10  }
0x35: {  	s10 =	sld [smem:$0x3FB5];
	_ =	sdelay $0x3  }
0x36: {  	p1 =	seq.s32 s10, $0x1;
	s10 =	sld [smem:$0x3FB6];
	_ =	sdelay $0x3  }
0x37: {  	[smem:$0x3FB6] =	sst s10  }
0x38: {  	s10 =	sld [smem:$0x3FB7]  }
0x39: {  	_ = 	snop;
	(pc) =	sbr.ind lr, $3  }
0x3a: {  	_ = 	snop  }
0x3b: {  	_ = 	snop  }
0x3c: {  	p2 =	seq.s32 s10, $0x1;
	s10 =	sld [smem:$0x3FB6]  }
0x3d: {  	_ =	shalt  }
0x3e: {  	_ =	shalt  }
0x3f: {  	_ =	shalt  }
0x40: {  	_ =	shalt  }
0x41: {  	_ =	shalt  }
0x42: {  	_ =	shalt  }
0x43: {  	_ =	shalt  }
0x44: {  	_ =	shalt  }
0x45: {  	_ =	shalt  }
0x46: {  	_ =	shalt  }
0x47: {  	_ =	shalt  }
0x48: {  	_ =	shalt  }
0x49: {  	_ =	shalt  }
0x4a: {  	_ =	shalt  }
0x4b: {  	_ =	shalt  }
0x4c: {  	_ =	shalt  }
0x4d: {  	_ =	shalt  }
0x4e: {  	_ =	shalt  }
0x4f: {  	_ =	shalt  }
0x50: {  	_ =	shalt  }
0x51: {  	_ =	shalt  }
0x52: {  	_ =	shalt  }
0x53: {  	_ =	shalt  }
0x54: {  	_ =	shalt  }
0x55: {  	_ =	shalt  }
0x56: {  	_ =	shalt  }
0x57: {  	_ =	shalt  }
0x58: {  	_ =	shalt  }
0x59: {  	_ =	shalt  }
0x5a: {  	_ =	shalt  }
0x5b: {  	_ =	shalt  }
0x5c: {  	_ =	shalt  }
0x5d: {  	_ =	shalt  }
0x5e: {  	_ =	shalt  }
0x5f: {  	_ =	shalt  }
0x60: {  	_ =	shalt  }
0x61: {  	_ =	shalt  }
0x62: {  	_ =	shalt  }
0x63: {  	_ =	shalt  }
0x64: {  	_ =	shalt  }
0x65: {  	_ =	shalt  }
0x66: {  	_ =	shalt  }
0x67: {  	_ =	shalt  }
0x68: {  	_ =	shalt  }
0x69: {  	_ =	shalt  }
0x6a: {  	_ =	shalt  }
0x6b: {  	_ =	shalt  }
0x6c: {  	_ =	shalt  }
0x6d: {  	_ =	shalt  }
0x6e: {  	_ =	shalt  }
0x6f: {  	_ =	shalt  }
0x70: {  	_ =	shalt  }
0x71: {  	_ =	shalt  }
0x72: {  	_ =	shalt  }
0x73: {  	_ =	shalt  }
0x74: {  	_ =	shalt  }
0x75: {  	_ =	shalt  }
0x76: {  	_ =	shalt  }
0x77: {  	_ =	shalt  }
0x78: {  	_ =	shalt  }
0x79: {  	_ =	shalt  }
0x7a: {  	_ =	shalt  }
0x7b: {  	_ =	shalt  }
0x7c: {  	_ =	shalt  }
0x7d: {  	_ =	shalt  }
0x7e: {  	_ =	shalt  }
0x7f: {  	_ =	shalt  }
0x80: {  	_ =	shalt  }
0x81: {  	_ =	shalt  }
0x82: {  	_ =	shalt  }
0x83: {  	_ =	shalt  }
0x84: {  	_ =	shalt  }
0x85: {  	_ =	shalt  }
0x86: {  	_ =	shalt  }
0x87: {  	_ =	shalt  }
.Lfunc_end0:
.L_simem_size_0:
called_computation.2_lowered:
.L_overlay_start_0:
0x88: {  	s2 =	sld [smem:$0x3FD9]  }
0x89: {  	s3 =	sld [smem:$0x3FFE];
	_ =	sdelay $0x1  }
0x8a: {  	s1 =	srdreg.scid  }
0x8b: {  	s0 =	sand.u32 $0x1, s1  }
0x8c: {  	s17 =	sshll.u32 s0, $0xA;
	s2 =	sadd.s32 s3, s2  }
0x8d: {  	s2 =	sadd.s32 s2, s17  }
0x8e: {  	[smem:$0x3FC2] =	sst s2  }
0x8f: {  	_ = 	snop  }
0x90: {  	s2 =	sld [smem:$0x3FD0];
	(tm) =	ssettm $0x1  }
0x91: {  	s18 =	sld [smem:$0x3FFB];
	_ =	sdelay $0x3  }
0x92: {  	_ =	strace s18  }
0x93: {  	s3 =	sld [smem:$0x3FFC];
	_ =	sdelay $0x3  }
0x94: {  	_ =	strace s3  }
0x95: {  	s3 =	sld [smem:$0x3FFD];
	_ =	sdelay $0x3  }
0x96: {  	_ =	strace s3  }
0x97: {  	_ =	strace $0x8FFFFFFF  }
0x98: {  	s19 =	sld [smem:$0x3FDB];
	_ =	sdelay $0x1  }
0x99: {  	s4 =	simm.s32 $_scs_section_size  }
0x9a: {  	s5 =	simm.s32 $_size__tile_overlayer_lowered;
	s6 =	simm.s32 $_tile_overlayer_lowered  }
0x9b: {  	s22 =	simm.s32 $0x1BFF;
	s21 =	sshll.u32 s6, $0x1;
	s3 =	sadd.s32 s4, s19  }
0x9c: {  	s7 =	simm.s32 $0x0;
	s20 =	sshll.u32 s5, $0x1;
	s5 =	sadd.s32 s21, s3  }
0x9d: {  	[timem:s7], [sflag:s22] =	dma.local [hbm:s5], s20  }
0x9e: {  	_ =	swait.ge [sflag:s22], s20  }
0x9f: {  	s4 =	ssub.s32 $0x0, s20;
	[sflag:s22] =	ssyncset.done $0x0  }
0xa0: {  	[sflag:s22] =	ssyncadd.s32 s4;
	_ =	sdelay $0x1  }
0xa1: {  	s23 =	simm.s32 $0x1B8B  }
0xa2: {  	_ =	swait.ge [sflag:s23], $0x1  }
0xa3: {  	[sflag:s23] =	ssyncset.done $0x0  }
0xa4: {  	s25 =	simm.s32 $0x1B8E;
	s24 =	sld [smem:$0x3FFE];
	[sflag:s23] =	ssyncadd.s32 $0xFFFFFFFF  }
0xa5: {  	s26 =	simm.s32 $execute0_lowered;
	[smem:$0x3FD2] =	sst s25  }
0xa6: {  	s5 =	sshll.u32 s26, $0x1;
	_ =	strace $0x8000004C;
	[dreg:$0x1] =	wrdreg $0xFFFFFFFF  }
0xa7: {  	s28 =	simm.s32 $_size_execute0_lowered;
	s3 =	sadd.s32 s3, s5;
	[dreg:$0x0] =	wrdreg $0x0  }
0xa8: {  	s5 =	sshll.u32 s28, $0x1;
	[dreg:$0x2] =	wrdreg s3  }
0xa9: {  	[dreg:$0x3] =	wrdreg s5  }
0xaa: {  	[dreg:$0x4] =	wrdreg $0xC0  }
0xab: {  	_ =	task [dreg:s7], $0x5FFFF  }
0xac: {  	[dreg:$0x1] =	wrdreg $0xFFFFFFFF  }
0xad: {  	[dreg:$0x0] =	wrdreg $0x60  }
0xae: {  	[dreg:$0x2] =	wrdreg s24  }
0xaf: {  	[dreg:$0x3] =	wrdreg s2  }
0xb0: {  	[dreg:$0x4] =	wrdreg $0xC4000  }
0xb1: {  	[dreg:$0x5] =	wrdreg $0x9  }
0xb2: {  	_ =	task.clear_ibuf [dreg:s7], $0x6FFFF;
	_ =	strace $0x9000004C  }
0xb3: {  	s29 =	simm.s32 $0x9;
	_ =	strace $0x8000004E  }
0xb4: {  	_ =	swait.ge [sflag:s29], $0x1  }
0xb5: {  	[sflag:s29] =	ssyncadd.s32 $0xFFFFFFFF  }
0xb6: {  	_ =	strace $0x9000004E  }
0xb7: {  	_ =	sfence  }
0xb8: {  	s30 =	sld [smem:$0x0];
	_ =	sdelay $0x2  }
0xb9: {  	s31 =	sshll.u32 s1, $0xD;
	s1 =	sshrl.u32 s1, $0x2  }
0xba: {  	s3 =	sand.u32 $0x4000, s31;
	s1 =	sadd.s32 s1, s30  }
0xbb: {  	s0 =	sor.u32 s3, s0;
	s1 =	sshll.u32 s1, $0x11  }
0xbc: {  	s0 =	sor.u32 s1, s0  }
0xbd: {  	s0 =	sadd.s32 $0x8F2B, s0  }
0xbe: {  	[sflag:s0] =	ssyncadd.remote.s32 $0x1  }
0xbf: {  	_ =	sfence.sel $0xFFFF  }
0xc0: {  	[dreg:$0x0] =	wrdreg $0xFFFFFFFF;
	(pc) =	sbr.abs _section_cstart, $3  }
0xc1: {  	[dreg:$0x1] =	wrdreg $0xFFFFFFFF  }
0xc2: {  	_ =	task.clear_ibuf [dreg:s7], $0x2FFFF;
	_ =	strace $0x9FFFFFFF  }
0xc3: {  	(tm) =	ssettm $0x7FFFFFFF  }
tec
execute0_lowered:
.L_overlay_start_1:
0x0: {  	(tag) =	ssettag $0x1  }
0x1: {  	s0 =	rddreg [dreg:$0x0]  }
0x2: {  	s1 =	rddreg [dreg:$0x1]  }
0x3: {  	s2 =	rddreg [dreg:$0x2];
	s9 =	stileid.u32  }
0x4: {  	s3 =	srdreg.scid;
	s7 =	smul.u32 $0x13C00, s9  }
0x5: {  	s4 =	simm.s32 $0x0;
	s29 =	simm.s32 $0x4;
	s8 =	smul.u32 $0x50, s9  }
0x6: {  	s3 =	sand.u32 $0x1, s3;
	[smem:$0x7FF] =	sst s4;
	s9 =	smul.u32 $0x4F000, s9  }
0x7: {  	s5 =	sadd.s32 $0xCA00, s0;
	s6 =	smul.u32 $0x140000, s3;
	_ =	strace $0x8000004D  }
0x8: {  	p0 =	seq.s32 s3, $0x0;
	s3 =	ssub.s32 $0x2, s3;
	s10 =	sadd.s32 $0x500, s8  }
0x9: {  	s15 =	sshrl.u32 s9, $0x2;
	s16 =	sshrl.u32 s3, $0x1;
	s7 =	sadd.s32 s7, s6  }
0xa: {  	s6 =	sadd.s32 $0x2A00, s0;
	s10 =	smov.u32 @p0 s8;
	s3 =	ssub.s32 s3, s16  }
0xb: {  	s7 =	sshrl.u32 s7, $0x3;
	s8 =	sshll.u32 s10, $0x4;
	s23 =	smax.u32 s3, $0x1  }
0xc: {  	s0 =	sadd.s32 s7, s0;
	s18 =	sadd.s32 s1, s8;
	[dreg:$0xc] =	wrdreg s23  }
0xd: {  	s7 =	sadd.s32 s15, s2;
	s19 =	sadd.s32 s6, s8;
	[dreg:$0x5] =	wrdreg s18  }
0xe: {  	s20 =	sor.u32 $0x10, s8;
	s17 =	sadd.s32 $0x10000, s7;
	[dreg:$0x6] =	wrdreg s19  }
0xf: {  	s30 =	simm.s32 $0x5;
	s11 =	sadd.s32 s1, s20;
	[dreg:$0x4] =	wrdreg s17  }
0x10: {  	s10 =	sor.u32 $0x20, s8;
	s9 =	sadd.s32 s6, s20;
	[dreg:$0x7] =	wrdreg s11  }
0x11: {  	s31 =	simm.s32 $0x4400;
	s21 =	sadd.s32 s1, s10;
	[dreg:$0x8] =	wrdreg s9  }
0x12: {  	s28 =	simm.s32 $0x1;
	s22 =	sadd.s32 s6, s10;
	[dreg:$0x9] =	wrdreg s21  }
0x13: {  	s12 =	simm.s32 $0x0;
	s0 =	sadd.s32 $0x34A00, s0;
	[dreg:$0xa] =	wrdreg s22  }
0x14: {  	s3 =	simm.s32 $0x7;
	s24 =	sadd.s32 $0x4000, s7;
	[dreg:$0xb] =	wrdreg s0  }
.Ltmp0:
0x15: {  	s25 =	sadd.s32 $0x8000, s7;
	[dreg:$0xd] =	wrdreg s24;
	(pc) =	sbr.rel .LBB2_1-.Ltmp0, $4  }
0x16: {  	s23 =	simm.s32 $0x200;
	s26 =	sadd.s32 $0xC000, s7;
	[dreg:$0xe] =	wrdreg s25  }
0x17: {  	s10 =	simm.s32 $0x8;
	[dreg:$0xf] =	wrdreg s26;
	s21 =	simm.s32 $0x400  }
0x18: {  	s22 =	simm.s32 $0xA;
	s24 =	simm.s32 $0x80;
	s25 =	simm.s32 $0x280  }
0x19: {  	v0 =	vimm.f32 $0.0e+00;
	s0 =	simm.s32 $0x6;
	s9 =	simm.s32 $0x2;
	s11 =	simm.s32 $0x3  }
.LBB2_5:
0x1a: {  	_ =	swait.ge [sflag:s3], $0x80  }
0x1b: {  	[sflag:s3] =	ssyncset.done $0x0  }
0x1c: {  	[sflag:s3] =	ssyncadd.s32 $0xFFFFFF80  }
0x1d: {  	[spmem:s2] =	stream.indirect.scatter.add.f32 [tilespmem:s21], [sflag:$0xA], $0x80, s23, s24, $0xb8;
	v63 =	vld [tilespmem:$0x0]  }
0x1e: {  	_ =	swait.ge [sflag:s22], $0x4000  }
0x1f: {  	[sflag:s22] =	ssyncset.done $0x0  }
0x20: {  	[sflag:s22] =	ssyncadd.s32 $0xFFFFC000  }
0x21: {  	_ =	swait.ge [sflag:s9], $0x4000  }
0x22: {  	[sflag:s9] =	ssyncset.done $0x0  }
0x23: {  	[sflag:s9] =	ssyncadd.s32 $0xFFFFC000  }
0x24: {  	_ =	swait.ge [sflag:s10], $0x80  }
0x25: {  	[sflag:s10] =	ssyncset.done $0x0  }
0x26: {  	[sflag:s10] =	ssyncadd.s32 $0xFFFFFF80  }
0x27: {  	[spmem:s2] =	stream.indirect.scatter.add.f32 [tilespmem:s31], [sflag:$0xA], $0x80, s25, s24, $0xb8;
	v63 =	vld [tilespmem:$0x0]  }
0x28: {  	_ =	swait.ge [sflag:s22], $0x4000  }
0x29: {  	[sflag:s22] =	ssyncset.done $0x0  }
0x2a: {  	[sflag:s22] =	ssyncadd.s32 $0xFFFFC000  }
.LBB2_7:
0x2b: {  	s13 =	stileid.u32  }
0x2c: {  	[bflag:$0x0] =	sbarrier.arrive $0xFFFF;
	s13 =	sshll.u32 s13, $0x6  }
0x2d: {  	s14 =	sshrl.u32 s7, $0x3;
	s15 =	rddreg [dreg:$0xb];
	s13 =	sor.u32 $0x1C0A, s13  }
0x2e: {  	[hbm:s15], [sflag:s13] =	dma.local [spmem:s14], $0x2780  }
0x2f: {  	_ =	swait.ge [sflag:s22], $0x2780  }
0x30: {  	s12 =	sadd.s32 $0x1, s12;
	s26 =	rddreg [dreg:$0xc]  }
0x31: {  	p0 =	sne.s32 s12, s26  }
.Ltmp1:
0x32: {  	_ = 	snop;
	(pc) =	sbr.rel @!p0 .LBB2_8-.Ltmp1, $3  }
0x33: {  	_ =	sdelay $0x1  }
0x34: {  	[sflag:s22] =	ssyncset.done $0x0  }
0x35: {  	[sflag:s22] =	ssyncadd.s32 $0xFFFFD880  }
.LBB2_1:
0x36: {  	s13 =	sand.u32 $0xFE00, s4  }
0x37: {  	s14 =	sand.u32 $0x70, s4;
	s15 =	sshrl.u32 s13, $0x2  }
0x38: {  	s13 =	simm.s32 $0x40;
	s15 =	sor.u32 s14, s15;
	s14 =	simm.s32 $0x0  }
.LBB2_2:
0x39: {  	p0 =	sne.s32 s13, $0xFFC0  }
0x3a: {  	[tilespmem:s15+$0x400] =	vst v0;
	s14 =	sadd.s32 $0x10, s14;
	s15 =	smov.u32 s13;
	s13 =	sadd.s32 $0x40, s13  }
.Ltmp2:
0x3b: {  	(pc) =	sbr.rel @p0 .LBB2_2-.Ltmp2, $4  }
0x3c: {  	_ = 	snop  }
0x3d: {  	s15 =	sand.u32 $0xFE00, s15  }
0x3e: {  	s16 =	sand.u32 $0x70, s14;
	s15 =	sshrl.u32 s15, $0x2  }
0x3f: {  	s15 =	sor.u32 s16, s15  }
0x40: {  	[tilespmem:s15+$0x400] =	vst v0  }
0x41: {  	[spmem:s7] =	stream.linear.scatter [tilespmem:s21], [sflag:$0xA], $0x4000, $0x38;
	v63 =	vld [tilespmem:$0x0]  }
0x42: {  	_ =	swait.ge [sflag:s22], $0x4000  }
0x43: {  	[sflag:s22] =	ssyncset.done $0x0  }
0x44: {  	s13 =	rddreg [dreg:$0xd];
	[sflag:s22] =	ssyncadd.s32 $0xFFFFC000  }
0x45: {  	[spmem:s13] =	stream.linear.scatter [tilespmem:s21], [sflag:$0xA], $0x4000, $0x38;
	v63 =	vld [tilespmem:$0x0]  }
0x46: {  	_ =	swait.ge [sflag:s22], $0x4000  }
0x47: {  	[sflag:s22] =	ssyncset.done $0x0  }
0x48: {  	s18 =	rddreg [dreg:$0xe];
	[sflag:s22] =	ssyncadd.s32 $0xFFFFC000  }
0x49: {  	[spmem:s18] =	stream.linear.scatter [tilespmem:s21], [sflag:$0xA], $0x4000, $0x38;
	v63 =	vld [tilespmem:$0x0]  }
0x4a: {  	_ =	swait.ge [sflag:s22], $0x4000  }
0x4b: {  	[sflag:s22] =	ssyncset.done $0x0  }
0x4c: {  	s19 =	rddreg [dreg:$0xf];
	[sflag:s22] =	ssyncadd.s32 $0xFFFFC000  }
0x4d: {  	[spmem:s19] =	stream.linear.scatter [tilespmem:s21], [sflag:$0xA], $0x4000, $0x38;
	v63 =	vld [tilespmem:$0x0]  }
0x4e: {  	_ =	swait.ge [sflag:s22], $0x4000  }
0x4f: {  	[sflag:s22] =	ssyncset.done $0x0  }
0x50: {  	s20 =	rddreg [dreg:$0x4];
	[sflag:s22] =	ssyncadd.s32 $0xFFFFC000  }
0x51: {  	[spmem:s20] =	stream.linear.scatter [tilespmem:s21], [sflag:$0xA], $0x3C00, $0x38;
	v63 =	vld [tilespmem:$0x0]  }
0x52: {  	_ =	swait.ge [sflag:s22], $0x3C00  }
0x53: {  	[sflag:s22] =	ssyncset.done $0x0  }
0x54: {  	[sflag:s22] =	ssyncadd.s32 $0xFFFFC400  }
0x55: {  	[bflag:$0x0] =	sbarrier.arrive $0xFFFF  }
0x56: {  	s14 =	simm.s32 $0x0;
	s26 =	rddreg [dreg:$0x5]  }
0x57: {  	[tilespmem:s14], [sflag:$0x4] =	stream.linear.gather [hbm4b:s26+s14], $0x80, $0x38;
	v63 =	vld [tilespmem:$0x0]  }
0x58: {  	s15 =	rddreg [dreg:$0x6]  }
0x59: {  	[tilespmem:s23], [sflag:$0x7] =	stream.linear.gather [hbm4b:s15+s14], $0x80, $0x38;
	v63 =	vld [tilespmem:$0x0]  }
0x5a: {  	s16 =	rddreg [dreg:$0x7]  }
0x5b: {  	[tilespmem:s24], [sflag:$0x5] =	stream.linear.gather [hbm4b:s16+s14], $0x80, $0x38;
	v63 =	vld [tilespmem:$0x0]  }
0x5c: {  	s17 =	rddreg [dreg:$0x8]  }
0x5d: {  	[tilespmem:s25], [sflag:$0x8] =	stream.linear.gather [hbm4b:s17+s14], $0x80, $0x38;
	v63 =	vld [tilespmem:$0x0]  }
0x5e: {  	s19 =	simm.s32 $0x100;
	s18 =	rddreg [dreg:$0x9]  }
0x5f: {  	[tilespmem:s19], [sflag:$0x6] =	stream.linear.gather [hbm4b:s18+s14], $0x80, $0x38;
	v63 =	vld [tilespmem:$0x0]  }
0x60: {  	s20 =	rddreg [dreg:$0xa];
	s16 =	simm.s32 $0x300  }
0x61: {  	[tilespmem:s16], [sflag:$0x9] =	stream.linear.gather [hbm4b:s20+s14], $0x80, $0x38;
	v63 =	vld [tilespmem:$0x0]  }
0x62: {  	_ =	swait.ge [sflag:s29], $0x80  }
0x63: {  	[sflag:s29] =	ssyncset.done $0x0  }
0x64: {  	[sflag:s29] =	ssyncadd.s32 $0xFFFFFF80  }
0x65: {  	[tilespmem:s21], [sflag:$0x1] =	stream.indirect.gather [hbm4b:s5+s24], $0x80, s14, s24, $0xb8;
	v63 =	vld [tilespmem:$0x0]  }
0x66: {  	_ =	swait.ge [sflag:s30], $0x80  }
0x67: {  	[sflag:s30] =	ssyncset.done $0x0  }
0x68: {  	[sflag:s30] =	ssyncadd.s32 $0xFFFFFF80  }
0x69: {  	[tilespmem:s31], [sflag:$0x2] =	stream.indirect.gather [hbm4b:s5+s24], $0x80, s24, s24, $0xb8;
	v63 =	vld [tilespmem:$0x0]  }
0x6a: {  	_ =	swait.ge [sflag:s0], $0x80  }
0x6b: {  	[sflag:s0] =	ssyncset.done $0x0  }
0x6c: {  	s13 =	simm.s32 $0x0;
	s26 =	simm.s32 $0x8400;
	[sflag:s0] =	ssyncadd.s32 $0xFFFFFF80  }
0x6d: {  	[tilespmem:s26], [sflag:$0x3] =	stream.indirect.gather [hbm4b:s5+s24], $0x80, s19, s24, $0xb8;
	v63 =	vld [tilespmem:$0x0]  }
.LBB2_4:
0x6e: {  	p0 =	sne.s32 s14, $0x4E0  }
.Ltmp3:
0x6f: {  	_ = 	snop;
	(pc) =	sbr.rel @!p0 .LBB2_5-.Ltmp3, $4  }
0x70: {  	_ = 	snop  }
0x71: {  	_ =	swait.ge [sflag:s28], $0x4000  }
0x72: {  	[sflag:s28] =	ssyncset.done $0x0  }
0x73: {  	[sflag:s28] =	ssyncadd.s32 $0xFFFFC000  }
0x74: {  	s16 =	sadd.s32 s14, s8  }
0x75: {  	s15 =	sadd.s32 $0x30, s14;
	s17 =	sadd.s32 $0x30, s16  }
0x76: {  	s18 =	sand.u32 $0x70, s15;
	s17 =	sand.u32 $0xFFFFF80, s17  }
0x77: {  	s17 =	sor.u32 s18, s17  }
0x78: {  	s18 =	sadd.s32 s1, s17  }
0x79: {  	[tilespmem:s4], [sflag:$0x4] =	stream.linear.gather [hbm4b:s18+s4], $0x80, $0x38;
	v63 =	vld [tilespmem:$0x0]  }
0x7a: {  	_ =	swait.ge [sflag:s3], $0x80  }
0x7b: {  	[sflag:s3] =	ssyncset.done $0x0  }
0x7c: {  	[sflag:s3] =	ssyncadd.s32 $0xFFFFFF80  }
0x7d: {  	[spmem:s2] =	stream.indirect.scatter.add.f32 [tilespmem:s21], [sflag:$0xA], $0x80, s23, s24, $0xb8;
	v63 =	vld [tilespmem:$0x0]  }
0x7e: {  	_ =	swait.ge [sflag:s22], $0x4000  }
0x7f: {  	[sflag:s22] =	ssyncset.done $0x0  }
0x80: {  	s17 =	sadd.s32 s6, s17;
	[sflag:s22] =	ssyncadd.s32 $0xFFFFC000  }
0x81: {  	[tilespmem:s23], [sflag:$0x7] =	stream.linear.gather [hbm4b:s17+s4], $0x80, $0x38;
	v63 =	vld [tilespmem:$0x0]  }
0x82: {  	_ =	swait.ge [sflag:s29], $0x80  }
0x83: {  	[sflag:s29] =	ssyncset.done $0x0  }
0x84: {  	s26 =	sadd.s32 $0x40, s14;
	s16 =	sadd.s32 $0x40, s16;
	[sflag:s29] =	ssyncadd.s32 $0xFFFFFF80  }
0x85: {  	[tilespmem:s21], [sflag:$0x1] =	stream.indirect.gather [hbm4b:s5+s24], $0x80, s4, s24, $0xb8;
	v63 =	vld [tilespmem:$0x0]  }
0x86: {  	s16 =	sand.u32 $0xFFFFF80, s16;
	s17 =	sand.u32 $0x70, s26;
	_ =	swait.ge [sflag:s9], $0x4000  }
0x87: {  	s16 =	sor.u32 s17, s16;
	[sflag:s9] =	ssyncset.done $0x0  }
0x88: {  	s17 =	sadd.s32 s1, s16;
	[sflag:s9] =	ssyncadd.s32 $0xFFFFC000  }
0x89: {  	[tilespmem:s24], [sflag:$0x5] =	stream.linear.gather [hbm4b:s17+s4], $0x80, $0x38;
	v63 =	vld [tilespmem:$0x0]  }
0x8a: {  	_ =	swait.ge [sflag:s10], $0x80  }
0x8b: {  	[sflag:s10] =	ssyncset.done $0x0  }
0x8c: {  	[sflag:s10] =	ssyncadd.s32 $0xFFFFFF80  }
0x8d: {  	[spmem:s2] =	stream.indirect.scatter.add.f32 [tilespmem:s31], [sflag:$0xA], $0x80, s25, s24, $0xb8;
	v63 =	vld [tilespmem:$0x0]  }
0x8e: {  	_ =	swait.ge [sflag:s22], $0x4000  }
0x8f: {  	[sflag:s22] =	ssyncset.done $0x0  }
0x90: {  	s16 =	sadd.s32 s6, s16;
	[sflag:s22] =	ssyncadd.s32 $0xFFFFC000  }
0x91: {  	[tilespmem:s25], [sflag:$0x8] =	stream.linear.gather [hbm4b:s16+s4], $0x80, $0x38;
	v63 =	vld [tilespmem:$0x0]  }
0x92: {  	_ =	swait.ge [sflag:s30], $0x80  }
0x93: {  	[sflag:s30] =	ssyncset.done $0x0  }
0x94: {  	[sflag:s30] =	ssyncadd.s32 $0xFFFFFF80  }
0x95: {  	[tilespmem:s31], [sflag:$0x2] =	stream.indirect.gather [hbm4b:s5+s24], $0x80, s24, s24, $0xb8;
	v63 =	vld [tilespmem:$0x0]  }
0x96: {  	_ =	swait.ge [sflag:s11], $0x4000  }
0x97: {  	p0 =	sgt.u32 s13, $0x18;
	[sflag:s11] =	ssyncset.done $0x0  }
0x98: {  	s16 =	simm.s32 @p0 $0x9;
	[sflag:s11] =	ssyncadd.s32 $0xFFFFC000  }
0x99: {  	_ =	swait.ge @p0 [sflag:s16], $0x80  }
0x9a: {  	s14 =	sadd.s32 @!p0 $0x50, s14;
	s18 =	simm.s32 @p0 $0x8400;
	[sflag:s16] =	ssyncset.done @p0 $0x0  }
0x9b: {  	s17 =	simm.s32 @p0 $0x300;
	[sflag:s16] =	ssyncadd.s32 @p0 $0xFFFFFF80;
	s16 =	simm.s32 @p0 $0x80  }
0x9c: {  	[spmem:s2] =	stream.indirect.scatter.add.f32 @p0 [tilespmem:s18], [sflag:$0xA], $0x80, s17, s16, $0xb8;
	v63 =	vld [tilespmem:$0x0]  }
0x9d: {  	s16 =	simm.s32 @p0 $0xA;
	s17 =	sadd.s32 @!p0 s8, s14  }
0x9e: {  	s14 =	sand.u32 @!p0 $0x70, s14;
	_ =	swait.ge @p0 [sflag:s16], $0x4000;
	s17 =	sand.u32 @!p0 $0xFFFFF80, s17  }
0x9f: {  	s18 =	simm.s32 @!p0 $0x100;
	[sflag:s16] =	ssyncset.done @p0 $0x0;
	s14 =	sor.u32 @!p0 s14, s17  }
0xa0: {  	s17 =	simm.s32 @!p0 $0x0;
	[sflag:s16] =	ssyncadd.s32 @p0 $0xFFFFC000;
	s16 =	sadd.s32 @!p0 s1, s14  }
0xa1: {  	[tilespmem:s18], [sflag:$0x6] =	stream.linear.gather @!p0 [hbm4b:s16+s17], $0x80, $0x38;
	v63 =	vld [tilespmem:$0x0]  }
0xa2: {  	s16 =	simm.s32 @!p0 $0x9  }
0xa3: {  	_ =	swait.ge @!p0 [sflag:s16], $0x80  }
0xa4: {  	s19 =	simm.s32 @!p0 $0x300;
	s20 =	simm.s32 @!p0 $0x8400;
	[sflag:s16] =	ssyncset.done @!p0 $0x0  }
0xa5: {  	s26 =	simm.s32 @!p0 $0xA;
	[sflag:s16] =	ssyncadd.s32 @!p0 $0xFFFFFF80;
	s16 =	simm.s32 @!p0 $0x80  }
0xa6: {  	[spmem:s2] =	stream.indirect.scatter.add.f32 @!p0 [tilespmem:s20], [sflag:$0xA], $0x80, s19, s16, $0xb8;
	v63 =	vld [tilespmem:$0x0]  }
0xa7: {  	_ =	swait.ge @!p0 [sflag:s26], $0x4000  }
0xa8: {  	[sflag:s26] =	ssyncset.done @!p0 $0x0  }
0xa9: {  	s14 =	sadd.s32 @!p0 s6, s14;
	[sflag:s26] =	ssyncadd.s32 @!p0 $0xFFFFC000  }
0xaa: {  	[tilespmem:s19], [sflag:$0x9] =	stream.linear.gather @!p0 [hbm4b:s14+s17], $0x80, $0x38;
	v63 =	vld [tilespmem:$0x0]  }
0xab: {  	s14 =	simm.s32 @!p0 $0x6  }
0xac: {  	_ =	swait.ge @!p0 [sflag:s14], $0x80  }
0xad: {  	[sflag:s14] =	ssyncset.done @!p0 $0x0  }
0xae: {  	[sflag:s14] =	ssyncadd.s32 @!p0 $0xFFFFFF80  }
0xaf: {  	[tilespmem:s20], [sflag:$0x3] =	stream.indirect.gather @!p0 [hbm4b:s5+s16], $0x80, s18, s16, $0xb8;
	v63 =	vld [tilespmem:$0x0]  }
0xb0: {  	p0 =	sne.s32 s15, $0x510  }
.Ltmp4:
0xb1: {  	_ = 	snop;
	(pc) =	sbr.rel @p0 .LBB2_4-.Ltmp4, $4  }
.Ltmp5:
0xb2: {  	_ = 	snop;
	(pc) =	sbr.rel @!p0 .LBB2_7-.Ltmp5, $4  }
0xb3: {  	_ = 	snop  }
0xb4: {  	_ = 	snop  }
0xb5: {  	s13 =	sadd.s32 $0x1, s13;
	s14 =	smov.u32 s15  }
0xb6: {  	_ = 	snop  }
.LBB2_8:
0xb7: {  	_ =	sfence.sel $0x180000  }
0xb8: {  	[bflag:$0x0] =	sbarrier.arrive $0xFFFF  }
0xb9: {  	_ =	strace $0x9000004D  }
0xba: {  	s0 =	stileid.u32;
	[bflag:$0x2] =	sbarrier.arrive $0xFFFF  }
0xbb: {  	p0 =	sne.s32 s0, $0x0;
	s0 =	rddreg [dreg:$0x3]  }
0xbc: {  	s0 =	sadd.s32 @!p0 $0x100000, s0  }
0xbd: {  	[sflag:s0] =	ssyncadd.tile.s32 @!p0 $0x1;
	_ =	shalt  }
.Lfunc_end2:
_tile_overlayer_lowered:
.L_overlay_start_2:
0xbe: {  	(tag) =	ssettag $0x2  }
0xbf: {  	s0 =	rddreg [dreg:$0x0];
	s2 =	stileid.u32  }
0xc0: {  	s1 =	rddreg [dreg:$0x1];
	p0 =	sne.s32 s2, $0x0  }
0xc1: {  	s3 =	rddreg [dreg:$0x2];
	[bflag:$0x3] =	sbarrier.arrive $0xFFFF;
	s2 =	simm.s32 @!p0 $0x1C0A  }
0xc2: {  	[timem:s3], [sflag:s2] =	dma.local @!p0 [hbm:s0], s1  }
0xc3: {  	s0 =	simm.s32 @!p0 $0xA  }
0xc4: {  	_ =	swait.ge @!p0 [sflag:s0], s1  }
0xc5: {  	s1 =	ssub.s32 @!p0 $0x0, s1;
	[sflag:s0] =	ssyncset.done @!p0 $0x0  }
0xc6: {  	[sflag:s0] =	ssyncadd.s32 @!p0 s1  }
0xc7: {  	[bflag:$0x3] =	sbarrier.arrive $0xFFFF  }
0xc8: {  	_ =	shalt  }

// kernel: kernel.8.cloned.1.call-start
scs
__scs_entry_jumppad:
0x0: {  	(pc) =	sbr.rel $0x88, $3  }
0x1: {  	(tag) =	ssettag $0x0;
	lr =	simm.s32 $0x1  }
0x2: {  	[smem:$0x3F9B] =	sst lr;
	_ =	strace $0xD0000000  }
0x3: {  	_ = 	snop  }
0x4: {  	_ = 	snop  }
0x5: {  	_ = 	snop  }
0x6: {  	_ = 	snop  }
0x7: {  	_ = 	snop  }
__scs_overlays_trampoline_lowered:
0x8: {  	[smem:$0x3FAA] =	sst s0  }
0x9: {  	[smem:$0x3FAB] =	sst s1  }
0xa: {  	[smem:$0x3FAC] =	sst s2  }
0xb: {  	[smem:$0x3FAD] =	sst s3  }
0xc: {  	[smem:$0x3FAE] =	sst s4  }
0xd: {  	[smem:$0x3FAF] =	sst s5  }
0xe: {  	[smem:$0x3FB0] =	sst s6  }
0xf: {  	[smem:$0x3FB1] =	sst s7  }
0x10: {  	[smem:$0x3FB2] =	sst s8  }
0x11: {  	[smem:$0x3FB3] =	sst s9;
	s0 =	simm.s32 @!p0 $0x0  }
0x12: {  	s1 =	sld [smem:$0x3F99];
	s0 =	simm.s32 @p0 $0x1  }
0x13: {  	[smem:$0x3FB4] =	sst s0;
	s0 =	simm.s32 @!p1 $0x0  }
0x14: {  	s2 =	sld [smem:$0x3F98];
	s0 =	simm.s32 @p1 $0x1  }
0x15: {  	[smem:$0x3FB5] =	sst s0;
	s0 =	simm.s32 @!p2 $0x0  }
0x16: {  	s3 =	sld [smem:$0x3FDB];
	s0 =	simm.s32 @p2 $0x1  }
0x17: {  	s4 =	simm.s32 $0x1BF5;
	[smem:$0x3FB7] =	sst s0  }
0x18: {  	s0 =	sld [smem:$0x3F9A];
	_ =	swait.ge [sflag:s4], $0x0  }
0x19: {  	s7 =	sld [smem:$0x3F9B]  }
0x1a: {  	s8 =	sadd.s32 $0xFFFFE003, lr  }
0x1b: {  	s9 =	sadd.s32 $0xFFFFFEF7, lr;
	s5 =	simm.s32 $0xFFFFFFFF;
	p2 =	slt.u32 s8, $0xFFFFF086  }
0x1c: {  	p1 =	slt.u32 s9, $0xF7A;
	s5 =	simm.s32 @!p2 $0x0  }
0x1d: {  	s5 =	simm.s32 @p1 $0x1;
	p0 =	seq.s32 s7, s2  }
0x1e: {  	s7 =	smul.u32 @!p0 $0xF7A, s2;
	p2 =	seq.s32 @!p0 s5, $0x0  }
0x1f: {  	s9 =	smul.u32 $0xF7A, s1;
	s8 =	simm.s32 @!p0 $0x1BF5;
	p2 =	por !p2, p0  }
0x20: {  	[sflag:s8] =	ssyncset.s32 @!p0 $0xFFFFF086;
	s6 =	sadd.s32 @!p0 s3, s7;
	s7 =	simm.s32 @!p0 $0x108  }
0x21: {  	s3 =	sadd.s32 s3, s9;
	s6 =	sadd.s32 @!p0 $0x88, s6;
	s7 =	simm.s32 @p2 $0x1082  }
0x22: {  	[simem:s7], [sflag:s8] =	dma.local @!p0 [hbm:s6], $0xF7A  }
0x23: {  	s9 =	sor.u32 $0xD0000000, s2;
	s6 =	simm.s32 $0x108;
	_ =	swait.ge @!p0 [sflag:s8], $0x0  }
0x24: {  	s3 =	sadd.s32 $0x88, s3;
	s6 =	simm.s32 @!p1 $0x1082;
	[sflag:s4] =	ssyncset.s32 $0xFFFFF086  }
0x25: {  	[simem:s6], [sflag:s4] =	dma.local [hbm:s3], $0xF7A  }
0x26: {  	[smem:$0x3F9B] =	sst s1;
	(tag) =	ssettag s2;
	_ =	strace s9  }
0x27: {  	s1 =	sld [smem:$0x3FAB]  }
0x28: {  	s2 =	sld [smem:$0x3FAC]  }
0x29: {  	s4 =	sld [smem:$0x3FAE]  }
0x2a: {  	p0 =	seq.s32 s5, $0x0;
	s5 =	sld [smem:$0x3FAF]  }
0x2b: {  	s6 =	sld [smem:$0x3FB0]  }
0x2c: {  	s7 =	sld [smem:$0x3FB1]  }
0x2d: {  	s3 =	simm.s32 $0x108;
	s8 =	sld [smem:$0x3FB2]  }
0x2e: {  	s3 =	simm.s32 @!p0 $0x1082;
	s9 =	sld [smem:$0x3FB3]  }
0x2f: {  	lr =	sadd.s32 s0, s3;
	s0 =	sld [smem:$0x3FAA]  }
0x30: {  	s3 =	sld [smem:$0x3FAD]  }
0x31: {  	[smem:$0x3FB6] =	sst s10  }
0x32: {  	s10 =	sld [smem:$0x3FB4];
	_ =	sdelay $0x3  }
0x33: {  	p0 =	seq.s32 s10, $0x1;
	s10 =	sld [smem:$0x3FB6];
	_ =	sdelay $0x3  }
0x34: {  	[smem:$0x3FB6] =	sst s10  }
0x35: {  	s10 =	sld [smem:$0x3FB5];
	_ =	sdelay $0x3  }
0x36: {  	p1 =	seq.s32 s10, $0x1;
	s10 =	sld [smem:$0x3FB6];
	_ =	sdelay $0x3  }
0x37: {  	[smem:$0x3FB6] =	sst s10  }
0x38: {  	s10 =	sld [smem:$0x3FB7]  }
0x39: {  	_ = 	snop;
	(pc) =	sbr.ind lr, $3  }
0x3a: {  	_ = 	snop  }
0x3b: {  	_ = 	snop  }
0x3c: {  	p2 =	seq.s32 s10, $0x1;
	s10 =	sld [smem:$0x3FB6]  }
0x3d: {  	_ =	shalt  }
0x3e: {  	_ =	shalt  }
0x3f: {  	_ =	shalt  }
0x40: {  	_ =	shalt  }
0x41: {  	_ =	shalt  }
0x42: {  	_ =	shalt  }
0x43: {  	_ =	shalt  }
0x44: {  	_ =	shalt  }
0x45: {  	_ =	shalt  }
0x46: {  	_ =	shalt  }
0x47: {  	_ =	shalt  }
0x48: {  	_ =	shalt  }
0x49: {  	_ =	shalt  }
0x4a: {  	_ =	shalt  }
0x4b: {  	_ =	shalt  }
0x4c: {  	_ =	shalt  }
0x4d: {  	_ =	shalt  }
0x4e: {  	_ =	shalt  }
0x4f: {  	_ =	shalt  }
0x50: {  	_ =	shalt  }
0x51: {  	_ =	shalt  }
0x52: {  	_ =	shalt  }
0x53: {  	_ =	shalt  }
0x54: {  	_ =	shalt  }
0x55: {  	_ =	shalt  }
0x56: {  	_ =	shalt  }
0x57: {  	_ =	shalt  }
0x58: {  	_ =	shalt  }
0x59: {  	_ =	shalt  }
0x5a: {  	_ =	shalt  }
0x5b: {  	_ =	shalt  }
0x5c: {  	_ =	shalt  }
0x5d: {  	_ =	shalt  }
0x5e: {  	_ =	shalt  }
0x5f: {  	_ =	shalt  }
0x60: {  	_ =	shalt  }
0x61: {  	_ =	shalt  }
0x62: {  	_ =	shalt  }
0x63: {  	_ =	shalt  }
0x64: {  	_ =	shalt  }
0x65: {  	_ =	shalt  }
0x66: {  	_ =	shalt  }
0x67: {  	_ =	shalt  }
0x68: {  	_ =	shalt  }
0x69: {  	_ =	shalt  }
0x6a: {  	_ =	shalt  }
0x6b: {  	_ =	shalt  }
0x6c: {  	_ =	shalt  }
0x6d: {  	_ =	shalt  }
0x6e: {  	_ =	shalt  }
0x6f: {  	_ =	shalt  }
0x70: {  	_ =	shalt  }
0x71: {  	_ =	shalt  }
0x72: {  	_ =	shalt  }
0x73: {  	_ =	shalt  }
0x74: {  	_ =	shalt  }
0x75: {  	_ =	shalt  }
0x76: {  	_ =	shalt  }
0x77: {  	_ =	shalt  }
0x78: {  	_ =	shalt  }
0x79: {  	_ =	shalt  }
0x7a: {  	_ =	shalt  }
0x7b: {  	_ =	shalt  }
0x7c: {  	_ =	shalt  }
0x7d: {  	_ =	shalt  }
0x7e: {  	_ =	shalt  }
0x7f: {  	_ =	shalt  }
0x80: {  	_ =	shalt  }
0x81: {  	_ =	shalt  }
0x82: {  	_ =	shalt  }
0x83: {  	_ =	shalt  }
0x84: {  	_ =	shalt  }
0x85: {  	_ =	shalt  }
0x86: {  	_ =	shalt  }
0x87: {  	_ =	shalt  }
.Lfunc_end0:
.L_simem_size_0:
called_computation_lowered:
.L_overlay_start_0:
0x88: {  	s2 =	sld [smem:$0x3FD9]  }
0x89: {  	s3 =	sld [smem:$0x3FFE];
	_ =	sdelay $0x1  }
0x8a: {  	s1 =	srdreg.scid  }
0x8b: {  	s0 =	sand.u32 $0x1, s1  }
0x8c: {  	s16 =	sshll.u32 s0, $0xA;
	s2 =	sadd.s32 s3, s2  }
0x8d: {  	s2 =	sadd.s32 s2, s16  }
0x8e: {  	[smem:$0x3FC2] =	sst s2  }
0x8f: {  	_ = 	snop  }
0x90: {  	(tm) =	ssettm $0x1  }
0x91: {  	s17 =	sld [smem:$0x3FFB];
	_ =	sdelay $0x3  }
0x92: {  	_ =	strace s17  }
0x93: {  	s2 =	sld [smem:$0x3FFC];
	_ =	sdelay $0x3  }
0x94: {  	_ =	strace s2  }
0x95: {  	s2 =	sld [smem:$0x3FFD];
	_ =	sdelay $0x3  }
0x96: {  	_ =	strace s2  }
0x97: {  	_ =	strace $0x8FFFFFFF  }
0x98: {  	s18 =	sld [smem:$0x3FDB];
	_ =	sdelay $0x1  }
0x99: {  	s19 =	simm.s32 $_scs_section_size  }
0x9a: {  	s4 =	simm.s32 $_size__tile_overlayer_lowered;
	s5 =	simm.s32 $_tile_overlayer_lowered  }
0x9b: {  	s22 =	simm.s32 $0x1BFF;
	s21 =	sshll.u32 s5, $0x1;
	s2 =	sadd.s32 s19, s18  }
0x9c: {  	s6 =	simm.s32 $0x0;
	s20 =	sshll.u32 s4, $0x1;
	s4 =	sadd.s32 s21, s2  }
0x9d: {  	[timem:s6], [sflag:s22] =	dma.local [hbm:s4], s20  }
0x9e: {  	_ =	swait.ge [sflag:s22], s20  }
0x9f: {  	s3 =	ssub.s32 $0x0, s20;
	[sflag:s22] =	ssyncset.done $0x0  }
0xa0: {  	[sflag:s22] =	ssyncadd.s32 s3;
	_ =	sdelay $0x1  }
0xa1: {  	s23 =	simm.s32 $0x1B8B  }
0xa2: {  	_ =	swait.ge [sflag:s23], $0x1  }
0xa3: {  	[sflag:s23] =	ssyncset.done $0x0  }
0xa4: {  	s25 =	simm.s32 $0x1B8E;
	s24 =	sld [smem:$0x3FFE];
	[sflag:s23] =	ssyncadd.s32 $0xFFFFFFFF  }
0xa5: {  	s26 =	simm.s32 $execute0_lowered;
	[smem:$0x3FD2] =	sst s25  }
0xa6: {  	s4 =	sshll.u32 s26, $0x1;
	_ =	strace $0x80000046;
	[dreg:$0x1] =	wrdreg $0xFFFFFFFF  }
0xa7: {  	s28 =	simm.s32 $_size_execute0_lowered;
	s2 =	sadd.s32 s2, s4;
	[dreg:$0x0] =	wrdreg $0x0  }
0xa8: {  	s4 =	sshll.u32 s28, $0x1;
	[dreg:$0x2] =	wrdreg s2  }
0xa9: {  	[dreg:$0x3] =	wrdreg s4  }
0xaa: {  	[dreg:$0x4] =	wrdreg $0xC0  }
0xab: {  	_ =	task [dreg:s6], $0x5FFFF  }
0xac: {  	[dreg:$0x1] =	wrdreg $0xFFFFFFFF  }
0xad: {  	[dreg:$0x0] =	wrdreg $0x60  }
0xae: {  	[dreg:$0x2] =	wrdreg s24  }
0xaf: {  	[dreg:$0x3] =	wrdreg $0x2B000  }
0xb0: {  	[dreg:$0x4] =	wrdreg $0x9  }
0xb1: {  	_ =	task.clear_ibuf [dreg:s6], $0x5FFFF;
	_ =	strace $0x90000046  }
0xb2: {  	s29 =	simm.s32 $0x9;
	_ =	strace $0x80000048  }
0xb3: {  	_ =	swait.ge [sflag:s29], $0x1  }
0xb4: {  	[sflag:s29] =	ssyncadd.s32 $0xFFFFFFFF  }
0xb5: {  	_ =	strace $0x90000048  }
0xb6: {  	_ =	sfence  }
0xb7: {  	s30 =	sld [smem:$0x0];
	_ =	sdelay $0x2  }
0xb8: {  	s31 =	sshll.u32 s1, $0xD;
	s1 =	sshrl.u32 s1, $0x2  }
0xb9: {  	s3 =	sand.u32 $0x4000, s31;
	s1 =	sadd.s32 s1, s30  }
0xba: {  	s0 =	sor.u32 s3, s0;
	s1 =	sshll.u32 s1, $0x11  }
0xbb: {  	s0 =	sor.u32 s1, s0  }
0xbc: {  	s0 =	sadd.s32 $0x8F2B, s0  }
0xbd: {  	[sflag:s0] =	ssyncadd.remote.s32 $0x1  }
0xbe: {  	_ =	sfence.sel $0xFFFF  }
0xbf: {  	[dreg:$0x0] =	wrdreg $0xFFFFFFFF;
	(pc) =	sbr.abs _section_cstart, $3  }
0xc0: {  	[dreg:$0x1] =	wrdreg $0xFFFFFFFF  }
0xc1: {  	_ =	task.clear_ibuf [dreg:s6], $0x2FFFF;
	_ =	strace $0x9FFFFFFF  }
0xc2: {  	(tm) =	ssettm $0x7FFFFFFF  }
0xc3: {  	_ =	shalt  }
tec
execute0_lowered:
.L_overlay_start_1:
0x0: {  	(tag) =	ssettag $0x1  }
0x1: {  	s4 =	rddreg [dreg:$0x0]  }
0x2: {  	s2 =	rddreg [dreg:$0x1]  }
0x3: {  	s0 =	rddreg [dreg:$0x2]  }
0x4: {  	s5 =	srdreg.scid;
	s1 =	stileid.u32  }
0x5: {  	s3 =	simm.s32 $0x0;
	s10 =	simm.s32 $0x80;
	s11 =	simm.s32 $0x2800  }
0x6: {  	s12 =	simm.s32 $0x1;
	s15 =	simm.s32 $0x20;
	s16 =	simm.s32 $0x10  }
0x7: {  	s17 =	simm.s32 $0x0;
	s5 =	sand.u32 $0x1, s5;
	s7 =	smul.u32 $0x500, s1  }
0x8: {  	s6 =	sshll.u32 s1, $0x1;
	[smem:$0x7FF] =	sst s3;
	s30 =	smul.u32 $0xA00, s1  }
0x9: {  	s13 =	sshll.u32 s1, $0x6;
	s6 =	sor.u32 s5, s6;
	_ =	strace $0x80000047  }
0xa: {  	s8 =	sshll.u32 s5, $0x7;
	s5 =	ssub.s32 $0x2, s5;
	s13 =	sor.u32 $0x1C02, s13  }
0xb: {  	s6 =	smul.u32 $0x500, s6;
	s7 =	sor.u32 s8, s7;
	s9 =	sshrl.u32 s5, $0x1  }
0xc: {  	s31 =	sshrl.u32 s30, $0x2;
	s8 =	simm.s32 $0x2;
	s7 =	sshrl.u32 s7, $0x3  }
0xd: {  	s9 =	ssub.s32 s5, s9;
	s5 =	sadd.s32 s31, s2;
	s6 =	sadd.s32 s6, s4  }
0xe: {  	s7 =	sadd.s32 s7, s4;
	s14 =	sshrl.u32 s5, $0x3;
	s4 =	sadd.s32 $0x2A00, s6  }
0xf: {  	v0 =	vimm.f32 $0.0e+00;
	v1 =	vimm.f32 $1.000000000e+00;
	s6 =	sadd.s32 $0xCA00, s7;
	s7 =	smax.u32 s9, $0x1;
	s9 =	simm.s32 $0x2880  }
.LBB2_1:
0x10: {  	[tilespmem:s3], [sflag:$0x2] =	stream.linear.gather [hbm4b:s4+s3], $0x2800, $0x38;
	[tilespmem:$0x2D80] =	vst v63  }
0x11: {  	_ =	swait.ge [sflag:s8], $0x2800  }
0x12: {  	[sflag:s8] =	ssyncset.done $0x0  }
0x13: {  	[sflag:s8] =	ssyncadd.s32 $0xFFFFD800  }
0x14: {  	[tilespmem:$0x2880] =	vst v0  }
0x15: {  	[tilespmem:$0x2890] =	vst v0  }
0x16: {  	[tilespmem:$0x28A0] =	vst v0  }
0x17: {  	[tilespmem:$0x28B0] =	vst v0  }
0x18: {  	[tilespmem:$0x28C0] =	vst v0  }
0x19: {  	[tilespmem:$0x28D0] =	vst v0  }
0x1a: {  	[tilespmem:$0x28E0] =	vst v0  }
0x1b: {  	[tilespmem:$0x28F0] =	vst v0  }
0x1c: {  	[tilespmem:$0x2900] =	vst v0  }
0x1d: {  	[tilespmem:$0x2910] =	vst v0  }
0x1e: {  	[tilespmem:$0x2920] =	vst v0  }
0x1f: {  	[tilespmem:$0x2930] =	vst v0  }
0x20: {  	[tilespmem:$0x2940] =	vst v0  }
0x21: {  	[tilespmem:$0x2950] =	vst v0  }
0x22: {  	[tilespmem:$0x2960] =	vst v0  }
0x23: {  	[tilespmem:$0x2970] =	vst v0  }
0x24: {  	[tilespmem:$0x2980] =	vst v0  }
0x25: {  	[tilespmem:$0x2990] =	vst v0  }
0x26: {  	[tilespmem:$0x29A0] =	vst v0  }
0x27: {  	[tilespmem:$0x29B0] =	vst v0  }
0x28: {  	[tilespmem:$0x29C0] =	vst v0  }
0x29: {  	[tilespmem:$0x29D0] =	vst v0  }
0x2a: {  	[tilespmem:$0x29E0] =	vst v0  }
0x2b: {  	[tilespmem:$0x29F0] =	vst v0  }
0x2c: {  	[tilespmem:$0x2A00] =	vst v0  }
0x2d: {  	[tilespmem:$0x2A10] =	vst v0  }
0x2e: {  	[tilespmem:$0x2A20] =	vst v0  }
0x2f: {  	[tilespmem:$0x2A30] =	vst v0  }
0x30: {  	[tilespmem:$0x2A40] =	vst v0  }
0x31: {  	[tilespmem:$0x2A50] =	vst v0  }
0x32: {  	[tilespmem:$0x2A60] =	vst v0  }
0x33: {  	[tilespmem:$0x2A70] =	vst v0  }
0x34: {  	[tilespmem:$0x2A80] =	vst v0  }
0x35: {  	[tilespmem:$0x2A90] =	vst v0  }
0x36: {  	[tilespmem:$0x2AA0] =	vst v0  }
0x37: {  	[tilespmem:$0x2AB0] =	vst v0  }
0x38: {  	[tilespmem:$0x2AC0] =	vst v0  }
0x39: {  	[tilespmem:$0x2AD0] =	vst v0  }
0x3a: {  	[tilespmem:$0x2AE0] =	vst v0  }
0x3b: {  	[tilespmem:$0x2AF0] =	vst v0  }
0x3c: {  	[tilespmem:$0x2800] =	vst v1  }
0x3d: {  	[tilespmem:$0x2810] =	vst v1  }
0x3e: {  	[tilespmem:$0x2820] =	vst v1  }
0x3f: {  	[tilespmem:$0x2830] =	vst v1  }
0x40: {  	[tilespmem:$0x2840] =	vst v1  }
0x41: {  	[tilespmem:$0x2850] =	vst v1  }
0x42: {  	[tilespmem:$0x2860] =	vst v1  }
0x43: {  	[tilespmem:$0x2870] =	vst v1  }
0x44: {  	[spmem:s5] =	stream.linear.scatter [tilespmem:s9], [sflag:$0x2], $0x280, $0x38;
	[tilespmem:$0x2D80] =	vst v63  }
0x45: {  	_ =	swait.ge [sflag:s8], $0x280  }
0x46: {  	[sflag:s8] =	ssyncset.done $0x0  }
0x47: {  	[sflag:s8] =	ssyncadd.s32 $0xFFFFFD80  }
0x48: {  	s18 =	simm.s32 $0x0;
	[bflag:$0x0] =	sbarrier.arrive $0xFFFF  }
.LBB2_2:
0x49: {  	p0 =	sne.s32 s18, $0x9E00  }
.Ltmp0:
0x4a: {  	_ = 	snop;
	(pc) =	sbr.rel @p0 .LBB2_2-.Ltmp0, $3  }
0x4b: {  	_ =	sdelay $0x1  }
0x4c: {  	s19 =	sshra.s32 s18, $0x2;
	s18 =	sadd.s32 $0x200, s18  }
0x4d: {  	[spmem:s2] =	stream.indirect.scatter.add.f32 [tilespmem:s11], [sflag:$0x1], $0x1, s19, s10, $0xb8;
	[tilespmem:$0x2D80] =	vst v63  }
0x4e: {  	_ =	swait.ge [sflag:s12], $0x80  }
0x4f: {  	s18 =	simm.s32 $0x4F;
	[sflag:s12] =	ssyncset.done $0x0  }
.LBB2_4:
0x50: {  	p0 =	sne.s32 s18, $0x1;
	s18 =	sadd.s32 $0xFFFFFFFF, s18;
	[sflag:s12] =	ssyncadd.s32 $0xFFFFFF80  }
.Ltmp1:
0x51: {  	(pc) =	sbr.rel @p0 .LBB2_4-.Ltmp1, $3  }
0x52: {  	_ =	sdelay $0x1  }
0x53: {  	_ =	swait.ge [sflag:s12], $0x80  }
0x54: {  	[sflag:s12] =	ssyncset.done $0x0  }
0x55: {  	s17 =	sadd.s32 $0x1, s17  }
0x56: {  	[sflag:s12] =	ssyncadd.s32 $0xFFFFFF80;
	p0 =	sne.s32 s17, s7  }
.Ltmp2:
0x57: {  	[bflag:$0x0] =	sbarrier.arrive $0xFFFF;
	(pc) =	sbr.rel @p0 .LBB2_1-.Ltmp2, $4  }
0x58: {  	[hbm:s6@s15], [sflag:s13] =	dma.strided [spmem:s14@s16], $0x50, s12, $0x10   }
0x59: {  	_ =	swait.ge [sflag:s8], $0x50  }
0x5a: {  	[sflag:s8] =	ssyncset.done $0x0  }
0x5b: {  	[sflag:s8] =	ssyncadd.s32 $0xFFFFFFB0  }
0x5c: {  	_ =	sfence.sel $0x180000  }
0x5d: {  	[bflag:$0x0] =	sbarrier.arrive $0xFFFF  }
0x5e: {  	p0 =	sne.s32 s1, $0x0;
	_ =	strace $0x90000047  }
0x5f: {  	s0 =	sadd.s32 @!p0 $0x100000, s0;
	[bflag:$0x2] =	sbarrier.arrive $0xFFFF  }
0x60: {  	[sflag:s0] =	ssyncadd.tile.s32 @!p0 $0x1;
	_ =	shalt  }
.Lfunc_end2:
_tile_overlayer_lowered:
.L_overlay_start_2:
0x61: {  	(tag) =	ssettag $0x2  }
0x62: {  	s0 =	rddreg [dreg:$0x0];
	s2 =	stileid.u32  }
0x63: {  	s1 =	rddreg [dreg:$0x1];
	p0 =	sne.s32 s2, $0x0  }
0x64: {  	s3 =	rddreg [dreg:$0x2];
	[bflag:$0x3] =	sbarrier.arrive $0xFFFF;
	s2 =	simm.s32 @!p0 $0x1C02  }
0x65: {  	[timem:s3], [sflag:s2] =	dma.local @!p0 [hbm:s0], s1  }
0x66: {  	s0 =	simm.s32 @!p0 $0x2  }
0x67: {  	_ =	swait.ge @!p0 [sflag:s0], s1  }
0x68: {  	s1 =	ssub.s32 @!p0 $0x0, s1;
	[sflag:s0] =	ssyncset.done @!p0 $0x0  }
0x69: {  	[sflag:s0] =	ssyncadd.s32 @!p0 s1  }
0x6a: {  	[bflag:$0x3] =	sbarrier.arrive $0xFFFF  }
0x6b: {  	_ =	shalt  }

</sc_bundles>
